<compile_context>
chip_gen: v7x
topology: tpu7x:2x2x1
jax: 0.10.2.dev20260603
libtpu: 0.0.44.dev20260713+nightly
codegen_flags: <defaults>
</compile_context>

<pallas_src>
import functools

import jax
import jax.numpy as jnp
from jax import lax
from jax.experimental import pallas as pl
from jax.experimental.pallas import tpu as pltpu
from jax.experimental.pallas import tpu_sc as plsc

_B = 128
_D = 32768
_K = 10
_NC = 2
_NS = 16
_NW = _NC * _NS
_RPW = _B // _NW
_L = 16
_NG = 8
_GI = _D // (_NG * _L)
_NBUF = 3


def _bfly_max_f32(v, fsc, it16):
    for sh in (8, 4, 2, 1):
        fsc[...] = v
        w = plsc.load_gather(fsc, [jnp.bitwise_xor(it16, sh)])
        v = jnp.maximum(v, w)
    return v


def _bfly_max_i32(v, isc, it16):
    for sh in (8, 4, 2, 1):
        isc[...] = v
        w = plsc.load_gather(isc, [jnp.bitwise_xor(it16, sh)])
        v = jnp.maximum(v, w)
    return v


def _bfly_sum_i32(v, isc, it16):
    for sh in (8, 4, 2, 1):
        isc[...] = v
        w = plsc.load_gather(isc, [jnp.bitwise_xor(it16, sh)])
        v = v + w
    return v


def _row_threshold(row_v, fsc, isc, it16):
    minf = jnp.float32(-jnp.inf)

    acc0 = tuple(jnp.full((_L,), minf, jnp.float32) for _ in range(_NG))

    @plsc.parallel_loop(0, _GI, carry=acc0, unroll=8)
    def p1(i, acc):
        return tuple(
            jnp.maximum(acc[g], row_v[pl.ds((g * _GI + i) * _L, _L)])
            for g in range(_NG)
        )

    cmaxes = p1

    def p2(_, carry):
        c, t, cm = carry
        m_vec = cm[0]
        for g in range(1, _NG):
            m_vec = jnp.maximum(m_vec, cm[g])
        m = jnp.max(m_vec)
        bestv = jnp.full((_L,), -1, jnp.int32)
        for g in range(_NG):
            bestv = jnp.maximum(bestv,
                                jnp.where(cm[g] == m, it16 + g * _L, -1))
        best = jnp.max(bestv)
        gsel = best >> 4
        lsel = best & 15
        base = (gsel * _GI + it16) * _L + lsel

        cnt0 = jnp.zeros((_L,), jnp.int32)
        cnt1 = jnp.zeros((_L,), jnp.int32)
        nm0 = jnp.full((_L,), minf, jnp.float32)
        nm1 = jnp.full((_L,), minf, jnp.float32)
        for u in range(_GI // _L):
            v = plsc.load_gather(row_v, [base + u * (_L * _L)])
            if u % 2 == 0:
                cnt0 = cnt0 + jnp.where(v == m, 1, 0).astype(jnp.int32)
                nm0 = jnp.maximum(nm0, jnp.where(v < m, v, minf))
            else:
                cnt1 = cnt1 + jnp.where(v == m, 1, 0).astype(jnp.int32)
                nm1 = jnp.maximum(nm1, jnp.where(v < m, v, minf))
        t = jnp.where(c < _K, m, t)
        c = c + jnp.sum(cnt0 + cnt1)
        nm = jnp.max(jnp.maximum(nm0, nm1))
        new_cm = []
        for g in range(_NG):
            hit = jnp.logical_and(gsel == g, it16 == lsel)
            new_cm.append(jnp.where(hit, nm, cm[g]))
        return c, t, tuple(new_cm)

    _, t, _ = lax.fori_loop(0, _K, p2,
                            (jnp.int32(0), minf, tuple(cmaxes)))
    return jnp.full((_L,), t, jnp.float32)


def _mask_row(row_v, tv):
    one = jnp.full((_L,), 1.0, jnp.float32)
    zero = jnp.zeros((_L,), jnp.float32)

    @plsc.parallel_loop(0, _D // _L, unroll=16)
    def p3(i):
        v = row_v[pl.ds(i * _L, _L)]
        row_v[pl.ds(i * _L, _L)] = jnp.where(v >= tv, one, zero)


_mesh = plsc.VectorSubcoreMesh(core_axis_name="c", subcore_axis_name="s",
                               num_cores=_NC, num_subcores=_NS)


@functools.partial(
    pl.kernel,
    out_type=jax.ShapeDtypeStruct((_B, _D), jnp.float32),
    mesh=_mesh,
    scratch_types=(
        [pltpu.VMEM((_D,), jnp.float32) for _ in range(_NBUF)]
        + [pltpu.VMEM((_L,), jnp.float32),
           pltpu.VMEM((_L,), jnp.int32)]
        + [pltpu.SemaphoreType.DMA] * (2 * _NBUF)
    ),
    compiler_params=pltpu.CompilerParams(needs_layout_passes=False, use_tc_tiling_on_sc=False),
)
def _topk_mask_kernel(x_hbm, out_hbm, *scratch):
    rows_v = scratch[:_NBUF]
    fsc, isc = scratch[_NBUF], scratch[_NBUF + 1]
    sems = scratch[_NBUF + 2:]
    in_sems = sems[:_NBUF]
    out_sems = sems[_NBUF:]
    wid = lax.axis_index("s") * _NC + lax.axis_index("c")
    it16 = lax.iota(jnp.int32, _L)
    r0 = wid * _RPW

    in_copies = [None] * _RPW
    out_copies = [None] * _RPW
    for j in range(min(_NBUF, _RPW)):
        in_copies[j] = pltpu.async_copy(x_hbm.at[r0 + j], rows_v[j],
                                        in_sems[j])
    for i in range(_RPW):
        p = i % _NBUF
        j = i - 1 + _NBUF
        if i >= 1 and j < _RPW:
            out_copies[i - 1].wait()
            in_copies[j] = pltpu.async_copy(
                x_hbm.at[r0 + j], rows_v[j % _NBUF], in_sems[j % _NBUF])
        in_copies[i].wait()
        row_v = rows_v[p]
        tv = _row_threshold(row_v, fsc, isc, it16)
        _mask_row(row_v, tv)
        out_copies[i] = pltpu.async_copy(row_v, out_hbm.at[r0 + i],
                                         out_sems[p])
    for i in range(max(0, _RPW - _NBUF), _RPW):
        out_copies[i].wait()


def kernel(logits):
    x = logits.reshape(_B, _D)
    out = _topk_mask_kernel(x)
    return out[..., None]

# --- scband reference (transcript-rebuilt; emitter-appended) ---
"""Pipeline reference for scband-sample-concrete-24137716204258 (READ-ONLY COPY).

The authoritative reference and input builder live on the scoring server;
editing this copy changes nothing except your own understanding.
"""

import jax, jax.numpy as jnp
import numpy as np

TAU0 = 0.5
K_TOP = 10


def setup_inputs(seed: int = 0) -> dict:
    key = jax.random.key(seed)
    logits = jax.random.normal(key, (128, 32768, 1), dtype=jnp.float32)
    return {"logits": logits}


def reference(logits):
    # Inference branch of K.in_train_phase: hard top-k mask.
    B, d, _ = logits.shape
    flat = jnp.reshape(logits, (B, d))
    topv, _ = jax.lax.top_k(flat, K_TOP)
    threshold = topv[:, -1:]  # k-th largest per row, shape [B, 1]
    discrete_logits = (flat >= threshold).astype(jnp.float32)
    return discrete_logits[..., None]  # [B, d, 1]

if __name__ == "__main__":
    import jax
    _d = setup_inputs()
    print(jax.jit(kernel)(*tuple(_d.values())))

</pallas_src>

<mosaic_0001>
#map = affine_map<(d0, d1) -> (0, 0)>
module attributes {stable_mosaic.version = 14 : i64} {
  func.func @_topk_mask_kernel(%arg0: i32, %arg1: i32, %arg2: memref<128x32768xf32, #tpu.memory_space<hbm>>, %arg3: memref<128x32768xf32, #tpu.memory_space<hbm>>, %arg4: memref<32768xf32, #tpu.memory_space<vmem>>, %arg5: memref<32768xf32, #tpu.memory_space<vmem>>, %arg6: memref<32768xf32, #tpu.memory_space<vmem>>, %arg7: memref<16xf32, #tpu.memory_space<vmem>>, %arg8: memref<16xi32, #tpu.memory_space<vmem>>, %arg9: memref<!tpu.dma_semaphore, #tpu.memory_space<semaphore_mem>>, %arg10: memref<!tpu.dma_semaphore, #tpu.memory_space<semaphore_mem>>, %arg11: memref<!tpu.dma_semaphore, #tpu.memory_space<semaphore_mem>>, %arg12: memref<!tpu.dma_semaphore, #tpu.memory_space<semaphore_mem>>, %arg13: memref<!tpu.dma_semaphore, #tpu.memory_space<semaphore_mem>>, %arg14: memref<!tpu.dma_semaphore, #tpu.memory_space<semaphore_mem>>) attributes {dimension_semantics = [#tpu.dimension_semantics<core_parallel>, #tpu.dimension_semantics<subcore_parallel>], iteration_bounds = array<i64: 2, 16>, scalar_prefetch = 0 : i64, scratch_operands = 11 : i64, tpu.core_type = #tpu.core_type<sc_vector_subcore>, window_params = [{transform_indices = #map}, {transform_indices = #map}]} {
    %mul3A = arith.constant 2 : i32
    %mul3A_0 = arith.muli %arg1, %mul3A : i32
    %add3A = arith.addi %mul3A_0, %arg0 : i32
    %iota3A = tpu.iota {dimensions = array<i32: 0>} : vector<16xi32>
    %mul3A_1 = arith.constant 4 : i32
    %mul3A_2 = arith.muli %add3A, %mul3A_1 : i32
    %add3A_3 = arith.constant 0 : i32
    %add3A_4 = arith.addi %mul3A_2, %add3A_3 : i32
    %dma_start3A = arith.constant 0 : i32
    %dma_start3A_5 = tpu.memref_slice %arg2[%add3A_4, %dma_start3A] : memref<128x32768xf32, #tpu.memory_space<hbm>> -> memref<1x32768xf32, #tpu.memory_space<hbm>>
    %dma_start3A_6 = tpu.memref_squeeze %dma_start3A_5 : memref<1x32768xf32, #tpu.memory_space<hbm>> -> memref<32768xf32, #tpu.memory_space<hbm>>
    %dma_start3A_7 = arith.constant 0 : i32
    %dma_start3A_8 = tpu.memref_slice %arg2[%add3A_4, %dma_start3A_7] : memref<128x32768xf32, #tpu.memory_space<hbm>> -> memref<1x32768xf32, #tpu.memory_space<hbm>>
    %dma_start3A_9 = tpu.memref_squeeze %dma_start3A_8 : memref<1x32768xf32, #tpu.memory_space<hbm>> -> memref<32768xf32, #tpu.memory_space<hbm>>
    tpu.enqueue_dma source(%dma_start3A_9 : memref<32768xf32, #tpu.memory_space<hbm>>) target(%arg4 : memref<32768xf32, #tpu.memory_space<vmem>>) target_semaphore(%arg9 : memref<!tpu.dma_semaphore, #tpu.memory_space<semaphore_mem>>)
    %add3A_10 = arith.constant 1 : i32
    %add3A_11 = arith.addi %mul3A_2, %add3A_10 : i32
    %dma_start3A_12 = arith.constant 0 : i32
    %dma_start3A_13 = tpu.memref_slice %arg2[%add3A_11, %dma_start3A_12] : memref<128x32768xf32, #tpu.memory_space<hbm>> -> memref<1x32768xf32, #tpu.memory_space<hbm>>
    %dma_start3A_14 = tpu.memref_squeeze %dma_start3A_13 : memref<1x32768xf32, #tpu.memory_space<hbm>> -> memref<32768xf32, #tpu.memory_space<hbm>>
    %dma_start3A_15 = arith.constant 0 : i32
    %dma_start3A_16 = tpu.memref_slice %arg2[%add3A_11, %dma_start3A_15] : memref<128x32768xf32, #tpu.memory_space<hbm>> -> memref<1x32768xf32, #tpu.memory_space<hbm>>
    %dma_start3A_17 = tpu.memref_squeeze %dma_start3A_16 : memref<1x32768xf32, #tpu.memory_space<hbm>> -> memref<32768xf32, #tpu.memory_space<hbm>>
    tpu.enqueue_dma source(%dma_start3A_17 : memref<32768xf32, #tpu.memory_space<hbm>>) target(%arg5 : memref<32768xf32, #tpu.memory_space<vmem>>) target_semaphore(%arg10 : memref<!tpu.dma_semaphore, #tpu.memory_space<semaphore_mem>>)
    %add3A_18 = arith.constant 2 : i32
    %add3A_19 = arith.addi %mul3A_2, %add3A_18 : i32
    %dma_start3A_20 = arith.constant 0 : i32
    %dma_start3A_21 = tpu.memref_slice %arg2[%add3A_19, %dma_start3A_20] : memref<128x32768xf32, #tpu.memory_space<hbm>> -> memref<1x32768xf32, #tpu.memory_space<hbm>>
    %dma_start3A_22 = tpu.memref_squeeze %dma_start3A_21 : memref<1x32768xf32, #tpu.memory_space<hbm>> -> memref<32768xf32, #tpu.memory_space<hbm>>
    %dma_start3A_23 = arith.constant 0 : i32
    %dma_start3A_24 = tpu.memref_slice %arg2[%add3A_19, %dma_start3A_23] : memref<128x32768xf32, #tpu.memory_space<hbm>> -> memref<1x32768xf32, #tpu.memory_space<hbm>>
    %dma_start3A_25 = tpu.memref_squeeze %dma_start3A_24 : memref<1x32768xf32, #tpu.memory_space<hbm>> -> memref<32768xf32, #tpu.memory_space<hbm>>
    tpu.enqueue_dma source(%dma_start3A_25 : memref<32768xf32, #tpu.memory_space<hbm>>) target(%arg6 : memref<32768xf32, #tpu.memory_space<vmem>>) target_semaphore(%arg11 : memref<!tpu.dma_semaphore, #tpu.memory_space<semaphore_mem>>)
    %dma_wait3A = arith.constant 0 : i32
    %dma_wait3A_26 = tpu.memref_slice %arg2[%add3A_4, %dma_wait3A] : memref<128x32768xf32, #tpu.memory_space<hbm>> -> memref<1x32768xf32, #tpu.memory_space<hbm>>
    %dma_wait3A_27 = tpu.memref_squeeze %dma_wait3A_26 : memref<1x32768xf32, #tpu.memory_space<hbm>> -> memref<32768xf32, #tpu.memory_space<hbm>>
    %dma_wait3A_28 = arith.constant 0 : i32
    %dma_wait3A_29 = tpu.memref_slice %arg2[%add3A_4, %dma_wait3A_28] : memref<128x32768xf32, #tpu.memory_space<hbm>> -> memref<1x32768xf32, #tpu.memory_space<hbm>>
    %dma_wait3A_30 = tpu.memref_squeeze %dma_wait3A_29 : memref<1x32768xf32, #tpu.memory_space<hbm>> -> memref<32768xf32, #tpu.memory_space<hbm>>
    tpu.wait_dma2 semaphore(%arg9 : memref<!tpu.dma_semaphore, #tpu.memory_space<semaphore_mem>>) src(%dma_wait3A_30 : memref<32768xf32, #tpu.memory_space<hbm>>) dst(%arg4 : memref<32768xf32, #tpu.memory_space<vmem>>)
    %broadcast_in_dim3A = arith.constant 0xFF800000 : f32
    %broadcast_in_dim3A_31 = vector.broadcast %broadcast_in_dim3A : f32 to vector<16xf32>
    %broadcast_in_dim3A_32 = arith.constant 0xFF800000 : f32
    %broadcast_in_dim3A_33 = vector.broadcast %broadcast_in_dim3A_32 : f32 to vector<16xf32>
    %broadcast_in_dim3A_34 = arith.constant 0xFF800000 : f32
    %broadcast_in_dim3A_35 = vector.broadcast %broadcast_in_dim3A_34 : f32 to vector<16xf32>
    %broadcast_in_dim3A_36 = arith.constant 0xFF800000 : f32
    %broadcast_in_dim3A_37 = vector.broadcast %broadcast_in_dim3A_36 : f32 to vector<16xf32>
    %broadcast_in_dim3A_38 = arith.constant 0xFF800000 : f32
    %broadcast_in_dim3A_39 = vector.broadcast %broadcast_in_dim3A_38 : f32 to vector<16xf32>
    %broadcast_in_dim3A_40 = arith.constant 0xFF800000 : f32
    %broadcast_in_dim3A_41 = vector.broadcast %broadcast_in_dim3A_40 : f32 to vector<16xf32>
    %broadcast_in_dim3A_42 = arith.constant 0xFF800000 : f32
    %broadcast_in_dim3A_43 = vector.broadcast %broadcast_in_dim3A_42 : f32 to vector<16xf32>
    %broadcast_in_dim3A_44 = arith.constant 0xFF800000 : f32
    %broadcast_in_dim3A_45 = vector.broadcast %broadcast_in_dim3A_44 : f32 to vector<16xf32>
    %parallel_loop3A = arith.constant 0 : i32
    %parallel_loop3A_46 = arith.constant 256 : i32
    %parallel_loop3A_47 = arith.constant 1 : i32
    %parallel_loop3A_48:8 = scf.for %parallel_loop3A_258 = %parallel_loop3A to %parallel_loop3A_46 step %parallel_loop3A_47 iter_args(%parallel_loop3A_259 = %broadcast_in_dim3A_31, %parallel_loop3A_260 = %broadcast_in_dim3A_33, %parallel_loop3A_261 = %broadcast_in_dim3A_35, %parallel_loop3A_262 = %broadcast_in_dim3A_37, %parallel_loop3A_263 = %broadcast_in_dim3A_39, %parallel_loop3A_264 = %broadcast_in_dim3A_41, %parallel_loop3A_265 = %broadcast_in_dim3A_43, %parallel_loop3A_266 = %broadcast_in_dim3A_45) -> (vector<16xf32>, vector<16xf32>, vector<16xf32>, vector<16xf32>, vector<16xf32>, vector<16xf32>, vector<16xf32>, vector<16xf32>)  : i32 {
      %parallel_loop3A_267 = arith.constant 0 : i32
      %parallel_loop3A_268 = arith.addi %parallel_loop3A_267, %parallel_loop3A_258 : i32
      %parallel_loop3A_269 = arith.constant 16 : i32
      %parallel_loop3A_270 = arith.muli %parallel_loop3A_268, %parallel_loop3A_269 : i32
      %parallel_loop3A_271 = arith.index_cast %parallel_loop3A_270 : i32 to index
      %parallel_loop3A_272 = tpu.vector_load %arg4[%parallel_loop3A_271] {strides = array<i32>} : memref<32768xf32, #tpu.memory_space<vmem>>, vector<16xf32>,
      %parallel_loop3A_273 = arith.maximumf %parallel_loop3A_259, %parallel_loop3A_272 : vector<16xf32>
      %parallel_loop3A_274 = arith.constant 256 : i32
      %parallel_loop3A_275 = arith.addi %parallel_loop3A_274, %parallel_loop3A_258 : i32
      %parallel_loop3A_276 = arith.constant 16 : i32
      %parallel_loop3A_277 = arith.muli %parallel_loop3A_275, %parallel_loop3A_276 : i32
      %parallel_loop3A_278 = arith.index_cast %parallel_loop3A_277 : i32 to index
      %parallel_loop3A_279 = tpu.vector_load %arg4[%parallel_loop3A_278] {strides = array<i32>} : memref<32768xf32, #tpu.memory_space<vmem>>, vector<16xf32>,
      %parallel_loop3A_280 = arith.maximumf %parallel_loop3A_260, %parallel_loop3A_279 : vector<16xf32>
      %parallel_loop3A_281 = arith.constant 512 : i32
      %parallel_loop3A_282 = arith.addi %parallel_loop3A_281, %parallel_loop3A_258 : i32
      %parallel_loop3A_283 = arith.constant 16 : i32
      %parallel_loop3A_284 = arith.muli %parallel_loop3A_282, %parallel_loop3A_283 : i32
      %parallel_loop3A_285 = arith.index_cast %parallel_loop3A_284 : i32 to index
      %parallel_loop3A_286 = tpu.vector_load %arg4[%parallel_loop3A_285] {strides = array<i32>} : memref<32768xf32, #tpu.memory_space<vmem>>, vector<16xf32>,
      %parallel_loop3A_287 = arith.maximumf %parallel_loop3A_261, %parallel_loop3A_286 : vector<16xf32>
      %parallel_loop3A_288 = arith.constant 768 : i32
      %parallel_loop3A_289 = arith.addi %parallel_loop3A_288, %parallel_loop3A_258 : i32
      %parallel_loop3A_290 = arith.constant 16 : i32
      %parallel_loop3A_291 = arith.muli %parallel_loop3A_289, %parallel_loop3A_290 : i32
      %parallel_loop3A_292 = arith.index_cast %parallel_loop3A_291 : i32 to index
      %parallel_loop3A_293 = tpu.vector_load %arg4[%parallel_loop3A_292] {strides = array<i32>} : memref<32768xf32, #tpu.memory_space<vmem>>, vector<16xf32>,
      %parallel_loop3A_294 = arith.maximumf %parallel_loop3A_262, %parallel_loop3A_293 : vector<16xf32>
      %parallel_loop3A_295 = arith.constant 1024 : i32
      %parallel_loop3A_296 = arith.addi %parallel_loop3A_295, %parallel_loop3A_258 : i32
      %parallel_loop3A_297 = arith.constant 16 : i32
      %parallel_loop3A_298 = arith.muli %parallel_loop3A_296, %parallel_loop3A_297 : i32
      %parallel_loop3A_299 = arith.index_cast %parallel_loop3A_298 : i32 to index
      %parallel_loop3A_300 = tpu.vector_load %arg4[%parallel_loop3A_299] {strides = array<i32>} : memref<32768xf32, #tpu.memory_space<vmem>>, vector<16xf32>,
      %parallel_loop3A_301 = arith.maximumf %parallel_loop3A_263, %parallel_loop3A_300 : vector<16xf32>
      %parallel_loop3A_302 = arith.constant 1280 : i32
      %parallel_loop3A_303 = arith.addi %parallel_loop3A_302, %parallel_loop3A_258 : i32
      %parallel_loop3A_304 = arith.constant 16 : i32
      %parallel_loop3A_305 = arith.muli %parallel_loop3A_303, %parallel_loop3A_304 : i32
      %parallel_loop3A_306 = arith.index_cast %parallel_loop3A_305 : i32 to index
      %parallel_loop3A_307 = tpu.vector_load %arg4[%parallel_loop3A_306] {strides = array<i32>} : memref<32768xf32, #tpu.memory_space<vmem>>, vector<16xf32>,
      %parallel_loop3A_308 = arith.maximumf %parallel_loop3A_264, %parallel_loop3A_307 : vector<16xf32>
      %parallel_loop3A_309 = arith.constant 1536 : i32
      %parallel_loop3A_310 = arith.addi %parallel_loop3A_309, %parallel_loop3A_258 : i32
      %parallel_loop3A_311 = arith.constant 16 : i32
      %parallel_loop3A_312 = arith.muli %parallel_loop3A_310, %parallel_loop3A_311 : i32
      %parallel_loop3A_313 = arith.index_cast %parallel_loop3A_312 : i32 to index
      %parallel_loop3A_314 = tpu.vector_load %arg4[%parallel_loop3A_313] {strides = array<i32>} : memref<32768xf32, #tpu.memory_space<vmem>>, vector<16xf32>,
      %parallel_loop3A_315 = arith.maximumf %parallel_loop3A_265, %parallel_loop3A_314 : vector<16xf32>
      %parallel_loop3A_316 = arith.constant 1792 : i32
      %parallel_loop3A_317 = arith.addi %parallel_loop3A_316, %parallel_loop3A_258 : i32
      %parallel_loop3A_318 = arith.constant 16 : i32
      %parallel_loop3A_319 = arith.muli %parallel_loop3A_317, %parallel_loop3A_318 : i32
      %parallel_loop3A_320 = arith.index_cast %parallel_loop3A_319 : i32 to index
      %parallel_loop3A_321 = tpu.vector_load %arg4[%parallel_loop3A_320] {strides = array<i32>} : memref<32768xf32, #tpu.memory_space<vmem>>, vector<16xf32>,
      %parallel_loop3A_322 = arith.maximumf %parallel_loop3A_266, %parallel_loop3A_321 : vector<16xf32>
      scf.yield %parallel_loop3A_273, %parallel_loop3A_280, %parallel_loop3A_287, %parallel_loop3A_294, %parallel_loop3A_301, %parallel_loop3A_308, %parallel_loop3A_315, %parallel_loop3A_322 : vector<16xf32>, vector<16xf32>, vector<16xf32>, vector<16xf32>, vector<16xf32>, vector<16xf32>, vector<16xf32>, vector<16xf32>
    } {sc.loop_unroll_factor = 8 : i64, sc.parallel_access}
    %scan3A = arith.constant 0xFF800000 : f32
    %scan3A_49 = arith.constant 0 : i32
    %scan3A_50 = arith.constant 0xFF800000 : f32
    %scan3A_51 = arith.constant 0 : i32
    %scan3A_52 = arith.constant 10 : i32
    %scan3A_53 = arith.addi %scan3A_51, %scan3A_52 : i32
    %scan3A_54 = arith.constant 1 : i32
    %scan3A_55:10 = scf.for %scan3A_258 = %scan3A_51 to %scan3A_53 step %scan3A_54 iter_args(%scan3A_259 = %scan3A_49, %scan3A_260 = %scan3A_50, %scan3A_261 = %parallel_loop3A_48#0, %scan3A_262 = %parallel_loop3A_48#1, %scan3A_263 = %parallel_loop3A_48#2, %scan3A_264 = %parallel_loop3A_48#3, %scan3A_265 = %parallel_loop3A_48#4, %scan3A_266 = %parallel_loop3A_48#5, %scan3A_267 = %parallel_loop3A_48#6, %scan3A_268 = %parallel_loop3A_48#7) -> (i32, f32, vector<16xf32>, vector<16xf32>, vector<16xf32>, vector<16xf32>, vector<16xf32>, vector<16xf32>, vector<16xf32>, vector<16xf32>)  : i32 {
      %max3A = arith.maximumf %scan3A_261, %scan3A_262 : vector<16xf32>
      %max3A_269 = arith.maximumf %max3A, %scan3A_263 : vector<16xf32>
      %max3A_270 = arith.maximumf %max3A_269, %scan3A_264 : vector<16xf32>
      %max3A_271 = arith.maximumf %max3A_270, %scan3A_265 : vector<16xf32>
      %max3A_272 = arith.maximumf %max3A_271, %scan3A_266 : vector<16xf32>
      %max3A_273 = arith.maximumf %max3A_272, %scan3A_267 : vector<16xf32>
      %max3A_274 = arith.maximumf %max3A_273, %scan3A_268 : vector<16xf32>
      %reduce_max3A = arith.constant true
      %reduce_max3A_275 = vector.broadcast %reduce_max3A : i1 to vector<16xi1>
      %reduce_max3A_276 = tpu.scan <max>, %max3A_274 masked %reduce_max3A_275 : vector<16xf32>, vector<16xi1> -> vector<16xf32>
      %reduce_max3A_277 = vector.extract %reduce_max3A_276[15] : f32 from vector<16xf32>
      %broadcast_in_dim3A_278 = arith.constant -1 : i32
      %broadcast_in_dim3A_279 = vector.broadcast %broadcast_in_dim3A_278 : i32 to vector<16xi32>
      %eq3A = vector.broadcast %reduce_max3A_277 : f32 to vector<16xf32>
      %eq3A_280 = arith.cmpf oeq, %scan3A_261, %eq3A : vector<16xf32>
      %add3A_281 = arith.constant 0 : i32
      %add3A_282 = vector.broadcast %add3A_281 : i32 to vector<16xi32>
      %add3A_283 = arith.addi %iota3A, %add3A_282 : vector<16xi32>
      %jit3A = arith.constant -1 : i32
      %broadcast_in_dim3A_284 = vector.broadcast %jit3A : i32 to vector<16xi32>
      %select_n3A = arith.select %eq3A_280, %add3A_283, %broadcast_in_dim3A_284 : vector<16xi1>, vector<16xi32>
      %max3A_285 = arith.maxsi %broadcast_in_dim3A_279, %select_n3A : vector<16xi32>
      %eq3A_286 = vector.broadcast %reduce_max3A_277 : f32 to vector<16xf32>
      %eq3A_287 = arith.cmpf oeq, %scan3A_262, %eq3A_286 : vector<16xf32>
      %add3A_288 = arith.constant 16 : i32
      %add3A_289 = vector.broadcast %add3A_288 : i32 to vector<16xi32>
      %add3A_290 = arith.addi %iota3A, %add3A_289 : vector<16xi32>
      %jit3A_291 = arith.constant -1 : i32
      %broadcast_in_dim3A_292 = vector.broadcast %jit3A_291 : i32 to vector<16xi32>
      %select_n3A_293 = arith.select %eq3A_287, %add3A_290, %broadcast_in_dim3A_292 : vector<16xi1>, vector<16xi32>
      %max3A_294 = arith.maxsi %max3A_285, %select_n3A_293 : vector<16xi32>
      %eq3A_295 = vector.broadcast %reduce_max3A_277 : f32 to vector<16xf32>
      %eq3A_296 = arith.cmpf oeq, %scan3A_263, %eq3A_295 : vector<16xf32>
      %add3A_297 = arith.constant 32 : i32
      %add3A_298 = vector.broadcast %add3A_297 : i32 to vector<16xi32>
      %add3A_299 = arith.addi %iota3A, %add3A_298 : vector<16xi32>
      %jit3A_300 = arith.constant -1 : i32
      %broadcast_in_dim3A_301 = vector.broadcast %jit3A_300 : i32 to vector<16xi32>
      %select_n3A_302 = arith.select %eq3A_296, %add3A_299, %broadcast_in_dim3A_301 : vector<16xi1>, vector<16xi32>
      %max3A_303 = arith.maxsi %max3A_294, %select_n3A_302 : vector<16xi32>
      %eq3A_304 = vector.broadcast %reduce_max3A_277 : f32 to vector<16xf32>
      %eq3A_305 = arith.cmpf oeq, %scan3A_264, %eq3A_304 : vector<16xf32>
      %add3A_306 = arith.constant 48 : i32
      %add3A_307 = vector.broadcast %add3A_306 : i32 to vector<16xi32>
      %add3A_308 = arith.addi %iota3A, %add3A_307 : vector<16xi32>
      %jit3A_309 = arith.constant -1 : i32
      %broadcast_in_dim3A_310 = vector.broadcast %jit3A_309 : i32 to vector<16xi32>
      %select_n3A_311 = arith.select %eq3A_305, %add3A_308, %broadcast_in_dim3A_310 : vector<16xi1>, vector<16xi32>
      %max3A_312 = arith.maxsi %max3A_303, %select_n3A_311 : vector<16xi32>
      %eq3A_313 = vector.broadcast %reduce_max3A_277 : f32 to vector<16xf32>
      %eq3A_314 = arith.cmpf oeq, %scan3A_265, %eq3A_313 : vector<16xf32>
      %add3A_315 = arith.constant 64 : i32
      %add3A_316 = vector.broadcast %add3A_315 : i32 to vector<16xi32>
      %add3A_317 = arith.addi %iota3A, %add3A_316 : vector<16xi32>
      %jit3A_318 = arith.constant -1 : i32
      %broadcast_in_dim3A_319 = vector.broadcast %jit3A_318 : i32 to vector<16xi32>
      %select_n3A_320 = arith.select %eq3A_314, %add3A_317, %broadcast_in_dim3A_319 : vector<16xi1>, vector<16xi32>
      %max3A_321 = arith.maxsi %max3A_312, %select_n3A_320 : vector<16xi32>
      %eq3A_322 = vector.broadcast %reduce_max3A_277 : f32 to vector<16xf32>
      %eq3A_323 = arith.cmpf oeq, %scan3A_266, %eq3A_322 : vector<16xf32>
      %add3A_324 = arith.constant 80 : i32
      %add3A_325 = vector.broadcast %add3A_324 : i32 to vector<16xi32>
      %add3A_326 = arith.addi %iota3A, %add3A_325 : vector<16xi32>
      %jit3A_327 = arith.constant -1 : i32
      %broadcast_in_dim3A_328 = vector.broadcast %jit3A_327 : i32 to vector<16xi32>
      %select_n3A_329 = arith.select %eq3A_323, %add3A_326, %broadcast_in_dim3A_328 : vector<16xi1>, vector<16xi32>
      %max3A_330 = arith.maxsi %max3A_321, %select_n3A_329 : vector<16xi32>
      %eq3A_331 = vector.broadcast %reduce_max3A_277 : f32 to vector<16xf32>
      %eq3A_332 = arith.cmpf oeq, %scan3A_267, %eq3A_331 : vector<16xf32>
      %add3A_333 = arith.constant 96 : i32
      %add3A_334 = vector.broadcast %add3A_333 : i32 to vector<16xi32>
      %add3A_335 = arith.addi %iota3A, %add3A_334 : vector<16xi32>
      %jit3A_336 = arith.constant -1 : i32
      %broadcast_in_dim3A_337 = vector.broadcast %jit3A_336 : i32 to vector<16xi32>
      %select_n3A_338 = arith.select %eq3A_332, %add3A_335, %broadcast_in_dim3A_337 : vector<16xi1>, vector<16xi32>
      %max3A_339 = arith.maxsi %max3A_330, %select_n3A_338 : vector<16xi32>
      %eq3A_340 = vector.broadcast %reduce_max3A_277 : f32 to vector<16xf32>
      %eq3A_341 = arith.cmpf oeq, %scan3A_268, %eq3A_340 : vector<16xf32>
      %add3A_342 = arith.constant 112 : i32
      %add3A_343 = vector.broadcast %add3A_342 : i32 to vector<16xi32>
      %add3A_344 = arith.addi %iota3A, %add3A_343 : vector<16xi32>
      %jit3A_345 = arith.constant -1 : i32
      %broadcast_in_dim3A_346 = vector.broadcast %jit3A_345 : i32 to vector<16xi32>
      %select_n3A_347 = arith.select %eq3A_341, %add3A_344, %broadcast_in_dim3A_346 : vector<16xi1>, vector<16xi32>
      %max3A_348 = arith.maxsi %max3A_339, %select_n3A_347 : vector<16xi32>
      %reduce_max3A_349 = arith.constant true
      %reduce_max3A_350 = vector.broadcast %reduce_max3A_349 : i1 to vector<16xi1>
      %reduce_max3A_351 = arith.constant -2147483648 : i32
      %reduce_max3A_352 = vector.broadcast %reduce_max3A_351 : i32 to vector<16xi32>
      %reduce_max3A_353 = arith.xori %max3A_348, %reduce_max3A_352 : vector<16xi32>
      %reduce_max3A_354 = tpu.scan <max>, %reduce_max3A_353 masked %reduce_max3A_350 : vector<16xi32>, vector<16xi1> -> vector<16xi32>
      %reduce_max3A_355 = arith.xori %reduce_max3A_354, %reduce_max3A_352 : vector<16xi32>
      %reduce_max3A_356 = vector.extract %reduce_max3A_355[15] : i32 from vector<16xi32>
      %shift_right_arithmetic3A = arith.constant 4 : i32
      %shift_right_arithmetic3A_357 = arith.shrsi %reduce_max3A_356, %shift_right_arithmetic3A : i32
      %and3A = arith.constant 15 : i32
      %and3A_358 = arith.andi %reduce_max3A_356, %and3A : i32
      %mul3A_359 = arith.constant 256 : i32
      %mul3A_360 = arith.muli %shift_right_arithmetic3A_357, %mul3A_359 : i32
      %add3A_361 = vector.broadcast %mul3A_360 : i32 to vector<16xi32>
      %add3A_362 = arith.addi %add3A_361, %iota3A : vector<16xi32>
      %mul3A_363 = arith.constant 16 : i32
      %mul3A_364 = vector.broadcast %mul3A_363 : i32 to vector<16xi32>
      %mul3A_365 = arith.muli %add3A_362, %mul3A_364 : vector<16xi32>
      %add3A_366 = vector.broadcast %and3A_358 : i32 to vector<16xi32>
      %add3A_367 = arith.addi %mul3A_365, %add3A_366 : vector<16xi32>
      %broadcast_in_dim3A_368 = arith.constant 0 : i32
      %broadcast_in_dim3A_369 = vector.broadcast %broadcast_in_dim3A_368 : i32 to vector<16xi32>
      %broadcast_in_dim3A_370 = arith.constant 0 : i32
      %broadcast_in_dim3A_371 = vector.broadcast %broadcast_in_dim3A_370 : i32 to vector<16xi32>
      %broadcast_in_dim3A_372 = vector.broadcast %scan3A : f32 to vector<16xf32>
      %broadcast_in_dim3A_373 = vector.broadcast %scan3A : f32 to vector<16xf32>
      %add3A_374 = arith.constant 0 : i32
      %add3A_375 = vector.broadcast %add3A_374 : i32 to vector<16xi32>
      %add3A_376 = arith.addi %add3A_367, %add3A_375 : vector<16xi32>
      %gather3A = tpu.vector_load_idx %arg4[%add3A_376] : memref<32768xf32, #tpu.memory_space<vmem>>[vector<16xi32>], vector<16xf32>,
      %eq3A_377 = vector.broadcast %reduce_max3A_277 : f32 to vector<16xf32>
      %eq3A_378 = arith.cmpf oeq, %gather3A, %eq3A_377 : vector<16xf32>
      %jit3A_379 = arith.constant 1 : i32
      %jit3A_380 = arith.constant 0 : i32
      %broadcast_in_dim3A_381 = vector.broadcast %jit3A_379 : i32 to vector<16xi32>
      %broadcast_in_dim3A_382 = vector.broadcast %jit3A_380 : i32 to vector<16xi32>
      %select_n3A_383 = arith.select %eq3A_378, %broadcast_in_dim3A_381, %broadcast_in_dim3A_382 : vector<16xi1>, vector<16xi32>
      %add3A_384 = arith.addi %broadcast_in_dim3A_369, %select_n3A_383 : vector<16xi32>
      %lt3A = vector.broadcast %reduce_max3A_277 : f32 to vector<16xf32>
      %lt3A_385 = arith.cmpf olt, %gather3A, %lt3A : vector<16xf32>
      %broadcast_in_dim3A_386 = vector.broadcast %scan3A : f32 to vector<16xf32>
      %select_n3A_387 = arith.select %lt3A_385, %gather3A, %broadcast_in_dim3A_386 : vector<16xi1>, vector<16xf32>
      %max3A_388 = arith.maximumf %broadcast_in_dim3A_372, %select_n3A_387 : vector<16xf32>
      %add3A_389 = arith.constant 256 : i32
      %add3A_390 = vector.broadcast %add3A_389 : i32 to vector<16xi32>
      %add3A_391 = arith.addi %add3A_367, %add3A_390 : vector<16xi32>
      %gather3A_392 = tpu.vector_load_idx %arg4[%add3A_391] : memref<32768xf32, #tpu.memory_space<vmem>>[vector<16xi32>], vector<16xf32>,
      %eq3A_393 = vector.broadcast %reduce_max3A_277 : f32 to vector<16xf32>
      %eq3A_394 = arith.cmpf oeq, %gather3A_392, %eq3A_393 : vector<16xf32>
      %jit3A_395 = arith.constant 1 : i32
      %jit3A_396 = arith.constant 0 : i32
      %broadcast_in_dim3A_397 = vector.broadcast %jit3A_395 : i32 to vector<16xi32>
      %broadcast_in_dim3A_398 = vector.broadcast %jit3A_396 : i32 to vector<16xi32>
      %select_n3A_399 = arith.select %eq3A_394, %broadcast_in_dim3A_397, %broadcast_in_dim3A_398 : vector<16xi1>, vector<16xi32>
      %add3A_400 = arith.addi %broadcast_in_dim3A_371, %select_n3A_399 : vector<16xi32>
      %lt3A_401 = vector.broadcast %reduce_max3A_277 : f32 to vector<16xf32>
      %lt3A_402 = arith.cmpf olt, %gather3A_392, %lt3A_401 : vector<16xf32>
      %broadcast_in_dim3A_403 = vector.broadcast %scan3A : f32 to vector<16xf32>
      %select_n3A_404 = arith.select %lt3A_402, %gather3A_392, %broadcast_in_dim3A_403 : vector<16xi1>, vector<16xf32>
      %max3A_405 = arith.maximumf %broadcast_in_dim3A_373, %select_n3A_404 : vector<16xf32>
      %add3A_406 = arith.constant 512 : i32
      %add3A_407 = vector.broadcast %add3A_406 : i32 to vector<16xi32>
      %add3A_408 = arith.addi %add3A_367, %add3A_407 : vector<16xi32>
      %gather3A_409 = tpu.vector_load_idx %arg4[%add3A_408] : memref<32768xf32, #tpu.memory_space<vmem>>[vector<16xi32>], vector<16xf32>,
      %eq3A_410 = vector.broadcast %reduce_max3A_277 : f32 to vector<16xf32>
      %eq3A_411 = arith.cmpf oeq, %gather3A_409, %eq3A_410 : vector<16xf32>
      %jit3A_412 = arith.constant 1 : i32
      %jit3A_413 = arith.constant 0 : i32
      %broadcast_in_dim3A_414 = vector.broadcast %jit3A_412 : i32 to vector<16xi32>
      %broadcast_in_dim3A_415 = vector.broadcast %jit3A_413 : i32 to vector<16xi32>
      %select_n3A_416 = arith.select %eq3A_411, %broadcast_in_dim3A_414, %broadcast_in_dim3A_415 : vector<16xi1>, vector<16xi32>
      %add3A_417 = arith.addi %add3A_384, %select_n3A_416 : vector<16xi32>
      %lt3A_418 = vector.broadcast %reduce_max3A_277 : f32 to vector<16xf32>
      %lt3A_419 = arith.cmpf olt, %gather3A_409, %lt3A_418 : vector<16xf32>
      %broadcast_in_dim3A_420 = vector.broadcast %scan3A : f32 to vector<16xf32>
      %select_n3A_421 = arith.select %lt3A_419, %gather3A_409, %broadcast_in_dim3A_420 : vector<16xi1>, vector<16xf32>
      %max3A_422 = arith.maximumf %max3A_388, %select_n3A_421 : vector<16xf32>
      %add3A_423 = arith.constant 768 : i32
      %add3A_424 = vector.broadcast %add3A_423 : i32 to vector<16xi32>
      %add3A_425 = arith.addi %add3A_367, %add3A_424 : vector<16xi32>
      %gather3A_426 = tpu.vector_load_idx %arg4[%add3A_425] : memref<32768xf32, #tpu.memory_space<vmem>>[vector<16xi32>], vector<16xf32>,
      %eq3A_427 = vector.broadcast %reduce_max3A_277 : f32 to vector<16xf32>
      %eq3A_428 = arith.cmpf oeq, %gather3A_426, %eq3A_427 : vector<16xf32>
      %jit3A_429 = arith.constant 1 : i32
      %jit3A_430 = arith.constant 0 : i32
      %broadcast_in_dim3A_431 = vector.broadcast %jit3A_429 : i32 to vector<16xi32>
      %broadcast_in_dim3A_432 = vector.broadcast %jit3A_430 : i32 to vector<16xi32>
      %select_n3A_433 = arith.select %eq3A_428, %broadcast_in_dim3A_431, %broadcast_in_dim3A_432 : vector<16xi1>, vector<16xi32>
      %add3A_434 = arith.addi %add3A_400, %select_n3A_433 : vector<16xi32>
      %lt3A_435 = vector.broadcast %reduce_max3A_277 : f32 to vector<16xf32>
      %lt3A_436 = arith.cmpf olt, %gather3A_426, %lt3A_435 : vector<16xf32>
      %broadcast_in_dim3A_437 = vector.broadcast %scan3A : f32 to vector<16xf32>
      %select_n3A_438 = arith.select %lt3A_436, %gather3A_426, %broadcast_in_dim3A_437 : vector<16xi1>, vector<16xf32>
      %max3A_439 = arith.maximumf %max3A_405, %select_n3A_438 : vector<16xf32>
      %add3A_440 = arith.constant 1024 : i32
      %add3A_441 = vector.broadcast %add3A_440 : i32 to vector<16xi32>
      %add3A_442 = arith.addi %add3A_367, %add3A_441 : vector<16xi32>
      %gather3A_443 = tpu.vector_load_idx %arg4[%add3A_442] : memref<32768xf32, #tpu.memory_space<vmem>>[vector<16xi32>], vector<16xf32>,
      %eq3A_444 = vector.broadcast %reduce_max3A_277 : f32 to vector<16xf32>
      %eq3A_445 = arith.cmpf oeq, %gather3A_443, %eq3A_444 : vector<16xf32>
      %jit3A_446 = arith.constant 1 : i32
      %jit3A_447 = arith.constant 0 : i32
      %broadcast_in_dim3A_448 = vector.broadcast %jit3A_446 : i32 to vector<16xi32>
      %broadcast_in_dim3A_449 = vector.broadcast %jit3A_447 : i32 to vector<16xi32>
      %select_n3A_450 = arith.select %eq3A_445, %broadcast_in_dim3A_448, %broadcast_in_dim3A_449 : vector<16xi1>, vector<16xi32>
      %add3A_451 = arith.addi %add3A_417, %select_n3A_450 : vector<16xi32>
      %lt3A_452 = vector.broadcast %reduce_max3A_277 : f32 to vector<16xf32>
      %lt3A_453 = arith.cmpf olt, %gather3A_443, %lt3A_452 : vector<16xf32>
      %broadcast_in_dim3A_454 = vector.broadcast %scan3A : f32 to vector<16xf32>
      %select_n3A_455 = arith.select %lt3A_453, %gather3A_443, %broadcast_in_dim3A_454 : vector<16xi1>, vector<16xf32>
      %max3A_456 = arith.maximumf %max3A_422, %select_n3A_455 : vector<16xf32>
      %add3A_457 = arith.constant 1280 : i32
      %add3A_458 = vector.broadcast %add3A_457 : i32 to vector<16xi32>
      %add3A_459 = arith.addi %add3A_367, %add3A_458 : vector<16xi32>
      %gather3A_460 = tpu.vector_load_idx %arg4[%add3A_459] : memref<32768xf32, #tpu.memory_space<vmem>>[vector<16xi32>], vector<16xf32>,
      %eq3A_461 = vector.broadcast %reduce_max3A_277 : f32 to vector<16xf32>
      %eq3A_462 = arith.cmpf oeq, %gather3A_460, %eq3A_461 : vector<16xf32>
      %jit3A_463 = arith.constant 1 : i32
      %jit3A_464 = arith.constant 0 : i32
      %broadcast_in_dim3A_465 = vector.broadcast %jit3A_463 : i32 to vector<16xi32>
      %broadcast_in_dim3A_466 = vector.broadcast %jit3A_464 : i32 to vector<16xi32>
      %select_n3A_467 = arith.select %eq3A_462, %broadcast_in_dim3A_465, %broadcast_in_dim3A_466 : vector<16xi1>, vector<16xi32>
      %add3A_468 = arith.addi %add3A_434, %select_n3A_467 : vector<16xi32>
      %lt3A_469 = vector.broadcast %reduce_max3A_277 : f32 to vector<16xf32>
      %lt3A_470 = arith.cmpf olt, %gather3A_460, %lt3A_469 : vector<16xf32>
      %broadcast_in_dim3A_471 = vector.broadcast %scan3A : f32 to vector<16xf32>
      %select_n3A_472 = arith.select %lt3A_470, %gather3A_460, %broadcast_in_dim3A_471 : vector<16xi1>, vector<16xf32>
      %max3A_473 = arith.maximumf %max3A_439, %select_n3A_472 : vector<16xf32>
      %add3A_474 = arith.constant 1536 : i32
      %add3A_475 = vector.broadcast %add3A_474 : i32 to vector<16xi32>
      %add3A_476 = arith.addi %add3A_367, %add3A_475 : vector<16xi32>
      %gather3A_477 = tpu.vector_load_idx %arg4[%add3A_476] : memref<32768xf32, #tpu.memory_space<vmem>>[vector<16xi32>], vector<16xf32>,
      %eq3A_478 = vector.broadcast %reduce_max3A_277 : f32 to vector<16xf32>
      %eq3A_479 = arith.cmpf oeq, %gather3A_477, %eq3A_478 : vector<16xf32>
      %jit3A_480 = arith.constant 1 : i32
      %jit3A_481 = arith.constant 0 : i32
      %broadcast_in_dim3A_482 = vector.broadcast %jit3A_480 : i32 to vector<16xi32>
      %broadcast_in_dim3A_483 = vector.broadcast %jit3A_481 : i32 to vector<16xi32>
      %select_n3A_484 = arith.select %eq3A_479, %broadcast_in_dim3A_482, %broadcast_in_dim3A_483 : vector<16xi1>, vector<16xi32>
      %add3A_485 = arith.addi %add3A_451, %select_n3A_484 : vector<16xi32>
      %lt3A_486 = vector.broadcast %reduce_max3A_277 : f32 to vector<16xf32>
      %lt3A_487 = arith.cmpf olt, %gather3A_477, %lt3A_486 : vector<16xf32>
      %broadcast_in_dim3A_488 = vector.broadcast %scan3A : f32 to vector<16xf32>
      %select_n3A_489 = arith.select %lt3A_487, %gather3A_477, %broadcast_in_dim3A_488 : vector<16xi1>, vector<16xf32>
      %max3A_490 = arith.maximumf %max3A_456, %select_n3A_489 : vector<16xf32>
      %add3A_491 = arith.constant 1792 : i32
      %add3A_492 = vector.broadcast %add3A_491 : i32 to vector<16xi32>
      %add3A_493 = arith.addi %add3A_367, %add3A_492 : vector<16xi32>
      %gather3A_494 = tpu.vector_load_idx %arg4[%add3A_493] : memref<32768xf32, #tpu.memory_space<vmem>>[vector<16xi32>], vector<16xf32>,
      %eq3A_495 = vector.broadcast %reduce_max3A_277 : f32 to vector<16xf32>
      %eq3A_496 = arith.cmpf oeq, %gather3A_494, %eq3A_495 : vector<16xf32>
      %jit3A_497 = arith.constant 1 : i32
      %jit3A_498 = arith.constant 0 : i32
      %broadcast_in_dim3A_499 = vector.broadcast %jit3A_497 : i32 to vector<16xi32>
      %broadcast_in_dim3A_500 = vector.broadcast %jit3A_498 : i32 to vector<16xi32>
      %select_n3A_501 = arith.select %eq3A_496, %broadcast_in_dim3A_499, %broadcast_in_dim3A_500 : vector<16xi1>, vector<16xi32>
      %add3A_502 = arith.addi %add3A_468, %select_n3A_501 : vector<16xi32>
      %lt3A_503 = vector.broadcast %reduce_max3A_277 : f32 to vector<16xf32>
      %lt3A_504 = arith.cmpf olt, %gather3A_494, %lt3A_503 : vector<16xf32>
      %broadcast_in_dim3A_505 = vector.broadcast %scan3A : f32 to vector<16xf32>
      %select_n3A_506 = arith.select %lt3A_504, %gather3A_494, %broadcast_in_dim3A_505 : vector<16xi1>, vector<16xf32>
      %max3A_507 = arith.maximumf %max3A_473, %select_n3A_506 : vector<16xf32>
      %add3A_508 = arith.constant 2048 : i32
      %add3A_509 = vector.broadcast %add3A_508 : i32 to vector<16xi32>
      %add3A_510 = arith.addi %add3A_367, %add3A_509 : vector<16xi32>
      %gather3A_511 = tpu.vector_load_idx %arg4[%add3A_510] : memref<32768xf32, #tpu.memory_space<vmem>>[vector<16xi32>], vector<16xf32>,
      %eq3A_512 = vector.broadcast %reduce_max3A_277 : f32 to vector<16xf32>
      %eq3A_513 = arith.cmpf oeq, %gather3A_511, %eq3A_512 : vector<16xf32>
      %jit3A_514 = arith.constant 1 : i32
      %jit3A_515 = arith.constant 0 : i32
      %broadcast_in_dim3A_516 = vector.broadcast %jit3A_514 : i32 to vector<16xi32>
      %broadcast_in_dim3A_517 = vector.broadcast %jit3A_515 : i32 to vector<16xi32>
      %select_n3A_518 = arith.select %eq3A_513, %broadcast_in_dim3A_516, %broadcast_in_dim3A_517 : vector<16xi1>, vector<16xi32>
      %add3A_519 = arith.addi %add3A_485, %select_n3A_518 : vector<16xi32>
      %lt3A_520 = vector.broadcast %reduce_max3A_277 : f32 to vector<16xf32>
      %lt3A_521 = arith.cmpf olt, %gather3A_511, %lt3A_520 : vector<16xf32>
      %broadcast_in_dim3A_522 = vector.broadcast %scan3A : f32 to vector<16xf32>
      %select_n3A_523 = arith.select %lt3A_521, %gather3A_511, %broadcast_in_dim3A_522 : vector<16xi1>, vector<16xf32>
      %max3A_524 = arith.maximumf %max3A_490, %select_n3A_523 : vector<16xf32>
      %add3A_525 = arith.constant 2304 : i32
      %add3A_526 = vector.broadcast %add3A_525 : i32 to vector<16xi32>
      %add3A_527 = arith.addi %add3A_367, %add3A_526 : vector<16xi32>
      %gather3A_528 = tpu.vector_load_idx %arg4[%add3A_527] : memref<32768xf32, #tpu.memory_space<vmem>>[vector<16xi32>], vector<16xf32>,
      %eq3A_529 = vector.broadcast %reduce_max3A_277 : f32 to vector<16xf32>
      %eq3A_530 = arith.cmpf oeq, %gather3A_528, %eq3A_529 : vector<16xf32>
      %jit3A_531 = arith.constant 1 : i32
      %jit3A_532 = arith.constant 0 : i32
      %broadcast_in_dim3A_533 = vector.broadcast %jit3A_531 : i32 to vector<16xi32>
      %broadcast_in_dim3A_534 = vector.broadcast %jit3A_532 : i32 to vector<16xi32>
      %select_n3A_535 = arith.select %eq3A_530, %broadcast_in_dim3A_533, %broadcast_in_dim3A_534 : vector<16xi1>, vector<16xi32>
      %add3A_536 = arith.addi %add3A_502, %select_n3A_535 : vector<16xi32>
      %lt3A_537 = vector.broadcast %reduce_max3A_277 : f32 to vector<16xf32>
      %lt3A_538 = arith.cmpf olt, %gather3A_528, %lt3A_537 : vector<16xf32>
      %broadcast_in_dim3A_539 = vector.broadcast %scan3A : f32 to vector<16xf32>
      %select_n3A_540 = arith.select %lt3A_538, %gather3A_528, %broadcast_in_dim3A_539 : vector<16xi1>, vector<16xf32>
      %max3A_541 = arith.maximumf %max3A_507, %select_n3A_540 : vector<16xf32>
      %add3A_542 = arith.constant 2560 : i32
      %add3A_543 = vector.broadcast %add3A_542 : i32 to vector<16xi32>
      %add3A_544 = arith.addi %add3A_367, %add3A_543 : vector<16xi32>
      %gather3A_545 = tpu.vector_load_idx %arg4[%add3A_544] : memref<32768xf32, #tpu.memory_space<vmem>>[vector<16xi32>], vector<16xf32>,
      %eq3A_546 = vector.broadcast %reduce_max3A_277 : f32 to vector<16xf32>
      %eq3A_547 = arith.cmpf oeq, %gather3A_545, %eq3A_546 : vector<16xf32>
      %jit3A_548 = arith.constant 1 : i32
      %jit3A_549 = arith.constant 0 : i32
      %broadcast_in_dim3A_550 = vector.broadcast %jit3A_548 : i32 to vector<16xi32>
      %broadcast_in_dim3A_551 = vector.broadcast %jit3A_549 : i32 to vector<16xi32>
      %select_n3A_552 = arith.select %eq3A_547, %broadcast_in_dim3A_550, %broadcast_in_dim3A_551 : vector<16xi1>, vector<16xi32>
      %add3A_553 = arith.addi %add3A_519, %select_n3A_552 : vector<16xi32>
      %lt3A_554 = vector.broadcast %reduce_max3A_277 : f32 to vector<16xf32>
      %lt3A_555 = arith.cmpf olt, %gather3A_545, %lt3A_554 : vector<16xf32>
      %broadcast_in_dim3A_556 = vector.broadcast %scan3A : f32 to vector<16xf32>
      %select_n3A_557 = arith.select %lt3A_555, %gather3A_545, %broadcast_in_dim3A_556 : vector<16xi1>, vector<16xf32>
      %max3A_558 = arith.maximumf %max3A_524, %select_n3A_557 : vector<16xf32>
      %add3A_559 = arith.constant 2816 : i32
      %add3A_560 = vector.broadcast %add3A_559 : i32 to vector<16xi32>
      %add3A_561 = arith.addi %add3A_367, %add3A_560 : vector<16xi32>
      %gather3A_562 = tpu.vector_load_idx %arg4[%add3A_561] : memref<32768xf32, #tpu.memory_space<vmem>>[vector<16xi32>], vector<16xf32>,
      %eq3A_563 = vector.broadcast %reduce_max3A_277 : f32 to vector<16xf32>
      %eq3A_564 = arith.cmpf oeq, %gather3A_562, %eq3A_563 : vector<16xf32>
      %jit3A_565 = arith.constant 1 : i32
      %jit3A_566 = arith.constant 0 : i32
      %broadcast_in_dim3A_567 = vector.broadcast %jit3A_565 : i32 to vector<16xi32>
      %broadcast_in_dim3A_568 = vector.broadcast %jit3A_566 : i32 to vector<16xi32>
      %select_n3A_569 = arith.select %eq3A_564, %broadcast_in_dim3A_567, %broadcast_in_dim3A_568 : vector<16xi1>, vector<16xi32>
      %add3A_570 = arith.addi %add3A_536, %select_n3A_569 : vector<16xi32>
      %lt3A_571 = vector.broadcast %reduce_max3A_277 : f32 to vector<16xf32>
      %lt3A_572 = arith.cmpf olt, %gather3A_562, %lt3A_571 : vector<16xf32>
      %broadcast_in_dim3A_573 = vector.broadcast %scan3A : f32 to vector<16xf32>
      %select_n3A_574 = arith.select %lt3A_572, %gather3A_562, %broadcast_in_dim3A_573 : vector<16xi1>, vector<16xf32>
      %max3A_575 = arith.maximumf %max3A_541, %select_n3A_574 : vector<16xf32>
      %add3A_576 = arith.constant 3072 : i32
      %add3A_577 = vector.broadcast %add3A_576 : i32 to vector<16xi32>
      %add3A_578 = arith.addi %add3A_367, %add3A_577 : vector<16xi32>
      %gather3A_579 = tpu.vector_load_idx %arg4[%add3A_578] : memref<32768xf32, #tpu.memory_space<vmem>>[vector<16xi32>], vector<16xf32>,
      %eq3A_580 = vector.broadcast %reduce_max3A_277 : f32 to vector<16xf32>
      %eq3A_581 = arith.cmpf oeq, %gather3A_579, %eq3A_580 : vector<16xf32>
      %jit3A_582 = arith.constant 1 : i32
      %jit3A_583 = arith.constant 0 : i32
      %broadcast_in_dim3A_584 = vector.broadcast %jit3A_582 : i32 to vector<16xi32>
      %broadcast_in_dim3A_585 = vector.broadcast %jit3A_583 : i32 to vector<16xi32>
      %select_n3A_586 = arith.select %eq3A_581, %broadcast_in_dim3A_584, %broadcast_in_dim3A_585 : vector<16xi1>, vector<16xi32>
      %add3A_587 = arith.addi %add3A_553, %select_n3A_586 : vector<16xi32>
      %lt3A_588 = vector.broadcast %reduce_max3A_277 : f32 to vector<16xf32>
      %lt3A_589 = arith.cmpf olt, %gather3A_579, %lt3A_588 : vector<16xf32>
      %broadcast_in_dim3A_590 = vector.broadcast %scan3A : f32 to vector<16xf32>
      %select_n3A_591 = arith.select %lt3A_589, %gather3A_579, %broadcast_in_dim3A_590 : vector<16xi1>, vector<16xf32>
      %max3A_592 = arith.maximumf %max3A_558, %select_n3A_591 : vector<16xf32>
      %add3A_593 = arith.constant 3328 : i32
      %add3A_594 = vector.broadcast %add3A_593 : i32 to vector<16xi32>
      %add3A_595 = arith.addi %add3A_367, %add3A_594 : vector<16xi32>
      %gather3A_596 = tpu.vector_load_idx %arg4[%add3A_595] : memref<32768xf32, #tpu.memory_space<vmem>>[vector<16xi32>], vector<16xf32>,
      %eq3A_597 = vector.broadcast %reduce_max3A_277 : f32 to vector<16xf32>
      %eq3A_598 = arith.cmpf oeq, %gather3A_596, %eq3A_597 : vector<16xf32>
      %jit3A_599 = arith.constant 1 : i32
      %jit3A_600 = arith.constant 0 : i32
      %broadcast_in_dim3A_601 = vector.broadcast %jit3A_599 : i32 to vector<16xi32>
      %broadcast_in_dim3A_602 = vector.broadcast %jit3A_600 : i32 to vector<16xi32>
      %select_n3A_603 = arith.select %eq3A_598, %broadcast_in_dim3A_601, %broadcast_in_dim3A_602 : vector<16xi1>, vector<16xi32>
      %add3A_604 = arith.addi %add3A_570, %select_n3A_603 : vector<16xi32>
      %lt3A_605 = vector.broadcast %reduce_max3A_277 : f32 to vector<16xf32>
      %lt3A_606 = arith.cmpf olt, %gather3A_596, %lt3A_605 : vector<16xf32>
      %broadcast_in_dim3A_607 = vector.broadcast %scan3A : f32 to vector<16xf32>
      %select_n3A_608 = arith.select %lt3A_606, %gather3A_596, %broadcast_in_dim3A_607 : vector<16xi1>, vector<16xf32>
      %max3A_609 = arith.maximumf %max3A_575, %select_n3A_608 : vector<16xf32>
      %add3A_610 = arith.constant 3584 : i32
      %add3A_611 = vector.broadcast %add3A_610 : i32 to vector<16xi32>
      %add3A_612 = arith.addi %add3A_367, %add3A_611 : vector<16xi32>
      %gather3A_613 = tpu.vector_load_idx %arg4[%add3A_612] : memref<32768xf32, #tpu.memory_space<vmem>>[vector<16xi32>], vector<16xf32>,
      %eq3A_614 = vector.broadcast %reduce_max3A_277 : f32 to vector<16xf32>
      %eq3A_615 = arith.cmpf oeq, %gather3A_613, %eq3A_614 : vector<16xf32>
      %jit3A_616 = arith.constant 1 : i32
      %jit3A_617 = arith.constant 0 : i32
      %broadcast_in_dim3A_618 = vector.broadcast %jit3A_616 : i32 to vector<16xi32>
      %broadcast_in_dim3A_619 = vector.broadcast %jit3A_617 : i32 to vector<16xi32>
      %select_n3A_620 = arith.select %eq3A_615, %broadcast_in_dim3A_618, %broadcast_in_dim3A_619 : vector<16xi1>, vector<16xi32>
      %add3A_621 = arith.addi %add3A_587, %select_n3A_620 : vector<16xi32>
      %lt3A_622 = vector.broadcast %reduce_max3A_277 : f32 to vector<16xf32>
      %lt3A_623 = arith.cmpf olt, %gather3A_613, %lt3A_622 : vector<16xf32>
      %broadcast_in_dim3A_624 = vector.broadcast %scan3A : f32 to vector<16xf32>
      %select_n3A_625 = arith.select %lt3A_623, %gather3A_613, %broadcast_in_dim3A_624 : vector<16xi1>, vector<16xf32>
      %max3A_626 = arith.maximumf %max3A_592, %select_n3A_625 : vector<16xf32>
      %add3A_627 = arith.constant 3840 : i32
      %add3A_628 = vector.broadcast %add3A_627 : i32 to vector<16xi32>
      %add3A_629 = arith.addi %add3A_367, %add3A_628 : vector<16xi32>
      %gather3A_630 = tpu.vector_load_idx %arg4[%add3A_629] : memref<32768xf32, #tpu.memory_space<vmem>>[vector<16xi32>], vector<16xf32>,
      %eq3A_631 = vector.broadcast %reduce_max3A_277 : f32 to vector<16xf32>
      %eq3A_632 = arith.cmpf oeq, %gather3A_630, %eq3A_631 : vector<16xf32>
      %jit3A_633 = arith.constant 1 : i32
      %jit3A_634 = arith.constant 0 : i32
      %broadcast_in_dim3A_635 = vector.broadcast %jit3A_633 : i32 to vector<16xi32>
      %broadcast_in_dim3A_636 = vector.broadcast %jit3A_634 : i32 to vector<16xi32>
      %select_n3A_637 = arith.select %eq3A_632, %broadcast_in_dim3A_635, %broadcast_in_dim3A_636 : vector<16xi1>, vector<16xi32>
      %add3A_638 = arith.addi %add3A_604, %select_n3A_637 : vector<16xi32>
      %lt3A_639 = vector.broadcast %reduce_max3A_277 : f32 to vector<16xf32>
      %lt3A_640 = arith.cmpf olt, %gather3A_630, %lt3A_639 : vector<16xf32>
      %broadcast_in_dim3A_641 = vector.broadcast %scan3A : f32 to vector<16xf32>
      %select_n3A_642 = arith.select %lt3A_640, %gather3A_630, %broadcast_in_dim3A_641 : vector<16xi1>, vector<16xf32>
      %max3A_643 = arith.maximumf %max3A_609, %select_n3A_642 : vector<16xf32>
      %lt3A_644 = arith.constant 10 : i32
      %lt3A_645 = arith.cmpi slt, %scan3A_259, %lt3A_644 : i32
      %select_n3A_646 = arith.select %lt3A_645, %reduce_max3A_277, %scan3A_260 : f32
      %add3A_647 = arith.addi %add3A_621, %add3A_638 : vector<16xi32>
      %reduce_sum3A = arith.constant true
      %reduce_sum3A_648 = vector.broadcast %reduce_sum3A : i1 to vector<16xi1>
      %reduce_sum3A_649 = tpu.scan <sum>, %add3A_647 masked %reduce_sum3A_648 : vector<16xi32>, vector<16xi1> -> vector<16xi32>
      %reduce_sum3A_650 = vector.extract %reduce_sum3A_649[15] : i32 from vector<16xi32>
      %add3A_651 = arith.addi %scan3A_259, %reduce_sum3A_650 : i32
      %max3A_652 = arith.maximumf %max3A_626, %max3A_643 : vector<16xf32>
      %reduce_max3A_653 = arith.constant true
      %reduce_max3A_654 = vector.broadcast %reduce_max3A_653 : i1 to vector<16xi1>
      %reduce_max3A_655 = tpu.scan <max>, %max3A_652 masked %reduce_max3A_654 : vector<16xf32>, vector<16xi1> -> vector<16xf32>
      %reduce_max3A_656 = vector.extract %reduce_max3A_655[15] : f32 from vector<16xf32>
      %eq3A_657 = arith.constant 0 : i32
      %eq3A_658 = arith.cmpi eq, %shift_right_arithmetic3A_357, %eq3A_657 : i32
      %eq3A_659 = vector.broadcast %and3A_358 : i32 to vector<16xi32>
      %eq3A_660 = arith.cmpi eq, %iota3A, %eq3A_659 : vector<16xi32>
      %and3A_661 = vector.broadcast %eq3A_658 : i1 to vector<16xi1>
      %and3A_662 = arith.andi %and3A_661, %eq3A_660 : vector<16xi1>
      %broadcast_in_dim3A_663 = vector.broadcast %reduce_max3A_656 : f32 to vector<16xf32>
      %select_n3A_664 = arith.select %and3A_662, %broadcast_in_dim3A_663, %scan3A_261 : vector<16xi1>, vector<16xf32>
      %eq3A_665 = arith.constant 1 : i32
      %eq3A_666 = arith.cmpi eq, %shift_right_arithmetic3A_357, %eq3A_665 : i32
      %eq3A_667 = vector.broadcast %and3A_358 : i32 to vector<16xi32>
      %eq3A_668 = arith.cmpi eq, %iota3A, %eq3A_667 : vector<16xi32>
      %and3A_669 = vector.broadcast %eq3A_666 : i1 to vector<16xi1>
      %and3A_670 = arith.andi %and3A_669, %eq3A_668 : vector<16xi1>
      %broadcast_in_dim3A_671 = vector.broadcast %reduce_max3A_656 : f32 to vector<16xf32>
      %select_n3A_672 = arith.select %and3A_670, %broadcast_in_dim3A_671, %scan3A_262 : vector<16xi1>, vector<16xf32>
      %eq3A_673 = arith.constant 2 : i32
      %eq3A_674 = arith.cmpi eq, %shift_right_arithmetic3A_357, %eq3A_673 : i32
      %eq3A_675 = vector.broadcast %and3A_358 : i32 to vector<16xi32>
      %eq3A_676 = arith.cmpi eq, %iota3A, %eq3A_675 : vector<16xi32>
      %and3A_677 = vector.broadcast %eq3A_674 : i1 to vector<16xi1>
      %and3A_678 = arith.andi %and3A_677, %eq3A_676 : vector<16xi1>
      %broadcast_in_dim3A_679 = vector.broadcast %reduce_max3A_656 : f32 to vector<16xf32>
      %select_n3A_680 = arith.select %and3A_678, %broadcast_in_dim3A_679, %scan3A_263 : vector<16xi1>, vector<16xf32>
      %eq3A_681 = arith.constant 3 : i32
      %eq3A_682 = arith.cmpi eq, %shift_right_arithmetic3A_357, %eq3A_681 : i32
      %eq3A_683 = vector.broadcast %and3A_358 : i32 to vector<16xi32>
      %eq3A_684 = arith.cmpi eq, %iota3A, %eq3A_683 : vector<16xi32>
      %and3A_685 = vector.broadcast %eq3A_682 : i1 to vector<16xi1>
      %and3A_686 = arith.andi %and3A_685, %eq3A_684 : vector<16xi1>
      %broadcast_in_dim3A_687 = vector.broadcast %reduce_max3A_656 : f32 to vector<16xf32>
      %select_n3A_688 = arith.select %and3A_686, %broadcast_in_dim3A_687, %scan3A_264 : vector<16xi1>, vector<16xf32>
      %eq3A_689 = arith.constant 4 : i32
      %eq3A_690 = arith.cmpi eq, %shift_right_arithmetic3A_357, %eq3A_689 : i32
      %eq3A_691 = vector.broadcast %and3A_358 : i32 to vector<16xi32>
      %eq3A_692 = arith.cmpi eq, %iota3A, %eq3A_691 : vector<16xi32>
      %and3A_693 = vector.broadcast %eq3A_690 : i1 to vector<16xi1>
      %and3A_694 = arith.andi %and3A_693, %eq3A_692 : vector<16xi1>
      %broadcast_in_dim3A_695 = vector.broadcast %reduce_max3A_656 : f32 to vector<16xf32>
      %select_n3A_696 = arith.select %and3A_694, %broadcast_in_dim3A_695, %scan3A_265 : vector<16xi1>, vector<16xf32>
      %eq3A_697 = arith.constant 5 : i32
      %eq3A_698 = arith.cmpi eq, %shift_right_arithmetic3A_357, %eq3A_697 : i32
      %eq3A_699 = vector.broadcast %and3A_358 : i32 to vector<16xi32>
      %eq3A_700 = arith.cmpi eq, %iota3A, %eq3A_699 : vector<16xi32>
      %and3A_701 = vector.broadcast %eq3A_698 : i1 to vector<16xi1>
      %and3A_702 = arith.andi %and3A_701, %eq3A_700 : vector<16xi1>
      %broadcast_in_dim3A_703 = vector.broadcast %reduce_max3A_656 : f32 to vector<16xf32>
      %select_n3A_704 = arith.select %and3A_702, %broadcast_in_dim3A_703, %scan3A_266 : vector<16xi1>, vector<16xf32>
      %eq3A_705 = arith.constant 6 : i32
      %eq3A_706 = arith.cmpi eq, %shift_right_arithmetic3A_357, %eq3A_705 : i32
      %eq3A_707 = vector.broadcast %and3A_358 : i32 to vector<16xi32>
      %eq3A_708 = arith.cmpi eq, %iota3A, %eq3A_707 : vector<16xi32>
      %and3A_709 = vector.broadcast %eq3A_706 : i1 to vector<16xi1>
      %and3A_710 = arith.andi %and3A_709, %eq3A_708 : vector<16xi1>
      %broadcast_in_dim3A_711 = vector.broadcast %reduce_max3A_656 : f32 to vector<16xf32>
      %select_n3A_712 = arith.select %and3A_710, %broadcast_in_dim3A_711, %scan3A_267 : vector<16xi1>, vector<16xf32>
      %eq3A_713 = arith.constant 7 : i32
      %eq3A_714 = arith.cmpi eq, %shift_right_arithmetic3A_357, %eq3A_713 : i32
      %eq3A_715 = vector.broadcast %and3A_358 : i32 to vector<16xi32>
      %eq3A_716 = arith.cmpi eq, %iota3A, %eq3A_715 : vector<16xi32>
      %and3A_717 = vector.broadcast %eq3A_714 : i1 to vector<16xi1>
      %and3A_718 = arith.andi %and3A_717, %eq3A_716 : vector<16xi1>
      %broadcast_in_dim3A_719 = vector.broadcast %reduce_max3A_656 : f32 to vector<16xf32>
      %select_n3A_720 = arith.select %and3A_718, %broadcast_in_dim3A_719, %scan3A_268 : vector<16xi1>, vector<16xf32>
      scf.yield %add3A_651, %select_n3A_646, %select_n3A_664, %select_n3A_672, %select_n3A_680, %select_n3A_688, %select_n3A_696, %select_n3A_704, %select_n3A_712, %select_n3A_720 : i32, f32, vector<16xf32>, vector<16xf32>, vector<16xf32>, vector<16xf32>, vector<16xf32>, vector<16xf32>, vector<16xf32>, vector<16xf32>
    }
    %scan3A_56 = arith.constant 10 : i32
    %broadcast_in_dim3A_57 = vector.broadcast %scan3A_55#1 : f32 to vector<16xf32>
    %broadcast_in_dim3A_58 = arith.constant 1.000000e+00 : f32
    %broadcast_in_dim3A_59 = vector.broadcast %broadcast_in_dim3A_58 : f32 to vector<16xf32>
    %broadcast_in_dim3A_60 = arith.constant 0.000000e+00 : f32
    %broadcast_in_dim3A_61 = vector.broadcast %broadcast_in_dim3A_60 : f32 to vector<16xf32>
    %parallel_loop3A_62 = arith.constant 0 : i32
    %parallel_loop3A_63 = arith.constant 2048 : i32
    %parallel_loop3A_64 = arith.constant 1 : i32
    scf.for %parallel_loop3A_258 = %parallel_loop3A_62 to %parallel_loop3A_63 step %parallel_loop3A_64  : i32 {
      %parallel_loop3A_259 = arith.constant 16 : i32
      %parallel_loop3A_260 = arith.muli %parallel_loop3A_258, %parallel_loop3A_259 : i32
      %parallel_loop3A_261 = arith.index_cast %parallel_loop3A_260 : i32 to index
      %parallel_loop3A_262 = tpu.vector_load %arg4[%parallel_loop3A_261] {strides = array<i32>} : memref<32768xf32, #tpu.memory_space<vmem>>, vector<16xf32>,
      %parallel_loop3A_263 = arith.cmpf oge, %parallel_loop3A_262, %broadcast_in_dim3A_57 : vector<16xf32>
      %parallel_loop3A_264 = arith.select %parallel_loop3A_263, %broadcast_in_dim3A_59, %broadcast_in_dim3A_61 : vector<16xi1>, vector<16xf32>
      %parallel_loop3A_265 = arith.constant 16 : i32
      %parallel_loop3A_266 = arith.muli %parallel_loop3A_258, %parallel_loop3A_265 : i32
      %parallel_loop3A_267 = arith.index_cast %parallel_loop3A_266 : i32 to index
      %parallel_loop3A_268 = tpu.vector_load %arg4[%parallel_loop3A_267] {strides = array<i32>} : memref<32768xf32, #tpu.memory_space<vmem>>, vector<16xf32>,
      tpu.vector_store %arg4[%parallel_loop3A_267], %parallel_loop3A_264 {strides = array<i32>} : memref<32768xf32, #tpu.memory_space<vmem>>, vector<16xf32>,
    } {sc.loop_unroll_factor = 16 : i64, sc.parallel_access}
    %add3A_65 = arith.constant 0 : i32
    %add3A_66 = arith.addi %mul3A_2, %add3A_65 : i32
    %dma_start3A_67 = arith.constant 0 : i32
    %dma_start3A_68 = tpu.memref_slice %arg3[%add3A_66, %dma_start3A_67] : memref<128x32768xf32, #tpu.memory_space<hbm>> -> memref<1x32768xf32, #tpu.memory_space<hbm>>
    %dma_start3A_69 = tpu.memref_squeeze %dma_start3A_68 : memref<1x32768xf32, #tpu.memory_space<hbm>> -> memref<32768xf32, #tpu.memory_space<hbm>>
    %dma_start3A_70 = arith.constant 0 : i32
    %dma_start3A_71 = tpu.memref_slice %arg3[%add3A_66, %dma_start3A_70] : memref<128x32768xf32, #tpu.memory_space<hbm>> -> memref<1x32768xf32, #tpu.memory_space<hbm>>
    %dma_start3A_72 = tpu.memref_squeeze %dma_start3A_71 : memref<1x32768xf32, #tpu.memory_space<hbm>> -> memref<32768xf32, #tpu.memory_space<hbm>>
    tpu.enqueue_dma source(%arg4 : memref<32768xf32, #tpu.memory_space<vmem>>) target(%dma_start3A_72 : memref<32768xf32, #tpu.memory_space<hbm>>) target_semaphore(%arg12 : memref<!tpu.dma_semaphore, #tpu.memory_space<semaphore_mem>>)
    %dma_wait3A_73 = arith.constant 0 : i32
    %dma_wait3A_74 = tpu.memref_slice %arg3[%add3A_66, %dma_wait3A_73] : memref<128x32768xf32, #tpu.memory_space<hbm>> -> memref<1x32768xf32, #tpu.memory_space<hbm>>
    %dma_wait3A_75 = tpu.memref_squeeze %dma_wait3A_74 : memref<1x32768xf32, #tpu.memory_space<hbm>> -> memref<32768xf32, #tpu.memory_space<hbm>>
    %dma_wait3A_76 = arith.constant 0 : i32
    %dma_wait3A_77 = tpu.memref_slice %arg3[%add3A_66, %dma_wait3A_76] : memref<128x32768xf32, #tpu.memory_space<hbm>> -> memref<1x32768xf32, #tpu.memory_space<hbm>>
    %dma_wait3A_78 = tpu.memref_squeeze %dma_wait3A_77 : memref<1x32768xf32, #tpu.memory_space<hbm>> -> memref<32768xf32, #tpu.memory_space<hbm>>
    tpu.wait_dma2 semaphore(%arg12 : memref<!tpu.dma_semaphore, #tpu.memory_space<semaphore_mem>>) src(%arg4 : memref<32768xf32, #tpu.memory_space<vmem>>) dst(%dma_wait3A_78 : memref<32768xf32, #tpu.memory_space<hbm>>)
    %add3A_79 = arith.constant 3 : i32
    %add3A_80 = arith.addi %mul3A_2, %add3A_79 : i32
    %dma_start3A_81 = arith.constant 0 : i32
    %dma_start3A_82 = tpu.memref_slice %arg2[%add3A_80, %dma_start3A_81] : memref<128x32768xf32, #tpu.memory_space<hbm>> -> memref<1x32768xf32, #tpu.memory_space<hbm>>
    %dma_start3A_83 = tpu.memref_squeeze %dma_start3A_82 : memref<1x32768xf32, #tpu.memory_space<hbm>> -> memref<32768xf32, #tpu.memory_space<hbm>>
    %dma_start3A_84 = arith.constant 0 : i32
    %dma_start3A_85 = tpu.memref_slice %arg2[%add3A_80, %dma_start3A_84] : memref<128x32768xf32, #tpu.memory_space<hbm>> -> memref<1x32768xf32, #tpu.memory_space<hbm>>
    %dma_start3A_86 = tpu.memref_squeeze %dma_start3A_85 : memref<1x32768xf32, #tpu.memory_space<hbm>> -> memref<32768xf32, #tpu.memory_space<hbm>>
    tpu.enqueue_dma source(%dma_start3A_86 : memref<32768xf32, #tpu.memory_space<hbm>>) target(%arg4 : memref<32768xf32, #tpu.memory_space<vmem>>) target_semaphore(%arg9 : memref<!tpu.dma_semaphore, #tpu.memory_space<semaphore_mem>>)
    %dma_wait3A_87 = arith.constant 0 : i32
    %dma_wait3A_88 = tpu.memref_slice %arg2[%add3A_11, %dma_wait3A_87] : memref<128x32768xf32, #tpu.memory_space<hbm>> -> memref<1x32768xf32, #tpu.memory_space<hbm>>
    %dma_wait3A_89 = tpu.memref_squeeze %dma_wait3A_88 : memref<1x32768xf32, #tpu.memory_space<hbm>> -> memref<32768xf32, #tpu.memory_space<hbm>>
    %dma_wait3A_90 = arith.constant 0 : i32
    %dma_wait3A_91 = tpu.memref_slice %arg2[%add3A_11, %dma_wait3A_90] : memref<128x32768xf32, #tpu.memory_space<hbm>> -> memref<1x32768xf32, #tpu.memory_space<hbm>>
    %dma_wait3A_92 = tpu.memref_squeeze %dma_wait3A_91 : memref<1x32768xf32, #tpu.memory_space<hbm>> -> memref<32768xf32, #tpu.memory_space<hbm>>
    tpu.wait_dma2 semaphore(%arg10 : memref<!tpu.dma_semaphore, #tpu.memory_space<semaphore_mem>>) src(%dma_wait3A_92 : memref<32768xf32, #tpu.memory_space<hbm>>) dst(%arg5 : memref<32768xf32, #tpu.memory_space<vmem>>)
    %broadcast_in_dim3A_93 = arith.constant 0xFF800000 : f32
    %broadcast_in_dim3A_94 = vector.broadcast %broadcast_in_dim3A_93 : f32 to vector<16xf32>
    %broadcast_in_dim3A_95 = arith.constant 0xFF800000 : f32
    %broadcast_in_dim3A_96 = vector.broadcast %broadcast_in_dim3A_95 : f32 to vector<16xf32>
    %broadcast_in_dim3A_97 = arith.constant 0xFF800000 : f32
    %broadcast_in_dim3A_98 = vector.broadcast %broadcast_in_dim3A_97 : f32 to vector<16xf32>
    %broadcast_in_dim3A_99 = arith.constant 0xFF800000 : f32
    %broadcast_in_dim3A_100 = vector.broadcast %broadcast_in_dim3A_99 : f32 to vector<16xf32>
    %broadcast_in_dim3A_101 = arith.constant 0xFF800000 : f32
    %broadcast_in_dim3A_102 = vector.broadcast %broadcast_in_dim3A_101 : f32 to vector<16xf32>
    %broadcast_in_dim3A_103 = arith.constant 0xFF800000 : f32
    %broadcast_in_dim3A_104 = vector.broadcast %broadcast_in_dim3A_103 : f32 to vector<16xf32>
    %broadcast_in_dim3A_105 = arith.constant 0xFF800000 : f32
    %broadcast_in_dim3A_106 = vector.broadcast %broadcast_in_dim3A_105 : f32 to vector<16xf32>
    %broadcast_in_dim3A_107 = arith.constant 0xFF800000 : f32
    %broadcast_in_dim3A_108 = vector.broadcast %broadcast_in_dim3A_107 : f32 to vector<16xf32>
    %parallel_loop3A_109 = arith.constant 0 : i32
    %parallel_loop3A_110 = arith.constant 256 : i32
    %parallel_loop3A_111 = arith.constant 1 : i32
    %parallel_loop3A_112:8 = scf.for %parallel_loop3A_258 = %parallel_loop3A_109 to %parallel_loop3A_110 step %parallel_loop3A_111 iter_args(%parallel_loop3A_259 = %broadcast_in_dim3A_94, %parallel_loop3A_260 = %broadcast_in_dim3A_96, %parallel_loop3A_261 = %broadcast_in_dim3A_98, %parallel_loop3A_262 = %broadcast_in_dim3A_100, %parallel_loop3A_263 = %broadcast_in_dim3A_102, %parallel_loop3A_264 = %broadcast_in_dim3A_104, %parallel_loop3A_265 = %broadcast_in_dim3A_106, %parallel_loop3A_266 = %broadcast_in_dim3A_108) -> (vector<16xf32>, vector<16xf32>, vector<16xf32>, vector<16xf32>, vector<16xf32>, vector<16xf32>, vector<16xf32>, vector<16xf32>)  : i32 {
      %parallel_loop3A_267 = arith.constant 0 : i32
      %parallel_loop3A_268 = arith.addi %parallel_loop3A_267, %parallel_loop3A_258 : i32
      %parallel_loop3A_269 = arith.constant 16 : i32
      %parallel_loop3A_270 = arith.muli %parallel_loop3A_268, %parallel_loop3A_269 : i32
      %parallel_loop3A_271 = arith.index_cast %parallel_loop3A_270 : i32 to index
      %parallel_loop3A_272 = tpu.vector_load %arg5[%parallel_loop3A_271] {strides = array<i32>} : memref<32768xf32, #tpu.memory_space<vmem>>, vector<16xf32>,
      %parallel_loop3A_273 = arith.maximumf %parallel_loop3A_259, %parallel_loop3A_272 : vector<16xf32>
      %parallel_loop3A_274 = arith.constant 256 : i32
      %parallel_loop3A_275 = arith.addi %parallel_loop3A_274, %parallel_loop3A_258 : i32
      %parallel_loop3A_276 = arith.constant 16 : i32
      %parallel_loop3A_277 = arith.muli %parallel_loop3A_275, %parallel_loop3A_276 : i32
      %parallel_loop3A_278 = arith.index_cast %parallel_loop3A_277 : i32 to index
      %parallel_loop3A_279 = tpu.vector_load %arg5[%parallel_loop3A_278] {strides = array<i32>} : memref<32768xf32, #tpu.memory_space<vmem>>, vector<16xf32>,
      %parallel_loop3A_280 = arith.maximumf %parallel_loop3A_260, %parallel_loop3A_279 : vector<16xf32>
      %parallel_loop3A_281 = arith.constant 512 : i32
      %parallel_loop3A_282 = arith.addi %parallel_loop3A_281, %parallel_loop3A_258 : i32
      %parallel_loop3A_283 = arith.constant 16 : i32
      %parallel_loop3A_284 = arith.muli %parallel_loop3A_282, %parallel_loop3A_283 : i32
      %parallel_loop3A_285 = arith.index_cast %parallel_loop3A_284 : i32 to index
      %parallel_loop3A_286 = tpu.vector_load %arg5[%parallel_loop3A_285] {strides = array<i32>} : memref<32768xf32, #tpu.memory_space<vmem>>, vector<16xf32>,
      %parallel_loop3A_287 = arith.maximumf %parallel_loop3A_261, %parallel_loop3A_286 : vector<16xf32>
      %parallel_loop3A_288 = arith.constant 768 : i32
      %parallel_loop3A_289 = arith.addi %parallel_loop3A_288, %parallel_loop3A_258 : i32
      %parallel_loop3A_290 = arith.constant 16 : i32
      %parallel_loop3A_291 = arith.muli %parallel_loop3A_289, %parallel_loop3A_290 : i32
      %parallel_loop3A_292 = arith.index_cast %parallel_loop3A_291 : i32 to index
      %parallel_loop3A_293 = tpu.vector_load %arg5[%parallel_loop3A_292] {strides = array<i32>} : memref<32768xf32, #tpu.memory_space<vmem>>, vector<16xf32>,
      %parallel_loop3A_294 = arith.maximumf %parallel_loop3A_262, %parallel_loop3A_293 : vector<16xf32>
      %parallel_loop3A_295 = arith.constant 1024 : i32
      %parallel_loop3A_296 = arith.addi %parallel_loop3A_295, %parallel_loop3A_258 : i32
      %parallel_loop3A_297 = arith.constant 16 : i32
      %parallel_loop3A_298 = arith.muli %parallel_loop3A_296, %parallel_loop3A_297 : i32
      %parallel_loop3A_299 = arith.index_cast %parallel_loop3A_298 : i32 to index
      %parallel_loop3A_300 = tpu.vector_load %arg5[%parallel_loop3A_299] {strides = array<i32>} : memref<32768xf32, #tpu.memory_space<vmem>>, vector<16xf32>,
      %parallel_loop3A_301 = arith.maximumf %parallel_loop3A_263, %parallel_loop3A_300 : vector<16xf32>
      %parallel_loop3A_302 = arith.constant 1280 : i32
      %parallel_loop3A_303 = arith.addi %parallel_loop3A_302, %parallel_loop3A_258 : i32
      %parallel_loop3A_304 = arith.constant 16 : i32
      %parallel_loop3A_305 = arith.muli %parallel_loop3A_303, %parallel_loop3A_304 : i32
      %parallel_loop3A_306 = arith.index_cast %parallel_loop3A_305 : i32 to index
      %parallel_loop3A_307 = tpu.vector_load %arg5[%parallel_loop3A_306] {strides = array<i32>} : memref<32768xf32, #tpu.memory_space<vmem>>, vector<16xf32>,
      %parallel_loop3A_308 = arith.maximumf %parallel_loop3A_264, %parallel_loop3A_307 : vector<16xf32>
      %parallel_loop3A_309 = arith.constant 1536 : i32
      %parallel_loop3A_310 = arith.addi %parallel_loop3A_309, %parallel_loop3A_258 : i32
      %parallel_loop3A_311 = arith.constant 16 : i32
      %parallel_loop3A_312 = arith.muli %parallel_loop3A_310, %parallel_loop3A_311 : i32
      %parallel_loop3A_313 = arith.index_cast %parallel_loop3A_312 : i32 to index
      %parallel_loop3A_314 = tpu.vector_load %arg5[%parallel_loop3A_313] {strides = array<i32>} : memref<32768xf32, #tpu.memory_space<vmem>>, vector<16xf32>,
      %parallel_loop3A_315 = arith.maximumf %parallel_loop3A_265, %parallel_loop3A_314 : vector<16xf32>
      %parallel_loop3A_316 = arith.constant 1792 : i32
      %parallel_loop3A_317 = arith.addi %parallel_loop3A_316, %parallel_loop3A_258 : i32
      %parallel_loop3A_318 = arith.constant 16 : i32
      %parallel_loop3A_319 = arith.muli %parallel_loop3A_317, %parallel_loop3A_318 : i32
      %parallel_loop3A_320 = arith.index_cast %parallel_loop3A_319 : i32 to index
      %parallel_loop3A_321 = tpu.vector_load %arg5[%parallel_loop3A_320] {strides = array<i32>} : memref<32768xf32, #tpu.memory_space<vmem>>, vector<16xf32>,
      %parallel_loop3A_322 = arith.maximumf %parallel_loop3A_266, %parallel_loop3A_321 : vector<16xf32>
      scf.yield %parallel_loop3A_273, %parallel_loop3A_280, %parallel_loop3A_287, %parallel_loop3A_294, %parallel_loop3A_301, %parallel_loop3A_308, %parallel_loop3A_315, %parallel_loop3A_322 : vector<16xf32>, vector<16xf32>, vector<16xf32>, vector<16xf32>, vector<16xf32>, vector<16xf32>, vector<16xf32>, vector<16xf32>
    } {sc.loop_unroll_factor = 8 : i64, sc.parallel_access}
    %scan3A_113 = arith.constant 0xFF800000 : f32
    %scan3A_114 = arith.constant 0 : i32
    %scan3A_115 = arith.constant 0xFF800000 : f32
    %scan3A_116 = arith.constant 0 : i32
    %scan3A_117 = arith.constant 10 : i32
    %scan3A_118 = arith.addi %scan3A_116, %scan3A_117 : i32
    %scan3A_119 = arith.constant 1 : i32
    %scan3A_120:10 = scf.for %scan3A_258 = %scan3A_116 to %scan3A_118 step %scan3A_119 iter_args(%scan3A_259 = %scan3A_114, %scan3A_260 = %scan3A_115, %scan3A_261 = %parallel_loop3A_112#0, %scan3A_262 = %parallel_loop3A_112#1, %scan3A_263 = %parallel_loop3A_112#2, %scan3A_264 = %parallel_loop3A_112#3, %scan3A_265 = %parallel_loop3A_112#4, %scan3A_266 = %parallel_loop3A_112#5, %scan3A_267 = %parallel_loop3A_112#6, %scan3A_268 = %parallel_loop3A_112#7) -> (i32, f32, vector<16xf32>, vector<16xf32>, vector<16xf32>, vector<16xf32>, vector<16xf32>, vector<16xf32>, vector<16xf32>, vector<16xf32>)  : i32 {
      %max3A = arith.maximumf %scan3A_261, %scan3A_262 : vector<16xf32>
      %max3A_269 = arith.maximumf %max3A, %scan3A_263 : vector<16xf32>
      %max3A_270 = arith.maximumf %max3A_269, %scan3A_264 : vector<16xf32>
      %max3A_271 = arith.maximumf %max3A_270, %scan3A_265 : vector<16xf32>
      %max3A_272 = arith.maximumf %max3A_271, %scan3A_266 : vector<16xf32>
      %max3A_273 = arith.maximumf %max3A_272, %scan3A_267 : vector<16xf32>
      %max3A_274 = arith.maximumf %max3A_273, %scan3A_268 : vector<16xf32>
      %reduce_max3A = arith.constant true
      %reduce_max3A_275 = vector.broadcast %reduce_max3A : i1 to vector<16xi1>
      %reduce_max3A_276 = tpu.scan <max>, %max3A_274 masked %reduce_max3A_275 : vector<16xf32>, vector<16xi1> -> vector<16xf32>
      %reduce_max3A_277 = vector.extract %reduce_max3A_276[15] : f32 from vector<16xf32>
      %broadcast_in_dim3A_278 = arith.constant -1 : i32
      %broadcast_in_dim3A_279 = vector.broadcast %broadcast_in_dim3A_278 : i32 to vector<16xi32>
      %eq3A = vector.broadcast %reduce_max3A_277 : f32 to vector<16xf32>
      %eq3A_280 = arith.cmpf oeq, %scan3A_261, %eq3A : vector<16xf32>
      %add3A_281 = arith.constant 0 : i32
      %add3A_282 = vector.broadcast %add3A_281 : i32 to vector<16xi32>
      %add3A_283 = arith.addi %iota3A, %add3A_282 : vector<16xi32>
      %jit3A = arith.constant -1 : i32
      %broadcast_in_dim3A_284 = vector.broadcast %jit3A : i32 to vector<16xi32>
      %select_n3A = arith.select %eq3A_280, %add3A_283, %broadcast_in_dim3A_284 : vector<16xi1>, vector<16xi32>
      %max3A_285 = arith.maxsi %broadcast_in_dim3A_279, %select_n3A : vector<16xi32>
      %eq3A_286 = vector.broadcast %reduce_max3A_277 : f32 to vector<16xf32>
      %eq3A_287 = arith.cmpf oeq, %scan3A_262, %eq3A_286 : vector<16xf32>
      %add3A_288 = arith.constant 16 : i32
      %add3A_289 = vector.broadcast %add3A_288 : i32 to vector<16xi32>
      %add3A_290 = arith.addi %iota3A, %add3A_289 : vector<16xi32>
      %jit3A_291 = arith.constant -1 : i32
      %broadcast_in_dim3A_292 = vector.broadcast %jit3A_291 : i32 to vector<16xi32>
      %select_n3A_293 = arith.select %eq3A_287, %add3A_290, %broadcast_in_dim3A_292 : vector<16xi1>, vector<16xi32>
      %max3A_294 = arith.maxsi %max3A_285, %select_n3A_293 : vector<16xi32>
      %eq3A_295 = vector.broadcast %reduce_max3A_277 : f32 to vector<16xf32>
      %eq3A_296 = arith.cmpf oeq, %scan3A_263, %eq3A_295 : vector<16xf32>
      %add3A_297 = arith.constant 32 : i32
      %add3A_298 = vector.broadcast %add3A_297 : i32 to vector<16xi32>
      %add3A_299 = arith.addi %iota3A, %add3A_298 : vector<16xi32>
      %jit3A_300 = arith.constant -1 : i32
      %broadcast_in_dim3A_301 = vector.broadcast %jit3A_300 : i32 to vector<16xi32>
      %select_n3A_302 = arith.select %eq3A_296, %add3A_299, %broadcast_in_dim3A_301 : vector<16xi1>, vector<16xi32>
      %max3A_303 = arith.maxsi %max3A_294, %select_n3A_302 : vector<16xi32>
      %eq3A_304 = vector.broadcast %reduce_max3A_277 : f32 to vector<16xf32>
      %eq3A_305 = arith.cmpf oeq, %scan3A_264, %eq3A_304 : vector<16xf32>
      %add3A_306 = arith.constant 48 : i32
      %add3A_307 = vector.broadcast %add3A_306 : i32 to vector<16xi32>
      %add3A_308 = arith.addi %iota3A, %add3A_307 : vector<16xi32>
      %jit3A_309 = arith.constant -1 : i32
      %broadcast_in_dim3A_310 = vector.broadcast %jit3A_309 : i32 to vector<16xi32>
      %select_n3A_311 = arith.select %eq3A_305, %add3A_308, %broadcast_in_dim3A_310 : vector<16xi1>, vector<16xi32>
      %max3A_312 = arith.maxsi %max3A_303, %select_n3A_311 : vector<16xi32>
      %eq3A_313 = vector.broadcast %reduce_max3A_277 : f32 to vector<16xf32>
      %eq3A_314 = arith.cmpf oeq, %scan3A_265, %eq3A_313 : vector<16xf32>
      %add3A_315 = arith.constant 64 : i32
      %add3A_316 = vector.broadcast %add3A_315 : i32 to vector<16xi32>
      %add3A_317 = arith.addi %iota3A, %add3A_316 : vector<16xi32>
      %jit3A_318 = arith.constant -1 : i32
      %broadcast_in_dim3A_319 = vector.broadcast %jit3A_318 : i32 to vector<16xi32>
      %select_n3A_320 = arith.select %eq3A_314, %add3A_317, %broadcast_in_dim3A_319 : vector<16xi1>, vector<16xi32>
      %max3A_321 = arith.maxsi %max3A_312, %select_n3A_320 : vector<16xi32>
      %eq3A_322 = vector.broadcast %reduce_max3A_277 : f32 to vector<16xf32>
      %eq3A_323 = arith.cmpf oeq, %scan3A_266, %eq3A_322 : vector<16xf32>
      %add3A_324 = arith.constant 80 : i32
      %add3A_325 = vector.broadcast %add3A_324 : i32 to vector<16xi32>
      %add3A_326 = arith.addi %iota3A, %add3A_325 : vector<16xi32>
      %jit3A_327 = arith.constant -1 : i32
      %broadcast_in_dim3A_328 = vector.broadcast %jit3A_327 : i32 to vector<16xi32>
      %select_n3A_329 = arith.select %eq3A_323, %add3A_326, %broadcast_in_dim3A_328 : vector<16xi1>, vector<16xi32>
      %max3A_330 = arith.maxsi %max3A_321, %select_n3A_329 : vector<16xi32>
      %eq3A_331 = vector.broadcast %reduce_max3A_277 : f32 to vector<16xf32>
      %eq3A_332 = arith.cmpf oeq, %scan3A_267, %eq3A_331 : vector<16xf32>
      %add3A_333 = arith.constant 96 : i32
      %add3A_334 = vector.broadcast %add3A_333 : i32 to vector<16xi32>
      %add3A_335 = arith.addi %iota3A, %add3A_334 : vector<16xi32>
      %jit3A_336 = arith.constant -1 : i32
      %broadcast_in_dim3A_337 = vector.broadcast %jit3A_336 : i32 to vector<16xi32>
      %select_n3A_338 = arith.select %eq3A_332, %add3A_335, %broadcast_in_dim3A_337 : vector<16xi1>, vector<16xi32>
      %max3A_339 = arith.maxsi %max3A_330, %select_n3A_338 : vector<16xi32>
      %eq3A_340 = vector.broadcast %reduce_max3A_277 : f32 to vector<16xf32>
      %eq3A_341 = arith.cmpf oeq, %scan3A_268, %eq3A_340 : vector<16xf32>
      %add3A_342 = arith.constant 112 : i32
      %add3A_343 = vector.broadcast %add3A_342 : i32 to vector<16xi32>
      %add3A_344 = arith.addi %iota3A, %add3A_343 : vector<16xi32>
      %jit3A_345 = arith.constant -1 : i32
      %broadcast_in_dim3A_346 = vector.broadcast %jit3A_345 : i32 to vector<16xi32>
      %select_n3A_347 = arith.select %eq3A_341, %add3A_344, %broadcast_in_dim3A_346 : vector<16xi1>, vector<16xi32>
      %max3A_348 = arith.maxsi %max3A_339, %select_n3A_347 : vector<16xi32>
      %reduce_max3A_349 = arith.constant true
      %reduce_max3A_350 = vector.broadcast %reduce_max3A_349 : i1 to vector<16xi1>
      %reduce_max3A_351 = arith.constant -2147483648 : i32
      %reduce_max3A_352 = vector.broadcast %reduce_max3A_351 : i32 to vector<16xi32>
      %reduce_max3A_353 = arith.xori %max3A_348, %reduce_max3A_352 : vector<16xi32>
      %reduce_max3A_354 = tpu.scan <max>, %reduce_max3A_353 masked %reduce_max3A_350 : vector<16xi32>, vector<16xi1> -> vector<16xi32>
      %reduce_max3A_355 = arith.xori %reduce_max3A_354, %reduce_max3A_352 : vector<16xi32>
      %reduce_max3A_356 = vector.extract %reduce_max3A_355[15] : i32 from vector<16xi32>
      %shift_right_arithmetic3A = arith.constant 4 : i32
      %shift_right_arithmetic3A_357 = arith.shrsi %reduce_max3A_356, %shift_right_arithmetic3A : i32
      %and3A = arith.constant 15 : i32
      %and3A_358 = arith.andi %reduce_max3A_356, %and3A : i32
      %mul3A_359 = arith.constant 256 : i32
      %mul3A_360 = arith.muli %shift_right_arithmetic3A_357, %mul3A_359 : i32
      %add3A_361 = vector.broadcast %mul3A_360 : i32 to vector<16xi32>
      %add3A_362 = arith.addi %add3A_361, %iota3A : vector<16xi32>
      %mul3A_363 = arith.constant 16 : i32
      %mul3A_364 = vector.broadcast %mul3A_363 : i32 to vector<16xi32>
      %mul3A_365 = arith.muli %add3A_362, %mul3A_364 : vector<16xi32>
      %add3A_366 = vector.broadcast %and3A_358 : i32 to vector<16xi32>
      %add3A_367 = arith.addi %mul3A_365, %add3A_366 : vector<16xi32>
      %broadcast_in_dim3A_368 = arith.constant 0 : i32
      %broadcast_in_dim3A_369 = vector.broadcast %broadcast_in_dim3A_368 : i32 to vector<16xi32>
      %broadcast_in_dim3A_370 = arith.constant 0 : i32
      %broadcast_in_dim3A_371 = vector.broadcast %broadcast_in_dim3A_370 : i32 to vector<16xi32>
      %broadcast_in_dim3A_372 = vector.broadcast %scan3A_113 : f32 to vector<16xf32>
      %broadcast_in_dim3A_373 = vector.broadcast %scan3A_113 : f32 to vector<16xf32>
      %add3A_374 = arith.constant 0 : i32
      %add3A_375 = vector.broadcast %add3A_374 : i32 to vector<16xi32>
      %add3A_376 = arith.addi %add3A_367, %add3A_375 : vector<16xi32>
      %gather3A = tpu.vector_load_idx %arg5[%add3A_376] : memref<32768xf32, #tpu.memory_space<vmem>>[vector<16xi32>], vector<16xf32>,
      %eq3A_377 = vector.broadcast %reduce_max3A_277 : f32 to vector<16xf32>
      %eq3A_378 = arith.cmpf oeq, %gather3A, %eq3A_377 : vector<16xf32>
      %jit3A_379 = arith.constant 1 : i32
      %jit3A_380 = arith.constant 0 : i32
      %broadcast_in_dim3A_381 = vector.broadcast %jit3A_379 : i32 to vector<16xi32>
      %broadcast_in_dim3A_382 = vector.broadcast %jit3A_380 : i32 to vector<16xi32>
      %select_n3A_383 = arith.select %eq3A_378, %broadcast_in_dim3A_381, %broadcast_in_dim3A_382 : vector<16xi1>, vector<16xi32>
      %add3A_384 = arith.addi %broadcast_in_dim3A_369, %select_n3A_383 : vector<16xi32>
      %lt3A = vector.broadcast %reduce_max3A_277 : f32 to vector<16xf32>
      %lt3A_385 = arith.cmpf olt, %gather3A, %lt3A : vector<16xf32>
      %broadcast_in_dim3A_386 = vector.broadcast %scan3A_113 : f32 to vector<16xf32>
      %select_n3A_387 = arith.select %lt3A_385, %gather3A, %broadcast_in_dim3A_386 : vector<16xi1>, vector<16xf32>
      %max3A_388 = arith.maximumf %broadcast_in_dim3A_372, %select_n3A_387 : vector<16xf32>
      %add3A_389 = arith.constant 256 : i32
      %add3A_390 = vector.broadcast %add3A_389 : i32 to vector<16xi32>
      %add3A_391 = arith.addi %add3A_367, %add3A_390 : vector<16xi32>
      %gather3A_392 = tpu.vector_load_idx %arg5[%add3A_391] : memref<32768xf32, #tpu.memory_space<vmem>>[vector<16xi32>], vector<16xf32>,
      %eq3A_393 = vector.broadcast %reduce_max3A_277 : f32 to vector<16xf32>
      %eq3A_394 = arith.cmpf oeq, %gather3A_392, %eq3A_393 : vector<16xf32>
      %jit3A_395 = arith.constant 1 : i32
      %jit3A_396 = arith.constant 0 : i32
      %broadcast_in_dim3A_397 = vector.broadcast %jit3A_395 : i32 to vector<16xi32>
      %broadcast_in_dim3A_398 = vector.broadcast %jit3A_396 : i32 to vector<16xi32>
      %select_n3A_399 = arith.select %eq3A_394, %broadcast_in_dim3A_397, %broadcast_in_dim3A_398 : vector<16xi1>, vector<16xi32>
      %add3A_400 = arith.addi %broadcast_in_dim3A_371, %select_n3A_399 : vector<16xi32>
      %lt3A_401 = vector.broadcast %reduce_max3A_277 : f32 to vector<16xf32>
      %lt3A_402 = arith.cmpf olt, %gather3A_392, %lt3A_401 : vector<16xf32>
      %broadcast_in_dim3A_403 = vector.broadcast %scan3A_113 : f32 to vector<16xf32>
      %select_n3A_404 = arith.select %lt3A_402, %gather3A_392, %broadcast_in_dim3A_403 : vector<16xi1>, vector<16xf32>
      %max3A_405 = arith.maximumf %broadcast_in_dim3A_373, %select_n3A_404 : vector<16xf32>
      %add3A_406 = arith.constant 512 : i32
      %add3A_407 = vector.broadcast %add3A_406 : i32 to vector<16xi32>
      %add3A_408 = arith.addi %add3A_367, %add3A_407 : vector<16xi32>
      %gather3A_409 = tpu.vector_load_idx %arg5[%add3A_408] : memref<32768xf32, #tpu.memory_space<vmem>>[vector<16xi32>], vector<16xf32>,
      %eq3A_410 = vector.broadcast %reduce_max3A_277 : f32 to vector<16xf32>
      %eq3A_411 = arith.cmpf oeq, %gather3A_409, %eq3A_410 : vector<16xf32>
      %jit3A_412 = arith.constant 1 : i32
      %jit3A_413 = arith.constant 0 : i32
      %broadcast_in_dim3A_414 = vector.broadcast %jit3A_412 : i32 to vector<16xi32>
      %broadcast_in_dim3A_415 = vector.broadcast %jit3A_413 : i32 to vector<16xi32>
      %select_n3A_416 = arith.select %eq3A_411, %broadcast_in_dim3A_414, %broadcast_in_dim3A_415 : vector<16xi1>, vector<16xi32>
      %add3A_417 = arith.addi %add3A_384, %select_n3A_416 : vector<16xi32>
      %lt3A_418 = vector.broadcast %reduce_max3A_277 : f32 to vector<16xf32>
      %lt3A_419 = arith.cmpf olt, %gather3A_409, %lt3A_418 : vector<16xf32>
      %broadcast_in_dim3A_420 = vector.broadcast %scan3A_113 : f32 to vector<16xf32>
      %select_n3A_421 = arith.select %lt3A_419, %gather3A_409, %broadcast_in_dim3A_420 : vector<16xi1>, vector<16xf32>
      %max3A_422 = arith.maximumf %max3A_388, %select_n3A_421 : vector<16xf32>
      %add3A_423 = arith.constant 768 : i32
      %add3A_424 = vector.broadcast %add3A_423 : i32 to vector<16xi32>
      %add3A_425 = arith.addi %add3A_367, %add3A_424 : vector<16xi32>
      %gather3A_426 = tpu.vector_load_idx %arg5[%add3A_425] : memref<32768xf32, #tpu.memory_space<vmem>>[vector<16xi32>], vector<16xf32>,
      %eq3A_427 = vector.broadcast %reduce_max3A_277 : f32 to vector<16xf32>
      %eq3A_428 = arith.cmpf oeq, %gather3A_426, %eq3A_427 : vector<16xf32>
      %jit3A_429 = arith.constant 1 : i32
      %jit3A_430 = arith.constant 0 : i32
      %broadcast_in_dim3A_431 = vector.broadcast %jit3A_429 : i32 to vector<16xi32>
      %broadcast_in_dim3A_432 = vector.broadcast %jit3A_430 : i32 to vector<16xi32>
      %select_n3A_433 = arith.select %eq3A_428, %broadcast_in_dim3A_431, %broadcast_in_dim3A_432 : vector<16xi1>, vector<16xi32>
      %add3A_434 = arith.addi %add3A_400, %select_n3A_433 : vector<16xi32>
      %lt3A_435 = vector.broadcast %reduce_max3A_277 : f32 to vector<16xf32>
      %lt3A_436 = arith.cmpf olt, %gather3A_426, %lt3A_435 : vector<16xf32>
      %broadcast_in_dim3A_437 = vector.broadcast %scan3A_113 : f32 to vector<16xf32>
      %select_n3A_438 = arith.select %lt3A_436, %gather3A_426, %broadcast_in_dim3A_437 : vector<16xi1>, vector<16xf32>
      %max3A_439 = arith.maximumf %max3A_405, %select_n3A_438 : vector<16xf32>
      %add3A_440 = arith.constant 1024 : i32
      %add3A_441 = vector.broadcast %add3A_440 : i32 to vector<16xi32>
      %add3A_442 = arith.addi %add3A_367, %add3A_441 : vector<16xi32>
      %gather3A_443 = tpu.vector_load_idx %arg5[%add3A_442] : memref<32768xf32, #tpu.memory_space<vmem>>[vector<16xi32>], vector<16xf32>,
      %eq3A_444 = vector.broadcast %reduce_max3A_277 : f32 to vector<16xf32>
      %eq3A_445 = arith.cmpf oeq, %gather3A_443, %eq3A_444 : vector<16xf32>
      %jit3A_446 = arith.constant 1 : i32
      %jit3A_447 = arith.constant 0 : i32
      %broadcast_in_dim3A_448 = vector.broadcast %jit3A_446 : i32 to vector<16xi32>
      %broadcast_in_dim3A_449 = vector.broadcast %jit3A_447 : i32 to vector<16xi32>
      %select_n3A_450 = arith.select %eq3A_445, %broadcast_in_dim3A_448, %broadcast_in_dim3A_449 : vector<16xi1>, vector<16xi32>
      %add3A_451 = arith.addi %add3A_417, %select_n3A_450 : vector<16xi32>
      %lt3A_452 = vector.broadcast %reduce_max3A_277 : f32 to vector<16xf32>
      %lt3A_453 = arith.cmpf olt, %gather3A_443, %lt3A_452 : vector<16xf32>
      %broadcast_in_dim3A_454 = vector.broadcast %scan3A_113 : f32 to vector<16xf32>
      %select_n3A_455 = arith.select %lt3A_453, %gather3A_443, %broadcast_in_dim3A_454 : vector<16xi1>, vector<16xf32>
      %max3A_456 = arith.maximumf %max3A_422, %select_n3A_455 : vector<16xf32>
      %add3A_457 = arith.constant 1280 : i32
      %add3A_458 = vector.broadcast %add3A_457 : i32 to vector<16xi32>
      %add3A_459 = arith.addi %add3A_367, %add3A_458 : vector<16xi32>
      %gather3A_460 = tpu.vector_load_idx %arg5[%add3A_459] : memref<32768xf32, #tpu.memory_space<vmem>>[vector<16xi32>], vector<16xf32>,
      %eq3A_461 = vector.broadcast %reduce_max3A_277 : f32 to vector<16xf32>
      %eq3A_462 = arith.cmpf oeq, %gather3A_460, %eq3A_461 : vector<16xf32>
      %jit3A_463 = arith.constant 1 : i32
      %jit3A_464 = arith.constant 0 : i32
      %broadcast_in_dim3A_465 = vector.broadcast %jit3A_463 : i32 to vector<16xi32>
      %broadcast_in_dim3A_466 = vector.broadcast %jit3A_464 : i32 to vector<16xi32>
      %select_n3A_467 = arith.select %eq3A_462, %broadcast_in_dim3A_465, %broadcast_in_dim3A_466 : vector<16xi1>, vector<16xi32>
      %add3A_468 = arith.addi %add3A_434, %select_n3A_467 : vector<16xi32>
      %lt3A_469 = vector.broadcast %reduce_max3A_277 : f32 to vector<16xf32>
      %lt3A_470 = arith.cmpf olt, %gather3A_460, %lt3A_469 : vector<16xf32>
      %broadcast_in_dim3A_471 = vector.broadcast %scan3A_113 : f32 to vector<16xf32>
      %select_n3A_472 = arith.select %lt3A_470, %gather3A_460, %broadcast_in_dim3A_471 : vector<16xi1>, vector<16xf32>
      %max3A_473 = arith.maximumf %max3A_439, %select_n3A_472 : vector<16xf32>
      %add3A_474 = arith.constant 1536 : i32
      %add3A_475 = vector.broadcast %add3A_474 : i32 to vector<16xi32>
      %add3A_476 = arith.addi %add3A_367, %add3A_475 : vector<16xi32>
      %gather3A_477 = tpu.vector_load_idx %arg5[%add3A_476] : memref<32768xf32, #tpu.memory_space<vmem>>[vector<16xi32>], vector<16xf32>,
      %eq3A_478 = vector.broadcast %reduce_max3A_277 : f32 to vector<16xf32>
      %eq3A_479 = arith.cmpf oeq, %gather3A_477, %eq3A_478 : vector<16xf32>
      %jit3A_480 = arith.constant 1 : i32
      %jit3A_481 = arith.constant 0 : i32
      %broadcast_in_dim3A_482 = vector.broadcast %jit3A_480 : i32 to vector<16xi32>
      %broadcast_in_dim3A_483 = vector.broadcast %jit3A_481 : i32 to vector<16xi32>
      %select_n3A_484 = arith.select %eq3A_479, %broadcast_in_dim3A_482, %broadcast_in_dim3A_483 : vector<16xi1>, vector<16xi32>
      %add3A_485 = arith.addi %add3A_451, %select_n3A_484 : vector<16xi32>
      %lt3A_486 = vector.broadcast %reduce_max3A_277 : f32 to vector<16xf32>
      %lt3A_487 = arith.cmpf olt, %gather3A_477, %lt3A_486 : vector<16xf32>
      %broadcast_in_dim3A_488 = vector.broadcast %scan3A_113 : f32 to vector<16xf32>
      %select_n3A_489 = arith.select %lt3A_487, %gather3A_477, %broadcast_in_dim3A_488 : vector<16xi1>, vector<16xf32>
      %max3A_490 = arith.maximumf %max3A_456, %select_n3A_489 : vector<16xf32>
      %add3A_491 = arith.constant 1792 : i32
      %add3A_492 = vector.broadcast %add3A_491 : i32 to vector<16xi32>
      %add3A_493 = arith.addi %add3A_367, %add3A_492 : vector<16xi32>
      %gather3A_494 = tpu.vector_load_idx %arg5[%add3A_493] : memref<32768xf32, #tpu.memory_space<vmem>>[vector<16xi32>], vector<16xf32>,
      %eq3A_495 = vector.broadcast %reduce_max3A_277 : f32 to vector<16xf32>
      %eq3A_496 = arith.cmpf oeq, %gather3A_494, %eq3A_495 : vector<16xf32>
      %jit3A_497 = arith.constant 1 : i32
      %jit3A_498 = arith.constant 0 : i32
      %broadcast_in_dim3A_499 = vector.broadcast %jit3A_497 : i32 to vector<16xi32>
      %broadcast_in_dim3A_500 = vector.broadcast %jit3A_498 : i32 to vector<16xi32>
      %select_n3A_501 = arith.select %eq3A_496, %broadcast_in_dim3A_499, %broadcast_in_dim3A_500 : vector<16xi1>, vector<16xi32>
      %add3A_502 = arith.addi %add3A_468, %select_n3A_501 : vector<16xi32>
      %lt3A_503 = vector.broadcast %reduce_max3A_277 : f32 to vector<16xf32>
      %lt3A_504 = arith.cmpf olt, %gather3A_494, %lt3A_503 : vector<16xf32>
      %broadcast_in_dim3A_505 = vector.broadcast %scan3A_113 : f32 to vector<16xf32>
      %select_n3A_506 = arith.select %lt3A_504, %gather3A_494, %broadcast_in_dim3A_505 : vector<16xi1>, vector<16xf32>
      %max3A_507 = arith.maximumf %max3A_473, %select_n3A_506 : vector<16xf32>
      %add3A_508 = arith.constant 2048 : i32
      %add3A_509 = vector.broadcast %add3A_508 : i32 to vector<16xi32>
      %add3A_510 = arith.addi %add3A_367, %add3A_509 : vector<16xi32>
      %gather3A_511 = tpu.vector_load_idx %arg5[%add3A_510] : memref<32768xf32, #tpu.memory_space<vmem>>[vector<16xi32>], vector<16xf32>,
      %eq3A_512 = vector.broadcast %reduce_max3A_277 : f32 to vector<16xf32>
      %eq3A_513 = arith.cmpf oeq, %gather3A_511, %eq3A_512 : vector<16xf32>
      %jit3A_514 = arith.constant 1 : i32
      %jit3A_515 = arith.constant 0 : i32
      %broadcast_in_dim3A_516 = vector.broadcast %jit3A_514 : i32 to vector<16xi32>
      %broadcast_in_dim3A_517 = vector.broadcast %jit3A_515 : i32 to vector<16xi32>
      %select_n3A_518 = arith.select %eq3A_513, %broadcast_in_dim3A_516, %broadcast_in_dim3A_517 : vector<16xi1>, vector<16xi32>
      %add3A_519 = arith.addi %add3A_485, %select_n3A_518 : vector<16xi32>
      %lt3A_520 = vector.broadcast %reduce_max3A_277 : f32 to vector<16xf32>
      %lt3A_521 = arith.cmpf olt, %gather3A_511, %lt3A_520 : vector<16xf32>
      %broadcast_in_dim3A_522 = vector.broadcast %scan3A_113 : f32 to vector<16xf32>
      %select_n3A_523 = arith.select %lt3A_521, %gather3A_511, %broadcast_in_dim3A_522 : vector<16xi1>, vector<16xf32>
      %max3A_524 = arith.maximumf %max3A_490, %select_n3A_523 : vector<16xf32>
      %add3A_525 = arith.constant 2304 : i32
      %add3A_526 = vector.broadcast %add3A_525 : i32 to vector<16xi32>
      %add3A_527 = arith.addi %add3A_367, %add3A_526 : vector<16xi32>
      %gather3A_528 = tpu.vector_load_idx %arg5[%add3A_527] : memref<32768xf32, #tpu.memory_space<vmem>>[vector<16xi32>], vector<16xf32>,
      %eq3A_529 = vector.broadcast %reduce_max3A_277 : f32 to vector<16xf32>
      %eq3A_530 = arith.cmpf oeq, %gather3A_528, %eq3A_529 : vector<16xf32>
      %jit3A_531 = arith.constant 1 : i32
      %jit3A_532 = arith.constant 0 : i32
      %broadcast_in_dim3A_533 = vector.broadcast %jit3A_531 : i32 to vector<16xi32>
      %broadcast_in_dim3A_534 = vector.broadcast %jit3A_532 : i32 to vector<16xi32>
      %select_n3A_535 = arith.select %eq3A_530, %broadcast_in_dim3A_533, %broadcast_in_dim3A_534 : vector<16xi1>, vector<16xi32>
      %add3A_536 = arith.addi %add3A_502, %select_n3A_535 : vector<16xi32>
      %lt3A_537 = vector.broadcast %reduce_max3A_277 : f32 to vector<16xf32>
      %lt3A_538 = arith.cmpf olt, %gather3A_528, %lt3A_537 : vector<16xf32>
      %broadcast_in_dim3A_539 = vector.broadcast %scan3A_113 : f32 to vector<16xf32>
      %select_n3A_540 = arith.select %lt3A_538, %gather3A_528, %broadcast_in_dim3A_539 : vector<16xi1>, vector<16xf32>
      %max3A_541 = arith.maximumf %max3A_507, %select_n3A_540 : vector<16xf32>
      %add3A_542 = arith.constant 2560 : i32
      %add3A_543 = vector.broadcast %add3A_542 : i32 to vector<16xi32>
      %add3A_544 = arith.addi %add3A_367, %add3A_543 : vector<16xi32>
      %gather3A_545 = tpu.vector_load_idx %arg5[%add3A_544] : memref<32768xf32, #tpu.memory_space<vmem>>[vector<16xi32>], vector<16xf32>,
      %eq3A_546 = vector.broadcast %reduce_max3A_277 : f32 to vector<16xf32>
      %eq3A_547 = arith.cmpf oeq, %gather3A_545, %eq3A_546 : vector<16xf32>
      %jit3A_548 = arith.constant 1 : i32
      %jit3A_549 = arith.constant 0 : i32
      %broadcast_in_dim3A_550 = vector.broadcast %jit3A_548 : i32 to vector<16xi32>
      %broadcast_in_dim3A_551 = vector.broadcast %jit3A_549 : i32 to vector<16xi32>
      %select_n3A_552 = arith.select %eq3A_547, %broadcast_in_dim3A_550, %broadcast_in_dim3A_551 : vector<16xi1>, vector<16xi32>
      %add3A_553 = arith.addi %add3A_519, %select_n3A_552 : vector<16xi32>
      %lt3A_554 = vector.broadcast %reduce_max3A_277 : f32 to vector<16xf32>
      %lt3A_555 = arith.cmpf olt, %gather3A_545, %lt3A_554 : vector<16xf32>
      %broadcast_in_dim3A_556 = vector.broadcast %scan3A_113 : f32 to vector<16xf32>
      %select_n3A_557 = arith.select %lt3A_555, %gather3A_545, %broadcast_in_dim3A_556 : vector<16xi1>, vector<16xf32>
      %max3A_558 = arith.maximumf %max3A_524, %select_n3A_557 : vector<16xf32>
      %add3A_559 = arith.constant 2816 : i32
      %add3A_560 = vector.broadcast %add3A_559 : i32 to vector<16xi32>
      %add3A_561 = arith.addi %add3A_367, %add3A_560 : vector<16xi32>
      %gather3A_562 = tpu.vector_load_idx %arg5[%add3A_561] : memref<32768xf32, #tpu.memory_space<vmem>>[vector<16xi32>], vector<16xf32>,
      %eq3A_563 = vector.broadcast %reduce_max3A_277 : f32 to vector<16xf32>
      %eq3A_564 = arith.cmpf oeq, %gather3A_562, %eq3A_563 : vector<16xf32>
      %jit3A_565 = arith.constant 1 : i32
      %jit3A_566 = arith.constant 0 : i32
      %broadcast_in_dim3A_567 = vector.broadcast %jit3A_565 : i32 to vector<16xi32>
      %broadcast_in_dim3A_568 = vector.broadcast %jit3A_566 : i32 to vector<16xi32>
      %select_n3A_569 = arith.select %eq3A_564, %broadcast_in_dim3A_567, %broadcast_in_dim3A_568 : vector<16xi1>, vector<16xi32>
      %add3A_570 = arith.addi %add3A_536, %select_n3A_569 : vector<16xi32>
      %lt3A_571 = vector.broadcast %reduce_max3A_277 : f32 to vector<16xf32>
      %lt3A_572 = arith.cmpf olt, %gather3A_562, %lt3A_571 : vector<16xf32>
      %broadcast_in_dim3A_573 = vector.broadcast %scan3A_113 : f32 to vector<16xf32>
      %select_n3A_574 = arith.select %lt3A_572, %gather3A_562, %broadcast_in_dim3A_573 : vector<16xi1>, vector<16xf32>
      %max3A_575 = arith.maximumf %max3A_541, %select_n3A_574 : vector<16xf32>
      %add3A_576 = arith.constant 3072 : i32
      %add3A_577 = vector.broadcast %add3A_576 : i32 to vector<16xi32>
      %add3A_578 = arith.addi %add3A_367, %add3A_577 : vector<16xi32>
      %gather3A_579 = tpu.vector_load_idx %arg5[%add3A_578] : memref<32768xf32, #tpu.memory_space<vmem>>[vector<16xi32>], vector<16xf32>,
      %eq3A_580 = vector.broadcast %reduce_max3A_277 : f32 to vector<16xf32>
      %eq3A_581 = arith.cmpf oeq, %gather3A_579, %eq3A_580 : vector<16xf32>
      %jit3A_582 = arith.constant 1 : i32
      %jit3A_583 = arith.constant 0 : i32
      %broadcast_in_dim3A_584 = vector.broadcast %jit3A_582 : i32 to vector<16xi32>
      %broadcast_in_dim3A_585 = vector.broadcast %jit3A_583 : i32 to vector<16xi32>
      %select_n3A_586 = arith.select %eq3A_581, %broadcast_in_dim3A_584, %broadcast_in_dim3A_585 : vector<16xi1>, vector<16xi32>
      %add3A_587 = arith.addi %add3A_553, %select_n3A_586 : vector<16xi32>
      %lt3A_588 = vector.broadcast %reduce_max3A_277 : f32 to vector<16xf32>
      %lt3A_589 = arith.cmpf olt, %gather3A_579, %lt3A_588 : vector<16xf32>
      %broadcast_in_dim3A_590 = vector.broadcast %scan3A_113 : f32 to vector<16xf32>
      %select_n3A_591 = arith.select %lt3A_589, %gather3A_579, %broadcast_in_dim3A_590 : vector<16xi1>, vector<16xf32>
      %max3A_592 = arith.maximumf %max3A_558, %select_n3A_591 : vector<16xf32>
      %add3A_593 = arith.constant 3328 : i32
      %add3A_594 = vector.broadcast %add3A_593 : i32 to vector<16xi32>
      %add3A_595 = arith.addi %add3A_367, %add3A_594 : vector<16xi32>
      %gather3A_596 = tpu.vector_load_idx %arg5[%add3A_595] : memref<32768xf32, #tpu.memory_space<vmem>>[vector<16xi32>], vector<16xf32>,
      %eq3A_597 = vector.broadcast %reduce_max3A_277 : f32 to vector<16xf32>
      %eq3A_598 = arith.cmpf oeq, %gather3A_596, %eq3A_597 : vector<16xf32>
      %jit3A_599 = arith.constant 1 : i32
      %jit3A_600 = arith.constant 0 : i32
      %broadcast_in_dim3A_601 = vector.broadcast %jit3A_599 : i32 to vector<16xi32>
      %broadcast_in_dim3A_602 = vector.broadcast %jit3A_600 : i32 to vector<16xi32>
      %select_n3A_603 = arith.select %eq3A_598, %broadcast_in_dim3A_601, %broadcast_in_dim3A_602 : vector<16xi1>, vector<16xi32>
      %add3A_604 = arith.addi %add3A_570, %select_n3A_603 : vector<16xi32>
      %lt3A_605 = vector.broadcast %reduce_max3A_277 : f32 to vector<16xf32>
      %lt3A_606 = arith.cmpf olt, %gather3A_596, %lt3A_605 : vector<16xf32>
      %broadcast_in_dim3A_607 = vector.broadcast %scan3A_113 : f32 to vector<16xf32>
      %select_n3A_608 = arith.select %lt3A_606, %gather3A_596, %broadcast_in_dim3A_607 : vector<16xi1>, vector<16xf32>
      %max3A_609 = arith.maximumf %max3A_575, %select_n3A_608 : vector<16xf32>
      %add3A_610 = arith.constant 3584 : i32
      %add3A_611 = vector.broadcast %add3A_610 : i32 to vector<16xi32>
      %add3A_612 = arith.addi %add3A_367, %add3A_611 : vector<16xi32>
      %gather3A_613 = tpu.vector_load_idx %arg5[%add3A_612] : memref<32768xf32, #tpu.memory_space<vmem>>[vector<16xi32>], vector<16xf32>,
      %eq3A_614 = vector.broadcast %reduce_max3A_277 : f32 to vector<16xf32>
      %eq3A_615 = arith.cmpf oeq, %gather3A_613, %eq3A_614 : vector<16xf32>
      %jit3A_616 = arith.constant 1 : i32
      %jit3A_617 = arith.constant 0 : i32
      %broadcast_in_dim3A_618 = vector.broadcast %jit3A_616 : i32 to vector<16xi32>
      %broadcast_in_dim3A_619 = vector.broadcast %jit3A_617 : i32 to vector<16xi32>
      %select_n3A_620 = arith.select %eq3A_615, %broadcast_in_dim3A_618, %broadcast_in_dim3A_619 : vector<16xi1>, vector<16xi32>
      %add3A_621 = arith.addi %add3A_587, %select_n3A_620 : vector<16xi32>
      %lt3A_622 = vector.broadcast %reduce_max3A_277 : f32 to vector<16xf32>
      %lt3A_623 = arith.cmpf olt, %gather3A_613, %lt3A_622 : vector<16xf32>
      %broadcast_in_dim3A_624 = vector.broadcast %scan3A_113 : f32 to vector<16xf32>
      %select_n3A_625 = arith.select %lt3A_623, %gather3A_613, %broadcast_in_dim3A_624 : vector<16xi1>, vector<16xf32>
      %max3A_626 = arith.maximumf %max3A_592, %select_n3A_625 : vector<16xf32>
      %add3A_627 = arith.constant 3840 : i32
      %add3A_628 = vector.broadcast %add3A_627 : i32 to vector<16xi32>
      %add3A_629 = arith.addi %add3A_367, %add3A_628 : vector<16xi32>
      %gather3A_630 = tpu.vector_load_idx %arg5[%add3A_629] : memref<32768xf32, #tpu.memory_space<vmem>>[vector<16xi32>], vector<16xf32>,
      %eq3A_631 = vector.broadcast %reduce_max3A_277 : f32 to vector<16xf32>
      %eq3A_632 = arith.cmpf oeq, %gather3A_630, %eq3A_631 : vector<16xf32>
      %jit3A_633 = arith.constant 1 : i32
      %jit3A_634 = arith.constant 0 : i32
      %broadcast_in_dim3A_635 = vector.broadcast %jit3A_633 : i32 to vector<16xi32>
      %broadcast_in_dim3A_636 = vector.broadcast %jit3A_634 : i32 to vector<16xi32>
      %select_n3A_637 = arith.select %eq3A_632, %broadcast_in_dim3A_635, %broadcast_in_dim3A_636 : vector<16xi1>, vector<16xi32>
      %add3A_638 = arith.addi %add3A_604, %select_n3A_637 : vector<16xi32>
      %lt3A_639 = vector.broadcast %reduce_max3A_277 : f32 to vector<16xf32>
      %lt3A_640 = arith.cmpf olt, %gather3A_630, %lt3A_639 : vector<16xf32>
      %broadcast_in_dim3A_641 = vector.broadcast %scan3A_113 : f32 to vector<16xf32>
      %select_n3A_642 = arith.select %lt3A_640, %gather3A_630, %broadcast_in_dim3A_641 : vector<16xi1>, vector<16xf32>
      %max3A_643 = arith.maximumf %max3A_609, %select_n3A_642 : vector<16xf32>
      %lt3A_644 = arith.constant 10 : i32
      %lt3A_645 = arith.cmpi slt, %scan3A_259, %lt3A_644 : i32
      %select_n3A_646 = arith.select %lt3A_645, %reduce_max3A_277, %scan3A_260 : f32
      %add3A_647 = arith.addi %add3A_621, %add3A_638 : vector<16xi32>
      %reduce_sum3A = arith.constant true
      %reduce_sum3A_648 = vector.broadcast %reduce_sum3A : i1 to vector<16xi1>
      %reduce_sum3A_649 = tpu.scan <sum>, %add3A_647 masked %reduce_sum3A_648 : vector<16xi32>, vector<16xi1> -> vector<16xi32>
      %reduce_sum3A_650 = vector.extract %reduce_sum3A_649[15] : i32 from vector<16xi32>
      %add3A_651 = arith.addi %scan3A_259, %reduce_sum3A_650 : i32
      %max3A_652 = arith.maximumf %max3A_626, %max3A_643 : vector<16xf32>
      %reduce_max3A_653 = arith.constant true
      %reduce_max3A_654 = vector.broadcast %reduce_max3A_653 : i1 to vector<16xi1>
      %reduce_max3A_655 = tpu.scan <max>, %max3A_652 masked %reduce_max3A_654 : vector<16xf32>, vector<16xi1> -> vector<16xf32>
      %reduce_max3A_656 = vector.extract %reduce_max3A_655[15] : f32 from vector<16xf32>
      %eq3A_657 = arith.constant 0 : i32
      %eq3A_658 = arith.cmpi eq, %shift_right_arithmetic3A_357, %eq3A_657 : i32
      %eq3A_659 = vector.broadcast %and3A_358 : i32 to vector<16xi32>
      %eq3A_660 = arith.cmpi eq, %iota3A, %eq3A_659 : vector<16xi32>
      %and3A_661 = vector.broadcast %eq3A_658 : i1 to vector<16xi1>
      %and3A_662 = arith.andi %and3A_661, %eq3A_660 : vector<16xi1>
      %broadcast_in_dim3A_663 = vector.broadcast %reduce_max3A_656 : f32 to vector<16xf32>
      %select_n3A_664 = arith.select %and3A_662, %broadcast_in_dim3A_663, %scan3A_261 : vector<16xi1>, vector<16xf32>
      %eq3A_665 = arith.constant 1 : i32
      %eq3A_666 = arith.cmpi eq, %shift_right_arithmetic3A_357, %eq3A_665 : i32
      %eq3A_667 = vector.broadcast %and3A_358 : i32 to vector<16xi32>
      %eq3A_668 = arith.cmpi eq, %iota3A, %eq3A_667 : vector<16xi32>
      %and3A_669 = vector.broadcast %eq3A_666 : i1 to vector<16xi1>
      %and3A_670 = arith.andi %and3A_669, %eq3A_668 : vector<16xi1>
      %broadcast_in_dim3A_671 = vector.broadcast %reduce_max3A_656 : f32 to vector<16xf32>
      %select_n3A_672 = arith.select %and3A_670, %broadcast_in_dim3A_671, %scan3A_262 : vector<16xi1>, vector<16xf32>
      %eq3A_673 = arith.constant 2 : i32
      %eq3A_674 = arith.cmpi eq, %shift_right_arithmetic3A_357, %eq3A_673 : i32
      %eq3A_675 = vector.broadcast %and3A_358 : i32 to vector<16xi32>
      %eq3A_676 = arith.cmpi eq, %iota3A, %eq3A_675 : vector<16xi32>
      %and3A_677 = vector.broadcast %eq3A_674 : i1 to vector<16xi1>
      %and3A_678 = arith.andi %and3A_677, %eq3A_676 : vector<16xi1>
      %broadcast_in_dim3A_679 = vector.broadcast %reduce_max3A_656 : f32 to vector<16xf32>
      %select_n3A_680 = arith.select %and3A_678, %broadcast_in_dim3A_679, %scan3A_263 : vector<16xi1>, vector<16xf32>
      %eq3A_681 = arith.constant 3 : i32
      %eq3A_682 = arith.cmpi eq, %shift_right_arithmetic3A_357, %eq3A_681 : i32
      %eq3A_683 = vector.broadcast %and3A_358 : i32 to vector<16xi32>
      %eq3A_684 = arith.cmpi eq, %iota3A, %eq3A_683 : vector<16xi32>
      %and3A_685 = vector.broadcast %eq3A_682 : i1 to vector<16xi1>
      %and3A_686 = arith.andi %and3A_685, %eq3A_684 : vector<16xi1>
      %broadcast_in_dim3A_687 = vector.broadcast %reduce_max3A_656 : f32 to vector<16xf32>
      %select_n3A_688 = arith.select %and3A_686, %broadcast_in_dim3A_687, %scan3A_264 : vector<16xi1>, vector<16xf32>
      %eq3A_689 = arith.constant 4 : i32
      %eq3A_690 = arith.cmpi eq, %shift_right_arithmetic3A_357, %eq3A_689 : i32
      %eq3A_691 = vector.broadcast %and3A_358 : i32 to vector<16xi32>
      %eq3A_692 = arith.cmpi eq, %iota3A, %eq3A_691 : vector<16xi32>
      %and3A_693 = vector.broadcast %eq3A_690 : i1 to vector<16xi1>
      %and3A_694 = arith.andi %and3A_693, %eq3A_692 : vector<16xi1>
      %broadcast_in_dim3A_695 = vector.broadcast %reduce_max3A_656 : f32 to vector<16xf32>
      %select_n3A_696 = arith.select %and3A_694, %broadcast_in_dim3A_695, %scan3A_265 : vector<16xi1>, vector<16xf32>
      %eq3A_697 = arith.constant 5 : i32
      %eq3A_698 = arith.cmpi eq, %shift_right_arithmetic3A_357, %eq3A_697 : i32
      %eq3A_699 = vector.broadcast %and3A_358 : i32 to vector<16xi32>
      %eq3A_700 = arith.cmpi eq, %iota3A, %eq3A_699 : vector<16xi32>
      %and3A_701 = vector.broadcast %eq3A_698 : i1 to vector<16xi1>
      %and3A_702 = arith.andi %and3A_701, %eq3A_700 : vector<16xi1>
      %broadcast_in_dim3A_703 = vector.broadcast %reduce_max3A_656 : f32 to vector<16xf32>
      %select_n3A_704 = arith.select %and3A_702, %broadcast_in_dim3A_703, %scan3A_266 : vector<16xi1>, vector<16xf32>
      %eq3A_705 = arith.constant 6 : i32
      %eq3A_706 = arith.cmpi eq, %shift_right_arithmetic3A_357, %eq3A_705 : i32
      %eq3A_707 = vector.broadcast %and3A_358 : i32 to vector<16xi32>
      %eq3A_708 = arith.cmpi eq, %iota3A, %eq3A_707 : vector<16xi32>
      %and3A_709 = vector.broadcast %eq3A_706 : i1 to vector<16xi1>
      %and3A_710 = arith.andi %and3A_709, %eq3A_708 : vector<16xi1>
      %broadcast_in_dim3A_711 = vector.broadcast %reduce_max3A_656 : f32 to vector<16xf32>
      %select_n3A_712 = arith.select %and3A_710, %broadcast_in_dim3A_711, %scan3A_267 : vector<16xi1>, vector<16xf32>
      %eq3A_713 = arith.constant 7 : i32
      %eq3A_714 = arith.cmpi eq, %shift_right_arithmetic3A_357, %eq3A_713 : i32
      %eq3A_715 = vector.broadcast %and3A_358 : i32 to vector<16xi32>
      %eq3A_716 = arith.cmpi eq, %iota3A, %eq3A_715 : vector<16xi32>
      %and3A_717 = vector.broadcast %eq3A_714 : i1 to vector<16xi1>
      %and3A_718 = arith.andi %and3A_717, %eq3A_716 : vector<16xi1>
      %broadcast_in_dim3A_719 = vector.broadcast %reduce_max3A_656 : f32 to vector<16xf32>
      %select_n3A_720 = arith.select %and3A_718, %broadcast_in_dim3A_719, %scan3A_268 : vector<16xi1>, vector<16xf32>
      scf.yield %add3A_651, %select_n3A_646, %select_n3A_664, %select_n3A_672, %select_n3A_680, %select_n3A_688, %select_n3A_696, %select_n3A_704, %select_n3A_712, %select_n3A_720 : i32, f32, vector<16xf32>, vector<16xf32>, vector<16xf32>, vector<16xf32>, vector<16xf32>, vector<16xf32>, vector<16xf32>, vector<16xf32>
    }
    %scan3A_121 = arith.constant 10 : i32
    %broadcast_in_dim3A_122 = vector.broadcast %scan3A_120#1 : f32 to vector<16xf32>
    %broadcast_in_dim3A_123 = arith.constant 1.000000e+00 : f32
    %broadcast_in_dim3A_124 = vector.broadcast %broadcast_in_dim3A_123 : f32 to vector<16xf32>
    %broadcast_in_dim3A_125 = arith.constant 0.000000e+00 : f32
    %broadcast_in_dim3A_126 = vector.broadcast %broadcast_in_dim3A_125 : f32 to vector<16xf32>
    %parallel_loop3A_127 = arith.constant 0 : i32
    %parallel_loop3A_128 = arith.constant 2048 : i32
    %parallel_loop3A_129 = arith.constant 1 : i32
    scf.for %parallel_loop3A_258 = %parallel_loop3A_127 to %parallel_loop3A_128 step %parallel_loop3A_129  : i32 {
      %parallel_loop3A_259 = arith.constant 16 : i32
      %parallel_loop3A_260 = arith.muli %parallel_loop3A_258, %parallel_loop3A_259 : i32
      %parallel_loop3A_261 = arith.index_cast %parallel_loop3A_260 : i32 to index
      %parallel_loop3A_262 = tpu.vector_load %arg5[%parallel_loop3A_261] {strides = array<i32>} : memref<32768xf32, #tpu.memory_space<vmem>>, vector<16xf32>,
      %parallel_loop3A_263 = arith.cmpf oge, %parallel_loop3A_262, %broadcast_in_dim3A_122 : vector<16xf32>
      %parallel_loop3A_264 = arith.select %parallel_loop3A_263, %broadcast_in_dim3A_124, %broadcast_in_dim3A_126 : vector<16xi1>, vector<16xf32>
      %parallel_loop3A_265 = arith.constant 16 : i32
      %parallel_loop3A_266 = arith.muli %parallel_loop3A_258, %parallel_loop3A_265 : i32
      %parallel_loop3A_267 = arith.index_cast %parallel_loop3A_266 : i32 to index
      %parallel_loop3A_268 = tpu.vector_load %arg5[%parallel_loop3A_267] {strides = array<i32>} : memref<32768xf32, #tpu.memory_space<vmem>>, vector<16xf32>,
      tpu.vector_store %arg5[%parallel_loop3A_267], %parallel_loop3A_264 {strides = array<i32>} : memref<32768xf32, #tpu.memory_space<vmem>>, vector<16xf32>,
    } {sc.loop_unroll_factor = 16 : i64, sc.parallel_access}
    %add3A_130 = arith.constant 1 : i32
    %add3A_131 = arith.addi %mul3A_2, %add3A_130 : i32
    %dma_start3A_132 = arith.constant 0 : i32
    %dma_start3A_133 = tpu.memref_slice %arg3[%add3A_131, %dma_start3A_132] : memref<128x32768xf32, #tpu.memory_space<hbm>> -> memref<1x32768xf32, #tpu.memory_space<hbm>>
    %dma_start3A_134 = tpu.memref_squeeze %dma_start3A_133 : memref<1x32768xf32, #tpu.memory_space<hbm>> -> memref<32768xf32, #tpu.memory_space<hbm>>
    %dma_start3A_135 = arith.constant 0 : i32
    %dma_start3A_136 = tpu.memref_slice %arg3[%add3A_131, %dma_start3A_135] : memref<128x32768xf32, #tpu.memory_space<hbm>> -> memref<1x32768xf32, #tpu.memory_space<hbm>>
    %dma_start3A_137 = tpu.memref_squeeze %dma_start3A_136 : memref<1x32768xf32, #tpu.memory_space<hbm>> -> memref<32768xf32, #tpu.memory_space<hbm>>
    tpu.enqueue_dma source(%arg5 : memref<32768xf32, #tpu.memory_space<vmem>>) target(%dma_start3A_137 : memref<32768xf32, #tpu.memory_space<hbm>>) target_semaphore(%arg13 : memref<!tpu.dma_semaphore, #tpu.memory_space<semaphore_mem>>)
    %dma_wait3A_138 = arith.constant 0 : i32
    %dma_wait3A_139 = tpu.memref_slice %arg2[%add3A_19, %dma_wait3A_138] : memref<128x32768xf32, #tpu.memory_space<hbm>> -> memref<1x32768xf32, #tpu.memory_space<hbm>>
    %dma_wait3A_140 = tpu.memref_squeeze %dma_wait3A_139 : memref<1x32768xf32, #tpu.memory_space<hbm>> -> memref<32768xf32, #tpu.memory_space<hbm>>
    %dma_wait3A_141 = arith.constant 0 : i32
    %dma_wait3A_142 = tpu.memref_slice %arg2[%add3A_19, %dma_wait3A_141] : memref<128x32768xf32, #tpu.memory_space<hbm>> -> memref<1x32768xf32, #tpu.memory_space<hbm>>
    %dma_wait3A_143 = tpu.memref_squeeze %dma_wait3A_142 : memref<1x32768xf32, #tpu.memory_space<hbm>> -> memref<32768xf32, #tpu.memory_space<hbm>>
    tpu.wait_dma2 semaphore(%arg11 : memref<!tpu.dma_semaphore, #tpu.memory_space<semaphore_mem>>) src(%dma_wait3A_143 : memref<32768xf32, #tpu.memory_space<hbm>>) dst(%arg6 : memref<32768xf32, #tpu.memory_space<vmem>>)
    %broadcast_in_dim3A_144 = arith.constant 0xFF800000 : f32
    %broadcast_in_dim3A_145 = vector.broadcast %broadcast_in_dim3A_144 : f32 to vector<16xf32>
    %broadcast_in_dim3A_146 = arith.constant 0xFF800000 : f32
    %broadcast_in_dim3A_147 = vector.broadcast %broadcast_in_dim3A_146 : f32 to vector<16xf32>
    %broadcast_in_dim3A_148 = arith.constant 0xFF800000 : f32
    %broadcast_in_dim3A_149 = vector.broadcast %broadcast_in_dim3A_148 : f32 to vector<16xf32>
    %broadcast_in_dim3A_150 = arith.constant 0xFF800000 : f32
    %broadcast_in_dim3A_151 = vector.broadcast %broadcast_in_dim3A_150 : f32 to vector<16xf32>
    %broadcast_in_dim3A_152 = arith.constant 0xFF800000 : f32
    %broadcast_in_dim3A_153 = vector.broadcast %broadcast_in_dim3A_152 : f32 to vector<16xf32>
    %broadcast_in_dim3A_154 = arith.constant 0xFF800000 : f32
    %broadcast_in_dim3A_155 = vector.broadcast %broadcast_in_dim3A_154 : f32 to vector<16xf32>
    %broadcast_in_dim3A_156 = arith.constant 0xFF800000 : f32
    %broadcast_in_dim3A_157 = vector.broadcast %broadcast_in_dim3A_156 : f32 to vector<16xf32>
    %broadcast_in_dim3A_158 = arith.constant 0xFF800000 : f32
    %broadcast_in_dim3A_159 = vector.broadcast %broadcast_in_dim3A_158 : f32 to vector<16xf32>
    %parallel_loop3A_160 = arith.constant 0 : i32
    %parallel_loop3A_161 = arith.constant 256 : i32
    %parallel_loop3A_162 = arith.constant 1 : i32
    %parallel_loop3A_163:8 = scf.for %parallel_loop3A_258 = %parallel_loop3A_160 to %parallel_loop3A_161 step %parallel_loop3A_162 iter_args(%parallel_loop3A_259 = %broadcast_in_dim3A_145, %parallel_loop3A_260 = %broadcast_in_dim3A_147, %parallel_loop3A_261 = %broadcast_in_dim3A_149, %parallel_loop3A_262 = %broadcast_in_dim3A_151, %parallel_loop3A_263 = %broadcast_in_dim3A_153, %parallel_loop3A_264 = %broadcast_in_dim3A_155, %parallel_loop3A_265 = %broadcast_in_dim3A_157, %parallel_loop3A_266 = %broadcast_in_dim3A_159) -> (vector<16xf32>, vector<16xf32>, vector<16xf32>, vector<16xf32>, vector<16xf32>, vector<16xf32>, vector<16xf32>, vector<16xf32>)  : i32 {
      %parallel_loop3A_267 = arith.constant 0 : i32
      %parallel_loop3A_268 = arith.addi %parallel_loop3A_267, %parallel_loop3A_258 : i32
      %parallel_loop3A_269 = arith.constant 16 : i32
      %parallel_loop3A_270 = arith.muli %parallel_loop3A_268, %parallel_loop3A_269 : i32
      %parallel_loop3A_271 = arith.index_cast %parallel_loop3A_270 : i32 to index
      %parallel_loop3A_272 = tpu.vector_load %arg6[%parallel_loop3A_271] {strides = array<i32>} : memref<32768xf32, #tpu.memory_space<vmem>>, vector<16xf32>,
      %parallel_loop3A_273 = arith.maximumf %parallel_loop3A_259, %parallel_loop3A_272 : vector<16xf32>
      %parallel_loop3A_274 = arith.constant 256 : i32
      %parallel_loop3A_275 = arith.addi %parallel_loop3A_274, %parallel_loop3A_258 : i32
      %parallel_loop3A_276 = arith.constant 16 : i32
      %parallel_loop3A_277 = arith.muli %parallel_loop3A_275, %parallel_loop3A_276 : i32
      %parallel_loop3A_278 = arith.index_cast %parallel_loop3A_277 : i32 to index
      %parallel_loop3A_279 = tpu.vector_load %arg6[%parallel_loop3A_278] {strides = array<i32>} : memref<32768xf32, #tpu.memory_space<vmem>>, vector<16xf32>,
      %parallel_loop3A_280 = arith.maximumf %parallel_loop3A_260, %parallel_loop3A_279 : vector<16xf32>
      %parallel_loop3A_281 = arith.constant 512 : i32
      %parallel_loop3A_282 = arith.addi %parallel_loop3A_281, %parallel_loop3A_258 : i32
      %parallel_loop3A_283 = arith.constant 16 : i32
      %parallel_loop3A_284 = arith.muli %parallel_loop3A_282, %parallel_loop3A_283 : i32
      %parallel_loop3A_285 = arith.index_cast %parallel_loop3A_284 : i32 to index
      %parallel_loop3A_286 = tpu.vector_load %arg6[%parallel_loop3A_285] {strides = array<i32>} : memref<32768xf32, #tpu.memory_space<vmem>>, vector<16xf32>,
      %parallel_loop3A_287 = arith.maximumf %parallel_loop3A_261, %parallel_loop3A_286 : vector<16xf32>
      %parallel_loop3A_288 = arith.constant 768 : i32
      %parallel_loop3A_289 = arith.addi %parallel_loop3A_288, %parallel_loop3A_258 : i32
      %parallel_loop3A_290 = arith.constant 16 : i32
      %parallel_loop3A_291 = arith.muli %parallel_loop3A_289, %parallel_loop3A_290 : i32
      %parallel_loop3A_292 = arith.index_cast %parallel_loop3A_291 : i32 to index
      %parallel_loop3A_293 = tpu.vector_load %arg6[%parallel_loop3A_292] {strides = array<i32>} : memref<32768xf32, #tpu.memory_space<vmem>>, vector<16xf32>,
      %parallel_loop3A_294 = arith.maximumf %parallel_loop3A_262, %parallel_loop3A_293 : vector<16xf32>
      %parallel_loop3A_295 = arith.constant 1024 : i32
      %parallel_loop3A_296 = arith.addi %parallel_loop3A_295, %parallel_loop3A_258 : i32
      %parallel_loop3A_297 = arith.constant 16 : i32
      %parallel_loop3A_298 = arith.muli %parallel_loop3A_296, %parallel_loop3A_297 : i32
      %parallel_loop3A_299 = arith.index_cast %parallel_loop3A_298 : i32 to index
      %parallel_loop3A_300 = tpu.vector_load %arg6[%parallel_loop3A_299] {strides = array<i32>} : memref<32768xf32, #tpu.memory_space<vmem>>, vector<16xf32>,
      %parallel_loop3A_301 = arith.maximumf %parallel_loop3A_263, %parallel_loop3A_300 : vector<16xf32>
      %parallel_loop3A_302 = arith.constant 1280 : i32
      %parallel_loop3A_303 = arith.addi %parallel_loop3A_302, %parallel_loop3A_258 : i32
      %parallel_loop3A_304 = arith.constant 16 : i32
      %parallel_loop3A_305 = arith.muli %parallel_loop3A_303, %parallel_loop3A_304 : i32
      %parallel_loop3A_306 = arith.index_cast %parallel_loop3A_305 : i32 to index
      %parallel_loop3A_307 = tpu.vector_load %arg6[%parallel_loop3A_306] {strides = array<i32>} : memref<32768xf32, #tpu.memory_space<vmem>>, vector<16xf32>,
      %parallel_loop3A_308 = arith.maximumf %parallel_loop3A_264, %parallel_loop3A_307 : vector<16xf32>
      %parallel_loop3A_309 = arith.constant 1536 : i32
      %parallel_loop3A_310 = arith.addi %parallel_loop3A_309, %parallel_loop3A_258 : i32
      %parallel_loop3A_311 = arith.constant 16 : i32
      %parallel_loop3A_312 = arith.muli %parallel_loop3A_310, %parallel_loop3A_311 : i32
      %parallel_loop3A_313 = arith.index_cast %parallel_loop3A_312 : i32 to index
      %parallel_loop3A_314 = tpu.vector_load %arg6[%parallel_loop3A_313] {strides = array<i32>} : memref<32768xf32, #tpu.memory_space<vmem>>, vector<16xf32>,
      %parallel_loop3A_315 = arith.maximumf %parallel_loop3A_265, %parallel_loop3A_314 : vector<16xf32>
      %parallel_loop3A_316 = arith.constant 1792 : i32
      %parallel_loop3A_317 = arith.addi %parallel_loop3A_316, %parallel_loop3A_258 : i32
      %parallel_loop3A_318 = arith.constant 16 : i32
      %parallel_loop3A_319 = arith.muli %parallel_loop3A_317, %parallel_loop3A_318 : i32
      %parallel_loop3A_320 = arith.index_cast %parallel_loop3A_319 : i32 to index
      %parallel_loop3A_321 = tpu.vector_load %arg6[%parallel_loop3A_320] {strides = array<i32>} : memref<32768xf32, #tpu.memory_space<vmem>>, vector<16xf32>,
      %parallel_loop3A_322 = arith.maximumf %parallel_loop3A_266, %parallel_loop3A_321 : vector<16xf32>
      scf.yield %parallel_loop3A_273, %parallel_loop3A_280, %parallel_loop3A_287, %parallel_loop3A_294, %parallel_loop3A_301, %parallel_loop3A_308, %parallel_loop3A_315, %parallel_loop3A_322 : vector<16xf32>, vector<16xf32>, vector<16xf32>, vector<16xf32>, vector<16xf32>, vector<16xf32>, vector<16xf32>, vector<16xf32>
    } {sc.loop_unroll_factor = 8 : i64, sc.parallel_access}
    %scan3A_164 = arith.constant 0xFF800000 : f32
    %scan3A_165 = arith.constant 0 : i32
    %scan3A_166 = arith.constant 0xFF800000 : f32
    %scan3A_167 = arith.constant 0 : i32
    %scan3A_168 = arith.constant 10 : i32
    %scan3A_169 = arith.addi %scan3A_167, %scan3A_168 : i32
    %scan3A_170 = arith.constant 1 : i32
    %scan3A_171:10 = scf.for %scan3A_258 = %scan3A_167 to %scan3A_169 step %scan3A_170 iter_args(%scan3A_259 = %scan3A_165, %scan3A_260 = %scan3A_166, %scan3A_261 = %parallel_loop3A_163#0, %scan3A_262 = %parallel_loop3A_163#1, %scan3A_263 = %parallel_loop3A_163#2, %scan3A_264 = %parallel_loop3A_163#3, %scan3A_265 = %parallel_loop3A_163#4, %scan3A_266 = %parallel_loop3A_163#5, %scan3A_267 = %parallel_loop3A_163#6, %scan3A_268 = %parallel_loop3A_163#7) -> (i32, f32, vector<16xf32>, vector<16xf32>, vector<16xf32>, vector<16xf32>, vector<16xf32>, vector<16xf32>, vector<16xf32>, vector<16xf32>)  : i32 {
      %max3A = arith.maximumf %scan3A_261, %scan3A_262 : vector<16xf32>
      %max3A_269 = arith.maximumf %max3A, %scan3A_263 : vector<16xf32>
      %max3A_270 = arith.maximumf %max3A_269, %scan3A_264 : vector<16xf32>
      %max3A_271 = arith.maximumf %max3A_270, %scan3A_265 : vector<16xf32>
      %max3A_272 = arith.maximumf %max3A_271, %scan3A_266 : vector<16xf32>
      %max3A_273 = arith.maximumf %max3A_272, %scan3A_267 : vector<16xf32>
      %max3A_274 = arith.maximumf %max3A_273, %scan3A_268 : vector<16xf32>
      %reduce_max3A = arith.constant true
      %reduce_max3A_275 = vector.broadcast %reduce_max3A : i1 to vector<16xi1>
      %reduce_max3A_276 = tpu.scan <max>, %max3A_274 masked %reduce_max3A_275 : vector<16xf32>, vector<16xi1> -> vector<16xf32>
      %reduce_max3A_277 = vector.extract %reduce_max3A_276[15] : f32 from vector<16xf32>
      %broadcast_in_dim3A_278 = arith.constant -1 : i32
      %broadcast_in_dim3A_279 = vector.broadcast %broadcast_in_dim3A_278 : i32 to vector<16xi32>
      %eq3A = vector.broadcast %reduce_max3A_277 : f32 to vector<16xf32>
      %eq3A_280 = arith.cmpf oeq, %scan3A_261, %eq3A : vector<16xf32>
      %add3A_281 = arith.constant 0 : i32
      %add3A_282 = vector.broadcast %add3A_281 : i32 to vector<16xi32>
      %add3A_283 = arith.addi %iota3A, %add3A_282 : vector<16xi32>
      %jit3A = arith.constant -1 : i32
      %broadcast_in_dim3A_284 = vector.broadcast %jit3A : i32 to vector<16xi32>
      %select_n3A = arith.select %eq3A_280, %add3A_283, %broadcast_in_dim3A_284 : vector<16xi1>, vector<16xi32>
      %max3A_285 = arith.maxsi %broadcast_in_dim3A_279, %select_n3A : vector<16xi32>
      %eq3A_286 = vector.broadcast %reduce_max3A_277 : f32 to vector<16xf32>
      %eq3A_287 = arith.cmpf oeq, %scan3A_262, %eq3A_286 : vector<16xf32>
      %add3A_288 = arith.constant 16 : i32
      %add3A_289 = vector.broadcast %add3A_288 : i32 to vector<16xi32>
      %add3A_290 = arith.addi %iota3A, %add3A_289 : vector<16xi32>
      %jit3A_291 = arith.constant -1 : i32
      %broadcast_in_dim3A_292 = vector.broadcast %jit3A_291 : i32 to vector<16xi32>
      %select_n3A_293 = arith.select %eq3A_287, %add3A_290, %broadcast_in_dim3A_292 : vector<16xi1>, vector<16xi32>
      %max3A_294 = arith.maxsi %max3A_285, %select_n3A_293 : vector<16xi32>
      %eq3A_295 = vector.broadcast %reduce_max3A_277 : f32 to vector<16xf32>
      %eq3A_296 = arith.cmpf oeq, %scan3A_263, %eq3A_295 : vector<16xf32>
      %add3A_297 = arith.constant 32 : i32
      %add3A_298 = vector.broadcast %add3A_297 : i32 to vector<16xi32>
      %add3A_299 = arith.addi %iota3A, %add3A_298 : vector<16xi32>
      %jit3A_300 = arith.constant -1 : i32
      %broadcast_in_dim3A_301 = vector.broadcast %jit3A_300 : i32 to vector<16xi32>
      %select_n3A_302 = arith.select %eq3A_296, %add3A_299, %broadcast_in_dim3A_301 : vector<16xi1>, vector<16xi32>
      %max3A_303 = arith.maxsi %max3A_294, %select_n3A_302 : vector<16xi32>
      %eq3A_304 = vector.broadcast %reduce_max3A_277 : f32 to vector<16xf32>
      %eq3A_305 = arith.cmpf oeq, %scan3A_264, %eq3A_304 : vector<16xf32>
      %add3A_306 = arith.constant 48 : i32
      %add3A_307 = vector.broadcast %add3A_306 : i32 to vector<16xi32>
      %add3A_308 = arith.addi %iota3A, %add3A_307 : vector<16xi32>
      %jit3A_309 = arith.constant -1 : i32
      %broadcast_in_dim3A_310 = vector.broadcast %jit3A_309 : i32 to vector<16xi32>
      %select_n3A_311 = arith.select %eq3A_305, %add3A_308, %broadcast_in_dim3A_310 : vector<16xi1>, vector<16xi32>
      %max3A_312 = arith.maxsi %max3A_303, %select_n3A_311 : vector<16xi32>
      %eq3A_313 = vector.broadcast %reduce_max3A_277 : f32 to vector<16xf32>
      %eq3A_314 = arith.cmpf oeq, %scan3A_265, %eq3A_313 : vector<16xf32>
      %add3A_315 = arith.constant 64 : i32
      %add3A_316 = vector.broadcast %add3A_315 : i32 to vector<16xi32>
      %add3A_317 = arith.addi %iota3A, %add3A_316 : vector<16xi32>
      %jit3A_318 = arith.constant -1 : i32
      %broadcast_in_dim3A_319 = vector.broadcast %jit3A_318 : i32 to vector<16xi32>
      %select_n3A_320 = arith.select %eq3A_314, %add3A_317, %broadcast_in_dim3A_319 : vector<16xi1>, vector<16xi32>
      %max3A_321 = arith.maxsi %max3A_312, %select_n3A_320 : vector<16xi32>
      %eq3A_322 = vector.broadcast %reduce_max3A_277 : f32 to vector<16xf32>
      %eq3A_323 = arith.cmpf oeq, %scan3A_266, %eq3A_322 : vector<16xf32>
      %add3A_324 = arith.constant 80 : i32
      %add3A_325 = vector.broadcast %add3A_324 : i32 to vector<16xi32>
      %add3A_326 = arith.addi %iota3A, %add3A_325 : vector<16xi32>
      %jit3A_327 = arith.constant -1 : i32
      %broadcast_in_dim3A_328 = vector.broadcast %jit3A_327 : i32 to vector<16xi32>
      %select_n3A_329 = arith.select %eq3A_323, %add3A_326, %broadcast_in_dim3A_328 : vector<16xi1>, vector<16xi32>
      %max3A_330 = arith.maxsi %max3A_321, %select_n3A_329 : vector<16xi32>
      %eq3A_331 = vector.broadcast %reduce_max3A_277 : f32 to vector<16xf32>
      %eq3A_332 = arith.cmpf oeq, %scan3A_267, %eq3A_331 : vector<16xf32>
      %add3A_333 = arith.constant 96 : i32
      %add3A_334 = vector.broadcast %add3A_333 : i32 to vector<16xi32>
      %add3A_335 = arith.addi %iota3A, %add3A_334 : vector<16xi32>
      %jit3A_336 = arith.constant -1 : i32
      %broadcast_in_dim3A_337 = vector.broadcast %jit3A_336 : i32 to vector<16xi32>
      %select_n3A_338 = arith.select %eq3A_332, %add3A_335, %broadcast_in_dim3A_337 : vector<16xi1>, vector<16xi32>
      %max3A_339 = arith.maxsi %max3A_330, %select_n3A_338 : vector<16xi32>
      %eq3A_340 = vector.broadcast %reduce_max3A_277 : f32 to vector<16xf32>
      %eq3A_341 = arith.cmpf oeq, %scan3A_268, %eq3A_340 : vector<16xf32>
      %add3A_342 = arith.constant 112 : i32
      %add3A_343 = vector.broadcast %add3A_342 : i32 to vector<16xi32>
      %add3A_344 = arith.addi %iota3A, %add3A_343 : vector<16xi32>
      %jit3A_345 = arith.constant -1 : i32
      %broadcast_in_dim3A_346 = vector.broadcast %jit3A_345 : i32 to vector<16xi32>
      %select_n3A_347 = arith.select %eq3A_341, %add3A_344, %broadcast_in_dim3A_346 : vector<16xi1>, vector<16xi32>
      %max3A_348 = arith.maxsi %max3A_339, %select_n3A_347 : vector<16xi32>
      %reduce_max3A_349 = arith.constant true
      %reduce_max3A_350 = vector.broadcast %reduce_max3A_349 : i1 to vector<16xi1>
      %reduce_max3A_351 = arith.constant -2147483648 : i32
      %reduce_max3A_352 = vector.broadcast %reduce_max3A_351 : i32 to vector<16xi32>
      %reduce_max3A_353 = arith.xori %max3A_348, %reduce_max3A_352 : vector<16xi32>
      %reduce_max3A_354 = tpu.scan <max>, %reduce_max3A_353 masked %reduce_max3A_350 : vector<16xi32>, vector<16xi1> -> vector<16xi32>
      %reduce_max3A_355 = arith.xori %reduce_max3A_354, %reduce_max3A_352 : vector<16xi32>
      %reduce_max3A_356 = vector.extract %reduce_max3A_355[15] : i32 from vector<16xi32>
      %shift_right_arithmetic3A = arith.constant 4 : i32
      %shift_right_arithmetic3A_357 = arith.shrsi %reduce_max3A_356, %shift_right_arithmetic3A : i32
      %and3A = arith.constant 15 : i32
      %and3A_358 = arith.andi %reduce_max3A_356, %and3A : i32
      %mul3A_359 = arith.constant 256 : i32
      %mul3A_360 = arith.muli %shift_right_arithmetic3A_357, %mul3A_359 : i32
      %add3A_361 = vector.broadcast %mul3A_360 : i32 to vector<16xi32>
      %add3A_362 = arith.addi %add3A_361, %iota3A : vector<16xi32>
      %mul3A_363 = arith.constant 16 : i32
      %mul3A_364 = vector.broadcast %mul3A_363 : i32 to vector<16xi32>
      %mul3A_365 = arith.muli %add3A_362, %mul3A_364 : vector<16xi32>
      %add3A_366 = vector.broadcast %and3A_358 : i32 to vector<16xi32>
      %add3A_367 = arith.addi %mul3A_365, %add3A_366 : vector<16xi32>
      %broadcast_in_dim3A_368 = arith.constant 0 : i32
      %broadcast_in_dim3A_369 = vector.broadcast %broadcast_in_dim3A_368 : i32 to vector<16xi32>
      %broadcast_in_dim3A_370 = arith.constant 0 : i32
      %broadcast_in_dim3A_371 = vector.broadcast %broadcast_in_dim3A_370 : i32 to vector<16xi32>
      %broadcast_in_dim3A_372 = vector.broadcast %scan3A_164 : f32 to vector<16xf32>
      %broadcast_in_dim3A_373 = vector.broadcast %scan3A_164 : f32 to vector<16xf32>
      %add3A_374 = arith.constant 0 : i32
      %add3A_375 = vector.broadcast %add3A_374 : i32 to vector<16xi32>
      %add3A_376 = arith.addi %add3A_367, %add3A_375 : vector<16xi32>
      %gather3A = tpu.vector_load_idx %arg6[%add3A_376] : memref<32768xf32, #tpu.memory_space<vmem>>[vector<16xi32>], vector<16xf32>,
      %eq3A_377 = vector.broadcast %reduce_max3A_277 : f32 to vector<16xf32>
      %eq3A_378 = arith.cmpf oeq, %gather3A, %eq3A_377 : vector<16xf32>
      %jit3A_379 = arith.constant 1 : i32
      %jit3A_380 = arith.constant 0 : i32
      %broadcast_in_dim3A_381 = vector.broadcast %jit3A_379 : i32 to vector<16xi32>
      %broadcast_in_dim3A_382 = vector.broadcast %jit3A_380 : i32 to vector<16xi32>
      %select_n3A_383 = arith.select %eq3A_378, %broadcast_in_dim3A_381, %broadcast_in_dim3A_382 : vector<16xi1>, vector<16xi32>
      %add3A_384 = arith.addi %broadcast_in_dim3A_369, %select_n3A_383 : vector<16xi32>
      %lt3A = vector.broadcast %reduce_max3A_277 : f32 to vector<16xf32>
      %lt3A_385 = arith.cmpf olt, %gather3A, %lt3A : vector<16xf32>
      %broadcast_in_dim3A_386 = vector.broadcast %scan3A_164 : f32 to vector<16xf32>
      %select_n3A_387 = arith.select %lt3A_385, %gather3A, %broadcast_in_dim3A_386 : vector<16xi1>, vector<16xf32>
      %max3A_388 = arith.maximumf %broadcast_in_dim3A_372, %select_n3A_387 : vector<16xf32>
      %add3A_389 = arith.constant 256 : i32
      %add3A_390 = vector.broadcast %add3A_389 : i32 to vector<16xi32>
      %add3A_391 = arith.addi %add3A_367, %add3A_390 : vector<16xi32>
      %gather3A_392 = tpu.vector_load_idx %arg6[%add3A_391] : memref<32768xf32, #tpu.memory_space<vmem>>[vector<16xi32>], vector<16xf32>,
      %eq3A_393 = vector.broadcast %reduce_max3A_277 : f32 to vector<16xf32>
      %eq3A_394 = arith.cmpf oeq, %gather3A_392, %eq3A_393 : vector<16xf32>
      %jit3A_395 = arith.constant 1 : i32
      %jit3A_396 = arith.constant 0 : i32
      %broadcast_in_dim3A_397 = vector.broadcast %jit3A_395 : i32 to vector<16xi32>
      %broadcast_in_dim3A_398 = vector.broadcast %jit3A_396 : i32 to vector<16xi32>
      %select_n3A_399 = arith.select %eq3A_394, %broadcast_in_dim3A_397, %broadcast_in_dim3A_398 : vector<16xi1>, vector<16xi32>
      %add3A_400 = arith.addi %broadcast_in_dim3A_371, %select_n3A_399 : vector<16xi32>
      %lt3A_401 = vector.broadcast %reduce_max3A_277 : f32 to vector<16xf32>
      %lt3A_402 = arith.cmpf olt, %gather3A_392, %lt3A_401 : vector<16xf32>
      %broadcast_in_dim3A_403 = vector.broadcast %scan3A_164 : f32 to vector<16xf32>
      %select_n3A_404 = arith.select %lt3A_402, %gather3A_392, %broadcast_in_dim3A_403 : vector<16xi1>, vector<16xf32>
      %max3A_405 = arith.maximumf %broadcast_in_dim3A_373, %select_n3A_404 : vector<16xf32>
      %add3A_406 = arith.constant 512 : i32
      %add3A_407 = vector.broadcast %add3A_406 : i32 to vector<16xi32>
      %add3A_408 = arith.addi %add3A_367, %add3A_407 : vector<16xi32>
      %gather3A_409 = tpu.vector_load_idx %arg6[%add3A_408] : memref<32768xf32, #tpu.memory_space<vmem>>[vector<16xi32>], vector<16xf32>,
      %eq3A_410 = vector.broadcast %reduce_max3A_277 : f32 to vector<16xf32>
      %eq3A_411 = arith.cmpf oeq, %gather3A_409, %eq3A_410 : vector<16xf32>
      %jit3A_412 = arith.constant 1 : i32
      %jit3A_413 = arith.constant 0 : i32
      %broadcast_in_dim3A_414 = vector.broadcast %jit3A_412 : i32 to vector<16xi32>
      %broadcast_in_dim3A_415 = vector.broadcast %jit3A_413 : i32 to vector<16xi32>
      %select_n3A_416 = arith.select %eq3A_411, %broadcast_in_dim3A_414, %broadcast_in_dim3A_415 : vector<16xi1>, vector<16xi32>
      %add3A_417 = arith.addi %add3A_384, %select_n3A_416 : vector<16xi32>
      %lt3A_418 = vector.broadcast %reduce_max3A_277 : f32 to vector<16xf32>
      %lt3A_419 = arith.cmpf olt, %gather3A_409, %lt3A_418 : vector<16xf32>
      %broadcast_in_dim3A_420 = vector.broadcast %scan3A_164 : f32 to vector<16xf32>
      %select_n3A_421 = arith.select %lt3A_419, %gather3A_409, %broadcast_in_dim3A_420 : vector<16xi1>, vector<16xf32>
      %max3A_422 = arith.maximumf %max3A_388, %select_n3A_421 : vector<16xf32>
      %add3A_423 = arith.constant 768 : i32
      %add3A_424 = vector.broadcast %add3A_423 : i32 to vector<16xi32>
      %add3A_425 = arith.addi %add3A_367, %add3A_424 : vector<16xi32>
      %gather3A_426 = tpu.vector_load_idx %arg6[%add3A_425] : memref<32768xf32, #tpu.memory_space<vmem>>[vector<16xi32>], vector<16xf32>,
      %eq3A_427 = vector.broadcast %reduce_max3A_277 : f32 to vector<16xf32>
      %eq3A_428 = arith.cmpf oeq, %gather3A_426, %eq3A_427 : vector<16xf32>
      %jit3A_429 = arith.constant 1 : i32
      %jit3A_430 = arith.constant 0 : i32
      %broadcast_in_dim3A_431 = vector.broadcast %jit3A_429 : i32 to vector<16xi32>
      %broadcast_in_dim3A_432 = vector.broadcast %jit3A_430 : i32 to vector<16xi32>
      %select_n3A_433 = arith.select %eq3A_428, %broadcast_in_dim3A_431, %broadcast_in_dim3A_432 : vector<16xi1>, vector<16xi32>
      %add3A_434 = arith.addi %add3A_400, %select_n3A_433 : vector<16xi32>
      %lt3A_435 = vector.broadcast %reduce_max3A_277 : f32 to vector<16xf32>
      %lt3A_436 = arith.cmpf olt, %gather3A_426, %lt3A_435 : vector<16xf32>
      %broadcast_in_dim3A_437 = vector.broadcast %scan3A_164 : f32 to vector<16xf32>
      %select_n3A_438 = arith.select %lt3A_436, %gather3A_426, %broadcast_in_dim3A_437 : vector<16xi1>, vector<16xf32>
      %max3A_439 = arith.maximumf %max3A_405, %select_n3A_438 : vector<16xf32>
      %add3A_440 = arith.constant 1024 : i32
      %add3A_441 = vector.broadcast %add3A_440 : i32 to vector<16xi32>
      %add3A_442 = arith.addi %add3A_367, %add3A_441 : vector<16xi32>
      %gather3A_443 = tpu.vector_load_idx %arg6[%add3A_442] : memref<32768xf32, #tpu.memory_space<vmem>>[vector<16xi32>], vector<16xf32>,
      %eq3A_444 = vector.broadcast %reduce_max3A_277 : f32 to vector<16xf32>
      %eq3A_445 = arith.cmpf oeq, %gather3A_443, %eq3A_444 : vector<16xf32>
      %jit3A_446 = arith.constant 1 : i32
      %jit3A_447 = arith.constant 0 : i32
      %broadcast_in_dim3A_448 = vector.broadcast %jit3A_446 : i32 to vector<16xi32>
      %broadcast_in_dim3A_449 = vector.broadcast %jit3A_447 : i32 to vector<16xi32>
      %select_n3A_450 = arith.select %eq3A_445, %broadcast_in_dim3A_448, %broadcast_in_dim3A_449 : vector<16xi1>, vector<16xi32>
      %add3A_451 = arith.addi %add3A_417, %select_n3A_450 : vector<16xi32>
      %lt3A_452 = vector.broadcast %reduce_max3A_277 : f32 to vector<16xf32>
      %lt3A_453 = arith.cmpf olt, %gather3A_443, %lt3A_452 : vector<16xf32>
      %broadcast_in_dim3A_454 = vector.broadcast %scan3A_164 : f32 to vector<16xf32>
      %select_n3A_455 = arith.select %lt3A_453, %gather3A_443, %broadcast_in_dim3A_454 : vector<16xi1>, vector<16xf32>
      %max3A_456 = arith.maximumf %max3A_422, %select_n3A_455 : vector<16xf32>
      %add3A_457 = arith.constant 1280 : i32
      %add3A_458 = vector.broadcast %add3A_457 : i32 to vector<16xi32>
      %add3A_459 = arith.addi %add3A_367, %add3A_458 : vector<16xi32>
      %gather3A_460 = tpu.vector_load_idx %arg6[%add3A_459] : memref<32768xf32, #tpu.memory_space<vmem>>[vector<16xi32>], vector<16xf32>,
      %eq3A_461 = vector.broadcast %reduce_max3A_277 : f32 to vector<16xf32>
      %eq3A_462 = arith.cmpf oeq, %gather3A_460, %eq3A_461 : vector<16xf32>
      %jit3A_463 = arith.constant 1 : i32
      %jit3A_464 = arith.constant 0 : i32
      %broadcast_in_dim3A_465 = vector.broadcast %jit3A_463 : i32 to vector<16xi32>
      %broadcast_in_dim3A_466 = vector.broadcast %jit3A_464 : i32 to vector<16xi32>
      %select_n3A_467 = arith.select %eq3A_462, %broadcast_in_dim3A_465, %broadcast_in_dim3A_466 : vector<16xi1>, vector<16xi32>
      %add3A_468 = arith.addi %add3A_434, %select_n3A_467 : vector<16xi32>
      %lt3A_469 = vector.broadcast %reduce_max3A_277 : f32 to vector<16xf32>
      %lt3A_470 = arith.cmpf olt, %gather3A_460, %lt3A_469 : vector<16xf32>
      %broadcast_in_dim3A_471 = vector.broadcast %scan3A_164 : f32 to vector<16xf32>
      %select_n3A_472 = arith.select %lt3A_470, %gather3A_460, %broadcast_in_dim3A_471 : vector<16xi1>, vector<16xf32>
      %max3A_473 = arith.maximumf %max3A_439, %select_n3A_472 : vector<16xf32>
      %add3A_474 = arith.constant 1536 : i32
      %add3A_475 = vector.broadcast %add3A_474 : i32 to vector<16xi32>
      %add3A_476 = arith.addi %add3A_367, %add3A_475 : vector<16xi32>
      %gather3A_477 = tpu.vector_load_idx %arg6[%add3A_476] : memref<32768xf32, #tpu.memory_space<vmem>>[vector<16xi32>], vector<16xf32>,
      %eq3A_478 = vector.broadcast %reduce_max3A_277 : f32 to vector<16xf32>
      %eq3A_479 = arith.cmpf oeq, %gather3A_477, %eq3A_478 : vector<16xf32>
      %jit3A_480 = arith.constant 1 : i32
      %jit3A_481 = arith.constant 0 : i32
      %broadcast_in_dim3A_482 = vector.broadcast %jit3A_480 : i32 to vector<16xi32>
      %broadcast_in_dim3A_483 = vector.broadcast %jit3A_481 : i32 to vector<16xi32>
      %select_n3A_484 = arith.select %eq3A_479, %broadcast_in_dim3A_482, %broadcast_in_dim3A_483 : vector<16xi1>, vector<16xi32>
      %add3A_485 = arith.addi %add3A_451, %select_n3A_484 : vector<16xi32>
      %lt3A_486 = vector.broadcast %reduce_max3A_277 : f32 to vector<16xf32>
      %lt3A_487 = arith.cmpf olt, %gather3A_477, %lt3A_486 : vector<16xf32>
      %broadcast_in_dim3A_488 = vector.broadcast %scan3A_164 : f32 to vector<16xf32>
      %select_n3A_489 = arith.select %lt3A_487, %gather3A_477, %broadcast_in_dim3A_488 : vector<16xi1>, vector<16xf32>
      %max3A_490 = arith.maximumf %max3A_456, %select_n3A_489 : vector<16xf32>
      %add3A_491 = arith.constant 1792 : i32
      %add3A_492 = vector.broadcast %add3A_491 : i32 to vector<16xi32>
      %add3A_493 = arith.addi %add3A_367, %add3A_492 : vector<16xi32>
      %gather3A_494 = tpu.vector_load_idx %arg6[%add3A_493] : memref<32768xf32, #tpu.memory_space<vmem>>[vector<16xi32>], vector<16xf32>,
      %eq3A_495 = vector.broadcast %reduce_max3A_277 : f32 to vector<16xf32>
      %eq3A_496 = arith.cmpf oeq, %gather3A_494, %eq3A_495 : vector<16xf32>
      %jit3A_497 = arith.constant 1 : i32
      %jit3A_498 = arith.constant 0 : i32
      %broadcast_in_dim3A_499 = vector.broadcast %jit3A_497 : i32 to vector<16xi32>
      %broadcast_in_dim3A_500 = vector.broadcast %jit3A_498 : i32 to vector<16xi32>
      %select_n3A_501 = arith.select %eq3A_496, %broadcast_in_dim3A_499, %broadcast_in_dim3A_500 : vector<16xi1>, vector<16xi32>
      %add3A_502 = arith.addi %add3A_468, %select_n3A_501 : vector<16xi32>
      %lt3A_503 = vector.broadcast %reduce_max3A_277 : f32 to vector<16xf32>
      %lt3A_504 = arith.cmpf olt, %gather3A_494, %lt3A_503 : vector<16xf32>
      %broadcast_in_dim3A_505 = vector.broadcast %scan3A_164 : f32 to vector<16xf32>
      %select_n3A_506 = arith.select %lt3A_504, %gather3A_494, %broadcast_in_dim3A_505 : vector<16xi1>, vector<16xf32>
      %max3A_507 = arith.maximumf %max3A_473, %select_n3A_506 : vector<16xf32>
      %add3A_508 = arith.constant 2048 : i32
      %add3A_509 = vector.broadcast %add3A_508 : i32 to vector<16xi32>
      %add3A_510 = arith.addi %add3A_367, %add3A_509 : vector<16xi32>
      %gather3A_511 = tpu.vector_load_idx %arg6[%add3A_510] : memref<32768xf32, #tpu.memory_space<vmem>>[vector<16xi32>], vector<16xf32>,
      %eq3A_512 = vector.broadcast %reduce_max3A_277 : f32 to vector<16xf32>
      %eq3A_513 = arith.cmpf oeq, %gather3A_511, %eq3A_512 : vector<16xf32>
      %jit3A_514 = arith.constant 1 : i32
      %jit3A_515 = arith.constant 0 : i32
      %broadcast_in_dim3A_516 = vector.broadcast %jit3A_514 : i32 to vector<16xi32>
      %broadcast_in_dim3A_517 = vector.broadcast %jit3A_515 : i32 to vector<16xi32>
      %select_n3A_518 = arith.select %eq3A_513, %broadcast_in_dim3A_516, %broadcast_in_dim3A_517 : vector<16xi1>, vector<16xi32>
      %add3A_519 = arith.addi %add3A_485, %select_n3A_518 : vector<16xi32>
      %lt3A_520 = vector.broadcast %reduce_max3A_277 : f32 to vector<16xf32>
      %lt3A_521 = arith.cmpf olt, %gather3A_511, %lt3A_520 : vector<16xf32>
      %broadcast_in_dim3A_522 = vector.broadcast %scan3A_164 : f32 to vector<16xf32>
      %select_n3A_523 = arith.select %lt3A_521, %gather3A_511, %broadcast_in_dim3A_522 : vector<16xi1>, vector<16xf32>
      %max3A_524 = arith.maximumf %max3A_490, %select_n3A_523 : vector<16xf32>
      %add3A_525 = arith.constant 2304 : i32
      %add3A_526 = vector.broadcast %add3A_525 : i32 to vector<16xi32>
      %add3A_527 = arith.addi %add3A_367, %add3A_526 : vector<16xi32>
      %gather3A_528 = tpu.vector_load_idx %arg6[%add3A_527] : memref<32768xf32, #tpu.memory_space<vmem>>[vector<16xi32>], vector<16xf32>,
      %eq3A_529 = vector.broadcast %reduce_max3A_277 : f32 to vector<16xf32>
      %eq3A_530 = arith.cmpf oeq, %gather3A_528, %eq3A_529 : vector<16xf32>
      %jit3A_531 = arith.constant 1 : i32
      %jit3A_532 = arith.constant 0 : i32
      %broadcast_in_dim3A_533 = vector.broadcast %jit3A_531 : i32 to vector<16xi32>
      %broadcast_in_dim3A_534 = vector.broadcast %jit3A_532 : i32 to vector<16xi32>
      %select_n3A_535 = arith.select %eq3A_530, %broadcast_in_dim3A_533, %broadcast_in_dim3A_534 : vector<16xi1>, vector<16xi32>
      %add3A_536 = arith.addi %add3A_502, %select_n3A_535 : vector<16xi32>
      %lt3A_537 = vector.broadcast %reduce_max3A_277 : f32 to vector<16xf32>
      %lt3A_538 = arith.cmpf olt, %gather3A_528, %lt3A_537 : vector<16xf32>
      %broadcast_in_dim3A_539 = vector.broadcast %scan3A_164 : f32 to vector<16xf32>
      %select_n3A_540 = arith.select %lt3A_538, %gather3A_528, %broadcast_in_dim3A_539 : vector<16xi1>, vector<16xf32>
      %max3A_541 = arith.maximumf %max3A_507, %select_n3A_540 : vector<16xf32>
      %add3A_542 = arith.constant 2560 : i32
      %add3A_543 = vector.broadcast %add3A_542 : i32 to vector<16xi32>
      %add3A_544 = arith.addi %add3A_367, %add3A_543 : vector<16xi32>
      %gather3A_545 = tpu.vector_load_idx %arg6[%add3A_544] : memref<32768xf32, #tpu.memory_space<vmem>>[vector<16xi32>], vector<16xf32>,
      %eq3A_546 = vector.broadcast %reduce_max3A_277 : f32 to vector<16xf32>
      %eq3A_547 = arith.cmpf oeq, %gather3A_545, %eq3A_546 : vector<16xf32>
      %jit3A_548 = arith.constant 1 : i32
      %jit3A_549 = arith.constant 0 : i32
      %broadcast_in_dim3A_550 = vector.broadcast %jit3A_548 : i32 to vector<16xi32>
      %broadcast_in_dim3A_551 = vector.broadcast %jit3A_549 : i32 to vector<16xi32>
      %select_n3A_552 = arith.select %eq3A_547, %broadcast_in_dim3A_550, %broadcast_in_dim3A_551 : vector<16xi1>, vector<16xi32>
      %add3A_553 = arith.addi %add3A_519, %select_n3A_552 : vector<16xi32>
      %lt3A_554 = vector.broadcast %reduce_max3A_277 : f32 to vector<16xf32>
      %lt3A_555 = arith.cmpf olt, %gather3A_545, %lt3A_554 : vector<16xf32>
      %broadcast_in_dim3A_556 = vector.broadcast %scan3A_164 : f32 to vector<16xf32>
      %select_n3A_557 = arith.select %lt3A_555, %gather3A_545, %broadcast_in_dim3A_556 : vector<16xi1>, vector<16xf32>
      %max3A_558 = arith.maximumf %max3A_524, %select_n3A_557 : vector<16xf32>
      %add3A_559 = arith.constant 2816 : i32
      %add3A_560 = vector.broadcast %add3A_559 : i32 to vector<16xi32>
      %add3A_561 = arith.addi %add3A_367, %add3A_560 : vector<16xi32>
      %gather3A_562 = tpu.vector_load_idx %arg6[%add3A_561] : memref<32768xf32, #tpu.memory_space<vmem>>[vector<16xi32>], vector<16xf32>,
      %eq3A_563 = vector.broadcast %reduce_max3A_277 : f32 to vector<16xf32>
      %eq3A_564 = arith.cmpf oeq, %gather3A_562, %eq3A_563 : vector<16xf32>
      %jit3A_565 = arith.constant 1 : i32
      %jit3A_566 = arith.constant 0 : i32
      %broadcast_in_dim3A_567 = vector.broadcast %jit3A_565 : i32 to vector<16xi32>
      %broadcast_in_dim3A_568 = vector.broadcast %jit3A_566 : i32 to vector<16xi32>
      %select_n3A_569 = arith.select %eq3A_564, %broadcast_in_dim3A_567, %broadcast_in_dim3A_568 : vector<16xi1>, vector<16xi32>
      %add3A_570 = arith.addi %add3A_536, %select_n3A_569 : vector<16xi32>
      %lt3A_571 = vector.broadcast %reduce_max3A_277 : f32 to vector<16xf32>
      %lt3A_572 = arith.cmpf olt, %gather3A_562, %lt3A_571 : vector<16xf32>
      %broadcast_in_dim3A_573 = vector.broadcast %scan3A_164 : f32 to vector<16xf32>
      %select_n3A_574 = arith.select %lt3A_572, %gather3A_562, %broadcast_in_dim3A_573 : vector<16xi1>, vector<16xf32>
      %max3A_575 = arith.maximumf %max3A_541, %select_n3A_574 : vector<16xf32>
      %add3A_576 = arith.constant 3072 : i32
      %add3A_577 = vector.broadcast %add3A_576 : i32 to vector<16xi32>
      %add3A_578 = arith.addi %add3A_367, %add3A_577 : vector<16xi32>
      %gather3A_579 = tpu.vector_load_idx %arg6[%add3A_578] : memref<32768xf32, #tpu.memory_space<vmem>>[vector<16xi32>], vector<16xf32>,
      %eq3A_580 = vector.broadcast %reduce_max3A_277 : f32 to vector<16xf32>
      %eq3A_581 = arith.cmpf oeq, %gather3A_579, %eq3A_580 : vector<16xf32>
      %jit3A_582 = arith.constant 1 : i32
      %jit3A_583 = arith.constant 0 : i32
      %broadcast_in_dim3A_584 = vector.broadcast %jit3A_582 : i32 to vector<16xi32>
      %broadcast_in_dim3A_585 = vector.broadcast %jit3A_583 : i32 to vector<16xi32>
      %select_n3A_586 = arith.select %eq3A_581, %broadcast_in_dim3A_584, %broadcast_in_dim3A_585 : vector<16xi1>, vector<16xi32>
      %add3A_587 = arith.addi %add3A_553, %select_n3A_586 : vector<16xi32>
      %lt3A_588 = vector.broadcast %reduce_max3A_277 : f32 to vector<16xf32>
      %lt3A_589 = arith.cmpf olt, %gather3A_579, %lt3A_588 : vector<16xf32>
      %broadcast_in_dim3A_590 = vector.broadcast %scan3A_164 : f32 to vector<16xf32>
      %select_n3A_591 = arith.select %lt3A_589, %gather3A_579, %broadcast_in_dim3A_590 : vector<16xi1>, vector<16xf32>
      %max3A_592 = arith.maximumf %max3A_558, %select_n3A_591 : vector<16xf32>
      %add3A_593 = arith.constant 3328 : i32
      %add3A_594 = vector.broadcast %add3A_593 : i32 to vector<16xi32>
      %add3A_595 = arith.addi %add3A_367, %add3A_594 : vector<16xi32>
      %gather3A_596 = tpu.vector_load_idx %arg6[%add3A_595] : memref<32768xf32, #tpu.memory_space<vmem>>[vector<16xi32>], vector<16xf32>,
      %eq3A_597 = vector.broadcast %reduce_max3A_277 : f32 to vector<16xf32>
      %eq3A_598 = arith.cmpf oeq, %gather3A_596, %eq3A_597 : vector<16xf32>
      %jit3A_599 = arith.constant 1 : i32
      %jit3A_600 = arith.constant 0 : i32
      %broadcast_in_dim3A_601 = vector.broadcast %jit3A_599 : i32 to vector<16xi32>
      %broadcast_in_dim3A_602 = vector.broadcast %jit3A_600 : i32 to vector<16xi32>
      %select_n3A_603 = arith.select %eq3A_598, %broadcast_in_dim3A_601, %broadcast_in_dim3A_602 : vector<16xi1>, vector<16xi32>
      %add3A_604 = arith.addi %add3A_570, %select_n3A_603 : vector<16xi32>
      %lt3A_605 = vector.broadcast %reduce_max3A_277 : f32 to vector<16xf32>
      %lt3A_606 = arith.cmpf olt, %gather3A_596, %lt3A_605 : vector<16xf32>
      %broadcast_in_dim3A_607 = vector.broadcast %scan3A_164 : f32 to vector<16xf32>
      %select_n3A_608 = arith.select %lt3A_606, %gather3A_596, %broadcast_in_dim3A_607 : vector<16xi1>, vector<16xf32>
      %max3A_609 = arith.maximumf %max3A_575, %select_n3A_608 : vector<16xf32>
      %add3A_610 = arith.constant 3584 : i32
      %add3A_611 = vector.broadcast %add3A_610 : i32 to vector<16xi32>
      %add3A_612 = arith.addi %add3A_367, %add3A_611 : vector<16xi32>
      %gather3A_613 = tpu.vector_load_idx %arg6[%add3A_612] : memref<32768xf32, #tpu.memory_space<vmem>>[vector<16xi32>], vector<16xf32>,
      %eq3A_614 = vector.broadcast %reduce_max3A_277 : f32 to vector<16xf32>
      %eq3A_615 = arith.cmpf oeq, %gather3A_613, %eq3A_614 : vector<16xf32>
      %jit3A_616 = arith.constant 1 : i32
      %jit3A_617 = arith.constant 0 : i32
      %broadcast_in_dim3A_618 = vector.broadcast %jit3A_616 : i32 to vector<16xi32>
      %broadcast_in_dim3A_619 = vector.broadcast %jit3A_617 : i32 to vector<16xi32>
      %select_n3A_620 = arith.select %eq3A_615, %broadcast_in_dim3A_618, %broadcast_in_dim3A_619 : vector<16xi1>, vector<16xi32>
      %add3A_621 = arith.addi %add3A_587, %select_n3A_620 : vector<16xi32>
      %lt3A_622 = vector.broadcast %reduce_max3A_277 : f32 to vector<16xf32>
      %lt3A_623 = arith.cmpf olt, %gather3A_613, %lt3A_622 : vector<16xf32>
      %broadcast_in_dim3A_624 = vector.broadcast %scan3A_164 : f32 to vector<16xf32>
      %select_n3A_625 = arith.select %lt3A_623, %gather3A_613, %broadcast_in_dim3A_624 : vector<16xi1>, vector<16xf32>
      %max3A_626 = arith.maximumf %max3A_592, %select_n3A_625 : vector<16xf32>
      %add3A_627 = arith.constant 3840 : i32
      %add3A_628 = vector.broadcast %add3A_627 : i32 to vector<16xi32>
      %add3A_629 = arith.addi %add3A_367, %add3A_628 : vector<16xi32>
      %gather3A_630 = tpu.vector_load_idx %arg6[%add3A_629] : memref<32768xf32, #tpu.memory_space<vmem>>[vector<16xi32>], vector<16xf32>,
      %eq3A_631 = vector.broadcast %reduce_max3A_277 : f32 to vector<16xf32>
      %eq3A_632 = arith.cmpf oeq, %gather3A_630, %eq3A_631 : vector<16xf32>
      %jit3A_633 = arith.constant 1 : i32
      %jit3A_634 = arith.constant 0 : i32
      %broadcast_in_dim3A_635 = vector.broadcast %jit3A_633 : i32 to vector<16xi32>
      %broadcast_in_dim3A_636 = vector.broadcast %jit3A_634 : i32 to vector<16xi32>
      %select_n3A_637 = arith.select %eq3A_632, %broadcast_in_dim3A_635, %broadcast_in_dim3A_636 : vector<16xi1>, vector<16xi32>
      %add3A_638 = arith.addi %add3A_604, %select_n3A_637 : vector<16xi32>
      %lt3A_639 = vector.broadcast %reduce_max3A_277 : f32 to vector<16xf32>
      %lt3A_640 = arith.cmpf olt, %gather3A_630, %lt3A_639 : vector<16xf32>
      %broadcast_in_dim3A_641 = vector.broadcast %scan3A_164 : f32 to vector<16xf32>
      %select_n3A_642 = arith.select %lt3A_640, %gather3A_630, %broadcast_in_dim3A_641 : vector<16xi1>, vector<16xf32>
      %max3A_643 = arith.maximumf %max3A_609, %select_n3A_642 : vector<16xf32>
      %lt3A_644 = arith.constant 10 : i32
      %lt3A_645 = arith.cmpi slt, %scan3A_259, %lt3A_644 : i32
      %select_n3A_646 = arith.select %lt3A_645, %reduce_max3A_277, %scan3A_260 : f32
      %add3A_647 = arith.addi %add3A_621, %add3A_638 : vector<16xi32>
      %reduce_sum3A = arith.constant true
      %reduce_sum3A_648 = vector.broadcast %reduce_sum3A : i1 to vector<16xi1>
      %reduce_sum3A_649 = tpu.scan <sum>, %add3A_647 masked %reduce_sum3A_648 : vector<16xi32>, vector<16xi1> -> vector<16xi32>
      %reduce_sum3A_650 = vector.extract %reduce_sum3A_649[15] : i32 from vector<16xi32>
      %add3A_651 = arith.addi %scan3A_259, %reduce_sum3A_650 : i32
      %max3A_652 = arith.maximumf %max3A_626, %max3A_643 : vector<16xf32>
      %reduce_max3A_653 = arith.constant true
      %reduce_max3A_654 = vector.broadcast %reduce_max3A_653 : i1 to vector<16xi1>
      %reduce_max3A_655 = tpu.scan <max>, %max3A_652 masked %reduce_max3A_654 : vector<16xf32>, vector<16xi1> -> vector<16xf32>
      %reduce_max3A_656 = vector.extract %reduce_max3A_655[15] : f32 from vector<16xf32>
      %eq3A_657 = arith.constant 0 : i32
      %eq3A_658 = arith.cmpi eq, %shift_right_arithmetic3A_357, %eq3A_657 : i32
      %eq3A_659 = vector.broadcast %and3A_358 : i32 to vector<16xi32>
      %eq3A_660 = arith.cmpi eq, %iota3A, %eq3A_659 : vector<16xi32>
      %and3A_661 = vector.broadcast %eq3A_658 : i1 to vector<16xi1>
      %and3A_662 = arith.andi %and3A_661, %eq3A_660 : vector<16xi1>
      %broadcast_in_dim3A_663 = vector.broadcast %reduce_max3A_656 : f32 to vector<16xf32>
      %select_n3A_664 = arith.select %and3A_662, %broadcast_in_dim3A_663, %scan3A_261 : vector<16xi1>, vector<16xf32>
      %eq3A_665 = arith.constant 1 : i32
      %eq3A_666 = arith.cmpi eq, %shift_right_arithmetic3A_357, %eq3A_665 : i32
      %eq3A_667 = vector.broadcast %and3A_358 : i32 to vector<16xi32>
      %eq3A_668 = arith.cmpi eq, %iota3A, %eq3A_667 : vector<16xi32>
      %and3A_669 = vector.broadcast %eq3A_666 : i1 to vector<16xi1>
      %and3A_670 = arith.andi %and3A_669, %eq3A_668 : vector<16xi1>
      %broadcast_in_dim3A_671 = vector.broadcast %reduce_max3A_656 : f32 to vector<16xf32>
      %select_n3A_672 = arith.select %and3A_670, %broadcast_in_dim3A_671, %scan3A_262 : vector<16xi1>, vector<16xf32>
      %eq3A_673 = arith.constant 2 : i32
      %eq3A_674 = arith.cmpi eq, %shift_right_arithmetic3A_357, %eq3A_673 : i32
      %eq3A_675 = vector.broadcast %and3A_358 : i32 to vector<16xi32>
      %eq3A_676 = arith.cmpi eq, %iota3A, %eq3A_675 : vector<16xi32>
      %and3A_677 = vector.broadcast %eq3A_674 : i1 to vector<16xi1>
      %and3A_678 = arith.andi %and3A_677, %eq3A_676 : vector<16xi1>
      %broadcast_in_dim3A_679 = vector.broadcast %reduce_max3A_656 : f32 to vector<16xf32>
      %select_n3A_680 = arith.select %and3A_678, %broadcast_in_dim3A_679, %scan3A_263 : vector<16xi1>, vector<16xf32>
      %eq3A_681 = arith.constant 3 : i32
      %eq3A_682 = arith.cmpi eq, %shift_right_arithmetic3A_357, %eq3A_681 : i32
      %eq3A_683 = vector.broadcast %and3A_358 : i32 to vector<16xi32>
      %eq3A_684 = arith.cmpi eq, %iota3A, %eq3A_683 : vector<16xi32>
      %and3A_685 = vector.broadcast %eq3A_682 : i1 to vector<16xi1>
      %and3A_686 = arith.andi %and3A_685, %eq3A_684 : vector<16xi1>
      %broadcast_in_dim3A_687 = vector.broadcast %reduce_max3A_656 : f32 to vector<16xf32>
      %select_n3A_688 = arith.select %and3A_686, %broadcast_in_dim3A_687, %scan3A_264 : vector<16xi1>, vector<16xf32>
      %eq3A_689 = arith.constant 4 : i32
      %eq3A_690 = arith.cmpi eq, %shift_right_arithmetic3A_357, %eq3A_689 : i32
      %eq3A_691 = vector.broadcast %and3A_358 : i32 to vector<16xi32>
      %eq3A_692 = arith.cmpi eq, %iota3A, %eq3A_691 : vector<16xi32>
      %and3A_693 = vector.broadcast %eq3A_690 : i1 to vector<16xi1>
      %and3A_694 = arith.andi %and3A_693, %eq3A_692 : vector<16xi1>
      %broadcast_in_dim3A_695 = vector.broadcast %reduce_max3A_656 : f32 to vector<16xf32>
      %select_n3A_696 = arith.select %and3A_694, %broadcast_in_dim3A_695, %scan3A_265 : vector<16xi1>, vector<16xf32>
      %eq3A_697 = arith.constant 5 : i32
      %eq3A_698 = arith.cmpi eq, %shift_right_arithmetic3A_357, %eq3A_697 : i32
      %eq3A_699 = vector.broadcast %and3A_358 : i32 to vector<16xi32>
      %eq3A_700 = arith.cmpi eq, %iota3A, %eq3A_699 : vector<16xi32>
      %and3A_701 = vector.broadcast %eq3A_698 : i1 to vector<16xi1>
      %and3A_702 = arith.andi %and3A_701, %eq3A_700 : vector<16xi1>
      %broadcast_in_dim3A_703 = vector.broadcast %reduce_max3A_656 : f32 to vector<16xf32>
      %select_n3A_704 = arith.select %and3A_702, %broadcast_in_dim3A_703, %scan3A_266 : vector<16xi1>, vector<16xf32>
      %eq3A_705 = arith.constant 6 : i32
      %eq3A_706 = arith.cmpi eq, %shift_right_arithmetic3A_357, %eq3A_705 : i32
      %eq3A_707 = vector.broadcast %and3A_358 : i32 to vector<16xi32>
      %eq3A_708 = arith.cmpi eq, %iota3A, %eq3A_707 : vector<16xi32>
      %and3A_709 = vector.broadcast %eq3A_706 : i1 to vector<16xi1>
      %and3A_710 = arith.andi %and3A_709, %eq3A_708 : vector<16xi1>
      %broadcast_in_dim3A_711 = vector.broadcast %reduce_max3A_656 : f32 to vector<16xf32>
      %select_n3A_712 = arith.select %and3A_710, %broadcast_in_dim3A_711, %scan3A_267 : vector<16xi1>, vector<16xf32>
      %eq3A_713 = arith.constant 7 : i32
      %eq3A_714 = arith.cmpi eq, %shift_right_arithmetic3A_357, %eq3A_713 : i32
      %eq3A_715 = vector.broadcast %and3A_358 : i32 to vector<16xi32>
      %eq3A_716 = arith.cmpi eq, %iota3A, %eq3A_715 : vector<16xi32>
      %and3A_717 = vector.broadcast %eq3A_714 : i1 to vector<16xi1>
      %and3A_718 = arith.andi %and3A_717, %eq3A_716 : vector<16xi1>
      %broadcast_in_dim3A_719 = vector.broadcast %reduce_max3A_656 : f32 to vector<16xf32>
      %select_n3A_720 = arith.select %and3A_718, %broadcast_in_dim3A_719, %scan3A_268 : vector<16xi1>, vector<16xf32>
      scf.yield %add3A_651, %select_n3A_646, %select_n3A_664, %select_n3A_672, %select_n3A_680, %select_n3A_688, %select_n3A_696, %select_n3A_704, %select_n3A_712, %select_n3A_720 : i32, f32, vector<16xf32>, vector<16xf32>, vector<16xf32>, vector<16xf32>, vector<16xf32>, vector<16xf32>, vector<16xf32>, vector<16xf32>
    }
    %scan3A_172 = arith.constant 10 : i32
    %broadcast_in_dim3A_173 = vector.broadcast %scan3A_171#1 : f32 to vector<16xf32>
    %broadcast_in_dim3A_174 = arith.constant 1.000000e+00 : f32
    %broadcast_in_dim3A_175 = vector.broadcast %broadcast_in_dim3A_174 : f32 to vector<16xf32>
    %broadcast_in_dim3A_176 = arith.constant 0.000000e+00 : f32
    %broadcast_in_dim3A_177 = vector.broadcast %broadcast_in_dim3A_176 : f32 to vector<16xf32>
    %parallel_loop3A_178 = arith.constant 0 : i32
    %parallel_loop3A_179 = arith.constant 2048 : i32
    %parallel_loop3A_180 = arith.constant 1 : i32
    scf.for %parallel_loop3A_258 = %parallel_loop3A_178 to %parallel_loop3A_179 step %parallel_loop3A_180  : i32 {
      %parallel_loop3A_259 = arith.constant 16 : i32
      %parallel_loop3A_260 = arith.muli %parallel_loop3A_258, %parallel_loop3A_259 : i32
      %parallel_loop3A_261 = arith.index_cast %parallel_loop3A_260 : i32 to index
      %parallel_loop3A_262 = tpu.vector_load %arg6[%parallel_loop3A_261] {strides = array<i32>} : memref<32768xf32, #tpu.memory_space<vmem>>, vector<16xf32>,
      %parallel_loop3A_263 = arith.cmpf oge, %parallel_loop3A_262, %broadcast_in_dim3A_173 : vector<16xf32>
      %parallel_loop3A_264 = arith.select %parallel_loop3A_263, %broadcast_in_dim3A_175, %broadcast_in_dim3A_177 : vector<16xi1>, vector<16xf32>
      %parallel_loop3A_265 = arith.constant 16 : i32
      %parallel_loop3A_266 = arith.muli %parallel_loop3A_258, %parallel_loop3A_265 : i32
      %parallel_loop3A_267 = arith.index_cast %parallel_loop3A_266 : i32 to index
      %parallel_loop3A_268 = tpu.vector_load %arg6[%parallel_loop3A_267] {strides = array<i32>} : memref<32768xf32, #tpu.memory_space<vmem>>, vector<16xf32>,
      tpu.vector_store %arg6[%parallel_loop3A_267], %parallel_loop3A_264 {strides = array<i32>} : memref<32768xf32, #tpu.memory_space<vmem>>, vector<16xf32>,
    } {sc.loop_unroll_factor = 16 : i64, sc.parallel_access}
    %add3A_181 = arith.constant 2 : i32
    %add3A_182 = arith.addi %mul3A_2, %add3A_181 : i32
    %dma_start3A_183 = arith.constant 0 : i32
    %dma_start3A_184 = tpu.memref_slice %arg3[%add3A_182, %dma_start3A_183] : memref<128x32768xf32, #tpu.memory_space<hbm>> -> memref<1x32768xf32, #tpu.memory_space<hbm>>
    %dma_start3A_185 = tpu.memref_squeeze %dma_start3A_184 : memref<1x32768xf32, #tpu.memory_space<hbm>> -> memref<32768xf32, #tpu.memory_space<hbm>>
    %dma_start3A_186 = arith.constant 0 : i32
    %dma_start3A_187 = tpu.memref_slice %arg3[%add3A_182, %dma_start3A_186] : memref<128x32768xf32, #tpu.memory_space<hbm>> -> memref<1x32768xf32, #tpu.memory_space<hbm>>
    %dma_start3A_188 = tpu.memref_squeeze %dma_start3A_187 : memref<1x32768xf32, #tpu.memory_space<hbm>> -> memref<32768xf32, #tpu.memory_space<hbm>>
    tpu.enqueue_dma source(%arg6 : memref<32768xf32, #tpu.memory_space<vmem>>) target(%dma_start3A_188 : memref<32768xf32, #tpu.memory_space<hbm>>) target_semaphore(%arg14 : memref<!tpu.dma_semaphore, #tpu.memory_space<semaphore_mem>>)
    %dma_wait3A_189 = arith.constant 0 : i32
    %dma_wait3A_190 = tpu.memref_slice %arg2[%add3A_80, %dma_wait3A_189] : memref<128x32768xf32, #tpu.memory_space<hbm>> -> memref<1x32768xf32, #tpu.memory_space<hbm>>
    %dma_wait3A_191 = tpu.memref_squeeze %dma_wait3A_190 : memref<1x32768xf32, #tpu.memory_space<hbm>> -> memref<32768xf32, #tpu.memory_space<hbm>>
    %dma_wait3A_192 = arith.constant 0 : i32
    %dma_wait3A_193 = tpu.memref_slice %arg2[%add3A_80, %dma_wait3A_192] : memref<128x32768xf32, #tpu.memory_space<hbm>> -> memref<1x32768xf32, #tpu.memory_space<hbm>>
    %dma_wait3A_194 = tpu.memref_squeeze %dma_wait3A_193 : memref<1x32768xf32, #tpu.memory_space<hbm>> -> memref<32768xf32, #tpu.memory_space<hbm>>
    tpu.wait_dma2 semaphore(%arg9 : memref<!tpu.dma_semaphore, #tpu.memory_space<semaphore_mem>>) src(%dma_wait3A_194 : memref<32768xf32, #tpu.memory_space<hbm>>) dst(%arg4 : memref<32768xf32, #tpu.memory_space<vmem>>)
    %broadcast_in_dim3A_195 = arith.constant 0xFF800000 : f32
    %broadcast_in_dim3A_196 = vector.broadcast %broadcast_in_dim3A_195 : f32 to vector<16xf32>
    %broadcast_in_dim3A_197 = arith.constant 0xFF800000 : f32
    %broadcast_in_dim3A_198 = vector.broadcast %broadcast_in_dim3A_197 : f32 to vector<16xf32>
    %broadcast_in_dim3A_199 = arith.constant 0xFF800000 : f32
    %broadcast_in_dim3A_200 = vector.broadcast %broadcast_in_dim3A_199 : f32 to vector<16xf32>
    %broadcast_in_dim3A_201 = arith.constant 0xFF800000 : f32
    %broadcast_in_dim3A_202 = vector.broadcast %broadcast_in_dim3A_201 : f32 to vector<16xf32>
    %broadcast_in_dim3A_203 = arith.constant 0xFF800000 : f32
    %broadcast_in_dim3A_204 = vector.broadcast %broadcast_in_dim3A_203 : f32 to vector<16xf32>
    %broadcast_in_dim3A_205 = arith.constant 0xFF800000 : f32
    %broadcast_in_dim3A_206 = vector.broadcast %broadcast_in_dim3A_205 : f32 to vector<16xf32>
    %broadcast_in_dim3A_207 = arith.constant 0xFF800000 : f32
    %broadcast_in_dim3A_208 = vector.broadcast %broadcast_in_dim3A_207 : f32 to vector<16xf32>
    %broadcast_in_dim3A_209 = arith.constant 0xFF800000 : f32
    %broadcast_in_dim3A_210 = vector.broadcast %broadcast_in_dim3A_209 : f32 to vector<16xf32>
    %parallel_loop3A_211 = arith.constant 0 : i32
    %parallel_loop3A_212 = arith.constant 256 : i32
    %parallel_loop3A_213 = arith.constant 1 : i32
    %parallel_loop3A_214:8 = scf.for %parallel_loop3A_258 = %parallel_loop3A_211 to %parallel_loop3A_212 step %parallel_loop3A_213 iter_args(%parallel_loop3A_259 = %broadcast_in_dim3A_196, %parallel_loop3A_260 = %broadcast_in_dim3A_198, %parallel_loop3A_261 = %broadcast_in_dim3A_200, %parallel_loop3A_262 = %broadcast_in_dim3A_202, %parallel_loop3A_263 = %broadcast_in_dim3A_204, %parallel_loop3A_264 = %broadcast_in_dim3A_206, %parallel_loop3A_265 = %broadcast_in_dim3A_208, %parallel_loop3A_266 = %broadcast_in_dim3A_210) -> (vector<16xf32>, vector<16xf32>, vector<16xf32>, vector<16xf32>, vector<16xf32>, vector<16xf32>, vector<16xf32>, vector<16xf32>)  : i32 {
      %parallel_loop3A_267 = arith.constant 0 : i32
      %parallel_loop3A_268 = arith.addi %parallel_loop3A_267, %parallel_loop3A_258 : i32
      %parallel_loop3A_269 = arith.constant 16 : i32
      %parallel_loop3A_270 = arith.muli %parallel_loop3A_268, %parallel_loop3A_269 : i32
      %parallel_loop3A_271 = arith.index_cast %parallel_loop3A_270 : i32 to index
      %parallel_loop3A_272 = tpu.vector_load %arg4[%parallel_loop3A_271] {strides = array<i32>} : memref<32768xf32, #tpu.memory_space<vmem>>, vector<16xf32>,
      %parallel_loop3A_273 = arith.maximumf %parallel_loop3A_259, %parallel_loop3A_272 : vector<16xf32>
      %parallel_loop3A_274 = arith.constant 256 : i32
      %parallel_loop3A_275 = arith.addi %parallel_loop3A_274, %parallel_loop3A_258 : i32
      %parallel_loop3A_276 = arith.constant 16 : i32
      %parallel_loop3A_277 = arith.muli %parallel_loop3A_275, %parallel_loop3A_276 : i32
      %parallel_loop3A_278 = arith.index_cast %parallel_loop3A_277 : i32 to index
      %parallel_loop3A_279 = tpu.vector_load %arg4[%parallel_loop3A_278] {strides = array<i32>} : memref<32768xf32, #tpu.memory_space<vmem>>, vector<16xf32>,
      %parallel_loop3A_280 = arith.maximumf %parallel_loop3A_260, %parallel_loop3A_279 : vector<16xf32>
      %parallel_loop3A_281 = arith.constant 512 : i32
      %parallel_loop3A_282 = arith.addi %parallel_loop3A_281, %parallel_loop3A_258 : i32
      %parallel_loop3A_283 = arith.constant 16 : i32
      %parallel_loop3A_284 = arith.muli %parallel_loop3A_282, %parallel_loop3A_283 : i32
      %parallel_loop3A_285 = arith.index_cast %parallel_loop3A_284 : i32 to index
      %parallel_loop3A_286 = tpu.vector_load %arg4[%parallel_loop3A_285] {strides = array<i32>} : memref<32768xf32, #tpu.memory_space<vmem>>, vector<16xf32>,
      %parallel_loop3A_287 = arith.maximumf %parallel_loop3A_261, %parallel_loop3A_286 : vector<16xf32>
      %parallel_loop3A_288 = arith.constant 768 : i32
      %parallel_loop3A_289 = arith.addi %parallel_loop3A_288, %parallel_loop3A_258 : i32
      %parallel_loop3A_290 = arith.constant 16 : i32
      %parallel_loop3A_291 = arith.muli %parallel_loop3A_289, %parallel_loop3A_290 : i32
      %parallel_loop3A_292 = arith.index_cast %parallel_loop3A_291 : i32 to index
      %parallel_loop3A_293 = tpu.vector_load %arg4[%parallel_loop3A_292] {strides = array<i32>} : memref<32768xf32, #tpu.memory_space<vmem>>, vector<16xf32>,
      %parallel_loop3A_294 = arith.maximumf %parallel_loop3A_262, %parallel_loop3A_293 : vector<16xf32>
      %parallel_loop3A_295 = arith.constant 1024 : i32
      %parallel_loop3A_296 = arith.addi %parallel_loop3A_295, %parallel_loop3A_258 : i32
      %parallel_loop3A_297 = arith.constant 16 : i32
      %parallel_loop3A_298 = arith.muli %parallel_loop3A_296, %parallel_loop3A_297 : i32
      %parallel_loop3A_299 = arith.index_cast %parallel_loop3A_298 : i32 to index
      %parallel_loop3A_300 = tpu.vector_load %arg4[%parallel_loop3A_299] {strides = array<i32>} : memref<32768xf32, #tpu.memory_space<vmem>>, vector<16xf32>,
      %parallel_loop3A_301 = arith.maximumf %parallel_loop3A_263, %parallel_loop3A_300 : vector<16xf32>
      %parallel_loop3A_302 = arith.constant 1280 : i32
      %parallel_loop3A_303 = arith.addi %parallel_loop3A_302, %parallel_loop3A_258 : i32
      %parallel_loop3A_304 = arith.constant 16 : i32
      %parallel_loop3A_305 = arith.muli %parallel_loop3A_303, %parallel_loop3A_304 : i32
      %parallel_loop3A_306 = arith.index_cast %parallel_loop3A_305 : i32 to index
      %parallel_loop3A_307 = tpu.vector_load %arg4[%parallel_loop3A_306] {strides = array<i32>} : memref<32768xf32, #tpu.memory_space<vmem>>, vector<16xf32>,
      %parallel_loop3A_308 = arith.maximumf %parallel_loop3A_264, %parallel_loop3A_307 : vector<16xf32>
      %parallel_loop3A_309 = arith.constant 1536 : i32
      %parallel_loop3A_310 = arith.addi %parallel_loop3A_309, %parallel_loop3A_258 : i32
      %parallel_loop3A_311 = arith.constant 16 : i32
      %parallel_loop3A_312 = arith.muli %parallel_loop3A_310, %parallel_loop3A_311 : i32
      %parallel_loop3A_313 = arith.index_cast %parallel_loop3A_312 : i32 to index
      %parallel_loop3A_314 = tpu.vector_load %arg4[%parallel_loop3A_313] {strides = array<i32>} : memref<32768xf32, #tpu.memory_space<vmem>>, vector<16xf32>,
      %parallel_loop3A_315 = arith.maximumf %parallel_loop3A_265, %parallel_loop3A_314 : vector<16xf32>
      %parallel_loop3A_316 = arith.constant 1792 : i32
      %parallel_loop3A_317 = arith.addi %parallel_loop3A_316, %parallel_loop3A_258 : i32
      %parallel_loop3A_318 = arith.constant 16 : i32
      %parallel_loop3A_319 = arith.muli %parallel_loop3A_317, %parallel_loop3A_318 : i32
      %parallel_loop3A_320 = arith.index_cast %parallel_loop3A_319 : i32 to index
      %parallel_loop3A_321 = tpu.vector_load %arg4[%parallel_loop3A_320] {strides = array<i32>} : memref<32768xf32, #tpu.memory_space<vmem>>, vector<16xf32>,
      %parallel_loop3A_322 = arith.maximumf %parallel_loop3A_266, %parallel_loop3A_321 : vector<16xf32>
      scf.yield %parallel_loop3A_273, %parallel_loop3A_280, %parallel_loop3A_287, %parallel_loop3A_294, %parallel_loop3A_301, %parallel_loop3A_308, %parallel_loop3A_315, %parallel_loop3A_322 : vector<16xf32>, vector<16xf32>, vector<16xf32>, vector<16xf32>, vector<16xf32>, vector<16xf32>, vector<16xf32>, vector<16xf32>
    } {sc.loop_unroll_factor = 8 : i64, sc.parallel_access}
    %scan3A_215 = arith.constant 0xFF800000 : f32
    %scan3A_216 = arith.constant 0 : i32
    %scan3A_217 = arith.constant 0xFF800000 : f32
    %scan3A_218 = arith.constant 0 : i32
    %scan3A_219 = arith.constant 10 : i32
    %scan3A_220 = arith.addi %scan3A_218, %scan3A_219 : i32
    %scan3A_221 = arith.constant 1 : i32
    %scan3A_222:10 = scf.for %scan3A_258 = %scan3A_218 to %scan3A_220 step %scan3A_221 iter_args(%scan3A_259 = %scan3A_216, %scan3A_260 = %scan3A_217, %scan3A_261 = %parallel_loop3A_214#0, %scan3A_262 = %parallel_loop3A_214#1, %scan3A_263 = %parallel_loop3A_214#2, %scan3A_264 = %parallel_loop3A_214#3, %scan3A_265 = %parallel_loop3A_214#4, %scan3A_266 = %parallel_loop3A_214#5, %scan3A_267 = %parallel_loop3A_214#6, %scan3A_268 = %parallel_loop3A_214#7) -> (i32, f32, vector<16xf32>, vector<16xf32>, vector<16xf32>, vector<16xf32>, vector<16xf32>, vector<16xf32>, vector<16xf32>, vector<16xf32>)  : i32 {
      %max3A = arith.maximumf %scan3A_261, %scan3A_262 : vector<16xf32>
      %max3A_269 = arith.maximumf %max3A, %scan3A_263 : vector<16xf32>
      %max3A_270 = arith.maximumf %max3A_269, %scan3A_264 : vector<16xf32>
      %max3A_271 = arith.maximumf %max3A_270, %scan3A_265 : vector<16xf32>
      %max3A_272 = arith.maximumf %max3A_271, %scan3A_266 : vector<16xf32>
      %max3A_273 = arith.maximumf %max3A_272, %scan3A_267 : vector<16xf32>
      %max3A_274 = arith.maximumf %max3A_273, %scan3A_268 : vector<16xf32>
      %reduce_max3A = arith.constant true
      %reduce_max3A_275 = vector.broadcast %reduce_max3A : i1 to vector<16xi1>
      %reduce_max3A_276 = tpu.scan <max>, %max3A_274 masked %reduce_max3A_275 : vector<16xf32>, vector<16xi1> -> vector<16xf32>
      %reduce_max3A_277 = vector.extract %reduce_max3A_276[15] : f32 from vector<16xf32>
      %broadcast_in_dim3A_278 = arith.constant -1 : i32
      %broadcast_in_dim3A_279 = vector.broadcast %broadcast_in_dim3A_278 : i32 to vector<16xi32>
      %eq3A = vector.broadcast %reduce_max3A_277 : f32 to vector<16xf32>
      %eq3A_280 = arith.cmpf oeq, %scan3A_261, %eq3A : vector<16xf32>
      %add3A_281 = arith.constant 0 : i32
      %add3A_282 = vector.broadcast %add3A_281 : i32 to vector<16xi32>
      %add3A_283 = arith.addi %iota3A, %add3A_282 : vector<16xi32>
      %jit3A = arith.constant -1 : i32
      %broadcast_in_dim3A_284 = vector.broadcast %jit3A : i32 to vector<16xi32>
      %select_n3A = arith.select %eq3A_280, %add3A_283, %broadcast_in_dim3A_284 : vector<16xi1>, vector<16xi32>
      %max3A_285 = arith.maxsi %broadcast_in_dim3A_279, %select_n3A : vector<16xi32>
      %eq3A_286 = vector.broadcast %reduce_max3A_277 : f32 to vector<16xf32>
      %eq3A_287 = arith.cmpf oeq, %scan3A_262, %eq3A_286 : vector<16xf32>
      %add3A_288 = arith.constant 16 : i32
      %add3A_289 = vector.broadcast %add3A_288 : i32 to vector<16xi32>
      %add3A_290 = arith.addi %iota3A, %add3A_289 : vector<16xi32>
      %jit3A_291 = arith.constant -1 : i32
      %broadcast_in_dim3A_292 = vector.broadcast %jit3A_291 : i32 to vector<16xi32>
      %select_n3A_293 = arith.select %eq3A_287, %add3A_290, %broadcast_in_dim3A_292 : vector<16xi1>, vector<16xi32>
      %max3A_294 = arith.maxsi %max3A_285, %select_n3A_293 : vector<16xi32>
      %eq3A_295 = vector.broadcast %reduce_max3A_277 : f32 to vector<16xf32>
      %eq3A_296 = arith.cmpf oeq, %scan3A_263, %eq3A_295 : vector<16xf32>
      %add3A_297 = arith.constant 32 : i32
      %add3A_298 = vector.broadcast %add3A_297 : i32 to vector<16xi32>
      %add3A_299 = arith.addi %iota3A, %add3A_298 : vector<16xi32>
      %jit3A_300 = arith.constant -1 : i32
      %broadcast_in_dim3A_301 = vector.broadcast %jit3A_300 : i32 to vector<16xi32>
      %select_n3A_302 = arith.select %eq3A_296, %add3A_299, %broadcast_in_dim3A_301 : vector<16xi1>, vector<16xi32>
      %max3A_303 = arith.maxsi %max3A_294, %select_n3A_302 : vector<16xi32>
      %eq3A_304 = vector.broadcast %reduce_max3A_277 : f32 to vector<16xf32>
      %eq3A_305 = arith.cmpf oeq, %scan3A_264, %eq3A_304 : vector<16xf32>
      %add3A_306 = arith.constant 48 : i32
      %add3A_307 = vector.broadcast %add3A_306 : i32 to vector<16xi32>
      %add3A_308 = arith.addi %iota3A, %add3A_307 : vector<16xi32>
      %jit3A_309 = arith.constant -1 : i32
      %broadcast_in_dim3A_310 = vector.broadcast %jit3A_309 : i32 to vector<16xi32>
      %select_n3A_311 = arith.select %eq3A_305, %add3A_308, %broadcast_in_dim3A_310 : vector<16xi1>, vector<16xi32>
      %max3A_312 = arith.maxsi %max3A_303, %select_n3A_311 : vector<16xi32>
      %eq3A_313 = vector.broadcast %reduce_max3A_277 : f32 to vector<16xf32>
      %eq3A_314 = arith.cmpf oeq, %scan3A_265, %eq3A_313 : vector<16xf32>
      %add3A_315 = arith.constant 64 : i32
      %add3A_316 = vector.broadcast %add3A_315 : i32 to vector<16xi32>
      %add3A_317 = arith.addi %iota3A, %add3A_316 : vector<16xi32>
      %jit3A_318 = arith.constant -1 : i32
      %broadcast_in_dim3A_319 = vector.broadcast %jit3A_318 : i32 to vector<16xi32>
      %select_n3A_320 = arith.select %eq3A_314, %add3A_317, %broadcast_in_dim3A_319 : vector<16xi1>, vector<16xi32>
      %max3A_321 = arith.maxsi %max3A_312, %select_n3A_320 : vector<16xi32>
      %eq3A_322 = vector.broadcast %reduce_max3A_277 : f32 to vector<16xf32>
      %eq3A_323 = arith.cmpf oeq, %scan3A_266, %eq3A_322 : vector<16xf32>
      %add3A_324 = arith.constant 80 : i32
      %add3A_325 = vector.broadcast %add3A_324 : i32 to vector<16xi32>
      %add3A_326 = arith.addi %iota3A, %add3A_325 : vector<16xi32>
      %jit3A_327 = arith.constant -1 : i32
      %broadcast_in_dim3A_328 = vector.broadcast %jit3A_327 : i32 to vector<16xi32>
      %select_n3A_329 = arith.select %eq3A_323, %add3A_326, %broadcast_in_dim3A_328 : vector<16xi1>, vector<16xi32>
      %max3A_330 = arith.maxsi %max3A_321, %select_n3A_329 : vector<16xi32>
      %eq3A_331 = vector.broadcast %reduce_max3A_277 : f32 to vector<16xf32>
      %eq3A_332 = arith.cmpf oeq, %scan3A_267, %eq3A_331 : vector<16xf32>
      %add3A_333 = arith.constant 96 : i32
      %add3A_334 = vector.broadcast %add3A_333 : i32 to vector<16xi32>
      %add3A_335 = arith.addi %iota3A, %add3A_334 : vector<16xi32>
      %jit3A_336 = arith.constant -1 : i32
      %broadcast_in_dim3A_337 = vector.broadcast %jit3A_336 : i32 to vector<16xi32>
      %select_n3A_338 = arith.select %eq3A_332, %add3A_335, %broadcast_in_dim3A_337 : vector<16xi1>, vector<16xi32>
      %max3A_339 = arith.maxsi %max3A_330, %select_n3A_338 : vector<16xi32>
      %eq3A_340 = vector.broadcast %reduce_max3A_277 : f32 to vector<16xf32>
      %eq3A_341 = arith.cmpf oeq, %scan3A_268, %eq3A_340 : vector<16xf32>
      %add3A_342 = arith.constant 112 : i32
      %add3A_343 = vector.broadcast %add3A_342 : i32 to vector<16xi32>
      %add3A_344 = arith.addi %iota3A, %add3A_343 : vector<16xi32>
      %jit3A_345 = arith.constant -1 : i32
      %broadcast_in_dim3A_346 = vector.broadcast %jit3A_345 : i32 to vector<16xi32>
      %select_n3A_347 = arith.select %eq3A_341, %add3A_344, %broadcast_in_dim3A_346 : vector<16xi1>, vector<16xi32>
      %max3A_348 = arith.maxsi %max3A_339, %select_n3A_347 : vector<16xi32>
      %reduce_max3A_349 = arith.constant true
      %reduce_max3A_350 = vector.broadcast %reduce_max3A_349 : i1 to vector<16xi1>
      %reduce_max3A_351 = arith.constant -2147483648 : i32
      %reduce_max3A_352 = vector.broadcast %reduce_max3A_351 : i32 to vector<16xi32>
      %reduce_max3A_353 = arith.xori %max3A_348, %reduce_max3A_352 : vector<16xi32>
      %reduce_max3A_354 = tpu.scan <max>, %reduce_max3A_353 masked %reduce_max3A_350 : vector<16xi32>, vector<16xi1> -> vector<16xi32>
      %reduce_max3A_355 = arith.xori %reduce_max3A_354, %reduce_max3A_352 : vector<16xi32>
      %reduce_max3A_356 = vector.extract %reduce_max3A_355[15] : i32 from vector<16xi32>
      %shift_right_arithmetic3A = arith.constant 4 : i32
      %shift_right_arithmetic3A_357 = arith.shrsi %reduce_max3A_356, %shift_right_arithmetic3A : i32
      %and3A = arith.constant 15 : i32
      %and3A_358 = arith.andi %reduce_max3A_356, %and3A : i32
      %mul3A_359 = arith.constant 256 : i32
      %mul3A_360 = arith.muli %shift_right_arithmetic3A_357, %mul3A_359 : i32
      %add3A_361 = vector.broadcast %mul3A_360 : i32 to vector<16xi32>
      %add3A_362 = arith.addi %add3A_361, %iota3A : vector<16xi32>
      %mul3A_363 = arith.constant 16 : i32
      %mul3A_364 = vector.broadcast %mul3A_363 : i32 to vector<16xi32>
      %mul3A_365 = arith.muli %add3A_362, %mul3A_364 : vector<16xi32>
      %add3A_366 = vector.broadcast %and3A_358 : i32 to vector<16xi32>
      %add3A_367 = arith.addi %mul3A_365, %add3A_366 : vector<16xi32>
      %broadcast_in_dim3A_368 = arith.constant 0 : i32
      %broadcast_in_dim3A_369 = vector.broadcast %broadcast_in_dim3A_368 : i32 to vector<16xi32>
      %broadcast_in_dim3A_370 = arith.constant 0 : i32
      %broadcast_in_dim3A_371 = vector.broadcast %broadcast_in_dim3A_370 : i32 to vector<16xi32>
      %broadcast_in_dim3A_372 = vector.broadcast %scan3A_215 : f32 to vector<16xf32>
      %broadcast_in_dim3A_373 = vector.broadcast %scan3A_215 : f32 to vector<16xf32>
      %add3A_374 = arith.constant 0 : i32
      %add3A_375 = vector.broadcast %add3A_374 : i32 to vector<16xi32>
      %add3A_376 = arith.addi %add3A_367, %add3A_375 : vector<16xi32>
      %gather3A = tpu.vector_load_idx %arg4[%add3A_376] : memref<32768xf32, #tpu.memory_space<vmem>>[vector<16xi32>], vector<16xf32>,
      %eq3A_377 = vector.broadcast %reduce_max3A_277 : f32 to vector<16xf32>
      %eq3A_378 = arith.cmpf oeq, %gather3A, %eq3A_377 : vector<16xf32>
      %jit3A_379 = arith.constant 1 : i32
      %jit3A_380 = arith.constant 0 : i32
      %broadcast_in_dim3A_381 = vector.broadcast %jit3A_379 : i32 to vector<16xi32>
      %broadcast_in_dim3A_382 = vector.broadcast %jit3A_380 : i32 to vector<16xi32>
      %select_n3A_383 = arith.select %eq3A_378, %broadcast_in_dim3A_381, %broadcast_in_dim3A_382 : vector<16xi1>, vector<16xi32>
      %add3A_384 = arith.addi %broadcast_in_dim3A_369, %select_n3A_383 : vector<16xi32>
      %lt3A = vector.broadcast %reduce_max3A_277 : f32 to vector<16xf32>
      %lt3A_385 = arith.cmpf olt, %gather3A, %lt3A : vector<16xf32>
      %broadcast_in_dim3A_386 = vector.broadcast %scan3A_215 : f32 to vector<16xf32>
      %select_n3A_387 = arith.select %lt3A_385, %gather3A, %broadcast_in_dim3A_386 : vector<16xi1>, vector<16xf32>
      %max3A_388 = arith.maximumf %broadcast_in_dim3A_372, %select_n3A_387 : vector<16xf32>
      %add3A_389 = arith.constant 256 : i32
      %add3A_390 = vector.broadcast %add3A_389 : i32 to vector<16xi32>
      %add3A_391 = arith.addi %add3A_367, %add3A_390 : vector<16xi32>
      %gather3A_392 = tpu.vector_load_idx %arg4[%add3A_391] : memref<32768xf32, #tpu.memory_space<vmem>>[vector<16xi32>], vector<16xf32>,
      %eq3A_393 = vector.broadcast %reduce_max3A_277 : f32 to vector<16xf32>
      %eq3A_394 = arith.cmpf oeq, %gather3A_392, %eq3A_393 : vector<16xf32>
      %jit3A_395 = arith.constant 1 : i32
      %jit3A_396 = arith.constant 0 : i32
      %broadcast_in_dim3A_397 = vector.broadcast %jit3A_395 : i32 to vector<16xi32>
      %broadcast_in_dim3A_398 = vector.broadcast %jit3A_396 : i32 to vector<16xi32>
      %select_n3A_399 = arith.select %eq3A_394, %broadcast_in_dim3A_397, %broadcast_in_dim3A_398 : vector<16xi1>, vector<16xi32>
      %add3A_400 = arith.addi %broadcast_in_dim3A_371, %select_n3A_399 : vector<16xi32>
      %lt3A_401 = vector.broadcast %reduce_max3A_277 : f32 to vector<16xf32>
      %lt3A_402 = arith.cmpf olt, %gather3A_392, %lt3A_401 : vector<16xf32>
      %broadcast_in_dim3A_403 = vector.broadcast %scan3A_215 : f32 to vector<16xf32>
      %select_n3A_404 = arith.select %lt3A_402, %gather3A_392, %broadcast_in_dim3A_403 : vector<16xi1>, vector<16xf32>
      %max3A_405 = arith.maximumf %broadcast_in_dim3A_373, %select_n3A_404 : vector<16xf32>
      %add3A_406 = arith.constant 512 : i32
      %add3A_407 = vector.broadcast %add3A_406 : i32 to vector<16xi32>
      %add3A_408 = arith.addi %add3A_367, %add3A_407 : vector<16xi32>
      %gather3A_409 = tpu.vector_load_idx %arg4[%add3A_408] : memref<32768xf32, #tpu.memory_space<vmem>>[vector<16xi32>], vector<16xf32>,
      %eq3A_410 = vector.broadcast %reduce_max3A_277 : f32 to vector<16xf32>
      %eq3A_411 = arith.cmpf oeq, %gather3A_409, %eq3A_410 : vector<16xf32>
      %jit3A_412 = arith.constant 1 : i32
      %jit3A_413 = arith.constant 0 : i32
      %broadcast_in_dim3A_414 = vector.broadcast %jit3A_412 : i32 to vector<16xi32>
      %broadcast_in_dim3A_415 = vector.broadcast %jit3A_413 : i32 to vector<16xi32>
      %select_n3A_416 = arith.select %eq3A_411, %broadcast_in_dim3A_414, %broadcast_in_dim3A_415 : vector<16xi1>, vector<16xi32>
      %add3A_417 = arith.addi %add3A_384, %select_n3A_416 : vector<16xi32>
      %lt3A_418 = vector.broadcast %reduce_max3A_277 : f32 to vector<16xf32>
      %lt3A_419 = arith.cmpf olt, %gather3A_409, %lt3A_418 : vector<16xf32>
      %broadcast_in_dim3A_420 = vector.broadcast %scan3A_215 : f32 to vector<16xf32>
      %select_n3A_421 = arith.select %lt3A_419, %gather3A_409, %broadcast_in_dim3A_420 : vector<16xi1>, vector<16xf32>
      %max3A_422 = arith.maximumf %max3A_388, %select_n3A_421 : vector<16xf32>
      %add3A_423 = arith.constant 768 : i32
      %add3A_424 = vector.broadcast %add3A_423 : i32 to vector<16xi32>
      %add3A_425 = arith.addi %add3A_367, %add3A_424 : vector<16xi32>
      %gather3A_426 = tpu.vector_load_idx %arg4[%add3A_425] : memref<32768xf32, #tpu.memory_space<vmem>>[vector<16xi32>], vector<16xf32>,
      %eq3A_427 = vector.broadcast %reduce_max3A_277 : f32 to vector<16xf32>
      %eq3A_428 = arith.cmpf oeq, %gather3A_426, %eq3A_427 : vector<16xf32>
      %jit3A_429 = arith.constant 1 : i32
      %jit3A_430 = arith.constant 0 : i32
      %broadcast_in_dim3A_431 = vector.broadcast %jit3A_429 : i32 to vector<16xi32>
      %broadcast_in_dim3A_432 = vector.broadcast %jit3A_430 : i32 to vector<16xi32>
      %select_n3A_433 = arith.select %eq3A_428, %broadcast_in_dim3A_431, %broadcast_in_dim3A_432 : vector<16xi1>, vector<16xi32>
      %add3A_434 = arith.addi %add3A_400, %select_n3A_433 : vector<16xi32>
      %lt3A_435 = vector.broadcast %reduce_max3A_277 : f32 to vector<16xf32>
      %lt3A_436 = arith.cmpf olt, %gather3A_426, %lt3A_435 : vector<16xf32>
      %broadcast_in_dim3A_437 = vector.broadcast %scan3A_215 : f32 to vector<16xf32>
      %select_n3A_438 = arith.select %lt3A_436, %gather3A_426, %broadcast_in_dim3A_437 : vector<16xi1>, vector<16xf32>
      %max3A_439 = arith.maximumf %max3A_405, %select_n3A_438 : vector<16xf32>
      %add3A_440 = arith.constant 1024 : i32
      %add3A_441 = vector.broadcast %add3A_440 : i32 to vector<16xi32>
      %add3A_442 = arith.addi %add3A_367, %add3A_441 : vector<16xi32>
      %gather3A_443 = tpu.vector_load_idx %arg4[%add3A_442] : memref<32768xf32, #tpu.memory_space<vmem>>[vector<16xi32>], vector<16xf32>,
      %eq3A_444 = vector.broadcast %reduce_max3A_277 : f32 to vector<16xf32>
      %eq3A_445 = arith.cmpf oeq, %gather3A_443, %eq3A_444 : vector<16xf32>
      %jit3A_446 = arith.constant 1 : i32
      %jit3A_447 = arith.constant 0 : i32
      %broadcast_in_dim3A_448 = vector.broadcast %jit3A_446 : i32 to vector<16xi32>
      %broadcast_in_dim3A_449 = vector.broadcast %jit3A_447 : i32 to vector<16xi32>
      %select_n3A_450 = arith.select %eq3A_445, %broadcast_in_dim3A_448, %broadcast_in_dim3A_449 : vector<16xi1>, vector<16xi32>
      %add3A_451 = arith.addi %add3A_417, %select_n3A_450 : vector<16xi32>
      %lt3A_452 = vector.broadcast %reduce_max3A_277 : f32 to vector<16xf32>
      %lt3A_453 = arith.cmpf olt, %gather3A_443, %lt3A_452 : vector<16xf32>
      %broadcast_in_dim3A_454 = vector.broadcast %scan3A_215 : f32 to vector<16xf32>
      %select_n3A_455 = arith.select %lt3A_453, %gather3A_443, %broadcast_in_dim3A_454 : vector<16xi1>, vector<16xf32>
      %max3A_456 = arith.maximumf %max3A_422, %select_n3A_455 : vector<16xf32>
      %add3A_457 = arith.constant 1280 : i32
      %add3A_458 = vector.broadcast %add3A_457 : i32 to vector<16xi32>
      %add3A_459 = arith.addi %add3A_367, %add3A_458 : vector<16xi32>
      %gather3A_460 = tpu.vector_load_idx %arg4[%add3A_459] : memref<32768xf32, #tpu.memory_space<vmem>>[vector<16xi32>], vector<16xf32>,
      %eq3A_461 = vector.broadcast %reduce_max3A_277 : f32 to vector<16xf32>
      %eq3A_462 = arith.cmpf oeq, %gather3A_460, %eq3A_461 : vector<16xf32>
      %jit3A_463 = arith.constant 1 : i32
      %jit3A_464 = arith.constant 0 : i32
      %broadcast_in_dim3A_465 = vector.broadcast %jit3A_463 : i32 to vector<16xi32>
      %broadcast_in_dim3A_466 = vector.broadcast %jit3A_464 : i32 to vector<16xi32>
      %select_n3A_467 = arith.select %eq3A_462, %broadcast_in_dim3A_465, %broadcast_in_dim3A_466 : vector<16xi1>, vector<16xi32>
      %add3A_468 = arith.addi %add3A_434, %select_n3A_467 : vector<16xi32>
      %lt3A_469 = vector.broadcast %reduce_max3A_277 : f32 to vector<16xf32>
      %lt3A_470 = arith.cmpf olt, %gather3A_460, %lt3A_469 : vector<16xf32>
      %broadcast_in_dim3A_471 = vector.broadcast %scan3A_215 : f32 to vector<16xf32>
      %select_n3A_472 = arith.select %lt3A_470, %gather3A_460, %broadcast_in_dim3A_471 : vector<16xi1>, vector<16xf32>
      %max3A_473 = arith.maximumf %max3A_439, %select_n3A_472 : vector<16xf32>
      %add3A_474 = arith.constant 1536 : i32
      %add3A_475 = vector.broadcast %add3A_474 : i32 to vector<16xi32>
      %add3A_476 = arith.addi %add3A_367, %add3A_475 : vector<16xi32>
      %gather3A_477 = tpu.vector_load_idx %arg4[%add3A_476] : memref<32768xf32, #tpu.memory_space<vmem>>[vector<16xi32>], vector<16xf32>,
      %eq3A_478 = vector.broadcast %reduce_max3A_277 : f32 to vector<16xf32>
      %eq3A_479 = arith.cmpf oeq, %gather3A_477, %eq3A_478 : vector<16xf32>
      %jit3A_480 = arith.constant 1 : i32
      %jit3A_481 = arith.constant 0 : i32
      %broadcast_in_dim3A_482 = vector.broadcast %jit3A_480 : i32 to vector<16xi32>
      %broadcast_in_dim3A_483 = vector.broadcast %jit3A_481 : i32 to vector<16xi32>
      %select_n3A_484 = arith.select %eq3A_479, %broadcast_in_dim3A_482, %broadcast_in_dim3A_483 : vector<16xi1>, vector<16xi32>
      %add3A_485 = arith.addi %add3A_451, %select_n3A_484 : vector<16xi32>
      %lt3A_486 = vector.broadcast %reduce_max3A_277 : f32 to vector<16xf32>
      %lt3A_487 = arith.cmpf olt, %gather3A_477, %lt3A_486 : vector<16xf32>
      %broadcast_in_dim3A_488 = vector.broadcast %scan3A_215 : f32 to vector<16xf32>
      %select_n3A_489 = arith.select %lt3A_487, %gather3A_477, %broadcast_in_dim3A_488 : vector<16xi1>, vector<16xf32>
      %max3A_490 = arith.maximumf %max3A_456, %select_n3A_489 : vector<16xf32>
      %add3A_491 = arith.constant 1792 : i32
      %add3A_492 = vector.broadcast %add3A_491 : i32 to vector<16xi32>
      %add3A_493 = arith.addi %add3A_367, %add3A_492 : vector<16xi32>
      %gather3A_494 = tpu.vector_load_idx %arg4[%add3A_493] : memref<32768xf32, #tpu.memory_space<vmem>>[vector<16xi32>], vector<16xf32>,
      %eq3A_495 = vector.broadcast %reduce_max3A_277 : f32 to vector<16xf32>
      %eq3A_496 = arith.cmpf oeq, %gather3A_494, %eq3A_495 : vector<16xf32>
      %jit3A_497 = arith.constant 1 : i32
      %jit3A_498 = arith.constant 0 : i32
      %broadcast_in_dim3A_499 = vector.broadcast %jit3A_497 : i32 to vector<16xi32>
      %broadcast_in_dim3A_500 = vector.broadcast %jit3A_498 : i32 to vector<16xi32>
      %select_n3A_501 = arith.select %eq3A_496, %broadcast_in_dim3A_499, %broadcast_in_dim3A_500 : vector<16xi1>, vector<16xi32>
      %add3A_502 = arith.addi %add3A_468, %select_n3A_501 : vector<16xi32>
      %lt3A_503 = vector.broadcast %reduce_max3A_277 : f32 to vector<16xf32>
      %lt3A_504 = arith.cmpf olt, %gather3A_494, %lt3A_503 : vector<16xf32>
      %broadcast_in_dim3A_505 = vector.broadcast %scan3A_215 : f32 to vector<16xf32>
      %select_n3A_506 = arith.select %lt3A_504, %gather3A_494, %broadcast_in_dim3A_505 : vector<16xi1>, vector<16xf32>
      %max3A_507 = arith.maximumf %max3A_473, %select_n3A_506 : vector<16xf32>
      %add3A_508 = arith.constant 2048 : i32
      %add3A_509 = vector.broadcast %add3A_508 : i32 to vector<16xi32>
      %add3A_510 = arith.addi %add3A_367, %add3A_509 : vector<16xi32>
      %gather3A_511 = tpu.vector_load_idx %arg4[%add3A_510] : memref<32768xf32, #tpu.memory_space<vmem>>[vector<16xi32>], vector<16xf32>,
      %eq3A_512 = vector.broadcast %reduce_max3A_277 : f32 to vector<16xf32>
      %eq3A_513 = arith.cmpf oeq, %gather3A_511, %eq3A_512 : vector<16xf32>
      %jit3A_514 = arith.constant 1 : i32
      %jit3A_515 = arith.constant 0 : i32
      %broadcast_in_dim3A_516 = vector.broadcast %jit3A_514 : i32 to vector<16xi32>
      %broadcast_in_dim3A_517 = vector.broadcast %jit3A_515 : i32 to vector<16xi32>
      %select_n3A_518 = arith.select %eq3A_513, %broadcast_in_dim3A_516, %broadcast_in_dim3A_517 : vector<16xi1>, vector<16xi32>
      %add3A_519 = arith.addi %add3A_485, %select_n3A_518 : vector<16xi32>
      %lt3A_520 = vector.broadcast %reduce_max3A_277 : f32 to vector<16xf32>
      %lt3A_521 = arith.cmpf olt, %gather3A_511, %lt3A_520 : vector<16xf32>
      %broadcast_in_dim3A_522 = vector.broadcast %scan3A_215 : f32 to vector<16xf32>
      %select_n3A_523 = arith.select %lt3A_521, %gather3A_511, %broadcast_in_dim3A_522 : vector<16xi1>, vector<16xf32>
      %max3A_524 = arith.maximumf %max3A_490, %select_n3A_523 : vector<16xf32>
      %add3A_525 = arith.constant 2304 : i32
      %add3A_526 = vector.broadcast %add3A_525 : i32 to vector<16xi32>
      %add3A_527 = arith.addi %add3A_367, %add3A_526 : vector<16xi32>
      %gather3A_528 = tpu.vector_load_idx %arg4[%add3A_527] : memref<32768xf32, #tpu.memory_space<vmem>>[vector<16xi32>], vector<16xf32>,
      %eq3A_529 = vector.broadcast %reduce_max3A_277 : f32 to vector<16xf32>
      %eq3A_530 = arith.cmpf oeq, %gather3A_528, %eq3A_529 : vector<16xf32>
      %jit3A_531 = arith.constant 1 : i32
      %jit3A_532 = arith.constant 0 : i32
      %broadcast_in_dim3A_533 = vector.broadcast %jit3A_531 : i32 to vector<16xi32>
      %broadcast_in_dim3A_534 = vector.broadcast %jit3A_532 : i32 to vector<16xi32>
      %select_n3A_535 = arith.select %eq3A_530, %broadcast_in_dim3A_533, %broadcast_in_dim3A_534 : vector<16xi1>, vector<16xi32>
      %add3A_536 = arith.addi %add3A_502, %select_n3A_535 : vector<16xi32>
      %lt3A_537 = vector.broadcast %reduce_max3A_277 : f32 to vector<16xf32>
      %lt3A_538 = arith.cmpf olt, %gather3A_528, %lt3A_537 : vector<16xf32>
      %broadcast_in_dim3A_539 = vector.broadcast %scan3A_215 : f32 to vector<16xf32>
      %select_n3A_540 = arith.select %lt3A_538, %gather3A_528, %broadcast_in_dim3A_539 : vector<16xi1>, vector<16xf32>
      %max3A_541 = arith.maximumf %max3A_507, %select_n3A_540 : vector<16xf32>
      %add3A_542 = arith.constant 2560 : i32
      %add3A_543 = vector.broadcast %add3A_542 : i32 to vector<16xi32>
      %add3A_544 = arith.addi %add3A_367, %add3A_543 : vector<16xi32>
      %gather3A_545 = tpu.vector_load_idx %arg4[%add3A_544] : memref<32768xf32, #tpu.memory_space<vmem>>[vector<16xi32>], vector<16xf32>,
      %eq3A_546 = vector.broadcast %reduce_max3A_277 : f32 to vector<16xf32>
      %eq3A_547 = arith.cmpf oeq, %gather3A_545, %eq3A_546 : vector<16xf32>
      %jit3A_548 = arith.constant 1 : i32
      %jit3A_549 = arith.constant 0 : i32
      %broadcast_in_dim3A_550 = vector.broadcast %jit3A_548 : i32 to vector<16xi32>
      %broadcast_in_dim3A_551 = vector.broadcast %jit3A_549 : i32 to vector<16xi32>
      %select_n3A_552 = arith.select %eq3A_547, %broadcast_in_dim3A_550, %broadcast_in_dim3A_551 : vector<16xi1>, vector<16xi32>
      %add3A_553 = arith.addi %add3A_519, %select_n3A_552 : vector<16xi32>
      %lt3A_554 = vector.broadcast %reduce_max3A_277 : f32 to vector<16xf32>
      %lt3A_555 = arith.cmpf olt, %gather3A_545, %lt3A_554 : vector<16xf32>
      %broadcast_in_dim3A_556 = vector.broadcast %scan3A_215 : f32 to vector<16xf32>
      %select_n3A_557 = arith.select %lt3A_555, %gather3A_545, %broadcast_in_dim3A_556 : vector<16xi1>, vector<16xf32>
      %max3A_558 = arith.maximumf %max3A_524, %select_n3A_557 : vector<16xf32>
      %add3A_559 = arith.constant 2816 : i32
      %add3A_560 = vector.broadcast %add3A_559 : i32 to vector<16xi32>
      %add3A_561 = arith.addi %add3A_367, %add3A_560 : vector<16xi32>
      %gather3A_562 = tpu.vector_load_idx %arg4[%add3A_561] : memref<32768xf32, #tpu.memory_space<vmem>>[vector<16xi32>], vector<16xf32>,
      %eq3A_563 = vector.broadcast %reduce_max3A_277 : f32 to vector<16xf32>
      %eq3A_564 = arith.cmpf oeq, %gather3A_562, %eq3A_563 : vector<16xf32>
      %jit3A_565 = arith.constant 1 : i32
      %jit3A_566 = arith.constant 0 : i32
      %broadcast_in_dim3A_567 = vector.broadcast %jit3A_565 : i32 to vector<16xi32>
      %broadcast_in_dim3A_568 = vector.broadcast %jit3A_566 : i32 to vector<16xi32>
      %select_n3A_569 = arith.select %eq3A_564, %broadcast_in_dim3A_567, %broadcast_in_dim3A_568 : vector<16xi1>, vector<16xi32>
      %add3A_570 = arith.addi %add3A_536, %select_n3A_569 : vector<16xi32>
      %lt3A_571 = vector.broadcast %reduce_max3A_277 : f32 to vector<16xf32>
      %lt3A_572 = arith.cmpf olt, %gather3A_562, %lt3A_571 : vector<16xf32>
      %broadcast_in_dim3A_573 = vector.broadcast %scan3A_215 : f32 to vector<16xf32>
      %select_n3A_574 = arith.select %lt3A_572, %gather3A_562, %broadcast_in_dim3A_573 : vector<16xi1>, vector<16xf32>
      %max3A_575 = arith.maximumf %max3A_541, %select_n3A_574 : vector<16xf32>
      %add3A_576 = arith.constant 3072 : i32
      %add3A_577 = vector.broadcast %add3A_576 : i32 to vector<16xi32>
      %add3A_578 = arith.addi %add3A_367, %add3A_577 : vector<16xi32>
      %gather3A_579 = tpu.vector_load_idx %arg4[%add3A_578] : memref<32768xf32, #tpu.memory_space<vmem>>[vector<16xi32>], vector<16xf32>,
      %eq3A_580 = vector.broadcast %reduce_max3A_277 : f32 to vector<16xf32>
      %eq3A_581 = arith.cmpf oeq, %gather3A_579, %eq3A_580 : vector<16xf32>
      %jit3A_582 = arith.constant 1 : i32
      %jit3A_583 = arith.constant 0 : i32
      %broadcast_in_dim3A_584 = vector.broadcast %jit3A_582 : i32 to vector<16xi32>
      %broadcast_in_dim3A_585 = vector.broadcast %jit3A_583 : i32 to vector<16xi32>
      %select_n3A_586 = arith.select %eq3A_581, %broadcast_in_dim3A_584, %broadcast_in_dim3A_585 : vector<16xi1>, vector<16xi32>
      %add3A_587 = arith.addi %add3A_553, %select_n3A_586 : vector<16xi32>
      %lt3A_588 = vector.broadcast %reduce_max3A_277 : f32 to vector<16xf32>
      %lt3A_589 = arith.cmpf olt, %gather3A_579, %lt3A_588 : vector<16xf32>
      %broadcast_in_dim3A_590 = vector.broadcast %scan3A_215 : f32 to vector<16xf32>
      %select_n3A_591 = arith.select %lt3A_589, %gather3A_579, %broadcast_in_dim3A_590 : vector<16xi1>, vector<16xf32>
      %max3A_592 = arith.maximumf %max3A_558, %select_n3A_591 : vector<16xf32>
      %add3A_593 = arith.constant 3328 : i32
      %add3A_594 = vector.broadcast %add3A_593 : i32 to vector<16xi32>
      %add3A_595 = arith.addi %add3A_367, %add3A_594 : vector<16xi32>
      %gather3A_596 = tpu.vector_load_idx %arg4[%add3A_595] : memref<32768xf32, #tpu.memory_space<vmem>>[vector<16xi32>], vector<16xf32>,
      %eq3A_597 = vector.broadcast %reduce_max3A_277 : f32 to vector<16xf32>
      %eq3A_598 = arith.cmpf oeq, %gather3A_596, %eq3A_597 : vector<16xf32>
      %jit3A_599 = arith.constant 1 : i32
      %jit3A_600 = arith.constant 0 : i32
      %broadcast_in_dim3A_601 = vector.broadcast %jit3A_599 : i32 to vector<16xi32>
      %broadcast_in_dim3A_602 = vector.broadcast %jit3A_600 : i32 to vector<16xi32>
      %select_n3A_603 = arith.select %eq3A_598, %broadcast_in_dim3A_601, %broadcast_in_dim3A_602 : vector<16xi1>, vector<16xi32>
      %add3A_604 = arith.addi %add3A_570, %select_n3A_603 : vector<16xi32>
      %lt3A_605 = vector.broadcast %reduce_max3A_277 : f32 to vector<16xf32>
      %lt3A_606 = arith.cmpf olt, %gather3A_596, %lt3A_605 : vector<16xf32>
      %broadcast_in_dim3A_607 = vector.broadcast %scan3A_215 : f32 to vector<16xf32>
      %select_n3A_608 = arith.select %lt3A_606, %gather3A_596, %broadcast_in_dim3A_607 : vector<16xi1>, vector<16xf32>
      %max3A_609 = arith.maximumf %max3A_575, %select_n3A_608 : vector<16xf32>
      %add3A_610 = arith.constant 3584 : i32
      %add3A_611 = vector.broadcast %add3A_610 : i32 to vector<16xi32>
      %add3A_612 = arith.addi %add3A_367, %add3A_611 : vector<16xi32>
      %gather3A_613 = tpu.vector_load_idx %arg4[%add3A_612] : memref<32768xf32, #tpu.memory_space<vmem>>[vector<16xi32>], vector<16xf32>,
      %eq3A_614 = vector.broadcast %reduce_max3A_277 : f32 to vector<16xf32>
      %eq3A_615 = arith.cmpf oeq, %gather3A_613, %eq3A_614 : vector<16xf32>
      %jit3A_616 = arith.constant 1 : i32
      %jit3A_617 = arith.constant 0 : i32
      %broadcast_in_dim3A_618 = vector.broadcast %jit3A_616 : i32 to vector<16xi32>
      %broadcast_in_dim3A_619 = vector.broadcast %jit3A_617 : i32 to vector<16xi32>
      %select_n3A_620 = arith.select %eq3A_615, %broadcast_in_dim3A_618, %broadcast_in_dim3A_619 : vector<16xi1>, vector<16xi32>
      %add3A_621 = arith.addi %add3A_587, %select_n3A_620 : vector<16xi32>
      %lt3A_622 = vector.broadcast %reduce_max3A_277 : f32 to vector<16xf32>
      %lt3A_623 = arith.cmpf olt, %gather3A_613, %lt3A_622 : vector<16xf32>
      %broadcast_in_dim3A_624 = vector.broadcast %scan3A_215 : f32 to vector<16xf32>
      %select_n3A_625 = arith.select %lt3A_623, %gather3A_613, %broadcast_in_dim3A_624 : vector<16xi1>, vector<16xf32>
      %max3A_626 = arith.maximumf %max3A_592, %select_n3A_625 : vector<16xf32>
      %add3A_627 = arith.constant 3840 : i32
      %add3A_628 = vector.broadcast %add3A_627 : i32 to vector<16xi32>
      %add3A_629 = arith.addi %add3A_367, %add3A_628 : vector<16xi32>
      %gather3A_630 = tpu.vector_load_idx %arg4[%add3A_629] : memref<32768xf32, #tpu.memory_space<vmem>>[vector<16xi32>], vector<16xf32>,
      %eq3A_631 = vector.broadcast %reduce_max3A_277 : f32 to vector<16xf32>
      %eq3A_632 = arith.cmpf oeq, %gather3A_630, %eq3A_631 : vector<16xf32>
      %jit3A_633 = arith.constant 1 : i32
      %jit3A_634 = arith.constant 0 : i32
      %broadcast_in_dim3A_635 = vector.broadcast %jit3A_633 : i32 to vector<16xi32>
      %broadcast_in_dim3A_636 = vector.broadcast %jit3A_634 : i32 to vector<16xi32>
      %select_n3A_637 = arith.select %eq3A_632, %broadcast_in_dim3A_635, %broadcast_in_dim3A_636 : vector<16xi1>, vector<16xi32>
      %add3A_638 = arith.addi %add3A_604, %select_n3A_637 : vector<16xi32>
      %lt3A_639 = vector.broadcast %reduce_max3A_277 : f32 to vector<16xf32>
      %lt3A_640 = arith.cmpf olt, %gather3A_630, %lt3A_639 : vector<16xf32>
      %broadcast_in_dim3A_641 = vector.broadcast %scan3A_215 : f32 to vector<16xf32>
      %select_n3A_642 = arith.select %lt3A_640, %gather3A_630, %broadcast_in_dim3A_641 : vector<16xi1>, vector<16xf32>
      %max3A_643 = arith.maximumf %max3A_609, %select_n3A_642 : vector<16xf32>
      %lt3A_644 = arith.constant 10 : i32
      %lt3A_645 = arith.cmpi slt, %scan3A_259, %lt3A_644 : i32
      %select_n3A_646 = arith.select %lt3A_645, %reduce_max3A_277, %scan3A_260 : f32
      %add3A_647 = arith.addi %add3A_621, %add3A_638 : vector<16xi32>
      %reduce_sum3A = arith.constant true
      %reduce_sum3A_648 = vector.broadcast %reduce_sum3A : i1 to vector<16xi1>
      %reduce_sum3A_649 = tpu.scan <sum>, %add3A_647 masked %reduce_sum3A_648 : vector<16xi32>, vector<16xi1> -> vector<16xi32>
      %reduce_sum3A_650 = vector.extract %reduce_sum3A_649[15] : i32 from vector<16xi32>
      %add3A_651 = arith.addi %scan3A_259, %reduce_sum3A_650 : i32
      %max3A_652 = arith.maximumf %max3A_626, %max3A_643 : vector<16xf32>
      %reduce_max3A_653 = arith.constant true
      %reduce_max3A_654 = vector.broadcast %reduce_max3A_653 : i1 to vector<16xi1>
      %reduce_max3A_655 = tpu.scan <max>, %max3A_652 masked %reduce_max3A_654 : vector<16xf32>, vector<16xi1> -> vector<16xf32>
      %reduce_max3A_656 = vector.extract %reduce_max3A_655[15] : f32 from vector<16xf32>
      %eq3A_657 = arith.constant 0 : i32
      %eq3A_658 = arith.cmpi eq, %shift_right_arithmetic3A_357, %eq3A_657 : i32
      %eq3A_659 = vector.broadcast %and3A_358 : i32 to vector<16xi32>
      %eq3A_660 = arith.cmpi eq, %iota3A, %eq3A_659 : vector<16xi32>
      %and3A_661 = vector.broadcast %eq3A_658 : i1 to vector<16xi1>
      %and3A_662 = arith.andi %and3A_661, %eq3A_660 : vector<16xi1>
      %broadcast_in_dim3A_663 = vector.broadcast %reduce_max3A_656 : f32 to vector<16xf32>
      %select_n3A_664 = arith.select %and3A_662, %broadcast_in_dim3A_663, %scan3A_261 : vector<16xi1>, vector<16xf32>
      %eq3A_665 = arith.constant 1 : i32
      %eq3A_666 = arith.cmpi eq, %shift_right_arithmetic3A_357, %eq3A_665 : i32
      %eq3A_667 = vector.broadcast %and3A_358 : i32 to vector<16xi32>
      %eq3A_668 = arith.cmpi eq, %iota3A, %eq3A_667 : vector<16xi32>
      %and3A_669 = vector.broadcast %eq3A_666 : i1 to vector<16xi1>
      %and3A_670 = arith.andi %and3A_669, %eq3A_668 : vector<16xi1>
      %broadcast_in_dim3A_671 = vector.broadcast %reduce_max3A_656 : f32 to vector<16xf32>
      %select_n3A_672 = arith.select %and3A_670, %broadcast_in_dim3A_671, %scan3A_262 : vector<16xi1>, vector<16xf32>
      %eq3A_673 = arith.constant 2 : i32
      %eq3A_674 = arith.cmpi eq, %shift_right_arithmetic3A_357, %eq3A_673 : i32
      %eq3A_675 = vector.broadcast %and3A_358 : i32 to vector<16xi32>
      %eq3A_676 = arith.cmpi eq, %iota3A, %eq3A_675 : vector<16xi32>
      %and3A_677 = vector.broadcast %eq3A_674 : i1 to vector<16xi1>
      %and3A_678 = arith.andi %and3A_677, %eq3A_676 : vector<16xi1>
      %broadcast_in_dim3A_679 = vector.broadcast %reduce_max3A_656 : f32 to vector<16xf32>
      %select_n3A_680 = arith.select %and3A_678, %broadcast_in_dim3A_679, %scan3A_263 : vector<16xi1>, vector<16xf32>
      %eq3A_681 = arith.constant 3 : i32
      %eq3A_682 = arith.cmpi eq, %shift_right_arithmetic3A_357, %eq3A_681 : i32
      %eq3A_683 = vector.broadcast %and3A_358 : i32 to vector<16xi32>
      %eq3A_684 = arith.cmpi eq, %iota3A, %eq3A_683 : vector<16xi32>
      %and3A_685 = vector.broadcast %eq3A_682 : i1 to vector<16xi1>
      %and3A_686 = arith.andi %and3A_685, %eq3A_684 : vector<16xi1>
      %broadcast_in_dim3A_687 = vector.broadcast %reduce_max3A_656 : f32 to vector<16xf32>
      %select_n3A_688 = arith.select %and3A_686, %broadcast_in_dim3A_687, %scan3A_264 : vector<16xi1>, vector<16xf32>
      %eq3A_689 = arith.constant 4 : i32
      %eq3A_690 = arith.cmpi eq, %shift_right_arithmetic3A_357, %eq3A_689 : i32
      %eq3A_691 = vector.broadcast %and3A_358 : i32 to vector<16xi32>
      %eq3A_692 = arith.cmpi eq, %iota3A, %eq3A_691 : vector<16xi32>
      %and3A_693 = vector.broadcast %eq3A_690 : i1 to vector<16xi1>
      %and3A_694 = arith.andi %and3A_693, %eq3A_692 : vector<16xi1>
      %broadcast_in_dim3A_695 = vector.broadcast %reduce_max3A_656 : f32 to vector<16xf32>
      %select_n3A_696 = arith.select %and3A_694, %broadcast_in_dim3A_695, %scan3A_265 : vector<16xi1>, vector<16xf32>
      %eq3A_697 = arith.constant 5 : i32
      %eq3A_698 = arith.cmpi eq, %shift_right_arithmetic3A_357, %eq3A_697 : i32
      %eq3A_699 = vector.broadcast %and3A_358 : i32 to vector<16xi32>
      %eq3A_700 = arith.cmpi eq, %iota3A, %eq3A_699 : vector<16xi32>
      %and3A_701 = vector.broadcast %eq3A_698 : i1 to vector<16xi1>
      %and3A_702 = arith.andi %and3A_701, %eq3A_700 : vector<16xi1>
      %broadcast_in_dim3A_703 = vector.broadcast %reduce_max3A_656 : f32 to vector<16xf32>
      %select_n3A_704 = arith.select %and3A_702, %broadcast_in_dim3A_703, %scan3A_266 : vector<16xi1>, vector<16xf32>
      %eq3A_705 = arith.constant 6 : i32
      %eq3A_706 = arith.cmpi eq, %shift_right_arithmetic3A_357, %eq3A_705 : i32
      %eq3A_707 = vector.broadcast %and3A_358 : i32 to vector<16xi32>
      %eq3A_708 = arith.cmpi eq, %iota3A, %eq3A_707 : vector<16xi32>
      %and3A_709 = vector.broadcast %eq3A_706 : i1 to vector<16xi1>
      %and3A_710 = arith.andi %and3A_709, %eq3A_708 : vector<16xi1>
      %broadcast_in_dim3A_711 = vector.broadcast %reduce_max3A_656 : f32 to vector<16xf32>
      %select_n3A_712 = arith.select %and3A_710, %broadcast_in_dim3A_711, %scan3A_267 : vector<16xi1>, vector<16xf32>
      %eq3A_713 = arith.constant 7 : i32
      %eq3A_714 = arith.cmpi eq, %shift_right_arithmetic3A_357, %eq3A_713 : i32
      %eq3A_715 = vector.broadcast %and3A_358 : i32 to vector<16xi32>
      %eq3A_716 = arith.cmpi eq, %iota3A, %eq3A_715 : vector<16xi32>
      %and3A_717 = vector.broadcast %eq3A_714 : i1 to vector<16xi1>
      %and3A_718 = arith.andi %and3A_717, %eq3A_716 : vector<16xi1>
      %broadcast_in_dim3A_719 = vector.broadcast %reduce_max3A_656 : f32 to vector<16xf32>
      %select_n3A_720 = arith.select %and3A_718, %broadcast_in_dim3A_719, %scan3A_268 : vector<16xi1>, vector<16xf32>
      scf.yield %add3A_651, %select_n3A_646, %select_n3A_664, %select_n3A_672, %select_n3A_680, %select_n3A_688, %select_n3A_696, %select_n3A_704, %select_n3A_712, %select_n3A_720 : i32, f32, vector<16xf32>, vector<16xf32>, vector<16xf32>, vector<16xf32>, vector<16xf32>, vector<16xf32>, vector<16xf32>, vector<16xf32>
    }
    %scan3A_223 = arith.constant 10 : i32
    %broadcast_in_dim3A_224 = vector.broadcast %scan3A_222#1 : f32 to vector<16xf32>
    %broadcast_in_dim3A_225 = arith.constant 1.000000e+00 : f32
    %broadcast_in_dim3A_226 = vector.broadcast %broadcast_in_dim3A_225 : f32 to vector<16xf32>
    %broadcast_in_dim3A_227 = arith.constant 0.000000e+00 : f32
    %broadcast_in_dim3A_228 = vector.broadcast %broadcast_in_dim3A_227 : f32 to vector<16xf32>
    %parallel_loop3A_229 = arith.constant 0 : i32
    %parallel_loop3A_230 = arith.constant 2048 : i32
    %parallel_loop3A_231 = arith.constant 1 : i32
    scf.for %parallel_loop3A_258 = %parallel_loop3A_229 to %parallel_loop3A_230 step %parallel_loop3A_231  : i32 {
      %parallel_loop3A_259 = arith.constant 16 : i32
      %parallel_loop3A_260 = arith.muli %parallel_loop3A_258, %parallel_loop3A_259 : i32
      %parallel_loop3A_261 = arith.index_cast %parallel_loop3A_260 : i32 to index
      %parallel_loop3A_262 = tpu.vector_load %arg4[%parallel_loop3A_261] {strides = array<i32>} : memref<32768xf32, #tpu.memory_space<vmem>>, vector<16xf32>,
      %parallel_loop3A_263 = arith.cmpf oge, %parallel_loop3A_262, %broadcast_in_dim3A_224 : vector<16xf32>
      %parallel_loop3A_264 = arith.select %parallel_loop3A_263, %broadcast_in_dim3A_226, %broadcast_in_dim3A_228 : vector<16xi1>, vector<16xf32>
      %parallel_loop3A_265 = arith.constant 16 : i32
      %parallel_loop3A_266 = arith.muli %parallel_loop3A_258, %parallel_loop3A_265 : i32
      %parallel_loop3A_267 = arith.index_cast %parallel_loop3A_266 : i32 to index
      %parallel_loop3A_268 = tpu.vector_load %arg4[%parallel_loop3A_267] {strides = array<i32>} : memref<32768xf32, #tpu.memory_space<vmem>>, vector<16xf32>,
      tpu.vector_store %arg4[%parallel_loop3A_267], %parallel_loop3A_264 {strides = array<i32>} : memref<32768xf32, #tpu.memory_space<vmem>>, vector<16xf32>,
    } {sc.loop_unroll_factor = 16 : i64, sc.parallel_access}
    %add3A_232 = arith.constant 3 : i32
    %add3A_233 = arith.addi %mul3A_2, %add3A_232 : i32
    %dma_start3A_234 = arith.constant 0 : i32
    %dma_start3A_235 = tpu.memref_slice %arg3[%add3A_233, %dma_start3A_234] : memref<128x32768xf32, #tpu.memory_space<hbm>> -> memref<1x32768xf32, #tpu.memory_space<hbm>>
    %dma_start3A_236 = tpu.memref_squeeze %dma_start3A_235 : memref<1x32768xf32, #tpu.memory_space<hbm>> -> memref<32768xf32, #tpu.memory_space<hbm>>
    %dma_start3A_237 = arith.constant 0 : i32
    %dma_start3A_238 = tpu.memref_slice %arg3[%add3A_233, %dma_start3A_237] : memref<128x32768xf32, #tpu.memory_space<hbm>> -> memref<1x32768xf32, #tpu.memory_space<hbm>>
    %dma_start3A_239 = tpu.memref_squeeze %dma_start3A_238 : memref<1x32768xf32, #tpu.memory_space<hbm>> -> memref<32768xf32, #tpu.memory_space<hbm>>
    tpu.enqueue_dma source(%arg4 : memref<32768xf32, #tpu.memory_space<vmem>>) target(%dma_start3A_239 : memref<32768xf32, #tpu.memory_space<hbm>>) target_semaphore(%arg12 : memref<!tpu.dma_semaphore, #tpu.memory_space<semaphore_mem>>)
    %dma_wait3A_240 = arith.constant 0 : i32
    %dma_wait3A_241 = tpu.memref_slice %arg3[%add3A_131, %dma_wait3A_240] : memref<128x32768xf32, #tpu.memory_space<hbm>> -> memref<1x32768xf32, #tpu.memory_space<hbm>>
    %dma_wait3A_242 = tpu.memref_squeeze %dma_wait3A_241 : memref<1x32768xf32, #tpu.memory_space<hbm>> -> memref<32768xf32, #tpu.memory_space<hbm>>
    %dma_wait3A_243 = arith.constant 0 : i32
    %dma_wait3A_244 = tpu.memref_slice %arg3[%add3A_131, %dma_wait3A_243] : memref<128x32768xf32, #tpu.memory_space<hbm>> -> memref<1x32768xf32, #tpu.memory_space<hbm>>
    %dma_wait3A_245 = tpu.memref_squeeze %dma_wait3A_244 : memref<1x32768xf32, #tpu.memory_space<hbm>> -> memref<32768xf32, #tpu.memory_space<hbm>>
    tpu.wait_dma2 semaphore(%arg13 : memref<!tpu.dma_semaphore, #tpu.memory_space<semaphore_mem>>) src(%arg5 : memref<32768xf32, #tpu.memory_space<vmem>>) dst(%dma_wait3A_245 : memref<32768xf32, #tpu.memory_space<hbm>>)
    %dma_wait3A_246 = arith.constant 0 : i32
    %dma_wait3A_247 = tpu.memref_slice %arg3[%add3A_182, %dma_wait3A_246] : memref<128x32768xf32, #tpu.memory_space<hbm>> -> memref<1x32768xf32, #tpu.memory_space<hbm>>
    %dma_wait3A_248 = tpu.memref_squeeze %dma_wait3A_247 : memref<1x32768xf32, #tpu.memory_space<hbm>> -> memref<32768xf32, #tpu.memory_space<hbm>>
    %dma_wait3A_249 = arith.constant 0 : i32
    %dma_wait3A_250 = tpu.memref_slice %arg3[%add3A_182, %dma_wait3A_249] : memref<128x32768xf32, #tpu.memory_space<hbm>> -> memref<1x32768xf32, #tpu.memory_space<hbm>>
    %dma_wait3A_251 = tpu.memref_squeeze %dma_wait3A_250 : memref<1x32768xf32, #tpu.memory_space<hbm>> -> memref<32768xf32, #tpu.memory_space<hbm>>
    tpu.wait_dma2 semaphore(%arg14 : memref<!tpu.dma_semaphore, #tpu.memory_space<semaphore_mem>>) src(%arg6 : memref<32768xf32, #tpu.memory_space<vmem>>) dst(%dma_wait3A_251 : memref<32768xf32, #tpu.memory_space<hbm>>)
    %dma_wait3A_252 = arith.constant 0 : i32
    %dma_wait3A_253 = tpu.memref_slice %arg3[%add3A_233, %dma_wait3A_252] : memref<128x32768xf32, #tpu.memory_space<hbm>> -> memref<1x32768xf32, #tpu.memory_space<hbm>>
    %dma_wait3A_254 = tpu.memref_squeeze %dma_wait3A_253 : memref<1x32768xf32, #tpu.memory_space<hbm>> -> memref<32768xf32, #tpu.memory_space<hbm>>
    %dma_wait3A_255 = arith.constant 0 : i32
    %dma_wait3A_256 = tpu.memref_slice %arg3[%add3A_233, %dma_wait3A_255] : memref<128x32768xf32, #tpu.memory_space<hbm>> -> memref<1x32768xf32, #tpu.memory_space<hbm>>
    %dma_wait3A_257 = tpu.memref_squeeze %dma_wait3A_256 : memref<1x32768xf32, #tpu.memory_space<hbm>> -> memref<32768xf32, #tpu.memory_space<hbm>>
    tpu.wait_dma2 semaphore(%arg12 : memref<!tpu.dma_semaphore, #tpu.memory_space<semaphore_mem>>) src(%arg4 : memref<32768xf32, #tpu.memory_space<vmem>>) dst(%dma_wait3A_257 : memref<32768xf32, #tpu.memory_space<hbm>>)
    return
  }
}

</mosaic_0001>

<sc_bundles>
// kernel: kernel.3.cloned.1.call-start
scs
__scs_entry_jumppad:
0x0: {  	(pc) =	sbr.rel $0x88, $3  }
0x1: {  	(tag) =	ssettag $0x0;
	lr =	simm.s32 $0x1  }
0x2: {  	[smem:$0x3FA0] =	sst lr;
	_ =	strace $0xD0000000  }
0x3: {  	_ = 	snop  }
0x4: {  	_ = 	snop  }
0x5: {  	_ = 	snop  }
0x6: {  	_ = 	snop  }
0x7: {  	_ = 	snop  }
__scs_overlays_trampoline_lowered:
0x8: {  	[smem:$0x3FAF] =	sst s0  }
0x9: {  	[smem:$0x3FB0] =	sst s1  }
0xa: {  	[smem:$0x3FB1] =	sst s2  }
0xb: {  	[smem:$0x3FB2] =	sst s3  }
0xc: {  	[smem:$0x3FB3] =	sst s4  }
0xd: {  	[smem:$0x3FB4] =	sst s5  }
0xe: {  	[smem:$0x3FB5] =	sst s6  }
0xf: {  	[smem:$0x3FB6] =	sst s7  }
0x10: {  	[smem:$0x3FB7] =	sst s8  }
0x11: {  	[smem:$0x3FB8] =	sst s9;
	s0 =	simm.s32 @!p0 $0x0  }
0x12: {  	s1 =	sld [smem:$0x3F9E];
	s0 =	simm.s32 @p0 $0x1  }
0x13: {  	[smem:$0x3FB9] =	sst s0;
	s0 =	simm.s32 @!p1 $0x0  }
0x14: {  	s2 =	sld [smem:$0x3F9D];
	s0 =	simm.s32 @p1 $0x1  }
0x15: {  	[smem:$0x3FBA] =	sst s0;
	s0 =	simm.s32 @!p2 $0x0  }
0x16: {  	s3 =	sld [smem:$0x3FDB];
	s0 =	simm.s32 @p2 $0x1  }
0x17: {  	s4 =	simm.s32 $0x1BF5;
	[smem:$0x3FBC] =	sst s0  }
0x18: {  	s0 =	sld [smem:$0x3F9F];
	_ =	swait.ge [sflag:s4], $0x0  }
0x19: {  	s7 =	sld [smem:$0x3FA0]  }
0x1a: {  	s8 =	sadd.s32 $0xFFFFE003, lr  }
0x1b: {  	s9 =	sadd.s32 $0xFFFFFEF7, lr;
	s5 =	simm.s32 $0xFFFFFFFF;
	p2 =	slt.u32 s8, $0xFFFFF086  }
0x1c: {  	p1 =	slt.u32 s9, $0xF7A;
	s5 =	simm.s32 @!p2 $0x0  }
0x1d: {  	s5 =	simm.s32 @p1 $0x1;
	p0 =	seq.s32 s7, s2  }
0x1e: {  	s7 =	smul.u32 @!p0 $0xF7A, s2;
	p2 =	seq.s32 @!p0 s5, $0x0  }
0x1f: {  	s9 =	smul.u32 $0xF7A, s1;
	s8 =	simm.s32 @!p0 $0x1BF5;
	p2 =	por !p2, p0  }
0x20: {  	[sflag:s8] =	ssyncset.s32 @!p0 $0xFFFFF086;
	s6 =	sadd.s32 @!p0 s3, s7;
	s7 =	simm.s32 @!p0 $0x108  }
0x21: {  	s3 =	sadd.s32 s3, s9;
	s6 =	sadd.s32 @!p0 $0x88, s6;
	s7 =	simm.s32 @p2 $0x1082  }
0x22: {  	[simem:s7], [sflag:s8] =	dma.local @!p0 [hbm:s6], $0xF7A  }
0x23: {  	s9 =	sor.u32 $0xD0000000, s2;
	s6 =	simm.s32 $0x108;
	_ =	swait.ge @!p0 [sflag:s8], $0x0  }
0x24: {  	s3 =	sadd.s32 $0x88, s3;
	s6 =	simm.s32 @!p1 $0x1082;
	[sflag:s4] =	ssyncset.s32 $0xFFFFF086  }
0x25: {  	[simem:s6], [sflag:s4] =	dma.local [hbm:s3], $0xF7A  }
0x26: {  	[smem:$0x3FA0] =	sst s1;
	(tag) =	ssettag s2;
	_ =	strace s9  }
0x27: {  	s1 =	sld [smem:$0x3FB0]  }
0x28: {  	s2 =	sld [smem:$0x3FB1]  }
0x29: {  	s4 =	sld [smem:$0x3FB3]  }
0x2a: {  	p0 =	seq.s32 s5, $0x0;
	s5 =	sld [smem:$0x3FB4]  }
0x2b: {  	s6 =	sld [smem:$0x3FB5]  }
0x2c: {  	s7 =	sld [smem:$0x3FB6]  }
0x2d: {  	s3 =	simm.s32 $0x108;
	s8 =	sld [smem:$0x3FB7]  }
0x2e: {  	s3 =	simm.s32 @!p0 $0x1082;
	s9 =	sld [smem:$0x3FB8]  }
0x2f: {  	lr =	sadd.s32 s0, s3;
	s0 =	sld [smem:$0x3FAF]  }
0x30: {  	s3 =	sld [smem:$0x3FB2]  }
0x31: {  	[smem:$0x3FBB] =	sst s10  }
0x32: {  	s10 =	sld [smem:$0x3FB9];
	_ =	sdelay $0x3  }
0x33: {  	p0 =	seq.s32 s10, $0x1;
	s10 =	sld [smem:$0x3FBB];
	_ =	sdelay $0x3  }
0x34: {  	[smem:$0x3FBB] =	sst s10  }
0x35: {  	s10 =	sld [smem:$0x3FBA];
	_ =	sdelay $0x3  }
0x36: {  	p1 =	seq.s32 s10, $0x1;
	s10 =	sld [smem:$0x3FBB];
	_ =	sdelay $0x3  }
0x37: {  	[smem:$0x3FBB] =	sst s10  }
0x38: {  	s10 =	sld [smem:$0x3FBC]  }
0x39: {  	_ = 	snop;
	(pc) =	sbr.ind lr, $3  }
0x3a: {  	_ = 	snop  }
0x3b: {  	_ = 	snop  }
0x3c: {  	p2 =	seq.s32 s10, $0x1;
	s10 =	sld [smem:$0x3FBB]  }
0x3d: {  	_ =	shalt  }
0x3e: {  	_ =	shalt  }
0x3f: {  	_ =	shalt  }
0x40: {  	_ =	shalt  }
0x41: {  	_ =	shalt  }
0x42: {  	_ =	shalt  }
0x43: {  	_ =	shalt  }
0x44: {  	_ =	shalt  }
0x45: {  	_ =	shalt  }
0x46: {  	_ =	shalt  }
0x47: {  	_ =	shalt  }
0x48: {  	_ =	shalt  }
0x49: {  	_ =	shalt  }
0x4a: {  	_ =	shalt  }
0x4b: {  	_ =	shalt  }
0x4c: {  	_ =	shalt  }
0x4d: {  	_ =	shalt  }
0x4e: {  	_ =	shalt  }
0x4f: {  	_ =	shalt  }
0x50: {  	_ =	shalt  }
0x51: {  	_ =	shalt  }
0x52: {  	_ =	shalt  }
0x53: {  	_ =	shalt  }
0x54: {  	_ =	shalt  }
0x55: {  	_ =	shalt  }
0x56: {  	_ =	shalt  }
0x57: {  	_ =	shalt  }
0x58: {  	_ =	shalt  }
0x59: {  	_ =	shalt  }
0x5a: {  	_ =	shalt  }
0x5b: {  	_ =	shalt  }
0x5c: {  	_ =	shalt  }
0x5d: {  	_ =	shalt  }
0x5e: {  	_ =	shalt  }
0x5f: {  	_ =	shalt  }
0x60: {  	_ =	shalt  }
0x61: {  	_ =	shalt  }
0x62: {  	_ =	shalt  }
0x63: {  	_ =	shalt  }
0x64: {  	_ =	shalt  }
0x65: {  	_ =	shalt  }
0x66: {  	_ =	shalt  }
0x67: {  	_ =	shalt  }
0x68: {  	_ =	shalt  }
0x69: {  	_ =	shalt  }
0x6a: {  	_ =	shalt  }
0x6b: {  	_ =	shalt  }
0x6c: {  	_ =	shalt  }
0x6d: {  	_ =	shalt  }
0x6e: {  	_ =	shalt  }
0x6f: {  	_ =	shalt  }
0x70: {  	_ =	shalt  }
0x71: {  	_ =	shalt  }
0x72: {  	_ =	shalt  }
0x73: {  	_ =	shalt  }
0x74: {  	_ =	shalt  }
0x75: {  	_ =	shalt  }
0x76: {  	_ =	shalt  }
0x77: {  	_ =	shalt  }
0x78: {  	_ =	shalt  }
0x79: {  	_ =	shalt  }
0x7a: {  	_ =	shalt  }
0x7b: {  	_ =	shalt  }
0x7c: {  	_ =	shalt  }
0x7d: {  	_ =	shalt  }
0x7e: {  	_ =	shalt  }
0x7f: {  	_ =	shalt  }
0x80: {  	_ =	shalt  }
0x81: {  	_ =	shalt  }
0x82: {  	_ =	shalt  }
0x83: {  	_ =	shalt  }
0x84: {  	_ =	shalt  }
0x85: {  	_ =	shalt  }
0x86: {  	_ =	shalt  }
0x87: {  	_ =	shalt  }
.Lfunc_end0:
.L_simem_size_0:
called_computation_lowered:
.L_overlay_start_0:
0x88: {  	s2 =	sld [smem:$0x3FD9]  }
0x89: {  	s3 =	sld [smem:$0x3FFE];
	_ =	sdelay $0x1  }
0x8a: {  	s1 =	srdreg.scid  }
0x8b: {  	s0 =	sand.u32 $0x1, s1  }
0x8c: {  	s18 =	sshll.u32 s0, $0xA;
	s2 =	sadd.s32 s3, s2  }
0x8d: {  	s2 =	sadd.s32 s2, s18  }
0x8e: {  	[smem:$0x3FC7] =	sst s2  }
0x8f: {  	_ = 	snop  }
0x90: {  	s2 =	sld [smem:$0x3FC9]  }
0x91: {  	s19 =	sld [smem:$0x3FD0];
	(tm) =	ssettm $0x1  }
0x92: {  	s4 =	sld [smem:$0x3FFB];
	_ =	sdelay $0x3  }
0x93: {  	_ =	strace s4  }
0x94: {  	s4 =	sld [smem:$0x3FFC];
	_ =	sdelay $0x3  }
0x95: {  	_ =	strace s4  }
0x96: {  	s4 =	sld [smem:$0x3FFD];
	_ =	sdelay $0x3  }
0x97: {  	_ =	strace s4  }
0x98: {  	_ =	strace $0x8FFFFFFF  }
0x99: {  	s20 =	sld [smem:$0x3FDB];
	_ =	sdelay $0x1  }
0x9a: {  	s5 =	simm.s32 $_scs_section_size  }
0x9b: {  	s6 =	simm.s32 $_size__tile_overlayer_lowered;
	s7 =	simm.s32 $_tile_overlayer_lowered  }
0x9c: {  	s23 =	simm.s32 $0x1BFF;
	s22 =	sshll.u32 s7, $0x1;
	s4 =	sadd.s32 s5, s20  }
0x9d: {  	s8 =	simm.s32 $0x0;
	s21 =	sshll.u32 s6, $0x1;
	s6 =	sadd.s32 s22, s4  }
0x9e: {  	[timem:s8], [sflag:s23] =	dma.local [hbm:s6], s21  }
0x9f: {  	_ =	swait.ge [sflag:s23], s21  }
0xa0: {  	s5 =	ssub.s32 $0x0, s21;
	[sflag:s23] =	ssyncset.done $0x0  }
0xa1: {  	[sflag:s23] =	ssyncadd.s32 s5;
	_ =	sdelay $0x1  }
0xa2: {  	s24 =	simm.s32 $0x1B8B  }
0xa3: {  	_ =	swait.ge [sflag:s24], $0x1  }
0xa4: {  	[sflag:s24] =	ssyncset.done $0x0  }
0xa5: {  	s25 =	simm.s32 $0x1B8E;
	[sflag:s24] =	ssyncadd.s32 $0xFFFFFFFF  }
0xa6: {  	s26 =	simm.s32 $execute0_lowered;
	[smem:$0x3FD2] =	sst s25  }
0xa7: {  	s5 =	sshll.u32 s26, $0x1;
	_ =	strace $0x80000046;
	[dreg:$0x1] =	wrdreg $0xFFFFFFFF  }
0xa8: {  	s28 =	simm.s32 $_size_execute0_lowered;
	s4 =	sadd.s32 s4, s5;
	[dreg:$0x0] =	wrdreg $0x0  }
0xa9: {  	s5 =	sshll.u32 s28, $0x1;
	[dreg:$0x2] =	wrdreg s4  }
0xaa: {  	[dreg:$0x3] =	wrdreg s5  }
0xab: {  	[dreg:$0x4] =	wrdreg $0xC0  }
0xac: {  	_ =	task [dreg:s8], $0x5FFFF  }
0xad: {  	[dreg:$0x1] =	wrdreg $0xFFFFFFFF  }
0xae: {  	[dreg:$0x0] =	wrdreg $0x60  }
0xaf: {  	[dreg:$0x2] =	wrdreg s2  }
0xb0: {  	[dreg:$0x3] =	wrdreg s19  }
0xb1: {  	[dreg:$0x4] =	wrdreg $0x9  }
0xb2: {  	_ =	task.clear_ibuf [dreg:s8], $0x5FFFF;
	_ =	strace $0x90000046  }
0xb3: {  	s29 =	simm.s32 $0x9;
	_ =	strace $0x80000048  }
0xb4: {  	_ =	swait.ge [sflag:s29], $0x1  }
0xb5: {  	[sflag:s29] =	ssyncadd.s32 $0xFFFFFFFF  }
0xb6: {  	_ =	strace $0x90000048  }
0xb7: {  	_ =	sfence  }
0xb8: {  	s30 =	sld [smem:$0x0];
	_ =	sdelay $0x2  }
0xb9: {  	s31 =	sshll.u32 s1, $0xD;
	s1 =	sshrl.u32 s1, $0x2  }
0xba: {  	s3 =	sand.u32 $0x4000, s31;
	s1 =	sadd.s32 s1, s30  }
0xbb: {  	s0 =	sor.u32 s3, s0;
	s1 =	sshll.u32 s1, $0x11  }
0xbc: {  	s0 =	sor.u32 s1, s0  }
0xbd: {  	s0 =	sadd.s32 $0x8F2B, s0  }
0xbe: {  	[sflag:s0] =	ssyncadd.remote.s32 $0x1  }
0xbf: {  	_ =	sfence.sel $0xFFFF  }
0xc0: {  	[dreg:$0x0] =	wrdreg $0xFFFFFFFF;
	(pc) =	sbr.abs _section_cstart, $3  }
0xc1: {  	[dreg:$0x1] =	wrdreg $0xFFFFFFFF  }
0xc2: {  	_ =	task.clear_ibuf [dreg:s8], $0x2FFFF;
	_ =	strace $0x9FFFFFFF  }
0xc3: {  	(tm) =	ssettm $0x7FFFFFFF  }
tec
execute0_lowered:
.L_overlay_start_1:
0x0: {  	(tag) =	ssettag $0x1  }
0x1: {  	s7 =	rddreg [dreg:$0x0]  }
0x2: {  	s10 =	rddreg [dreg:$0x1];
	s1 =	srdreg.scid  }
0x3: {  	s0 =	rddreg [dreg:$0x2];
	s2 =	simm.s32 $0x0;
	s13 =	simm.s32 $0x10000  }
0x4: {  	s14 =	simm.s32 $0x1;
	s15 =	simm.s32 $0x4;
	s16 =	simm.s32 $0x2  }
0x5: {  	s17 =	simm.s32 $0x3;
	s18 =	simm.s32 $0x5;
	s19 =	simm.s32 $0x6  }
0x6: {  	s20 =	simm.s32 $0x0;
	s3 =	sand.u32 $0x1, s1;
	s1 =	stileid.u32  }
0x7: {  	s4 =	ssub.s32 $0x2, s3;
	s6 =	sshll.u32 s1, $0xF;
	s3 =	sshll.u32 s3, $0xE  }
0x8: {  	[smem:$0x7FF] =	sst s2;
	s5 =	sshrl.u32 s4, $0x1;
	s6 =	sor.u32 s3, s6  }
0x9: {  	_ =	strace $0x80000047;
	s11 =	ssub.s32 s4, s5;
	s3 =	sadd.s32 s7, s6  }
0xa: {  	v0 =	vlaneseq.u32;
	v9 =	vimm.s32 $0x0;
	vm0 =	vmxor vm0, vm0;
	s8 =	sor.u32 $0x1000, s6;
	s9 =	sor.u32 $0x2000, s6;
	s12 =	sor.u32 $0x3000, s6  }
0xb: {  	v10 =	vimm.f32 $0.0e+00;
	v1 =	vor.u32 $0x10, v0;
	v2 =	vor.u32 $0x20, v0;
	s6 =	sadd.s32 s10, s6;
	s4 =	sadd.s32 s7, s8;
	s5 =	sadd.s32 s7, s9  }
0xc: {  	v3 =	vor.u32 $0x30, v0;
	v4 =	vor.u32 $0x40, v0;
	v5 =	vor.u32 $0x50, v0;
	s7 =	sadd.s32 s7, s12;
	s8 =	sadd.s32 s10, s8;
	s9 =	sadd.s32 s10, s9  }
0xd: {  	v6 =	vor.u32 $0x60, v0;
	v7 =	vor.u32 $0x70, v0;
	v8 =	vmul.u32 $0x10, v0;
	s10 =	sadd.s32 s10, s12;
	s11 =	smax.u32 s11, $0x1;
	s12 =	simm.s32 $0x8000  }
.LBB2_1:
0xe: {  	[tilespmem:s2], [sflag:$0x1] =	stream.linear.gather [hbm4b:s3+s2], $0x8000, $0x38;
	[tilespmem:$0x18000] =	vst v63  }
0xf: {  	_ = 	snop  }
0x10: {  	[tilespmem:s12], [sflag:$0x2] =	stream.linear.gather [hbm4b:s4+s2], $0x8000, $0x38;
	[tilespmem:$0x18000] =	vst v63  }
0x11: {  	_ = 	snop  }
0x12: {  	[tilespmem:s13], [sflag:$0x3] =	stream.linear.gather [hbm4b:s5+s2], $0x8000, $0x38;
	[tilespmem:$0x18000] =	vst v63  }
0x13: {  	_ =	swait.ge [sflag:s14], $0x8000  }
0x14: {  	[sflag:s14] =	ssyncset.done $0x0  }
0x15: {  	s21 =	simm.s32 $0x7070;
	[sflag:s14] =	ssyncadd.s32 $0xFFFF8000  }
0x16: {  	v11 =	vld [tilespmem:s21+$0xFFFF9000]  }
0x17: {  	v12 =	vld [tilespmem:s21+$0xFFFFA000]  }
0x18: {  	v13 =	vld [tilespmem:s21+$0xFFFFB000]  }
0x19: {  	v14 =	vld [tilespmem:s21+$0xFFFFC000]  }
0x1a: {  	v26 =	vld [tilespmem:s21+$0xFFFFD000]  }
0x1b: {  	v17 =	vld [tilespmem:s21+$0xFFFFE000]  }
0x1c: {  	v16 =	vld [tilespmem:s21+$0xFFFFF000]  }
0x1d: {  	v15 =	vld [tilespmem:s21+$0xFFFF8FF0]  }
0x1e: {  	v27 =	vld [tilespmem:s21+$0xFFFF9FF0]  }
0x1f: {  	v28 =	vld [tilespmem:s21+$0xFFFFAFF0]  }
0x20: {  	v29 =	vld [tilespmem:s21+$0xFFFFBFF0]  }
0x21: {  	v30 =	vld [tilespmem:s21+$0xFFFFCFF0]  }
0x22: {  	v18 =	vld [tilespmem:s21+$0xFFFFDFF0]  }
0x23: {  	v19 =	vld [tilespmem:s21+$0xFFFFEFF0]  }
0x24: {  	v31 =	vld [tilespmem:s21+$0xFFFF8FE0]  }
0x25: {  	v32 =	vld [tilespmem:s21+$0xFFFF9FE0]  }
0x26: {  	v33 =	vld [tilespmem:s21+$0xFFFFAFE0]  }
0x27: {  	v34 =	vld [tilespmem:s21+$0xFFFFBFE0]  }
0x28: {  	v35 =	vld [tilespmem:s21+$0xFFFFCFE0]  }
0x29: {  	v20 =	vld [tilespmem:s21+$0xFFFFDFE0]  }
0x2a: {  	v21 =	vld [tilespmem:s21+$0xFFFFEFE0]  }
0x2b: {  	v36 =	vld [tilespmem:s21+$0xFFFF8FD0]  }
0x2c: {  	v37 =	vld [tilespmem:s21+$0xFFFF9FD0]  }
0x2d: {  	v38 =	vld [tilespmem:s21+$0xFFFFAFD0]  }
0x2e: {  	v39 =	vld [tilespmem:s21+$0xFFFFBFD0]  }
0x2f: {  	v40 =	vld [tilespmem:s21+$0xFFFFCFD0]  }
0x30: {  	v22 =	vld [tilespmem:s21+$0xFFFFDFD0]  }
0x31: {  	v23 =	vld [tilespmem:s21+$0xFFFFEFD0]  }
0x32: {  	v41 =	vld [tilespmem:s21+$0xFFFF8FC0]  }
0x33: {  	v42 =	vld [tilespmem:s21+$0xFFFF9FC0]  }
0x34: {  	v43 =	vld [tilespmem:s21+$0xFFFFAFC0]  }
0x35: {  	v44 =	vld [tilespmem:s21+$0xFFFFBFC0]  }
0x36: {  	v45 =	vld [tilespmem:s21+$0xFFFFCFC0]  }
0x37: {  	v24 =	vld [tilespmem:s21+$0xFFFFDFC0]  }
0x38: {  	v25 =	vld [tilespmem:s21+$0xFFFFEFC0]  }
0x39: {  	v46 =	vld [tilespmem:s21+$0xFFFF8FB0]  }
0x3a: {  	v47 =	vld [tilespmem:s21+$0xFFFF9FB0]  }
0x3b: {  	v48 =	vld [tilespmem:s21+$0xFFFFAFB0]  }
0x3c: {  	v49 =	vld [tilespmem:s21+$0xFFFF8FA0]  }
0x3d: {  	v50 =	vld [tilespmem:s21+$0xFFFF8F90]  }
0x3e: {  	v51 =	vld [tilespmem:s21+$0xFFFF9F90]  }
0x3f: {  	v52 =	vld [tilespmem:s21+$0xFFFF9FA0]  }
0x40: {  	v53 =	vld [tilespmem:s21+$0xFFFFBFB0]  }
0x41: {  	v54 =	vld [tilespmem:s21+$0xFFFFCFB0]  }
0x42: {  	v55 =	vimm.f32 $-Inf;
	v56 =	vld [tilespmem:s21+$0xFFFFAFA0]  }
0x43: {  	v57 =	vld [tilespmem:s21+$0xFFFFBFA0];
	v50 =	vmax.f32 v55, v50  }
0x44: {  	v58 =	vld [tilespmem:s21+$0xFFFFAF90];
	v51 =	vmax.f32 v55, v51;
	v49 =	vmax.f32 v50, v49  }
0x45: {  	v63 =	vld [tilespmem:s21+$0xFFFFCF90];
	v61 =	vmax.f32 v51, v52;
	v46 =	vmax.f32 v49, v46  }
0x46: {  	v62 =	vld [tilespmem:s21+$0xFFFFBF90];
	v47 =	vmax.f32 v61, v47;
	v41 =	vmax.f32 v46, v41  }
0x47: {  	v50 =	vld [tilespmem:s21+$0xFFFFCFA0];
	v42 =	vmax.f32 v47, v42;
	v36 =	vmax.f32 v41, v36  }
0x48: {  	v59 =	vld [tilespmem:s21+$0xFFFFDF90];
	v37 =	vmax.f32 v42, v37;
	v31 =	vmax.f32 v36, v31  }
0x49: {  	v60 =	vld [tilespmem:s21+$0xFFFFEF90];
	v32 =	vmax.f32 v37, v32;
	v15 =	vmax.f32 v31, v15  }
0x4a: {  	v52 =	vmax.f32 v55, v63;
	v63 =	vld [tilespmem:s21+$0xFFFFFFB0];
	v27 =	vmax.f32 v32, v27;
	v11 =	vmax.f32 v15, v11  }
0x4b: {  	v61 =	vld [tilespmem:s21+$0xFFFFFF90];
	v12 =	vmax.f32 v27, v12;
	v15 =	vmax.f32 v55, v58;
	v27 =	vmax.f32 v55, v62  }
0x4c: {  	v41 =	vld [tilespmem:s21+$0xFFFFDFB0];
	v32 =	vmax.f32 v52, v50;
	v15 =	vmax.f32 v15, v56;
	v27 =	vmax.f32 v27, v57  }
0x4d: {  	v31 =	vld [tilespmem:s21+$0xFFFFDFA0];
	v32 =	vmax.f32 v32, v54;
	v15 =	vmax.f32 v15, v48;
	v27 =	vmax.f32 v27, v53  }
0x4e: {  	v58 =	vld [tilespmem:s21+$0xFFFFEFA0];
	v32 =	vmax.f32 v32, v45;
	v15 =	vmax.f32 v15, v43;
	v27 =	vmax.f32 v27, v44  }
0x4f: {  	v62 =	vld [tilespmem:s21+$0xFFFFFFA0];
	v32 =	vmax.f32 v32, v40;
	v15 =	vmax.f32 v15, v38;
	v27 =	vmax.f32 v27, v39  }
0x50: {  	v37 =	vld [tilespmem:s21+$0xFFFFEFB0];
	v32 =	vmax.f32 v32, v35;
	v15 =	vmax.f32 v15, v33;
	v27 =	vmax.f32 v27, v34  }
0x51: {  	v36 =	vld [tilespmem:s21+$0xFFFFFFC0];
	v15 =	vmax.f32 v15, v28;
	v27 =	vmax.f32 v27, v29;
	v28 =	vmax.f32 v32, v30  }
0x52: {  	v32 =	vld [tilespmem:s21+$0xFFFFFFD0];
	v29 =	vmax.f32 v55, v61;
	v15 =	vmax.f32 v15, v13;
	v14 =	vmax.f32 v27, v14  }
0x53: {  	v13 =	vmax.f32 v28, v26;
	v26 =	vmax.f32 v55, v59;
	v28 =	vmax.f32 v55, v60;
	v27 =	vld [tilespmem:s21+$0xFFFFFFE0]  }
0x54: {  	v26 =	vmax.f32 v26, v31;
	v30 =	vmax.f32 v28, v58;
	v31 =	vmax.f32 v29, v62;
	v28 =	vld [tilespmem:s21+$0xFFFFFFF0]  }
0x55: {  	s22 =	simm.s32 $0x0;
	s23 =	simm.s32 $0x70F0;
	v26 =	vmax.f32 v26, v41;
	v29 =	vmax.f32 v30, v37;
	v31 =	vmax.f32 v31, v63;
	v30 =	vld [tilespmem:s21+$0x0]  }
.LBB2_2:
0x56: {  	v35 =	vld [tilespmem:s23+$0xFFFF9000];
	v24 =	vmax.f32 v26, v24;
	v25 =	vmax.f32 v29, v25;
	v26 =	vmax.f32 v31, v36  }
0x57: {  	v36 =	vld [tilespmem:s23+$0xFFFFA000];
	v22 =	vmax.f32 v24, v22;
	v23 =	vmax.f32 v25, v23;
	v24 =	vmax.f32 v26, v32  }
0x58: {  	v26 =	vld [tilespmem:s23+$0xFFFFB000];
	v20 =	vmax.f32 v22, v20;
	v21 =	vmax.f32 v23, v21;
	v22 =	vmax.f32 v24, v27  }
0x59: {  	v27 =	vld [tilespmem:s23+$0xFFFFC000];
	v18 =	vmax.f32 v20, v18;
	v19 =	vmax.f32 v21, v19;
	v20 =	vmax.f32 v22, v28  }
0x5a: {  	s21 =	simm.f32 $-Inf;
	v31 =	vld [tilespmem:s23+$0xFFFFD000];
	v28 =	vmax.f32 v18, v17;
	v29 =	vmax.f32 v19, v16;
	v30 =	vmax.f32 v20, v30  }
0x5b: {  	v17 =	vld [tilespmem:s23+$0xFFFFE000]  }
0x5c: {  	v16 =	vld [tilespmem:s23+$0xFFFFF000]  }
0x5d: {  	v37 =	vld [tilespmem:s23+$0xFFFF8FF0]  }
0x5e: {  	v38 =	vld [tilespmem:s23+$0xFFFF9FF0]  }
0x5f: {  	v32 =	vld [tilespmem:s23+$0xFFFFAFF0]  }
0x60: {  	v33 =	vld [tilespmem:s23+$0xFFFFBFF0]  }
0x61: {  	v34 =	vld [tilespmem:s23+$0xFFFFCFF0]  }
0x62: {  	v18 =	vld [tilespmem:s23+$0xFFFFDFF0]  }
0x63: {  	v19 =	vld [tilespmem:s23+$0xFFFFEFF0]  }
0x64: {  	v39 =	vld [tilespmem:s23+$0xFFFF8FE0]  }
0x65: {  	v40 =	vld [tilespmem:s23+$0xFFFF9FE0]  }
0x66: {  	v41 =	vld [tilespmem:s23+$0xFFFFAFE0]  }
0x67: {  	v42 =	vld [tilespmem:s23+$0xFFFFBFE0]  }
0x68: {  	v43 =	vld [tilespmem:s23+$0xFFFFCFE0]  }
0x69: {  	v20 =	vld [tilespmem:s23+$0xFFFFDFE0]  }
0x6a: {  	v21 =	vld [tilespmem:s23+$0xFFFFEFE0]  }
0x6b: {  	v44 =	vld [tilespmem:s23+$0xFFFF8FD0]  }
0x6c: {  	v45 =	vld [tilespmem:s23+$0xFFFF9FD0]  }
0x6d: {  	v46 =	vld [tilespmem:s23+$0xFFFFAFD0]  }
0x6e: {  	v47 =	vld [tilespmem:s23+$0xFFFFBFD0]  }
0x6f: {  	v48 =	vld [tilespmem:s23+$0xFFFFCFD0]  }
0x70: {  	v22 =	vld [tilespmem:s23+$0xFFFFDFD0]  }
0x71: {  	v23 =	vld [tilespmem:s23+$0xFFFFEFD0]  }
0x72: {  	v49 =	vld [tilespmem:s23+$0xFFFF8FC0]  }
0x73: {  	v50 =	vld [tilespmem:s23+$0xFFFF9FC0]  }
0x74: {  	v51 =	vld [tilespmem:s23+$0xFFFFAFC0]  }
0x75: {  	v52 =	vld [tilespmem:s23+$0xFFFFBFC0]  }
0x76: {  	v53 =	vld [tilespmem:s23+$0xFFFFCFC0]  }
0x77: {  	v24 =	vld [tilespmem:s23+$0xFFFFDFC0]  }
0x78: {  	v25 =	vld [tilespmem:s23+$0xFFFFEFC0]  }
0x79: {  	v54 =	vld [tilespmem:s23+$0xFFFF8FB0]  }
0x7a: {  	v55 =	vld [tilespmem:s23+$0xFFFF9FB0]  }
0x7b: {  	v56 =	vld [tilespmem:s23+$0xFFFFAFB0]  }
0x7c: {  	v57 =	vld [tilespmem:s23+$0xFFFF8FA0]  }
0x7d: {  	v58 =	vld [tilespmem:s23+$0xFFFF8F90]  }
0x7e: {  	v59 =	vld [tilespmem:s23+$0xFFFF9F90]  }
0x7f: {  	v60 =	vld [tilespmem:s23+$0xFFFF9FA0]  }
0x80: {  	v61 =	vld [tilespmem:s23+$0xFFFFBFB0]  }
0x81: {  	v62 =	vld [tilespmem:s23+$0xFFFFCFB0]  }
0x82: {  	v63 =	vld [tilespmem:s23+$0xFFFFAFA0]  }
0x83: {  	v11 =	vmax.f32 v11, v58;
	v12 =	vmax.f32 v12, v59;
	v58 =	vld [tilespmem:s23+$0xFFFFBFA0]  }
0x84: {  	v11 =	vmax.f32 v11, v57;
	v59 =	vld [tilespmem:s23+$0xFFFFAF90];
	v12 =	vmax.f32 v12, v60  }
0x85: {  	v11 =	vmax.f32 v11, v54;
	v57 =	vld [tilespmem:s23+$0xFFFFBF90];
	v12 =	vmax.f32 v12, v55  }
0x86: {  	v11 =	vmax.f32 v11, v49;
	v54 =	vld [tilespmem:s23+$0xFFFFCF90];
	v12 =	vmax.f32 v12, v50  }
0x87: {  	v11 =	vmax.f32 v11, v44;
	v49 =	vld [tilespmem:s23+$0xFFFFCFA0];
	v12 =	vmax.f32 v12, v45  }
0x88: {  	v11 =	vmax.f32 v11, v39;
	v44 =	vld [tilespmem:s23+$0xFFFFDFB0];
	v12 =	vmax.f32 v12, v40  }
0x89: {  	v11 =	vmax.f32 v11, v37;
	v39 =	vld [tilespmem:s23+$0xFFFFEFB0];
	v12 =	vmax.f32 v12, v38  }
0x8a: {  	v11 =	vmax.f32 v11, v35;
	v37 =	vld [tilespmem:s23+$0xFFFFDFA0];
	v12 =	vmax.f32 v12, v36  }
0x8b: {  	v15 =	vmax.f32 v15, v59;
	v14 =	vmax.f32 v14, v57;
	v13 =	vmax.f32 v13, v54;
	v35 =	vld [tilespmem:s23+$0xFFFFEFA0]  }
0x8c: {  	v15 =	vmax.f32 v15, v63;
	v14 =	vmax.f32 v14, v58;
	v38 =	vld [tilespmem:s23+$0xFFFFDF90];
	v13 =	vmax.f32 v13, v49  }
0x8d: {  	v15 =	vmax.f32 v15, v56;
	v14 =	vmax.f32 v14, v61;
	v40 =	vld [tilespmem:s23+$0xFFFFEF90];
	v13 =	vmax.f32 v13, v62  }
0x8e: {  	s22 =	sadd.s32 $0x8, s22;
	v15 =	vmax.f32 v15, v51;
	v14 =	vmax.f32 v14, v52;
	v45 =	vld [tilespmem:s23+$0xFFFFFF90];
	v13 =	vmax.f32 v13, v53  }
0x8f: {  	p0 =	slt.u32 s22, $0xF8;
	v15 =	vmax.f32 v15, v46;
	v14 =	vmax.f32 v14, v47;
	v49 =	vld [tilespmem:s23+$0xFFFFFFA0];
	v13 =	vmax.f32 v13, v48  }
0x90: {  	v15 =	vmax.f32 v15, v41;
	v14 =	vmax.f32 v14, v42;
	v46 =	vld [tilespmem:s23+$0xFFFFFFB0];
	v13 =	vmax.f32 v13, v43  }
.Ltmp0:
0x91: {  	v15 =	vmax.f32 v15, v32;
	v14 =	vmax.f32 v14, v33;
	v36 =	vld [tilespmem:s23+$0xFFFFFFC0];
	v13 =	vmax.f32 v13, v34;
	(pc) =	sbr.rel @p0 .LBB2_2-.Ltmp0, $4  }
0x92: {  	v15 =	vmax.f32 v15, v26;
	v14 =	vmax.f32 v14, v27;
	v32 =	vld [tilespmem:s23+$0xFFFFFFD0];
	v13 =	vmax.f32 v13, v31  }
0x93: {  	v26 =	vmax.f32 v28, v38;
	v28 =	vmax.f32 v29, v40;
	v29 =	vmax.f32 v30, v45;
	v27 =	vld [tilespmem:s23+$0xFFFFFFE0]  }
0x94: {  	v26 =	vmax.f32 v26, v37;
	v30 =	vmax.f32 v28, v35;
	v31 =	vmax.f32 v29, v49;
	v28 =	vld [tilespmem:s23+$0xFFFFFFF0]  }
0x95: {  	v26 =	vmax.f32 v26, v44;
	v29 =	vmax.f32 v30, v39;
	v31 =	vmax.f32 v31, v46;
	v30 =	vld [tilespmem:s23+$0x0];
	s23 =	sadd.s32 $0x80, s23  }
0x96: {  	v24 =	vmax.f32 v26, v24  }
0x97: {  	v25 =	vmax.f32 v29, v25;
	v26 =	vmax.f32 v31, v36;
	v22 =	vmax.f32 v24, v22  }
0x98: {  	v23 =	vmax.f32 v25, v23;
	v24 =	vmax.f32 v26, v32;
	v25 =	vmax.f32 v11, v12  }
0x99: {  	v20 =	vmax.f32 v22, v20;
	v21 =	vmax.f32 v23, v21;
	v22 =	vmax.f32 v25, v15  }
0x9a: {  	v23 =	vmax.f32 v24, v27;
	v18 =	vmax.f32 v20, v18;
	v20 =	vmax.f32 v22, v14  }
0x9b: {  	v19 =	vmax.f32 v21, v19;
	v17 =	vmax.f32 v18, v17;
	v20 =	vmax.f32 v20, v13  }
0x9c: {  	v21 =	vmax.f32 v23, v28;
	v18 =	vmax.f32 v19, v16;
	v19 =	vmax.f32 v20, v17  }
0x9d: {  	v16 =	vmax.f32 v21, v30;
	v19 =	vmax.f32 v19, v18  }
0x9e: {  	v19 =	vmax.f32 v19, v16  }
0x9f: {  	(xrf0) =	vmax.scan.msk.f32 $0xffff, v19;
	_ =	sdelay $0x5  }
0xa0: {  	v20, _, _ =	vpop (xrf0)  }
0xa1: {  	v19 =	vbroadcast v20, $0xF;
	_ =	sdelay $0x1  }
0xa2: {  	vm1 =	veq.f32 v12, v19  }
0xa3: {  	v21 =	vnsel vm1, $0xFFFFFFFF, v1  }
0xa4: {  	vm1 =	vgt.s32 v21, v0  }
0xa5: {  	vm2 =	veq.f32 v11, v19;
	v22 =	vsel vm1, v21, v0;
	vm1 =	veq.f32 v15, v19  }
0xa6: {  	v21 =	vsel vm2, v22, v21;
	v22 =	vnsel vm1, $0xFFFFFFFF, v2  }
0xa7: {  	vm2 =	veq.f32 v14, v19;
	vm1 =	vgt.s32 v21, v22  }
0xa8: {  	v21 =	vsel vm1, v21, v22;
	v22 =	vnsel vm2, $0xFFFFFFFF, v3  }
0xa9: {  	vm2 =	veq.f32 v13, v19;
	vm1 =	vgt.s32 v21, v22  }
0xaa: {  	v21 =	vsel vm1, v21, v22;
	v22 =	vnsel vm2, $0xFFFFFFFF, v4  }
0xab: {  	vm2 =	veq.f32 v17, v19;
	vm1 =	vgt.s32 v21, v22  }
0xac: {  	v21 =	vsel vm1, v21, v22;
	v22 =	vnsel vm2, $0xFFFFFFFF, v5  }
0xad: {  	vm2 =	veq.f32 v18, v19;
	vm1 =	vgt.s32 v21, v22  }
0xae: {  	v21 =	vsel vm1, v21, v22;
	v22 =	vnsel vm2, $0xFFFFFFFF, v6  }
0xaf: {  	vm2 =	veq.f32 v16, v19;
	vm1 =	vgt.s32 v21, v22  }
0xb0: {  	v21 =	vsel vm1, v21, v22;
	v22 =	vnsel vm2, $0xFFFFFFFF, v7  }
0xb1: {  	vm1 =	vgt.s32 v21, v22  }
0xb2: {  	v21 =	vsel vm1, v21, v22  }
0xb3: {  	v21 =	vxor.u32 $0x80000000, v21  }
0xb4: {  	(xrf0) =	vmax.scan.msk.u32 $0xffff, v21;
	_ =	sdelay $0x5  }
0xb5: {  	(v2sf) =	vpush v20, $0xF;
	v20, _, _ =	vpop (xrf0)  }
0xb6: {  	(v2sf) =	vpush v20, $0xF;
	_ =	sdelay $0xd  }
0xb7: {  	s23 =	spop (v2sf)  }
0xb8: {  	s22 =	spop (v2sf)  }
0xb9: {  	s24 =	sshra.s32 s22, $0x4  }
0xba: {  	s25 =	sshll.u32 s24, $0x8  }
0xbb: {  	v20 =	vmov s25  }
0xbc: {  	v20 =	vshll.u32 v20, $0x4  }
0xbd: {  	s31 =	sand.u32 $0xF, s22;
	v20 =	vor.u32 v8, v20  }
0xbe: {  	v20 =	vor.u32 s31, v20  }
0xbf: {  	v21 =	vor.u32 $0x300, v20  }
0xc0: {  	v22 =	vor.u32 $0x200, v20  }
0xc1: {  	vm7 =	vmmov vm0;
	vm3 =	vmmov vm0  }
0xc2: {  	vm4 =	vmmov vm0;
	vm5 =	vmmov vm0;
	v23 =	vor.u32 $0x100, v20  }
0xc3: {  	vm6 =	vmmov vm0;
	vm2 =	vmmov vm0;
	p0 =	seq.s32 s24, $0xF8000001;
	v24 =	vor.u32 $0x400, v20  }
0xc4: {  	vm1 =	vmmov vm0;
	p1 =	seq.s32 s24, $0xF8000002;
	vm7 =	vmneg @p0 vm7;
	p0 =	seq.s32 s24, $0xF8000003;
	v27 =	vld.idx.msk [tilespmem:v21+s2+$0x0], $0xffff;
	v21 =	vor.u32 $0x500, v20  }
0xc5: {  	vm1 =	vmneg @p1 vm1;
	p1 =	seq.s32 s24, $0xF8000004;
	vm2 =	vmneg @p0 vm2;
	p0 =	seq.s32 s24, $0xF8000005;
	v28 =	vld.idx.msk [tilespmem:v22+s2+$0x0], $0xffff;
	v22 =	vor.u32 $0x600, v20  }
0xc6: {  	vm3 =	vmneg @p1 vm3;
	p1 =	seq.s32 s24, $0xF8000006;
	vm4 =	vmneg @p0 vm4;
	p0 =	seq.s32 s24, $0xF8000007;
	v25 =	vor.u32 $0x700, v20;
	v29 =	vld.idx.msk [tilespmem:v20+s2+$0x0], $0xffff  }
0xc7: {  	vm5 =	vmneg @p1 vm5;
	vm6 =	vmneg @p0 vm6;
	v30 =	vld.idx.msk [tilespmem:v23+s2+$0x0], $0xffff;
	v23 =	vor.u32 $0x800, v20  }
0xc8: {  	v26 =	vor.u32 $0xA00, v20;
	v52 =	vor.u32 $0xF00, v20;
	v31 =	vld.idx.msk [tilespmem:v24+s2+$0x0], $0xffff;
	v24 =	vor.u32 $0x900, v20  }
0xc9: {  	v34 =	vor.u32 $0xB00, v20;
	v35 =	vor.u32 $0xD00, v20;
	v53 =	vor.u32 $0xE00, v20;
	v33 =	vld.idx.msk [tilespmem:v21+s2+$0x0], $0xffff  }
0xca: {  	v38 =	vor.u32 $0xC00, v20;
	v37 =	vld.idx.msk [tilespmem:v22+s2+$0x0], $0xffff;
	vm8 =	vlt.f32 v28, v19;
	vm9 =	vlt.f32 v27, v19  }
0xcb: {  	v39 =	vld.idx.msk [tilespmem:v25+s2+$0x0], $0xffff;
	vm10 =	vlt.f32 v29, v19;
	v21 =	vnsel vm8, $0xFF800000, v28;
	v22 =	vnsel vm9, $0xFF800000, v27  }
0xcc: {  	v40 =	vld.idx.msk [tilespmem:v23+s2+$0x0], $0xffff;
	vm8 =	vlt.f32 v30, v19;
	v23 =	vmax.f32 v29, v21;
	v25 =	vmax.f32 v30, v22  }
0xcd: {  	v20 =	vld.idx.msk [tilespmem:v24+s2+$0x0], $0xffff;
	v23 =	vsel vm10, v23, v21;
	v24 =	vsel vm8, v25, v22;
	vm8 =	vlt.f32 v31, v19  }
0xce: {  	v21 =	vld.idx.msk [tilespmem:v26+s2+$0x0], $0xffff;
	v25 =	vmax.f32 v23, v31;
	vm9 =	vlt.f32 v33, v19;
	v26 =	vmax.f32 v24, v33  }
0xcf: {  	v22 =	vld.idx.msk [tilespmem:v34+s2+$0x0], $0xffff;
	v25 =	vsel vm8, v25, v23;
	vm8 =	vlt.f32 v37, v19;
	v26 =	vsel vm9, v26, v24  }
0xd0: {  	v23 =	vld.idx.msk [tilespmem:v38+s2+$0x0], $0xffff;
	v54 =	vmax.f32 v25, v37;
	vm9 =	vlt.f32 v39, v19;
	v55 =	vmax.f32 v26, v39  }
0xd1: {  	v24 =	vld.idx.msk [tilespmem:v35+s2+$0x0], $0xffff;
	v34 =	vsel vm8, v54, v25;
	vm8 =	vlt.f32 v40, v19;
	v56 =	vsel vm9, v55, v26  }
0xd2: {  	v25 =	vld.idx.msk [tilespmem:v53+s2+$0x0], $0xffff;
	v57 =	vmax.f32 v34, v40;
	vm9 =	vlt.f32 v20, v19;
	v38 =	vmax.f32 v56, v20  }
0xd3: {  	v26 =	vld.idx.msk [tilespmem:v52+s2+$0x0], $0xffff;
	v58 =	vsel vm8, v57, v34;
	vm8 =	vlt.f32 v21, v19;
	v59 =	vsel vm9, v38, v56  }
0xd4: {  	v60 =	vmax.f32 v58, v21;
	vm9 =	vlt.f32 v22, v19;
	v61 =	vmax.f32 v59, v22  }
0xd5: {  	v32 =	vsel vm8, v60, v58;
	vm8 =	vlt.f32 v23, v19;
	v34 =	vsel vm9, v61, v59  }
0xd6: {  	v35 =	vmax.f32 v32, v23;
	vm9 =	vlt.f32 v24, v19;
	v36 =	vmax.f32 v34, v24  }
0xd7: {  	v32 =	vsel vm8, v35, v32;
	vm8 =	vlt.f32 v25, v19;
	v34 =	vsel vm9, v36, v34  }
0xd8: {  	v35 =	vmax.f32 v32, v25;
	vm9 =	vlt.f32 v26, v19;
	v36 =	vmax.f32 v34, v26  }
0xd9: {  	vm10 =	veq.f32 v30, v19;
	v30 =	vsel vm8, v35, v32;
	v62 =	vsel vm9, v36, v34  }
0xda: {  	vm8 =	veq.f32 v29, v19;
	v29 =	vsel vm10, $0x1, v9;
	v30 =	vmax.f32 v30, v62  }
0xdb: {  	v63 =	vsel vm8, $0x1, v9;
	vm8 =	veq.f32 v28, v19;
	vm9 =	veq.f32 v27, v19;
	(xrf0) =	vmax.scan.msk.f32 $0xffff, v30  }
0xdc: {  	v27 =	vsel vm8, $0x1, v9;
	v28 =	vsel vm9, $0x1, v9;
	v29 =	vadd.s32 v63, v29  }
0xdd: {  	vm8 =	veq.f32 v31, v19;
	vm9 =	veq.f32 v33, v19;
	v27 =	vadd.s32 v27, v29  }
0xde: {  	v29 =	vsel vm8, $0x1, v9;
	v30 =	vsel vm9, $0x1, v9;
	v27 =	vadd.s32 v28, v27  }
0xdf: {  	vm8 =	veq.f32 v37, v19;
	vm9 =	veq.f32 v39, v19;
	v28 =	vadd.s32 v29, v27  }
0xe0: {  	s22 =	simm.s32 $0x0;
	p0 =	por $0x1, $0x1;
	v31 =	vsel vm8, $0x1, v9;
	v27 =	vsel vm9, $0x1, v9;
	v28 =	vadd.s32 v30, v28  }
0xe1: {  	p1 =	seq.s32 s24, $0xF8000000;
	s21 =	smov.u32 @p0 s23;
	s23 =	simm.s32 $0x8;
	v29 =	vmov s31;
	vm9 =	veq.f32 v40, v19;
	v28 =	vadd.s32 v31, v28;
	v30, _, _ =	vpop (xrf0)  }
.LBB2_4:
0xe2: {  	vm10 =	vmmov vm0  }
0xe3: {  	p0 =	sne.s32 s23, $0x1;
	vm8 =	veq.s32 v29, v0;
	v29 =	vbroadcast v30, $0xF;
	vm10 =	vmneg @p1 vm10  }
0xe4: {  	v27 =	vadd.s32 v27, v28;
	vm7 =	vmand vm7, vm8;
	vm10 =	vmand vm10, vm8  }
0xe5: {  	v28 =	vsel vm9, $0x1, v9;
	v12 =	vsel vm7, v29, v12;
	v11 =	vsel vm10, v29, v11  }
0xe6: {  	vm9 =	veq.f32 v21, v19;
	vm7 =	veq.f32 v20, v19;
	v20 =	vadd.s32 v28, v27  }
0xe7: {  	v27 =	vsel vm9, $0x1, v9;
	v21 =	vsel vm7, $0x1, v9;
	vm7 =	veq.f32 v22, v19  }
0xe8: {  	v22 =	vsel vm7, $0x1, v9;
	vm7 =	veq.f32 v23, v19;
	v20 =	vadd.s32 v21, v20  }
0xe9: {  	v21 =	vsel vm7, $0x1, v9;
	vm7 =	veq.f32 v24, v19;
	v20 =	vadd.s32 v27, v20  }
0xea: {  	v23 =	vsel vm7, $0x1, v9;
	vm7 =	veq.f32 v25, v19;
	v20 =	vadd.s32 v22, v20  }
0xeb: {  	v22 =	vsel vm7, $0x1, v9;
	vm7 =	veq.f32 v26, v19;
	v19 =	vadd.s32 v21, v20  }
0xec: {  	vm1 =	vmand vm1, vm8;
	v20 =	vsel vm7, $0x1, v9;
	v19 =	vadd.s32 v23, v19  }
0xed: {  	vm2 =	vmand vm2, vm8;
	vm3 =	vmand vm3, vm8;
	v19 =	vadd.s32 v22, v19  }
0xee: {  	vm4 =	vmand vm4, vm8;
	vm5 =	vmand vm5, vm8;
	v19 =	vadd.s32 v20, v19  }
0xef: {  	v15 =	vsel vm1, v29, v15;
	vm1 =	vmand vm6, vm8;
	v20 =	vmax.f32 v11, v12;
	(xrf0) =	vadd.scan.msk.s32 $0xffff, v19  }
0xf0: {  	v14 =	vsel vm2, v29, v14;
	v13 =	vsel vm3, v29, v13;
	v19 =	vmax.f32 v20, v15  }
0xf1: {  	v17 =	vsel vm4, v29, v17;
	v18 =	vsel vm5, v29, v18;
	v19 =	vmax.f32 v19, v14  }
0xf2: {  	v16 =	vsel vm1, v29, v16;
	v19 =	vmax.f32 v19, v13  }
0xf3: {  	v19 =	vmax.f32 v19, v17  }
0xf4: {  	v19 =	vmax.f32 v19, v18  }
0xf5: {  	v19 =	vmax.f32 v19, v16;
	v20, _, _ =	vpop (xrf0)  }
0xf6: {  	(xrf0) =	vmax.scan.msk.f32 $0xffff, v19;
	(v2sf) =	vpush v20, $0xF;
	_ =	sdelay $0x5  }
0xf7: {  	v20, _, _ =	vpop (xrf0)  }
0xf8: {  	v19 =	vbroadcast v20, $0xF;
	(v2sf) =	vpush v20, $0xF;
	_ =	sdelay $0x1  }
0xf9: {  	vm1 =	veq.f32 v12, v19  }
0xfa: {  	v20 =	vnsel vm1, $0xFFFFFFFF, v1  }
0xfb: {  	vm1 =	vgt.s32 v20, v0  }
0xfc: {  	vm2 =	veq.f32 v11, v19;
	v21 =	vsel vm1, v20, v0;
	vm1 =	veq.f32 v15, v19  }
0xfd: {  	v20 =	vsel vm2, v21, v20;
	v21 =	vnsel vm1, $0xFFFFFFFF, v2  }
0xfe: {  	vm2 =	veq.f32 v14, v19;
	vm1 =	vgt.s32 v20, v21  }
0xff: {  	v20 =	vsel vm1, v20, v21;
	v21 =	vnsel vm2, $0xFFFFFFFF, v3;
	s24 =	spop (v2sf)  }
0x100: {  	vm2 =	veq.f32 v13, v19;
	vm1 =	vgt.s32 v20, v21;
	s22 =	sadd.s32 s22, s24  }
0x101: {  	v20 =	vsel vm1, v20, v21;
	v21 =	vnsel vm2, $0xFFFFFFFF, v4  }
0x102: {  	vm2 =	veq.f32 v17, v19;
	vm1 =	vgt.s32 v20, v21  }
0x103: {  	v20 =	vsel vm1, v20, v21;
	v21 =	vnsel vm2, $0xFFFFFFFF, v5  }
0x104: {  	vm2 =	veq.f32 v18, v19;
	vm1 =	vgt.s32 v20, v21  }
0x105: {  	v20 =	vsel vm1, v20, v21;
	v21 =	vnsel vm2, $0xFFFFFFFF, v6  }
0x106: {  	p1 =	slt.s32 s22, $0xA;
	vm2 =	veq.f32 v16, v19;
	vm1 =	vgt.s32 v20, v21;
	s24 =	spop (v2sf)  }
0x107: {  	v20 =	vsel vm1, v20, v21;
	v21 =	vnsel vm2, $0xFFFFFFFF, v7;
	s21 =	smov.u32 @p1 s24  }
0x108: {  	vm1 =	vgt.s32 v20, v21  }
0x109: {  	v20 =	vsel vm1, v20, v21  }
0x10a: {  	v20 =	vxor.u32 $0x80000000, v20  }
0x10b: {  	(xrf0) =	vmax.scan.msk.u32 $0xffff, v20;
	_ =	sdelay $0x5  }
0x10c: {  	v20, _, _ =	vpop (xrf0)  }
0x10d: {  	(v2sf) =	vpush v20, $0xF;
	_ =	sdelay $0xe  }
0x10e: {  	vm3 =	vmmov vm0;
	s25 =	spop (v2sf)  }
0x10f: {  	vm4 =	vmmov vm0;
	vm5 =	vmmov vm0;
	vm6 =	vmmov vm0;
	s24 =	sshra.s32 s25, $0x4  }
0x110: {  	vm7 =	vmmov vm0;
	vm2 =	vmmov vm0;
	vm1 =	vmmov vm0;
	s26 =	sshll.u32 s24, $0x8;
	p1 =	seq.s32 s24, $0xF8000001;
	p2 =	seq.s32 s24, $0xF8000002  }
0x111: {  	v20 =	vmov s26;
	vm7 =	vmneg @p1 vm7;
	vm1 =	vmneg @p2 vm1;
	p1 =	seq.s32 s24, $0xF8000003;
	p2 =	seq.s32 s24, $0xF8000004  }
0x112: {  	v20 =	vshll.u32 v20, $0x4;
	vm2 =	vmneg @p1 vm2;
	vm3 =	vmneg @p2 vm3;
	p1 =	seq.s32 s24, $0xF8000005;
	p2 =	seq.s32 s24, $0xF8000006  }
0x113: {  	s25 =	sand.u32 $0xF, s25;
	v20 =	vor.u32 v8, v20;
	vm4 =	vmneg @p1 vm4;
	vm5 =	vmneg @p2 vm5;
	p1 =	seq.s32 s24, $0xF8000007  }
0x114: {  	v20 =	vor.u32 s25, v20;
	vm6 =	vmneg @p1 vm6  }
0x115: {  	v21 =	vor.u32 $0x300, v20  }
0x116: {  	v22 =	vor.u32 $0x200, v20;
	_ =	sdelay $0x1  }
0x117: {  	v23 =	vor.u32 $0x100, v20  }
0x118: {  	v24 =	vor.u32 $0x400, v20  }
0x119: {  	v27 =	vld.idx.msk [tilespmem:v21+s2+$0x0], $0xffff;
	v21 =	vor.u32 $0x500, v20  }
0x11a: {  	v28 =	vld.idx.msk [tilespmem:v22+s2+$0x0], $0xffff;
	v22 =	vor.u32 $0x600, v20  }
0x11b: {  	v25 =	vor.u32 $0x700, v20;
	v29 =	vld.idx.msk [tilespmem:v20+s2+$0x0], $0xffff  }
0x11c: {  	v30 =	vld.idx.msk [tilespmem:v23+s2+$0x0], $0xffff;
	v23 =	vor.u32 $0x800, v20  }
0x11d: {  	v31 =	vld.idx.msk [tilespmem:v24+s2+$0x0], $0xffff;
	v24 =	vor.u32 $0x900, v20  }
0x11e: {  	v26 =	vor.u32 $0xF00, v20;
	v32 =	vld.idx.msk [tilespmem:v21+s2+$0x0], $0xffff;
	v21 =	vor.u32 $0xA00, v20  }
0x11f: {  	v34 =	vor.u32 $0xD00, v20;
	v35 =	vor.u32 $0xE00, v20;
	v33 =	vld.idx.msk [tilespmem:v22+s2+$0x0], $0xffff;
	v22 =	vor.u32 $0xB00, v20  }
0x120: {  	vm9 =	vlt.f32 v27, v19;
	vm8 =	vlt.f32 v28, v19;
	v36 =	vld.idx.msk [tilespmem:v25+s2+$0x0], $0xffff;
	v25 =	vor.u32 $0xC00, v20  }
0x121: {  	v38 =	vnsel vm9, $0xFF800000, v27;
	vm10 =	vlt.f32 v29, v19;
	v37 =	vnsel vm8, $0xFF800000, v28;
	v39 =	vld.idx.msk [tilespmem:v23+s2+$0x0], $0xffff  }
0x122: {  	vm8 =	vlt.f32 v30, v19;
	v23 =	vmax.f32 v29, v37;
	v40 =	vmax.f32 v30, v38;
	v20 =	vld.idx.msk [tilespmem:v24+s2+$0x0], $0xffff  }
0x123: {  	v23 =	vsel vm10, v23, v37;
	v24 =	vsel vm8, v40, v38;
	vm8 =	vlt.f32 v31, v19;
	v21 =	vld.idx.msk [tilespmem:v21+s2+$0x0], $0xffff  }
0x124: {  	v37 =	vmax.f32 v23, v31;
	vm9 =	vlt.f32 v32, v19;
	v38 =	vmax.f32 v24, v32;
	v22 =	vld.idx.msk [tilespmem:v22+s2+$0x0], $0xffff  }
0x125: {  	v37 =	vsel vm8, v37, v23;
	v38 =	vsel vm9, v38, v24;
	vm8 =	vlt.f32 v33, v19;
	v23 =	vld.idx.msk [tilespmem:v25+s2+$0x0], $0xffff  }
0x126: {  	v25 =	vmax.f32 v37, v33;
	vm9 =	vlt.f32 v36, v19;
	v40 =	vmax.f32 v38, v36;
	v24 =	vld.idx.msk [tilespmem:v34+s2+$0x0], $0xffff  }
0x127: {  	v34 =	vsel vm8, v25, v37;
	v37 =	vsel vm9, v40, v38;
	vm8 =	vlt.f32 v39, v19;
	v25 =	vld.idx.msk [tilespmem:v35+s2+$0x0], $0xffff  }
0x128: {  	v35 =	vmax.f32 v34, v39;
	vm9 =	vlt.f32 v20, v19;
	v38 =	vmax.f32 v37, v20;
	v26 =	vld.idx.msk [tilespmem:v26+s2+$0x0], $0xffff  }
0x129: {  	v34 =	vsel vm8, v35, v34;
	v35 =	vsel vm9, v38, v37;
	vm8 =	vlt.f32 v21, v19  }
0x12a: {  	v37 =	vmax.f32 v34, v21;
	vm9 =	vlt.f32 v22, v19;
	v38 =	vmax.f32 v35, v22  }
0x12b: {  	v34 =	vsel vm8, v37, v34;
	v35 =	vsel vm9, v38, v35;
	vm8 =	vlt.f32 v23, v19  }
0x12c: {  	v37 =	vmax.f32 v34, v23;
	vm9 =	vlt.f32 v24, v19;
	v38 =	vmax.f32 v35, v24  }
0x12d: {  	v34 =	vsel vm8, v37, v34;
	v35 =	vsel vm9, v38, v35;
	vm8 =	vlt.f32 v25, v19  }
0x12e: {  	v37 =	vmax.f32 v34, v25;
	vm9 =	vlt.f32 v26, v19;
	v38 =	vmax.f32 v35, v26  }
0x12f: {  	vm10 =	veq.f32 v30, v19;
	v30 =	vsel vm8, v37, v34;
	v34 =	vsel vm9, v38, v35  }
0x130: {  	vm8 =	veq.f32 v29, v19;
	v29 =	vsel vm10, $0x1, v9;
	v30 =	vmax.f32 v30, v34  }
0x131: {  	vm9 =	veq.f32 v27, v19;
	v34 =	vsel vm8, $0x1, v9;
	vm8 =	veq.f32 v28, v19;
	(xrf0) =	vmax.scan.msk.f32 $0xffff, v30  }
0x132: {  	v28 =	vsel vm9, $0x1, v9;
	v27 =	vsel vm8, $0x1, v9;
	v29 =	vadd.s32 v34, v29  }
.Ltmp1:
0x133: {  	vm9 =	veq.f32 v32, v19;
	vm8 =	veq.f32 v31, v19;
	v27 =	vadd.s32 v27, v29;
	(pc) =	sbr.rel @p0 .LBB2_4-.Ltmp1, $4  }
0x134: {  	v29 =	vsel vm8, $0x1, v9;
	v30 =	vsel vm9, $0x1, v9;
	v27 =	vadd.s32 v28, v27  }
0x135: {  	vm8 =	veq.f32 v33, v19;
	vm9 =	veq.f32 v36, v19;
	v28 =	vadd.s32 v29, v27  }
0x136: {  	v31 =	vsel vm8, $0x1, v9;
	v27 =	vsel vm9, $0x1, v9;
	v28 =	vadd.s32 v30, v28  }
0x137: {  	s23 =	sadd.s32 $0xFFFFFFFF, s23;
	p1 =	seq.s32 s24, $0xF8000000;
	v29 =	vmov s25;
	vm9 =	veq.f32 v39, v19;
	v28 =	vadd.s32 v31, v28;
	v30, _, _ =	vpop (xrf0)  }
0x138: {  	vm8 =	veq.s32 v29, v0;
	vm10 =	vmmov vm0  }
0x139: {  	v42 =	vbroadcast v30, $0xF;
	v27 =	vadd.s32 v27, v28;
	v43 =	vsel vm9, $0x1, v9  }
0x13a: {  	vm14 =	veq.f32 v20, v19;
	vm15 =	veq.f32 v21, v19;
	vm11 =	veq.f32 v22, v19  }
0x13b: {  	vm12 =	veq.f32 v23, v19;
	vm13 =	veq.f32 v24, v19;
	vm10 =	vmneg @p1 vm10  }
0x13c: {  	vm7 =	vmand vm7, vm8;
	v20 =	vsel vm14, $0x1, v9;
	v21 =	vsel vm15, $0x1, v9  }
0x13d: {  	v44 =	vsel vm11, $0x1, v9;
	v45 =	vsel vm12, $0x1, v9;
	v46 =	vsel vm13, $0x1, v9  }
0x13e: {  	vm14 =	veq.f32 v25, v19;
	vm15 =	veq.f32 v26, v19;
	vm1 =	vmand vm1, vm8  }
0x13f: {  	vm2 =	vmand vm2, vm8;
	vm10 =	vmand vm10, vm8;
	v12 =	vsel vm7, v42, v12  }
0x140: {  	v47 =	vsel vm14, $0x1, v9;
	v19 =	vsel vm15, $0x1, v9;
	v15 =	vsel vm1, v42, v15  }
0x141: {  	vm1 =	vmand vm3, vm8;
	v30 =	vsel vm10, v42, v11;
	v11 =	vadd.s32 v43, v27  }
0x142: {  	v14 =	vsel vm2, v42, v14;
	vm2 =	vmand vm4, vm8;
	v11 =	vadd.s32 v20, v11  }
0x143: {  	v13 =	vsel vm1, v42, v13;
	v48 =	vmax.f32 v30, v12;
	v11 =	vadd.s32 v21, v11  }
0x144: {  	vm1 =	vmand vm5, vm8;
	v20 =	vmax.f32 v48, v15;
	v11 =	vadd.s32 v44, v11  }
0x145: {  	v17 =	vsel vm2, v42, v17;
	v20 =	vmax.f32 v20, v14;
	v11 =	vadd.s32 v45, v11  }
0x146: {  	vm2 =	vmand vm6, vm8;
	v20 =	vmax.f32 v20, v13;
	v11 =	vadd.s32 v46, v11  }
0x147: {  	v18 =	vsel vm1, v42, v18;
	v20 =	vmax.f32 v20, v17;
	v11 =	vadd.s32 v47, v11  }
0x148: {  	v16 =	vsel vm2, v42, v16;
	v11 =	vadd.s32 v19, v11;
	v19 =	vmax.f32 v20, v18  }
0x149: {  	(xrf0) =	vadd.scan.msk.s32 $0xffff, v11;
	v11 =	vmax.f32 v19, v16  }
0x14a: {  	(xrf0) =	vmax.scan.msk.f32 $0xffff, v11;
	_ =	sdelay $0x4  }
0x14b: {  	v19, _, _ =	vpop (xrf0)  }
0x14c: {  	v49, _, _ =	vpop (xrf0)  }
0x14d: {  	v11 =	vbroadcast v49, $0xF;
	_ =	sdelay $0x1  }
0x14e: {  	vm1 =	veq.f32 v12, v11  }
0x14f: {  	v12 =	vnsel vm1, $0xFFFFFFFF, v1  }
0x150: {  	vm1 =	vgt.s32 v12, v0  }
0x151: {  	vm2 =	veq.f32 v30, v11;
	v50 =	vsel vm1, v12, v0;
	vm1 =	veq.f32 v15, v11  }
0x152: {  	v12 =	vsel vm2, v50, v12;
	v15 =	vnsel vm1, $0xFFFFFFFF, v2  }
0x153: {  	vm2 =	veq.f32 v14, v11;
	vm1 =	vgt.s32 v12, v15  }
0x154: {  	v14 =	vnsel vm2, $0xFFFFFFFF, v3;
	v12 =	vsel vm1, v12, v15  }
0x155: {  	vm2 =	veq.f32 v13, v11;
	vm1 =	vgt.s32 v12, v14  }
0x156: {  	v13 =	vnsel vm2, $0xFFFFFFFF, v4;
	v12 =	vsel vm1, v12, v14  }
0x157: {  	vm2 =	veq.f32 v17, v11;
	vm1 =	vgt.s32 v12, v13  }
0x158: {  	v12 =	vsel vm1, v12, v13;
	v13 =	vnsel vm2, $0xFFFFFFFF, v5  }
0x159: {  	vm2 =	veq.f32 v18, v11;
	vm1 =	vgt.s32 v12, v13  }
0x15a: {  	v12 =	vsel vm1, v12, v13;
	v13 =	vnsel vm2, $0xFFFFFFFF, v6  }
0x15b: {  	vm2 =	veq.f32 v16, v11;
	vm1 =	vgt.s32 v12, v13  }
0x15c: {  	v12 =	vsel vm1, v12, v13;
	v13 =	vnsel vm2, $0xFFFFFFFF, v7  }
0x15d: {  	vm1 =	vgt.s32 v12, v13  }
0x15e: {  	v12 =	vsel vm1, v12, v13  }
0x15f: {  	v12 =	vxor.u32 $0x80000000, v12  }
0x160: {  	(xrf0) =	vmax.scan.msk.u32 $0xffff, v12;
	_ =	sdelay $0x4  }
0x161: {  	(v2sf) =	vpush v19, $0xF  }
0x162: {  	(v2sf) =	vpush v49, $0xF;
	v12, _, _ =	vpop (xrf0)  }
0x163: {  	(v2sf) =	vpush v12, $0xF;
	_ =	sdelay $0xc  }
0x164: {  	s25 =	spop (v2sf)  }
0x165: {  	s24 =	spop (v2sf)  }
0x166: {  	s23 =	spop (v2sf)  }
0x167: {  	s26 =	sshra.s32 s23, $0x4  }
0x168: {  	s26 =	sshll.u32 s26, $0x8  }
0x169: {  	v12 =	vmov s26  }
0x16a: {  	v12 =	vshll.u32 v12, $0x4  }
0x16b: {  	s23 =	sand.u32 $0xF, s23;
	v12 =	vor.u32 v8, v12  }
0x16c: {  	v12 =	vor.u32 s23, v12  }
0x16d: {  	v13 =	vor.u32 $0x200, v12  }
0x16e: {  	v14 =	vor.u32 $0x300, v12  }
0x16f: {  	v15 =	vor.u32 $0x100, v12;
	_ =	sdelay $0x2  }
0x170: {  	v16 =	vor.u32 $0x400, v12;
	v13 =	vld.idx.msk [tilespmem:v13+s2+$0x0], $0xffff  }
0x171: {  	v17 =	vor.u32 $0x500, v12;
	v14 =	vld.idx.msk [tilespmem:v14+s2+$0x0], $0xffff  }
0x172: {  	v18 =	vor.u32 $0x600, v12;
	v15 =	vld.idx.msk [tilespmem:v15+s2+$0x0], $0xffff  }
0x173: {  	v51 =	vor.u32 $0x700, v12;
	v19 =	vld.idx.msk [tilespmem:v12+s2+$0x0], $0xffff  }
0x174: {  	v52 =	vor.u32 $0x800, v12;
	v53 =	vor.u32 $0x900, v12  }
0x175: {  	v54 =	vor.u32 $0xA00, v12;
	v55 =	vor.u32 $0xF00, v12;
	v56 =	vor.u32 $0xB00, v12;
	v16 =	vld.idx.msk [tilespmem:v16+s2+$0x0], $0xffff  }
0x176: {  	v57 =	vor.u32 $0xD00, v12;
	v58 =	vor.u32 $0xE00, v12;
	v12 =	vor.u32 $0xC00, v12;
	v17 =	vld.idx.msk [tilespmem:v17+s2+$0x0], $0xffff  }
0x177: {  	v18 =	vld.idx.msk [tilespmem:v18+s2+$0x0], $0xffff;
	vm1 =	vlt.f32 v13, v11;
	vm2 =	vlt.f32 v14, v11;
	vm3 =	veq.f32 v15, v11  }
0x178: {  	v20 =	vld.idx.msk [tilespmem:v51+s2+$0x0], $0xffff;
	v59 =	vnsel vm1, $0xFF800000, v13;
	vm1 =	vlt.f32 v19, v11;
	v60 =	vnsel vm2, $0xFF800000, v14  }
0x179: {  	v21 =	vld.idx.msk [tilespmem:v52+s2+$0x0], $0xffff;
	vm2 =	vlt.f32 v15, v11;
	v61 =	vmax.f32 v19, v59;
	v31 =	vmax.f32 v15, v60  }
0x17a: {  	v22 =	vld.idx.msk [tilespmem:v53+s2+$0x0], $0xffff;
	v28 =	vsel vm1, v61, v59;
	v29 =	vsel vm2, v31, v60;
	vm1 =	vlt.f32 v16, v11  }
0x17b: {  	v23 =	vld.idx.msk [tilespmem:v54+s2+$0x0], $0xffff;
	vm2 =	vlt.f32 v17, v11;
	v30 =	vmax.f32 v28, v16;
	v31 =	vmax.f32 v29, v17  }
0x17c: {  	v25 =	vld.idx.msk [tilespmem:v56+s2+$0x0], $0xffff;
	v28 =	vsel vm1, v30, v28;
	v29 =	vsel vm2, v31, v29;
	vm1 =	vlt.f32 v18, v11  }
0x17d: {  	v12 =	vld.idx.msk [tilespmem:v12+s2+$0x0], $0xffff;
	vm2 =	vlt.f32 v20, v11;
	v30 =	vmax.f32 v28, v18;
	v31 =	vmax.f32 v29, v20  }
0x17e: {  	v26 =	vld.idx.msk [tilespmem:v57+s2+$0x0], $0xffff;
	v28 =	vsel vm1, v30, v28;
	v29 =	vsel vm2, v31, v29;
	vm1 =	vlt.f32 v21, v11  }
0x17f: {  	v27 =	vld.idx.msk [tilespmem:v58+s2+$0x0], $0xffff;
	vm2 =	vlt.f32 v22, v11;
	v30 =	vmax.f32 v28, v21;
	v31 =	vmax.f32 v29, v22  }
0x180: {  	v24 =	vld.idx.msk [tilespmem:v55+s2+$0x0], $0xffff;
	v28 =	vsel vm1, v30, v28;
	v29 =	vsel vm2, v31, v29;
	vm1 =	vlt.f32 v23, v11  }
0x181: {  	vm2 =	vlt.f32 v25, v11;
	v30 =	vmax.f32 v28, v23;
	v31 =	vmax.f32 v29, v25  }
0x182: {  	v28 =	vsel vm1, v30, v28;
	v29 =	vsel vm2, v31, v29;
	vm1 =	vlt.f32 v12, v11  }
0x183: {  	vm2 =	vlt.f32 v26, v11;
	v30 =	vmax.f32 v28, v12;
	v31 =	vmax.f32 v29, v26  }
0x184: {  	v28 =	vsel vm1, v30, v28;
	v29 =	vsel vm2, v31, v29;
	vm1 =	vlt.f32 v27, v11  }
0x185: {  	vm2 =	vlt.f32 v24, v11;
	v30 =	vmax.f32 v28, v27;
	v31 =	vmax.f32 v29, v24  }
0x186: {  	v15 =	vsel vm1, v30, v28;
	v62 =	vsel vm2, v31, v29;
	vm1 =	veq.f32 v19, v11  }
0x187: {  	v19 =	vsel vm3, $0x1, v9;
	v63 =	vsel vm1, $0x1, v9;
	vm1 =	veq.f32 v13, v11  }
0x188: {  	vm2 =	veq.f32 v14, v11;
	v13 =	vsel vm1, $0x1, v9;
	v14 =	vadd.s32 v63, v19  }
0x189: {  	v19 =	vsel vm2, $0x1, v9;
	vm1 =	veq.f32 v16, v11;
	v13 =	vadd.s32 v13, v14  }
0x18a: {  	vm2 =	veq.f32 v17, v11;
	v14 =	vsel vm1, $0x1, v9;
	v13 =	vadd.s32 v19, v13  }
0x18b: {  	v16 =	vsel vm2, $0x1, v9;
	vm1 =	veq.f32 v18, v11;
	v13 =	vadd.s32 v14, v13  }
0x18c: {  	vm2 =	veq.f32 v20, v11;
	v14 =	vsel vm1, $0x1, v9;
	v13 =	vadd.s32 v16, v13  }
0x18d: {  	vm1 =	veq.f32 v21, v11;
	v16 =	vsel vm2, $0x1, v9;
	v13 =	vadd.s32 v14, v13  }
0x18e: {  	v14 =	vsel vm1, $0x1, v9;
	vm1 =	veq.f32 v22, v11;
	v13 =	vadd.s32 v16, v13  }
0x18f: {  	vm2 =	veq.f32 v23, v11;
	v13 =	vadd.s32 v14, v13;
	v14 =	vsel vm1, $0x1, v9  }
0x190: {  	v16 =	vsel vm2, $0x1, v9;
	vm1 =	veq.f32 v25, v11;
	v13 =	vadd.s32 v14, v13  }
0x191: {  	v14 =	vsel vm1, $0x1, v9;
	vm1 =	veq.f32 v12, v11;
	v12 =	vadd.s32 v16, v13  }
0x192: {  	v13 =	vsel vm1, $0x1, v9;
	vm1 =	veq.f32 v26, v11;
	v12 =	vadd.s32 v14, v12  }
0x193: {  	v14 =	vsel vm1, $0x1, v9;
	vm1 =	veq.f32 v27, v11;
	v12 =	vadd.s32 v13, v12  }
0x194: {  	v13 =	vsel vm1, $0x1, v9;
	vm1 =	veq.f32 v24, v11;
	v11 =	vadd.s32 v14, v12  }
0x195: {  	v12 =	vmax.f32 v15, v62;
	v14 =	vsel vm1, $0x1, v9;
	v11 =	vadd.s32 v13, v11  }
0x196: {  	(xrf0) =	vmax.scan.msk.f32 $0xffff, v12;
	v11 =	vadd.s32 v14, v11  }
0x197: {  	(xrf0) =	vadd.scan.msk.s32 $0xffff, v11;
	_ =	sdelay $0x4  }
0x198: {  	v11, _, _ =	vpop (xrf0)  }
0x199: {  	s23 =	simm.s32 $0x80;
	v11, _, _ =	vpop (xrf0)  }
0x19a: {  	v12 =	vld [tilespmem:s23+$0x70];
	(v2sf) =	vpush v11, $0xF  }
0x19b: {  	s22 =	sadd.s32 s22, s25;
	v13 =	vld [tilespmem:s23+$0xFFFFFF90]  }
0x19c: {  	p0 =	slt.s32 s22, $0xA;
	v14 =	vld [tilespmem:s23+$0xFFFFFFA0]  }
0x19d: {  	s21 =	smov.u32 @p0 s24;
	v15 =	vld [tilespmem:s23+$0xFFFFFFB0]  }
0x19e: {  	v16 =	vld [tilespmem:s23+$0xFFFFFFC0];
	v11 =	vmov s21  }
0x19f: {  	v17 =	vld [tilespmem:s23+$0xFFFFFFD0];
	vm1 =	vge.f32 v12, v11  }
0x1a0: {  	vm2 =	vge.f32 v13, v11;
	v12 =	vld [tilespmem:s23+$0xFFFFFFE0];
	v13 =	vsel vm1, $0x3F800000, v10  }
0x1a1: {  	v18 =	vsel vm2, $0x3F800000, v10;
	vm1 =	vge.f32 v14, v11;
	v14 =	vld [tilespmem:s23+$0xFFFFFFF0];
	[tilespmem:s23+$0x70] =	vst v13  }
0x1a2: {  	[tilespmem:s23+$0xFFFFFF90] =	vst v18;
	v13 =	vsel vm1, $0x3F800000, v10;
	vm1 =	vge.f32 v15, v11;
	v15 =	vld [tilespmem:s23+$0x0]  }
0x1a3: {  	[tilespmem:s23+$0xFFFFFFA0] =	vst v13;
	v13 =	vsel vm1, $0x3F800000, v10;
	vm1 =	vge.f32 v16, v11;
	v16 =	vld [tilespmem:s23+$0x10]  }
0x1a4: {  	v18 =	vld [tilespmem:s23+$0x20];
	[tilespmem:s23+$0xFFFFFFB0] =	vst v13;
	v13 =	vsel vm1, $0x3F800000, v10;
	vm1 =	vge.f32 v17, v11  }
0x1a5: {  	[tilespmem:s23+$0xFFFFFFC0] =	vst v13;
	v13 =	vsel vm1, $0x3F800000, v10;
	vm1 =	vge.f32 v12, v11;
	v12 =	vld [tilespmem:s23+$0x30]  }
0x1a6: {  	[tilespmem:s23+$0xFFFFFFD0] =	vst v13;
	v17 =	vsel vm1, $0x3F800000, v10;
	vm1 =	vge.f32 v14, v11;
	v13 =	vld [tilespmem:s23+$0x40]  }
0x1a7: {  	v14 =	vld [tilespmem:s23+$0x50];
	[tilespmem:s23+$0xFFFFFFE0] =	vst v17;
	v17 =	vsel vm1, $0x3F800000, v10;
	vm1 =	vge.f32 v15, v11  }
0x1a8: {  	v15 =	vld [tilespmem:s23+$0x60];
	[tilespmem:s23+$0xFFFFFFF0] =	vst v17;
	v17 =	vsel vm1, $0x3F800000, v10;
	vm1 =	vge.f32 v16, v11  }
0x1a9: {  	s22 =	simm.s32 $0x180;
	s21 =	simm.s32 $0x0;
	v16 =	vld [tilespmem:s23+$0xFFFFFF80];
	[tilespmem:s23+$0x0] =	vst v17;
	v17 =	vsel vm1, $0x3F800000, v10;
	vm1 =	vge.f32 v18, v11;
	s31 =	spop (v2sf)  }
.LBB2_6:
0x1aa: {  	v18 =	vld [tilespmem:s22+$0x70];
	s21 =	sadd.s32 $0x10, s21;
	[tilespmem:s23+$0x10] =	vst v17;
	v17 =	vsel vm1, $0x3F800000, v10;
	vm1 =	vge.f32 v12, v11  }
0x1ab: {  	v12 =	vld [tilespmem:s22+$0xFFFFFF90];
	p0 =	slt.u32 s21, $0x7F0;
	[tilespmem:s23+$0x20] =	vst v17;
	v17 =	vsel vm1, $0x3F800000, v10;
	vm1 =	vge.f32 v13, v11  }
0x1ac: {  	v13 =	vld [tilespmem:s22+$0xFFFFFFA0];
	[tilespmem:s23+$0x30] =	vst v17;
	v17 =	vsel vm1, $0x3F800000, v10;
	vm1 =	vge.f32 v14, v11  }
0x1ad: {  	v14 =	vld [tilespmem:s22+$0xFFFFFFB0];
	[tilespmem:s23+$0x40] =	vst v17;
	v17 =	vsel vm1, $0x3F800000, v10;
	vm1 =	vge.f32 v15, v11  }
0x1ae: {  	v15 =	vld [tilespmem:s22+$0xFFFFFFC0];
	vm2 =	vge.f32 v16, v11;
	[tilespmem:s23+$0x50] =	vst v17;
	v16 =	vsel vm1, $0x3F800000, v10  }
0x1af: {  	v17 =	vld [tilespmem:s22+$0xFFFFFFD0];
	vm1 =	vge.f32 v18, v11;
	v18 =	vsel vm2, $0x3F800000, v10;
	[tilespmem:s23+$0x60] =	vst v16  }
0x1b0: {  	vm2 =	vge.f32 v12, v11;
	v12 =	vld [tilespmem:s22+$0xFFFFFFE0];
	v16 =	vsel vm1, $0x3F800000, v10;
	[tilespmem:s23+$0xFFFFFF80] =	vst v18;
	s23 =	smov.u32 s22  }
0x1b1: {  	v18 =	vsel vm2, $0x3F800000, v10;
	vm1 =	vge.f32 v13, v11;
	v13 =	vld [tilespmem:s22+$0xFFFFFFF0];
	[tilespmem:s22+$0x70] =	vst v16  }
0x1b2: {  	[tilespmem:s22+$0xFFFFFF90] =	vst v18;
	v16 =	vsel vm1, $0x3F800000, v10;
	vm1 =	vge.f32 v14, v11;
	v14 =	vld [tilespmem:s22+$0x0]  }
0x1b3: {  	[tilespmem:s22+$0xFFFFFFA0] =	vst v16;
	v16 =	vsel vm1, $0x3F800000, v10;
	vm1 =	vge.f32 v15, v11;
	v15 =	vld [tilespmem:s22+$0x10]  }
0x1b4: {  	[tilespmem:s22+$0xFFFFFFB0] =	vst v16;
	v16 =	vsel vm1, $0x3F800000, v10;
	vm1 =	vge.f32 v17, v11;
	v18 =	vld [tilespmem:s22+$0x20]  }
.Ltmp2:
0x1b5: {  	[tilespmem:s22+$0xFFFFFFC0] =	vst v16;
	v16 =	vsel vm1, $0x3F800000, v10;
	vm1 =	vge.f32 v12, v11;
	v12 =	vld [tilespmem:s22+$0x30];
	(pc) =	sbr.rel @p0 .LBB2_6-.Ltmp2, $4  }
0x1b6: {  	[tilespmem:s22+$0xFFFFFFD0] =	vst v16;
	v16 =	vsel vm1, $0x3F800000, v10;
	vm1 =	vge.f32 v13, v11;
	v13 =	vld [tilespmem:s22+$0x40]  }
0x1b7: {  	[tilespmem:s22+$0xFFFFFFE0] =	vst v16;
	v16 =	vsel vm1, $0x3F800000, v10;
	vm1 =	vge.f32 v14, v11;
	v14 =	vld [tilespmem:s22+$0x50]  }
0x1b8: {  	[tilespmem:s22+$0xFFFFFFF0] =	vst v16;
	v17 =	vsel vm1, $0x3F800000, v10;
	vm1 =	vge.f32 v15, v11;
	v15 =	vld [tilespmem:s22+$0x60]  }
0x1b9: {  	s22 =	sadd.s32 $0x100, s22;
	v16 =	vld [tilespmem:s23+$0xFFFFFF80];
	[tilespmem:s23+$0x0] =	vst v17;
	v17 =	vsel vm1, $0x3F800000, v10;
	vm1 =	vge.f32 v18, v11  }
0x1ba: {  	[tilespmem:s23+$0x10] =	vst v17;
	v17 =	vsel vm1, $0x3F800000, v10;
	vm1 =	vge.f32 v12, v11  }
0x1bb: {  	[tilespmem:s23+$0x20] =	vst v17;
	v12 =	vsel vm1, $0x3F800000, v10;
	vm1 =	vge.f32 v13, v11  }
0x1bc: {  	[tilespmem:s23+$0x30] =	vst v12;
	v12 =	vsel vm1, $0x3F800000, v10;
	vm1 =	vge.f32 v14, v11  }
0x1bd: {  	[tilespmem:s23+$0x40] =	vst v12;
	v12 =	vsel vm1, $0x3F800000, v10;
	vm1 =	vge.f32 v15, v11  }
0x1be: {  	vm2 =	vge.f32 v16, v11;
	[tilespmem:s23+$0x50] =	vst v12;
	v11 =	vsel vm1, $0x3F800000, v10  }
0x1bf: {  	v12 =	vsel vm2, $0x3F800000, v10;
	[tilespmem:s23+$0x60] =	vst v11  }
0x1c0: {  	[tilespmem:s23+$0xFFFFFF80] =	vst v12  }
0x1c1: {  	[hbm4b:s6+s2] =	stream.linear.scatter [tilespmem:s2], [sflag:$0x4], $0x8000, $0x38;
	[tilespmem:$0x18000] =	vst v63  }
0x1c2: {  	_ =	swait.ge [sflag:s15], $0x8000  }
0x1c3: {  	[sflag:s15] =	ssyncset.done $0x0  }
0x1c4: {  	[sflag:s15] =	ssyncadd.s32 $0xFFFF8000  }
0x1c5: {  	[tilespmem:s2], [sflag:$0x1] =	stream.linear.gather [hbm4b:s7+s2], $0x8000, $0x38;
	[tilespmem:$0x18000] =	vst v63  }
0x1c6: {  	_ =	swait.ge [sflag:s16], $0x8000  }
0x1c7: {  	[sflag:s16] =	ssyncset.done $0x0  }
0x1c8: {  	s22 =	simm.s32 $0xF070;
	[sflag:s16] =	ssyncadd.s32 $0xFFFF8000  }
0x1c9: {  	v11 =	vld [tilespmem:s22+$0xFFFF9000]  }
0x1ca: {  	v12 =	vld [tilespmem:s22+$0xFFFFA000]  }
0x1cb: {  	v13 =	vld [tilespmem:s22+$0xFFFFB000]  }
0x1cc: {  	v14 =	vld [tilespmem:s22+$0xFFFFC000]  }
0x1cd: {  	v26 =	vld [tilespmem:s22+$0xFFFFD000]  }
0x1ce: {  	v17 =	vld [tilespmem:s22+$0xFFFFE000]  }
0x1cf: {  	v16 =	vld [tilespmem:s22+$0xFFFFF000]  }
0x1d0: {  	v15 =	vld [tilespmem:s22+$0xFFFF8FF0]  }
0x1d1: {  	v27 =	vld [tilespmem:s22+$0xFFFF9FF0]  }
0x1d2: {  	v28 =	vld [tilespmem:s22+$0xFFFFAFF0]  }
0x1d3: {  	v29 =	vld [tilespmem:s22+$0xFFFFBFF0]  }
0x1d4: {  	v30 =	vld [tilespmem:s22+$0xFFFFCFF0]  }
0x1d5: {  	v18 =	vld [tilespmem:s22+$0xFFFFDFF0]  }
0x1d6: {  	v19 =	vld [tilespmem:s22+$0xFFFFEFF0]  }
0x1d7: {  	v31 =	vld [tilespmem:s22+$0xFFFF8FE0]  }
0x1d8: {  	v32 =	vld [tilespmem:s22+$0xFFFF9FE0]  }
0x1d9: {  	v33 =	vld [tilespmem:s22+$0xFFFFAFE0]  }
0x1da: {  	v34 =	vld [tilespmem:s22+$0xFFFFBFE0]  }
0x1db: {  	v35 =	vld [tilespmem:s22+$0xFFFFCFE0]  }
0x1dc: {  	v20 =	vld [tilespmem:s22+$0xFFFFDFE0]  }
0x1dd: {  	v21 =	vld [tilespmem:s22+$0xFFFFEFE0]  }
0x1de: {  	v36 =	vld [tilespmem:s22+$0xFFFF8FD0]  }
0x1df: {  	v37 =	vld [tilespmem:s22+$0xFFFF9FD0]  }
0x1e0: {  	v38 =	vld [tilespmem:s22+$0xFFFFAFD0]  }
0x1e1: {  	v39 =	vld [tilespmem:s22+$0xFFFFBFD0]  }
0x1e2: {  	v40 =	vld [tilespmem:s22+$0xFFFFCFD0]  }
0x1e3: {  	v22 =	vld [tilespmem:s22+$0xFFFFDFD0]  }
0x1e4: {  	v23 =	vld [tilespmem:s22+$0xFFFFEFD0]  }
0x1e5: {  	v41 =	vld [tilespmem:s22+$0xFFFF8FC0]  }
0x1e6: {  	v42 =	vld [tilespmem:s22+$0xFFFF9FC0]  }
0x1e7: {  	v43 =	vld [tilespmem:s22+$0xFFFFAFC0]  }
0x1e8: {  	v44 =	vld [tilespmem:s22+$0xFFFFBFC0]  }
0x1e9: {  	v45 =	vld [tilespmem:s22+$0xFFFFCFC0]  }
0x1ea: {  	v24 =	vld [tilespmem:s22+$0xFFFFDFC0]  }
0x1eb: {  	v25 =	vld [tilespmem:s22+$0xFFFFEFC0]  }
0x1ec: {  	v46 =	vld [tilespmem:s22+$0xFFFF8FB0]  }
0x1ed: {  	v47 =	vld [tilespmem:s22+$0xFFFF9FB0]  }
0x1ee: {  	v48 =	vld [tilespmem:s22+$0xFFFFAFB0]  }
0x1ef: {  	v49 =	vld [tilespmem:s22+$0xFFFF8FA0]  }
0x1f0: {  	v50 =	vld [tilespmem:s22+$0xFFFF8F90]  }
0x1f1: {  	v51 =	vld [tilespmem:s22+$0xFFFF9F90]  }
0x1f2: {  	v52 =	vld [tilespmem:s22+$0xFFFF9FA0]  }
0x1f3: {  	v53 =	vld [tilespmem:s22+$0xFFFFBFB0]  }
0x1f4: {  	v54 =	vld [tilespmem:s22+$0xFFFFCFB0]  }
0x1f5: {  	v55 =	vimm.f32 $-Inf;
	v56 =	vld [tilespmem:s22+$0xFFFFAFA0]  }
0x1f6: {  	v57 =	vld [tilespmem:s22+$0xFFFFBFA0];
	v50 =	vmax.f32 v55, v50  }
0x1f7: {  	v58 =	vld [tilespmem:s22+$0xFFFFAF90];
	v51 =	vmax.f32 v55, v51;
	v49 =	vmax.f32 v50, v49  }
0x1f8: {  	v63 =	vld [tilespmem:s22+$0xFFFFCF90];
	v61 =	vmax.f32 v51, v52;
	v46 =	vmax.f32 v49, v46  }
0x1f9: {  	v62 =	vld [tilespmem:s22+$0xFFFFBF90];
	v47 =	vmax.f32 v61, v47;
	v41 =	vmax.f32 v46, v41  }
0x1fa: {  	v50 =	vld [tilespmem:s22+$0xFFFFCFA0];
	v42 =	vmax.f32 v47, v42;
	v36 =	vmax.f32 v41, v36  }
0x1fb: {  	v59 =	vld [tilespmem:s22+$0xFFFFDF90];
	v37 =	vmax.f32 v42, v37;
	v31 =	vmax.f32 v36, v31  }
0x1fc: {  	v60 =	vld [tilespmem:s22+$0xFFFFEF90];
	v32 =	vmax.f32 v37, v32;
	v15 =	vmax.f32 v31, v15  }
0x1fd: {  	v52 =	vmax.f32 v55, v63;
	v63 =	vld [tilespmem:s22+$0xFFFFFFB0];
	v27 =	vmax.f32 v32, v27;
	v11 =	vmax.f32 v15, v11  }
0x1fe: {  	v61 =	vld [tilespmem:s22+$0xFFFFFF90];
	v12 =	vmax.f32 v27, v12;
	v15 =	vmax.f32 v55, v58;
	v27 =	vmax.f32 v55, v62  }
0x1ff: {  	v41 =	vld [tilespmem:s22+$0xFFFFDFB0];
	v32 =	vmax.f32 v52, v50;
	v15 =	vmax.f32 v15, v56;
	v27 =	vmax.f32 v27, v57  }
0x200: {  	v31 =	vld [tilespmem:s22+$0xFFFFDFA0];
	v32 =	vmax.f32 v32, v54;
	v15 =	vmax.f32 v15, v48;
	v27 =	vmax.f32 v27, v53  }
0x201: {  	v58 =	vld [tilespmem:s22+$0xFFFFEFA0];
	v32 =	vmax.f32 v32, v45;
	v15 =	vmax.f32 v15, v43;
	v27 =	vmax.f32 v27, v44  }
0x202: {  	v62 =	vld [tilespmem:s22+$0xFFFFFFA0];
	v32 =	vmax.f32 v32, v40;
	v15 =	vmax.f32 v15, v38;
	v27 =	vmax.f32 v27, v39  }
0x203: {  	v37 =	vld [tilespmem:s22+$0xFFFFEFB0];
	v32 =	vmax.f32 v32, v35;
	v15 =	vmax.f32 v15, v33;
	v27 =	vmax.f32 v27, v34  }
0x204: {  	v36 =	vld [tilespmem:s22+$0xFFFFFFC0];
	v15 =	vmax.f32 v15, v28;
	v27 =	vmax.f32 v27, v29;
	v28 =	vmax.f32 v32, v30  }
0x205: {  	v32 =	vld [tilespmem:s22+$0xFFFFFFD0];
	v29 =	vmax.f32 v55, v61;
	v15 =	vmax.f32 v15, v13;
	v14 =	vmax.f32 v27, v14  }
0x206: {  	v13 =	vmax.f32 v28, v26;
	v26 =	vmax.f32 v55, v59;
	v28 =	vmax.f32 v55, v60;
	v27 =	vld [tilespmem:s22+$0xFFFFFFE0]  }
0x207: {  	v26 =	vmax.f32 v26, v31;
	v30 =	vmax.f32 v28, v58;
	v31 =	vmax.f32 v29, v62;
	v28 =	vld [tilespmem:s22+$0xFFFFFFF0]  }
0x208: {  	s21 =	simm.s32 $0x0;
	v26 =	vmax.f32 v26, v41;
	v29 =	vmax.f32 v30, v37;
	v31 =	vmax.f32 v31, v63;
	v30 =	vld [tilespmem:s22+$0x0];
	s22 =	simm.s32 $0xF0F0  }
.LBB2_8:
0x209: {  	v35 =	vld [tilespmem:s22+$0xFFFF9000];
	v24 =	vmax.f32 v26, v24;
	v25 =	vmax.f32 v29, v25;
	v26 =	vmax.f32 v31, v36  }
0x20a: {  	v36 =	vld [tilespmem:s22+$0xFFFFA000];
	v22 =	vmax.f32 v24, v22;
	v23 =	vmax.f32 v25, v23;
	v24 =	vmax.f32 v26, v32  }
0x20b: {  	v26 =	vld [tilespmem:s22+$0xFFFFB000];
	v20 =	vmax.f32 v22, v20;
	v21 =	vmax.f32 v23, v21;
	v22 =	vmax.f32 v24, v27  }
0x20c: {  	v27 =	vld [tilespmem:s22+$0xFFFFC000];
	v18 =	vmax.f32 v20, v18;
	v19 =	vmax.f32 v21, v19;
	v20 =	vmax.f32 v22, v28  }
0x20d: {  	v31 =	vld [tilespmem:s22+$0xFFFFD000];
	v28 =	vmax.f32 v18, v17;
	v29 =	vmax.f32 v19, v16;
	v30 =	vmax.f32 v20, v30  }
0x20e: {  	v17 =	vld [tilespmem:s22+$0xFFFFE000]  }
0x20f: {  	v16 =	vld [tilespmem:s22+$0xFFFFF000]  }
0x210: {  	v37 =	vld [tilespmem:s22+$0xFFFF8FF0]  }
0x211: {  	v38 =	vld [tilespmem:s22+$0xFFFF9FF0]  }
0x212: {  	v32 =	vld [tilespmem:s22+$0xFFFFAFF0]  }
0x213: {  	v33 =	vld [tilespmem:s22+$0xFFFFBFF0]  }
0x214: {  	v34 =	vld [tilespmem:s22+$0xFFFFCFF0]  }
0x215: {  	v18 =	vld [tilespmem:s22+$0xFFFFDFF0]  }
0x216: {  	v19 =	vld [tilespmem:s22+$0xFFFFEFF0]  }
0x217: {  	v39 =	vld [tilespmem:s22+$0xFFFF8FE0]  }
0x218: {  	v40 =	vld [tilespmem:s22+$0xFFFF9FE0]  }
0x219: {  	v41 =	vld [tilespmem:s22+$0xFFFFAFE0]  }
0x21a: {  	v42 =	vld [tilespmem:s22+$0xFFFFBFE0]  }
0x21b: {  	v43 =	vld [tilespmem:s22+$0xFFFFCFE0]  }
0x21c: {  	v20 =	vld [tilespmem:s22+$0xFFFFDFE0]  }
0x21d: {  	v21 =	vld [tilespmem:s22+$0xFFFFEFE0]  }
0x21e: {  	v44 =	vld [tilespmem:s22+$0xFFFF8FD0]  }
0x21f: {  	v45 =	vld [tilespmem:s22+$0xFFFF9FD0]  }
0x220: {  	v46 =	vld [tilespmem:s22+$0xFFFFAFD0]  }
0x221: {  	v47 =	vld [tilespmem:s22+$0xFFFFBFD0]  }
0x222: {  	v48 =	vld [tilespmem:s22+$0xFFFFCFD0]  }
0x223: {  	v22 =	vld [tilespmem:s22+$0xFFFFDFD0]  }
0x224: {  	v23 =	vld [tilespmem:s22+$0xFFFFEFD0]  }
0x225: {  	v49 =	vld [tilespmem:s22+$0xFFFF8FC0]  }
0x226: {  	v50 =	vld [tilespmem:s22+$0xFFFF9FC0]  }
0x227: {  	v51 =	vld [tilespmem:s22+$0xFFFFAFC0]  }
0x228: {  	v52 =	vld [tilespmem:s22+$0xFFFFBFC0]  }
0x229: {  	v53 =	vld [tilespmem:s22+$0xFFFFCFC0]  }
0x22a: {  	v24 =	vld [tilespmem:s22+$0xFFFFDFC0]  }
0x22b: {  	v25 =	vld [tilespmem:s22+$0xFFFFEFC0]  }
0x22c: {  	v54 =	vld [tilespmem:s22+$0xFFFF8FB0]  }
0x22d: {  	v55 =	vld [tilespmem:s22+$0xFFFF9FB0]  }
0x22e: {  	v56 =	vld [tilespmem:s22+$0xFFFFAFB0]  }
0x22f: {  	v57 =	vld [tilespmem:s22+$0xFFFF8FA0]  }
0x230: {  	v58 =	vld [tilespmem:s22+$0xFFFF8F90]  }
0x231: {  	v59 =	vld [tilespmem:s22+$0xFFFF9F90]  }
0x232: {  	v60 =	vld [tilespmem:s22+$0xFFFF9FA0]  }
0x233: {  	v61 =	vld [tilespmem:s22+$0xFFFFBFB0]  }
0x234: {  	v62 =	vld [tilespmem:s22+$0xFFFFCFB0]  }
0x235: {  	v63 =	vld [tilespmem:s22+$0xFFFFAFA0]  }
0x236: {  	v11 =	vmax.f32 v11, v58;
	v12 =	vmax.f32 v12, v59;
	v58 =	vld [tilespmem:s22+$0xFFFFBFA0]  }
0x237: {  	v11 =	vmax.f32 v11, v57;
	v59 =	vld [tilespmem:s22+$0xFFFFAF90];
	v12 =	vmax.f32 v12, v60  }
0x238: {  	v11 =	vmax.f32 v11, v54;
	v57 =	vld [tilespmem:s22+$0xFFFFBF90];
	v12 =	vmax.f32 v12, v55  }
0x239: {  	v11 =	vmax.f32 v11, v49;
	v54 =	vld [tilespmem:s22+$0xFFFFCF90];
	v12 =	vmax.f32 v12, v50  }
0x23a: {  	v11 =	vmax.f32 v11, v44;
	v49 =	vld [tilespmem:s22+$0xFFFFCFA0];
	v12 =	vmax.f32 v12, v45  }
0x23b: {  	v11 =	vmax.f32 v11, v39;
	v44 =	vld [tilespmem:s22+$0xFFFFDFB0];
	v12 =	vmax.f32 v12, v40  }
0x23c: {  	v11 =	vmax.f32 v11, v37;
	v39 =	vld [tilespmem:s22+$0xFFFFEFB0];
	v12 =	vmax.f32 v12, v38  }
0x23d: {  	v11 =	vmax.f32 v11, v35;
	v37 =	vld [tilespmem:s22+$0xFFFFDFA0];
	v12 =	vmax.f32 v12, v36  }
0x23e: {  	v15 =	vmax.f32 v15, v59;
	v14 =	vmax.f32 v14, v57;
	v13 =	vmax.f32 v13, v54;
	v35 =	vld [tilespmem:s22+$0xFFFFEFA0]  }
0x23f: {  	v15 =	vmax.f32 v15, v63;
	v14 =	vmax.f32 v14, v58;
	v38 =	vld [tilespmem:s22+$0xFFFFDF90];
	v13 =	vmax.f32 v13, v49  }
0x240: {  	v15 =	vmax.f32 v15, v56;
	v14 =	vmax.f32 v14, v61;
	v40 =	vld [tilespmem:s22+$0xFFFFEF90];
	v13 =	vmax.f32 v13, v62  }
0x241: {  	s21 =	sadd.s32 $0x8, s21;
	v15 =	vmax.f32 v15, v51;
	v14 =	vmax.f32 v14, v52;
	v45 =	vld [tilespmem:s22+$0xFFFFFF90];
	v13 =	vmax.f32 v13, v53  }
0x242: {  	p0 =	slt.u32 s21, $0xF8;
	v15 =	vmax.f32 v15, v46;
	v14 =	vmax.f32 v14, v47;
	v49 =	vld [tilespmem:s22+$0xFFFFFFA0];
	v13 =	vmax.f32 v13, v48  }
0x243: {  	v15 =	vmax.f32 v15, v41;
	v14 =	vmax.f32 v14, v42;
	v46 =	vld [tilespmem:s22+$0xFFFFFFB0];
	v13 =	vmax.f32 v13, v43  }
.Ltmp3:
0x244: {  	v15 =	vmax.f32 v15, v32;
	v14 =	vmax.f32 v14, v33;
	v36 =	vld [tilespmem:s22+$0xFFFFFFC0];
	v13 =	vmax.f32 v13, v34;
	(pc) =	sbr.rel @p0 .LBB2_8-.Ltmp3, $4  }
0x245: {  	v15 =	vmax.f32 v15, v26;
	v14 =	vmax.f32 v14, v27;
	v32 =	vld [tilespmem:s22+$0xFFFFFFD0];
	v13 =	vmax.f32 v13, v31  }
0x246: {  	v26 =	vmax.f32 v28, v38;
	v28 =	vmax.f32 v29, v40;
	v29 =	vmax.f32 v30, v45;
	v27 =	vld [tilespmem:s22+$0xFFFFFFE0]  }
0x247: {  	v26 =	vmax.f32 v26, v37;
	v30 =	vmax.f32 v28, v35;
	v31 =	vmax.f32 v29, v49;
	v28 =	vld [tilespmem:s22+$0xFFFFFFF0]  }
0x248: {  	v26 =	vmax.f32 v26, v44;
	v29 =	vmax.f32 v30, v39;
	v31 =	vmax.f32 v31, v46;
	v30 =	vld [tilespmem:s22+$0x0];
	s22 =	sadd.s32 $0x80, s22  }
0x249: {  	v24 =	vmax.f32 v26, v24  }
0x24a: {  	v25 =	vmax.f32 v29, v25;
	v26 =	vmax.f32 v31, v36;
	v22 =	vmax.f32 v24, v22  }
0x24b: {  	v23 =	vmax.f32 v25, v23;
	v24 =	vmax.f32 v26, v32;
	v25 =	vmax.f32 v11, v12  }
0x24c: {  	v20 =	vmax.f32 v22, v20;
	v21 =	vmax.f32 v23, v21;
	v22 =	vmax.f32 v25, v15  }
0x24d: {  	v23 =	vmax.f32 v24, v27;
	v18 =	vmax.f32 v20, v18;
	v20 =	vmax.f32 v22, v14  }
0x24e: {  	v19 =	vmax.f32 v21, v19;
	v17 =	vmax.f32 v18, v17;
	v20 =	vmax.f32 v20, v13  }
0x24f: {  	v21 =	vmax.f32 v23, v28;
	v18 =	vmax.f32 v19, v16;
	v19 =	vmax.f32 v20, v17  }
0x250: {  	v16 =	vmax.f32 v21, v30;
	v19 =	vmax.f32 v19, v18  }
0x251: {  	v19 =	vmax.f32 v19, v16  }
0x252: {  	(xrf0) =	vmax.scan.msk.f32 $0xffff, v19;
	_ =	sdelay $0x5  }
0x253: {  	v20, _, _ =	vpop (xrf0)  }
0x254: {  	v19 =	vbroadcast v20, $0xF;
	_ =	sdelay $0x1  }
0x255: {  	vm1 =	veq.f32 v12, v19  }
0x256: {  	v21 =	vnsel vm1, $0xFFFFFFFF, v1  }
0x257: {  	vm1 =	vgt.s32 v21, v0  }
0x258: {  	vm2 =	veq.f32 v11, v19;
	v22 =	vsel vm1, v21, v0;
	vm1 =	veq.f32 v15, v19  }
0x259: {  	v21 =	vsel vm2, v22, v21;
	v22 =	vnsel vm1, $0xFFFFFFFF, v2  }
0x25a: {  	vm2 =	veq.f32 v14, v19;
	vm1 =	vgt.s32 v21, v22  }
0x25b: {  	v21 =	vsel vm1, v21, v22;
	v22 =	vnsel vm2, $0xFFFFFFFF, v3  }
0x25c: {  	vm2 =	veq.f32 v13, v19;
	vm1 =	vgt.s32 v21, v22  }
0x25d: {  	v21 =	vsel vm1, v21, v22;
	v22 =	vnsel vm2, $0xFFFFFFFF, v4  }
0x25e: {  	vm2 =	veq.f32 v17, v19;
	vm1 =	vgt.s32 v21, v22  }
0x25f: {  	v21 =	vsel vm1, v21, v22;
	v22 =	vnsel vm2, $0xFFFFFFFF, v5  }
0x260: {  	vm2 =	veq.f32 v18, v19;
	vm1 =	vgt.s32 v21, v22  }
0x261: {  	v21 =	vsel vm1, v21, v22;
	v22 =	vnsel vm2, $0xFFFFFFFF, v6  }
0x262: {  	vm2 =	veq.f32 v16, v19;
	vm1 =	vgt.s32 v21, v22  }
0x263: {  	v21 =	vsel vm1, v21, v22;
	v22 =	vnsel vm2, $0xFFFFFFFF, v7  }
0x264: {  	vm1 =	vgt.s32 v21, v22  }
0x265: {  	v21 =	vsel vm1, v21, v22  }
0x266: {  	v21 =	vxor.u32 $0x80000000, v21  }
0x267: {  	(xrf0) =	vmax.scan.msk.u32 $0xffff, v21;
	_ =	sdelay $0x5  }
0x268: {  	(v2sf) =	vpush v20, $0xF;
	v20, _, _ =	vpop (xrf0)  }
0x269: {  	(v2sf) =	vpush v20, $0xF;
	_ =	sdelay $0xd  }
0x26a: {  	s23 =	spop (v2sf)  }
0x26b: {  	s21 =	spop (v2sf)  }
0x26c: {  	s24 =	sshra.s32 s21, $0x4  }
0x26d: {  	s22 =	sshll.u32 s24, $0x8  }
0x26e: {  	v20 =	vmov s22  }
0x26f: {  	v20 =	vshll.u32 v20, $0x4  }
0x270: {  	s25 =	sand.u32 $0xF, s21;
	v20 =	vor.u32 v8, v20  }
0x271: {  	v20 =	vor.u32 s25, v20  }
0x272: {  	v21 =	vor.u32 $0x300, v20  }
0x273: {  	v22 =	vor.u32 $0x200, v20  }
0x274: {  	vm7 =	vmmov vm0;
	vm3 =	vmmov vm0  }
0x275: {  	vm4 =	vmmov vm0;
	vm5 =	vmmov vm0;
	v23 =	vor.u32 $0x100, v20  }
0x276: {  	vm6 =	vmmov vm0;
	vm2 =	vmmov vm0;
	p0 =	seq.s32 s24, $0xF8000001;
	v24 =	vor.u32 $0x400, v20  }
0x277: {  	vm1 =	vmmov vm0;
	p1 =	seq.s32 s24, $0xF8000002;
	vm7 =	vmneg @p0 vm7;
	p0 =	seq.s32 s24, $0xF8000003;
	v27 =	vld.idx.msk [tilespmem:v21+s12+$0x0], $0xffff;
	v21 =	vor.u32 $0x500, v20  }
0x278: {  	vm1 =	vmneg @p1 vm1;
	p1 =	seq.s32 s24, $0xF8000004;
	vm2 =	vmneg @p0 vm2;
	p0 =	seq.s32 s24, $0xF8000005;
	v28 =	vld.idx.msk [tilespmem:v22+s12+$0x0], $0xffff;
	v22 =	vor.u32 $0x600, v20  }
0x279: {  	vm3 =	vmneg @p1 vm3;
	p1 =	seq.s32 s24, $0xF8000006;
	vm4 =	vmneg @p0 vm4;
	p0 =	seq.s32 s24, $0xF8000007;
	v25 =	vor.u32 $0x700, v20;
	v29 =	vld.idx.msk [tilespmem:v20+s12+$0x0], $0xffff  }
0x27a: {  	vm5 =	vmneg @p1 vm5;
	vm6 =	vmneg @p0 vm6;
	v30 =	vld.idx.msk [tilespmem:v23+s12+$0x0], $0xffff;
	v23 =	vor.u32 $0x800, v20  }
0x27b: {  	v26 =	vor.u32 $0xA00, v20;
	v52 =	vor.u32 $0xF00, v20;
	v31 =	vld.idx.msk [tilespmem:v24+s12+$0x0], $0xffff;
	v24 =	vor.u32 $0x900, v20  }
0x27c: {  	v34 =	vor.u32 $0xB00, v20;
	v35 =	vor.u32 $0xD00, v20;
	v53 =	vor.u32 $0xE00, v20;
	v33 =	vld.idx.msk [tilespmem:v21+s12+$0x0], $0xffff  }
0x27d: {  	v38 =	vor.u32 $0xC00, v20;
	v37 =	vld.idx.msk [tilespmem:v22+s12+$0x0], $0xffff;
	vm8 =	vlt.f32 v28, v19;
	vm9 =	vlt.f32 v27, v19  }
0x27e: {  	v39 =	vld.idx.msk [tilespmem:v25+s12+$0x0], $0xffff;
	vm10 =	vlt.f32 v29, v19;
	v21 =	vnsel vm8, $0xFF800000, v28;
	v22 =	vnsel vm9, $0xFF800000, v27  }
0x27f: {  	v40 =	vld.idx.msk [tilespmem:v23+s12+$0x0], $0xffff;
	vm8 =	vlt.f32 v30, v19;
	v23 =	vmax.f32 v29, v21;
	v25 =	vmax.f32 v30, v22  }
0x280: {  	v20 =	vld.idx.msk [tilespmem:v24+s12+$0x0], $0xffff;
	v23 =	vsel vm10, v23, v21;
	v24 =	vsel vm8, v25, v22;
	vm8 =	vlt.f32 v31, v19  }
0x281: {  	v21 =	vld.idx.msk [tilespmem:v26+s12+$0x0], $0xffff;
	v25 =	vmax.f32 v23, v31;
	vm9 =	vlt.f32 v33, v19;
	v26 =	vmax.f32 v24, v33  }
0x282: {  	v22 =	vld.idx.msk [tilespmem:v34+s12+$0x0], $0xffff;
	v25 =	vsel vm8, v25, v23;
	vm8 =	vlt.f32 v37, v19;
	v26 =	vsel vm9, v26, v24  }
0x283: {  	v23 =	vld.idx.msk [tilespmem:v38+s12+$0x0], $0xffff;
	v54 =	vmax.f32 v25, v37;
	vm9 =	vlt.f32 v39, v19;
	v55 =	vmax.f32 v26, v39  }
0x284: {  	v24 =	vld.idx.msk [tilespmem:v35+s12+$0x0], $0xffff;
	v34 =	vsel vm8, v54, v25;
	vm8 =	vlt.f32 v40, v19;
	v56 =	vsel vm9, v55, v26  }
0x285: {  	v25 =	vld.idx.msk [tilespmem:v53+s12+$0x0], $0xffff;
	v57 =	vmax.f32 v34, v40;
	vm9 =	vlt.f32 v20, v19;
	v38 =	vmax.f32 v56, v20  }
0x286: {  	v26 =	vld.idx.msk [tilespmem:v52+s12+$0x0], $0xffff;
	v58 =	vsel vm8, v57, v34;
	vm8 =	vlt.f32 v21, v19;
	v59 =	vsel vm9, v38, v56  }
0x287: {  	v60 =	vmax.f32 v58, v21;
	vm9 =	vlt.f32 v22, v19;
	v61 =	vmax.f32 v59, v22  }
0x288: {  	v32 =	vsel vm8, v60, v58;
	vm8 =	vlt.f32 v23, v19;
	v34 =	vsel vm9, v61, v59  }
0x289: {  	v35 =	vmax.f32 v32, v23;
	vm9 =	vlt.f32 v24, v19;
	v36 =	vmax.f32 v34, v24  }
0x28a: {  	v32 =	vsel vm8, v35, v32;
	vm8 =	vlt.f32 v25, v19;
	v34 =	vsel vm9, v36, v34  }
0x28b: {  	v35 =	vmax.f32 v32, v25;
	vm9 =	vlt.f32 v26, v19;
	v36 =	vmax.f32 v34, v26  }
0x28c: {  	vm10 =	veq.f32 v30, v19;
	v30 =	vsel vm8, v35, v32;
	v62 =	vsel vm9, v36, v34  }
0x28d: {  	vm8 =	veq.f32 v29, v19;
	v29 =	vsel vm10, $0x1, v9;
	v30 =	vmax.f32 v30, v62  }
0x28e: {  	v63 =	vsel vm8, $0x1, v9;
	vm8 =	veq.f32 v28, v19;
	vm9 =	veq.f32 v27, v19;
	(xrf0) =	vmax.scan.msk.f32 $0xffff, v30  }
0x28f: {  	v27 =	vsel vm8, $0x1, v9;
	v28 =	vsel vm9, $0x1, v9;
	v29 =	vadd.s32 v63, v29  }
0x290: {  	vm8 =	veq.f32 v31, v19;
	vm9 =	veq.f32 v33, v19;
	v27 =	vadd.s32 v27, v29  }
0x291: {  	v29 =	vsel vm8, $0x1, v9;
	v30 =	vsel vm9, $0x1, v9;
	v27 =	vadd.s32 v28, v27  }
0x292: {  	vm8 =	veq.f32 v37, v19;
	vm9 =	veq.f32 v39, v19;
	v28 =	vadd.s32 v29, v27  }
0x293: {  	s21 =	simm.f32 $-Inf;
	s22 =	simm.s32 $0x0;
	p0 =	por $0x1, $0x1;
	v31 =	vsel vm8, $0x1, v9;
	v27 =	vsel vm9, $0x1, v9;
	v28 =	vadd.s32 v30, v28  }
0x294: {  	p1 =	seq.s32 s24, $0xF8000000;
	s21 =	smov.u32 @p0 s23;
	s23 =	simm.s32 $0x8;
	v29 =	vmov s25;
	vm9 =	veq.f32 v40, v19;
	v28 =	vadd.s32 v31, v28;
	v30, _, _ =	vpop (xrf0)  }
.LBB2_10:
0x295: {  	vm10 =	vmmov vm0  }
0x296: {  	p0 =	sne.s32 s23, $0x1;
	vm8 =	veq.s32 v29, v0;
	v29 =	vbroadcast v30, $0xF;
	vm10 =	vmneg @p1 vm10  }
0x297: {  	v27 =	vadd.s32 v27, v28;
	vm7 =	vmand vm7, vm8;
	vm10 =	vmand vm10, vm8  }
0x298: {  	v28 =	vsel vm9, $0x1, v9;
	v12 =	vsel vm7, v29, v12;
	v11 =	vsel vm10, v29, v11  }
0x299: {  	vm9 =	veq.f32 v21, v19;
	vm7 =	veq.f32 v20, v19;
	v20 =	vadd.s32 v28, v27  }
0x29a: {  	v27 =	vsel vm9, $0x1, v9;
	v21 =	vsel vm7, $0x1, v9;
	vm7 =	veq.f32 v22, v19  }
0x29b: {  	v22 =	vsel vm7, $0x1, v9;
	vm7 =	veq.f32 v23, v19;
	v20 =	vadd.s32 v21, v20  }
0x29c: {  	v21 =	vsel vm7, $0x1, v9;
	vm7 =	veq.f32 v24, v19;
	v20 =	vadd.s32 v27, v20  }
0x29d: {  	v23 =	vsel vm7, $0x1, v9;
	vm7 =	veq.f32 v25, v19;
	v20 =	vadd.s32 v22, v20  }
0x29e: {  	v22 =	vsel vm7, $0x1, v9;
	vm7 =	veq.f32 v26, v19;
	v19 =	vadd.s32 v21, v20  }
0x29f: {  	vm1 =	vmand vm1, vm8;
	v20 =	vsel vm7, $0x1, v9;
	v19 =	vadd.s32 v23, v19  }
0x2a0: {  	vm2 =	vmand vm2, vm8;
	vm3 =	vmand vm3, vm8;
	v19 =	vadd.s32 v22, v19  }
0x2a1: {  	vm4 =	vmand vm4, vm8;
	vm5 =	vmand vm5, vm8;
	v19 =	vadd.s32 v20, v19  }
0x2a2: {  	v15 =	vsel vm1, v29, v15;
	vm1 =	vmand vm6, vm8;
	v20 =	vmax.f32 v11, v12;
	(xrf0) =	vadd.scan.msk.s32 $0xffff, v19  }
0x2a3: {  	v14 =	vsel vm2, v29, v14;
	v13 =	vsel vm3, v29, v13;
	v19 =	vmax.f32 v20, v15  }
0x2a4: {  	v17 =	vsel vm4, v29, v17;
	v18 =	vsel vm5, v29, v18;
	v19 =	vmax.f32 v19, v14  }
0x2a5: {  	v16 =	vsel vm1, v29, v16;
	v19 =	vmax.f32 v19, v13  }
0x2a6: {  	v19 =	vmax.f32 v19, v17  }
0x2a7: {  	v19 =	vmax.f32 v19, v18  }
0x2a8: {  	v19 =	vmax.f32 v19, v16;
	v20, _, _ =	vpop (xrf0)  }
0x2a9: {  	(xrf0) =	vmax.scan.msk.f32 $0xffff, v19;
	(v2sf) =	vpush v20, $0xF;
	_ =	sdelay $0x5  }
0x2aa: {  	v20, _, _ =	vpop (xrf0)  }
0x2ab: {  	v19 =	vbroadcast v20, $0xF;
	(v2sf) =	vpush v20, $0xF;
	_ =	sdelay $0x1  }
0x2ac: {  	vm1 =	veq.f32 v12, v19  }
0x2ad: {  	v20 =	vnsel vm1, $0xFFFFFFFF, v1  }
0x2ae: {  	vm1 =	vgt.s32 v20, v0  }
0x2af: {  	vm2 =	veq.f32 v11, v19;
	v21 =	vsel vm1, v20, v0;
	vm1 =	veq.f32 v15, v19  }
0x2b0: {  	v20 =	vsel vm2, v21, v20;
	v21 =	vnsel vm1, $0xFFFFFFFF, v2  }
0x2b1: {  	vm2 =	veq.f32 v14, v19;
	vm1 =	vgt.s32 v20, v21  }
0x2b2: {  	v20 =	vsel vm1, v20, v21;
	v21 =	vnsel vm2, $0xFFFFFFFF, v3;
	s24 =	spop (v2sf)  }
0x2b3: {  	vm2 =	veq.f32 v13, v19;
	vm1 =	vgt.s32 v20, v21;
	s22 =	sadd.s32 s22, s24  }
0x2b4: {  	v20 =	vsel vm1, v20, v21;
	v21 =	vnsel vm2, $0xFFFFFFFF, v4  }
0x2b5: {  	vm2 =	veq.f32 v17, v19;
	vm1 =	vgt.s32 v20, v21  }
0x2b6: {  	v20 =	vsel vm1, v20, v21;
	v21 =	vnsel vm2, $0xFFFFFFFF, v5  }
0x2b7: {  	vm2 =	veq.f32 v18, v19;
	vm1 =	vgt.s32 v20, v21  }
0x2b8: {  	v20 =	vsel vm1, v20, v21;
	v21 =	vnsel vm2, $0xFFFFFFFF, v6  }
0x2b9: {  	p1 =	slt.s32 s22, $0xA;
	vm2 =	veq.f32 v16, v19;
	vm1 =	vgt.s32 v20, v21;
	s24 =	spop (v2sf)  }
0x2ba: {  	v20 =	vsel vm1, v20, v21;
	v21 =	vnsel vm2, $0xFFFFFFFF, v7;
	s21 =	smov.u32 @p1 s24  }
0x2bb: {  	vm1 =	vgt.s32 v20, v21  }
0x2bc: {  	v20 =	vsel vm1, v20, v21  }
0x2bd: {  	v20 =	vxor.u32 $0x80000000, v20  }
0x2be: {  	(xrf0) =	vmax.scan.msk.u32 $0xffff, v20;
	_ =	sdelay $0x5  }
0x2bf: {  	v20, _, _ =	vpop (xrf0)  }
0x2c0: {  	(v2sf) =	vpush v20, $0xF;
	_ =	sdelay $0xe  }
0x2c1: {  	vm3 =	vmmov vm0;
	s25 =	spop (v2sf)  }
0x2c2: {  	vm4 =	vmmov vm0;
	vm5 =	vmmov vm0;
	vm6 =	vmmov vm0;
	s24 =	sshra.s32 s25, $0x4  }
0x2c3: {  	vm7 =	vmmov vm0;
	vm2 =	vmmov vm0;
	vm1 =	vmmov vm0;
	s26 =	sshll.u32 s24, $0x8;
	p1 =	seq.s32 s24, $0xF8000001;
	p2 =	seq.s32 s24, $0xF8000002  }
0x2c4: {  	v20 =	vmov s26;
	vm7 =	vmneg @p1 vm7;
	vm1 =	vmneg @p2 vm1;
	p1 =	seq.s32 s24, $0xF8000003;
	p2 =	seq.s32 s24, $0xF8000004  }
0x2c5: {  	v20 =	vshll.u32 v20, $0x4;
	vm2 =	vmneg @p1 vm2;
	vm3 =	vmneg @p2 vm3;
	p1 =	seq.s32 s24, $0xF8000005;
	p2 =	seq.s32 s24, $0xF8000006  }
0x2c6: {  	s25 =	sand.u32 $0xF, s25;
	v20 =	vor.u32 v8, v20;
	vm4 =	vmneg @p1 vm4;
	vm5 =	vmneg @p2 vm5;
	p1 =	seq.s32 s24, $0xF8000007  }
0x2c7: {  	v20 =	vor.u32 s25, v20;
	vm6 =	vmneg @p1 vm6  }
0x2c8: {  	v21 =	vor.u32 $0x300, v20  }
0x2c9: {  	v22 =	vor.u32 $0x200, v20;
	_ =	sdelay $0x1  }
0x2ca: {  	v23 =	vor.u32 $0x100, v20  }
0x2cb: {  	v24 =	vor.u32 $0x400, v20  }
0x2cc: {  	v27 =	vld.idx.msk [tilespmem:v21+s12+$0x0], $0xffff;
	v21 =	vor.u32 $0x500, v20  }
0x2cd: {  	v28 =	vld.idx.msk [tilespmem:v22+s12+$0x0], $0xffff;
	v22 =	vor.u32 $0x600, v20  }
0x2ce: {  	v25 =	vor.u32 $0x700, v20;
	v29 =	vld.idx.msk [tilespmem:v20+s12+$0x0], $0xffff  }
0x2cf: {  	v30 =	vld.idx.msk [tilespmem:v23+s12+$0x0], $0xffff;
	v23 =	vor.u32 $0x800, v20  }
0x2d0: {  	v31 =	vld.idx.msk [tilespmem:v24+s12+$0x0], $0xffff;
	v24 =	vor.u32 $0x900, v20  }
0x2d1: {  	v26 =	vor.u32 $0xF00, v20;
	v32 =	vld.idx.msk [tilespmem:v21+s12+$0x0], $0xffff;
	v21 =	vor.u32 $0xA00, v20  }
0x2d2: {  	v34 =	vor.u32 $0xD00, v20;
	v35 =	vor.u32 $0xE00, v20;
	v33 =	vld.idx.msk [tilespmem:v22+s12+$0x0], $0xffff;
	v22 =	vor.u32 $0xB00, v20  }
0x2d3: {  	vm9 =	vlt.f32 v27, v19;
	vm8 =	vlt.f32 v28, v19;
	v36 =	vld.idx.msk [tilespmem:v25+s12+$0x0], $0xffff;
	v25 =	vor.u32 $0xC00, v20  }
0x2d4: {  	v38 =	vnsel vm9, $0xFF800000, v27;
	vm10 =	vlt.f32 v29, v19;
	v37 =	vnsel vm8, $0xFF800000, v28;
	v39 =	vld.idx.msk [tilespmem:v23+s12+$0x0], $0xffff  }
0x2d5: {  	vm8 =	vlt.f32 v30, v19;
	v23 =	vmax.f32 v29, v37;
	v40 =	vmax.f32 v30, v38;
	v20 =	vld.idx.msk [tilespmem:v24+s12+$0x0], $0xffff  }
0x2d6: {  	v23 =	vsel vm10, v23, v37;
	v24 =	vsel vm8, v40, v38;
	vm8 =	vlt.f32 v31, v19;
	v21 =	vld.idx.msk [tilespmem:v21+s12+$0x0], $0xffff  }
0x2d7: {  	v37 =	vmax.f32 v23, v31;
	vm9 =	vlt.f32 v32, v19;
	v38 =	vmax.f32 v24, v32;
	v22 =	vld.idx.msk [tilespmem:v22+s12+$0x0], $0xffff  }
0x2d8: {  	v37 =	vsel vm8, v37, v23;
	v38 =	vsel vm9, v38, v24;
	vm8 =	vlt.f32 v33, v19;
	v23 =	vld.idx.msk [tilespmem:v25+s12+$0x0], $0xffff  }
0x2d9: {  	v25 =	vmax.f32 v37, v33;
	vm9 =	vlt.f32 v36, v19;
	v40 =	vmax.f32 v38, v36;
	v24 =	vld.idx.msk [tilespmem:v34+s12+$0x0], $0xffff  }
0x2da: {  	v34 =	vsel vm8, v25, v37;
	v37 =	vsel vm9, v40, v38;
	vm8 =	vlt.f32 v39, v19;
	v25 =	vld.idx.msk [tilespmem:v35+s12+$0x0], $0xffff  }
0x2db: {  	v35 =	vmax.f32 v34, v39;
	vm9 =	vlt.f32 v20, v19;
	v38 =	vmax.f32 v37, v20;
	v26 =	vld.idx.msk [tilespmem:v26+s12+$0x0], $0xffff  }
0x2dc: {  	v34 =	vsel vm8, v35, v34;
	v35 =	vsel vm9, v38, v37;
	vm8 =	vlt.f32 v21, v19  }
0x2dd: {  	v37 =	vmax.f32 v34, v21;
	vm9 =	vlt.f32 v22, v19;
	v38 =	vmax.f32 v35, v22  }
0x2de: {  	v34 =	vsel vm8, v37, v34;
	v35 =	vsel vm9, v38, v35;
	vm8 =	vlt.f32 v23, v19  }
0x2df: {  	v37 =	vmax.f32 v34, v23;
	vm9 =	vlt.f32 v24, v19;
	v38 =	vmax.f32 v35, v24  }
0x2e0: {  	v34 =	vsel vm8, v37, v34;
	v35 =	vsel vm9, v38, v35;
	vm8 =	vlt.f32 v25, v19  }
0x2e1: {  	v37 =	vmax.f32 v34, v25;
	vm9 =	vlt.f32 v26, v19;
	v38 =	vmax.f32 v35, v26  }
0x2e2: {  	vm10 =	veq.f32 v30, v19;
	v30 =	vsel vm8, v37, v34;
	v34 =	vsel vm9, v38, v35  }
0x2e3: {  	vm8 =	veq.f32 v29, v19;
	v29 =	vsel vm10, $0x1, v9;
	v30 =	vmax.f32 v30, v34  }
0x2e4: {  	vm9 =	veq.f32 v27, v19;
	v34 =	vsel vm8, $0x1, v9;
	vm8 =	veq.f32 v28, v19;
	(xrf0) =	vmax.scan.msk.f32 $0xffff, v30  }
0x2e5: {  	v28 =	vsel vm9, $0x1, v9;
	v27 =	vsel vm8, $0x1, v9;
	v29 =	vadd.s32 v34, v29  }
.Ltmp4:
0x2e6: {  	vm9 =	veq.f32 v32, v19;
	vm8 =	veq.f32 v31, v19;
	v27 =	vadd.s32 v27, v29;
	(pc) =	sbr.rel @p0 .LBB2_10-.Ltmp4, $4  }
0x2e7: {  	v29 =	vsel vm8, $0x1, v9;
	v30 =	vsel vm9, $0x1, v9;
	v27 =	vadd.s32 v28, v27  }
0x2e8: {  	vm8 =	veq.f32 v33, v19;
	vm9 =	veq.f32 v36, v19;
	v28 =	vadd.s32 v29, v27  }
0x2e9: {  	v31 =	vsel vm8, $0x1, v9;
	v27 =	vsel vm9, $0x1, v9;
	v28 =	vadd.s32 v30, v28  }
0x2ea: {  	s23 =	sadd.s32 $0xFFFFFFFF, s23;
	p1 =	seq.s32 s24, $0xF8000000;
	v29 =	vmov s25;
	vm9 =	veq.f32 v39, v19;
	v28 =	vadd.s32 v31, v28;
	v30, _, _ =	vpop (xrf0)  }
0x2eb: {  	vm8 =	veq.s32 v29, v0;
	vm10 =	vmmov vm0  }
0x2ec: {  	v42 =	vbroadcast v30, $0xF;
	v27 =	vadd.s32 v27, v28;
	v43 =	vsel vm9, $0x1, v9  }
0x2ed: {  	vm14 =	veq.f32 v20, v19;
	vm15 =	veq.f32 v21, v19;
	vm11 =	veq.f32 v22, v19  }
0x2ee: {  	vm12 =	veq.f32 v23, v19;
	vm13 =	veq.f32 v24, v19;
	vm10 =	vmneg @p1 vm10  }
0x2ef: {  	vm7 =	vmand vm7, vm8;
	v20 =	vsel vm14, $0x1, v9;
	v21 =	vsel vm15, $0x1, v9  }
0x2f0: {  	v44 =	vsel vm11, $0x1, v9;
	v45 =	vsel vm12, $0x1, v9;
	v46 =	vsel vm13, $0x1, v9  }
0x2f1: {  	vm14 =	veq.f32 v25, v19;
	vm15 =	veq.f32 v26, v19;
	vm1 =	vmand vm1, vm8  }
0x2f2: {  	vm2 =	vmand vm2, vm8;
	vm10 =	vmand vm10, vm8;
	v12 =	vsel vm7, v42, v12  }
0x2f3: {  	v47 =	vsel vm14, $0x1, v9;
	v19 =	vsel vm15, $0x1, v9;
	v15 =	vsel vm1, v42, v15  }
0x2f4: {  	vm1 =	vmand vm3, vm8;
	v30 =	vsel vm10, v42, v11;
	v11 =	vadd.s32 v43, v27  }
0x2f5: {  	v14 =	vsel vm2, v42, v14;
	vm2 =	vmand vm4, vm8;
	v11 =	vadd.s32 v20, v11  }
0x2f6: {  	v13 =	vsel vm1, v42, v13;
	v48 =	vmax.f32 v30, v12;
	v11 =	vadd.s32 v21, v11  }
0x2f7: {  	vm1 =	vmand vm5, vm8;
	v20 =	vmax.f32 v48, v15;
	v11 =	vadd.s32 v44, v11  }
0x2f8: {  	v17 =	vsel vm2, v42, v17;
	v20 =	vmax.f32 v20, v14;
	v11 =	vadd.s32 v45, v11  }
0x2f9: {  	vm2 =	vmand vm6, vm8;
	v20 =	vmax.f32 v20, v13;
	v11 =	vadd.s32 v46, v11  }
0x2fa: {  	v18 =	vsel vm1, v42, v18;
	v20 =	vmax.f32 v20, v17;
	v11 =	vadd.s32 v47, v11  }
0x2fb: {  	v16 =	vsel vm2, v42, v16;
	v11 =	vadd.s32 v19, v11;
	v19 =	vmax.f32 v20, v18  }
0x2fc: {  	(xrf0) =	vadd.scan.msk.s32 $0xffff, v11;
	v11 =	vmax.f32 v19, v16  }
0x2fd: {  	(xrf0) =	vmax.scan.msk.f32 $0xffff, v11;
	_ =	sdelay $0x4  }
0x2fe: {  	v19, _, _ =	vpop (xrf0)  }
0x2ff: {  	v49, _, _ =	vpop (xrf0)  }
0x300: {  	v11 =	vbroadcast v49, $0xF;
	_ =	sdelay $0x1  }
0x301: {  	vm1 =	veq.f32 v12, v11  }
0x302: {  	v12 =	vnsel vm1, $0xFFFFFFFF, v1  }
0x303: {  	vm1 =	vgt.s32 v12, v0  }
0x304: {  	vm2 =	veq.f32 v30, v11;
	v50 =	vsel vm1, v12, v0;
	vm1 =	veq.f32 v15, v11  }
0x305: {  	v12 =	vsel vm2, v50, v12;
	v15 =	vnsel vm1, $0xFFFFFFFF, v2  }
0x306: {  	vm2 =	veq.f32 v14, v11;
	vm1 =	vgt.s32 v12, v15  }
0x307: {  	v14 =	vnsel vm2, $0xFFFFFFFF, v3;
	v12 =	vsel vm1, v12, v15  }
0x308: {  	vm2 =	veq.f32 v13, v11;
	vm1 =	vgt.s32 v12, v14  }
0x309: {  	v13 =	vnsel vm2, $0xFFFFFFFF, v4;
	v12 =	vsel vm1, v12, v14  }
0x30a: {  	vm2 =	veq.f32 v17, v11;
	vm1 =	vgt.s32 v12, v13  }
0x30b: {  	v12 =	vsel vm1, v12, v13;
	v13 =	vnsel vm2, $0xFFFFFFFF, v5  }
0x30c: {  	vm2 =	veq.f32 v18, v11;
	vm1 =	vgt.s32 v12, v13  }
0x30d: {  	v12 =	vsel vm1, v12, v13;
	v13 =	vnsel vm2, $0xFFFFFFFF, v6  }
0x30e: {  	vm2 =	veq.f32 v16, v11;
	vm1 =	vgt.s32 v12, v13  }
0x30f: {  	v12 =	vsel vm1, v12, v13;
	v13 =	vnsel vm2, $0xFFFFFFFF, v7  }
0x310: {  	vm1 =	vgt.s32 v12, v13  }
0x311: {  	v12 =	vsel vm1, v12, v13  }
0x312: {  	v12 =	vxor.u32 $0x80000000, v12  }
0x313: {  	(xrf0) =	vmax.scan.msk.u32 $0xffff, v12;
	_ =	sdelay $0x4  }
0x314: {  	(v2sf) =	vpush v19, $0xF  }
0x315: {  	(v2sf) =	vpush v49, $0xF;
	v12, _, _ =	vpop (xrf0)  }
0x316: {  	(v2sf) =	vpush v12, $0xF;
	_ =	sdelay $0xc  }
0x317: {  	s25 =	spop (v2sf)  }
0x318: {  	s24 =	spop (v2sf)  }
0x319: {  	s23 =	spop (v2sf)  }
0x31a: {  	s26 =	sshra.s32 s23, $0x4  }
0x31b: {  	s26 =	sshll.u32 s26, $0x8  }
0x31c: {  	v12 =	vmov s26  }
0x31d: {  	v12 =	vshll.u32 v12, $0x4  }
0x31e: {  	s23 =	sand.u32 $0xF, s23;
	v12 =	vor.u32 v8, v12  }
0x31f: {  	v12 =	vor.u32 s23, v12  }
0x320: {  	v13 =	vor.u32 $0x200, v12  }
0x321: {  	v14 =	vor.u32 $0x300, v12  }
0x322: {  	v15 =	vor.u32 $0x100, v12;
	_ =	sdelay $0x2  }
0x323: {  	v16 =	vor.u32 $0x400, v12;
	v13 =	vld.idx.msk [tilespmem:v13+s12+$0x0], $0xffff  }
0x324: {  	v17 =	vor.u32 $0x500, v12;
	v14 =	vld.idx.msk [tilespmem:v14+s12+$0x0], $0xffff  }
0x325: {  	v18 =	vor.u32 $0x600, v12;
	v15 =	vld.idx.msk [tilespmem:v15+s12+$0x0], $0xffff  }
0x326: {  	v51 =	vor.u32 $0x700, v12;
	v19 =	vld.idx.msk [tilespmem:v12+s12+$0x0], $0xffff  }
0x327: {  	v52 =	vor.u32 $0x800, v12;
	v53 =	vor.u32 $0x900, v12  }
0x328: {  	v54 =	vor.u32 $0xA00, v12;
	v55 =	vor.u32 $0xF00, v12;
	v56 =	vor.u32 $0xB00, v12;
	v16 =	vld.idx.msk [tilespmem:v16+s12+$0x0], $0xffff  }
0x329: {  	v57 =	vor.u32 $0xD00, v12;
	v58 =	vor.u32 $0xE00, v12;
	v12 =	vor.u32 $0xC00, v12;
	v17 =	vld.idx.msk [tilespmem:v17+s12+$0x0], $0xffff  }
0x32a: {  	v18 =	vld.idx.msk [tilespmem:v18+s12+$0x0], $0xffff;
	vm1 =	vlt.f32 v13, v11;
	vm2 =	vlt.f32 v14, v11;
	vm3 =	veq.f32 v15, v11  }
0x32b: {  	v20 =	vld.idx.msk [tilespmem:v51+s12+$0x0], $0xffff;
	v59 =	vnsel vm1, $0xFF800000, v13;
	vm1 =	vlt.f32 v19, v11;
	v60 =	vnsel vm2, $0xFF800000, v14  }
0x32c: {  	v21 =	vld.idx.msk [tilespmem:v52+s12+$0x0], $0xffff;
	vm2 =	vlt.f32 v15, v11;
	v61 =	vmax.f32 v19, v59;
	v31 =	vmax.f32 v15, v60  }
0x32d: {  	v22 =	vld.idx.msk [tilespmem:v53+s12+$0x0], $0xffff;
	v28 =	vsel vm1, v61, v59;
	v29 =	vsel vm2, v31, v60;
	vm1 =	vlt.f32 v16, v11  }
0x32e: {  	v23 =	vld.idx.msk [tilespmem:v54+s12+$0x0], $0xffff;
	vm2 =	vlt.f32 v17, v11;
	v30 =	vmax.f32 v28, v16;
	v31 =	vmax.f32 v29, v17  }
0x32f: {  	v25 =	vld.idx.msk [tilespmem:v56+s12+$0x0], $0xffff;
	v28 =	vsel vm1, v30, v28;
	v29 =	vsel vm2, v31, v29;
	vm1 =	vlt.f32 v18, v11  }
0x330: {  	v12 =	vld.idx.msk [tilespmem:v12+s12+$0x0], $0xffff;
	vm2 =	vlt.f32 v20, v11;
	v30 =	vmax.f32 v28, v18;
	v31 =	vmax.f32 v29, v20  }
0x331: {  	v26 =	vld.idx.msk [tilespmem:v57+s12+$0x0], $0xffff;
	v28 =	vsel vm1, v30, v28;
	v29 =	vsel vm2, v31, v29;
	vm1 =	vlt.f32 v21, v11  }
0x332: {  	v27 =	vld.idx.msk [tilespmem:v58+s12+$0x0], $0xffff;
	vm2 =	vlt.f32 v22, v11;
	v30 =	vmax.f32 v28, v21;
	v31 =	vmax.f32 v29, v22  }
0x333: {  	v24 =	vld.idx.msk [tilespmem:v55+s12+$0x0], $0xffff;
	v28 =	vsel vm1, v30, v28;
	v29 =	vsel vm2, v31, v29;
	vm1 =	vlt.f32 v23, v11  }
0x334: {  	vm2 =	vlt.f32 v25, v11;
	v30 =	vmax.f32 v28, v23;
	v31 =	vmax.f32 v29, v25  }
0x335: {  	v28 =	vsel vm1, v30, v28;
	v29 =	vsel vm2, v31, v29;
	vm1 =	vlt.f32 v12, v11  }
0x336: {  	vm2 =	vlt.f32 v26, v11;
	v30 =	vmax.f32 v28, v12;
	v31 =	vmax.f32 v29, v26  }
0x337: {  	v28 =	vsel vm1, v30, v28;
	v29 =	vsel vm2, v31, v29;
	vm1 =	vlt.f32 v27, v11  }
0x338: {  	vm2 =	vlt.f32 v24, v11;
	v30 =	vmax.f32 v28, v27;
	v31 =	vmax.f32 v29, v24  }
0x339: {  	v15 =	vsel vm1, v30, v28;
	v62 =	vsel vm2, v31, v29;
	vm1 =	veq.f32 v19, v11  }
0x33a: {  	v19 =	vsel vm3, $0x1, v9;
	v63 =	vsel vm1, $0x1, v9;
	vm1 =	veq.f32 v13, v11  }
0x33b: {  	vm2 =	veq.f32 v14, v11;
	v13 =	vsel vm1, $0x1, v9;
	v14 =	vadd.s32 v63, v19  }
0x33c: {  	v19 =	vsel vm2, $0x1, v9;
	vm1 =	veq.f32 v16, v11;
	v13 =	vadd.s32 v13, v14  }
0x33d: {  	vm2 =	veq.f32 v17, v11;
	v14 =	vsel vm1, $0x1, v9;
	v13 =	vadd.s32 v19, v13  }
0x33e: {  	v16 =	vsel vm2, $0x1, v9;
	vm1 =	veq.f32 v18, v11;
	v13 =	vadd.s32 v14, v13  }
0x33f: {  	vm2 =	veq.f32 v20, v11;
	v14 =	vsel vm1, $0x1, v9;
	v13 =	vadd.s32 v16, v13  }
0x340: {  	vm1 =	veq.f32 v21, v11;
	v16 =	vsel vm2, $0x1, v9;
	v13 =	vadd.s32 v14, v13  }
0x341: {  	v14 =	vsel vm1, $0x1, v9;
	vm1 =	veq.f32 v22, v11;
	v13 =	vadd.s32 v16, v13  }
0x342: {  	vm2 =	veq.f32 v23, v11;
	v13 =	vadd.s32 v14, v13;
	v14 =	vsel vm1, $0x1, v9  }
0x343: {  	v16 =	vsel vm2, $0x1, v9;
	vm1 =	veq.f32 v25, v11;
	v13 =	vadd.s32 v14, v13  }
0x344: {  	v14 =	vsel vm1, $0x1, v9;
	vm1 =	veq.f32 v12, v11;
	v12 =	vadd.s32 v16, v13  }
0x345: {  	v13 =	vsel vm1, $0x1, v9;
	vm1 =	veq.f32 v26, v11;
	v12 =	vadd.s32 v14, v12  }
0x346: {  	v14 =	vsel vm1, $0x1, v9;
	vm1 =	veq.f32 v27, v11;
	v12 =	vadd.s32 v13, v12  }
0x347: {  	v13 =	vsel vm1, $0x1, v9;
	vm1 =	veq.f32 v24, v11;
	v11 =	vadd.s32 v14, v12  }
0x348: {  	v12 =	vmax.f32 v15, v62;
	v14 =	vsel vm1, $0x1, v9;
	v11 =	vadd.s32 v13, v11  }
0x349: {  	(xrf0) =	vmax.scan.msk.f32 $0xffff, v12;
	v11 =	vadd.s32 v14, v11  }
0x34a: {  	(xrf0) =	vadd.scan.msk.s32 $0xffff, v11;
	_ =	sdelay $0x4  }
0x34b: {  	v11, _, _ =	vpop (xrf0)  }
0x34c: {  	s23 =	simm.s32 $0x8080;
	v11, _, _ =	vpop (xrf0)  }
0x34d: {  	v12 =	vld [tilespmem:s23+$0x70];
	(v2sf) =	vpush v11, $0xF  }
0x34e: {  	s22 =	sadd.s32 s22, s25;
	v13 =	vld [tilespmem:s23+$0xFFFFFF90]  }
0x34f: {  	p0 =	slt.s32 s22, $0xA;
	v14 =	vld [tilespmem:s23+$0xFFFFFFA0]  }
0x350: {  	s21 =	smov.u32 @p0 s24;
	v15 =	vld [tilespmem:s23+$0xFFFFFFB0]  }
0x351: {  	v16 =	vld [tilespmem:s23+$0xFFFFFFC0];
	v11 =	vmov s21  }
0x352: {  	v17 =	vld [tilespmem:s23+$0xFFFFFFD0];
	vm1 =	vge.f32 v12, v11  }
0x353: {  	vm2 =	vge.f32 v13, v11;
	v12 =	vld [tilespmem:s23+$0xFFFFFFE0];
	v13 =	vsel vm1, $0x3F800000, v10  }
0x354: {  	v18 =	vsel vm2, $0x3F800000, v10;
	vm1 =	vge.f32 v14, v11;
	v14 =	vld [tilespmem:s23+$0xFFFFFFF0];
	[tilespmem:s23+$0x70] =	vst v13  }
0x355: {  	[tilespmem:s23+$0xFFFFFF90] =	vst v18;
	v13 =	vsel vm1, $0x3F800000, v10;
	vm1 =	vge.f32 v15, v11;
	v15 =	vld [tilespmem:s23+$0x0]  }
0x356: {  	[tilespmem:s23+$0xFFFFFFA0] =	vst v13;
	v13 =	vsel vm1, $0x3F800000, v10;
	vm1 =	vge.f32 v16, v11;
	v16 =	vld [tilespmem:s23+$0x10]  }
0x357: {  	v18 =	vld [tilespmem:s23+$0x20];
	[tilespmem:s23+$0xFFFFFFB0] =	vst v13;
	v13 =	vsel vm1, $0x3F800000, v10;
	vm1 =	vge.f32 v17, v11  }
0x358: {  	[tilespmem:s23+$0xFFFFFFC0] =	vst v13;
	v13 =	vsel vm1, $0x3F800000, v10;
	vm1 =	vge.f32 v12, v11;
	v12 =	vld [tilespmem:s23+$0x30]  }
0x359: {  	[tilespmem:s23+$0xFFFFFFD0] =	vst v13;
	v17 =	vsel vm1, $0x3F800000, v10;
	vm1 =	vge.f32 v14, v11;
	v13 =	vld [tilespmem:s23+$0x40]  }
0x35a: {  	v14 =	vld [tilespmem:s23+$0x50];
	[tilespmem:s23+$0xFFFFFFE0] =	vst v17;
	v17 =	vsel vm1, $0x3F800000, v10;
	vm1 =	vge.f32 v15, v11  }
0x35b: {  	v15 =	vld [tilespmem:s23+$0x60];
	[tilespmem:s23+$0xFFFFFFF0] =	vst v17;
	v17 =	vsel vm1, $0x3F800000, v10;
	vm1 =	vge.f32 v16, v11  }
0x35c: {  	s22 =	simm.s32 $0x8180;
	s21 =	simm.s32 $0x0;
	v16 =	vld [tilespmem:s23+$0xFFFFFF80];
	[tilespmem:s23+$0x0] =	vst v17;
	v17 =	vsel vm1, $0x3F800000, v10;
	vm1 =	vge.f32 v18, v11;
	s31 =	spop (v2sf)  }
.LBB2_12:
0x35d: {  	v18 =	vld [tilespmem:s22+$0x70];
	s21 =	sadd.s32 $0x10, s21;
	[tilespmem:s23+$0x10] =	vst v17;
	v17 =	vsel vm1, $0x3F800000, v10;
	vm1 =	vge.f32 v12, v11  }
0x35e: {  	v12 =	vld [tilespmem:s22+$0xFFFFFF90];
	p0 =	slt.u32 s21, $0x7F0;
	[tilespmem:s23+$0x20] =	vst v17;
	v17 =	vsel vm1, $0x3F800000, v10;
	vm1 =	vge.f32 v13, v11  }
0x35f: {  	v13 =	vld [tilespmem:s22+$0xFFFFFFA0];
	[tilespmem:s23+$0x30] =	vst v17;
	v17 =	vsel vm1, $0x3F800000, v10;
	vm1 =	vge.f32 v14, v11  }
0x360: {  	v14 =	vld [tilespmem:s22+$0xFFFFFFB0];
	[tilespmem:s23+$0x40] =	vst v17;
	v17 =	vsel vm1, $0x3F800000, v10;
	vm1 =	vge.f32 v15, v11  }
0x361: {  	v15 =	vld [tilespmem:s22+$0xFFFFFFC0];
	vm2 =	vge.f32 v16, v11;
	[tilespmem:s23+$0x50] =	vst v17;
	v16 =	vsel vm1, $0x3F800000, v10  }
0x362: {  	v17 =	vld [tilespmem:s22+$0xFFFFFFD0];
	vm1 =	vge.f32 v18, v11;
	v18 =	vsel vm2, $0x3F800000, v10;
	[tilespmem:s23+$0x60] =	vst v16  }
0x363: {  	vm2 =	vge.f32 v12, v11;
	v12 =	vld [tilespmem:s22+$0xFFFFFFE0];
	v16 =	vsel vm1, $0x3F800000, v10;
	[tilespmem:s23+$0xFFFFFF80] =	vst v18;
	s23 =	smov.u32 s22  }
0x364: {  	v18 =	vsel vm2, $0x3F800000, v10;
	vm1 =	vge.f32 v13, v11;
	v13 =	vld [tilespmem:s22+$0xFFFFFFF0];
	[tilespmem:s22+$0x70] =	vst v16  }
0x365: {  	[tilespmem:s22+$0xFFFFFF90] =	vst v18;
	v16 =	vsel vm1, $0x3F800000, v10;
	vm1 =	vge.f32 v14, v11;
	v14 =	vld [tilespmem:s22+$0x0]  }
0x366: {  	[tilespmem:s22+$0xFFFFFFA0] =	vst v16;
	v16 =	vsel vm1, $0x3F800000, v10;
	vm1 =	vge.f32 v15, v11;
	v15 =	vld [tilespmem:s22+$0x10]  }
0x367: {  	[tilespmem:s22+$0xFFFFFFB0] =	vst v16;
	v16 =	vsel vm1, $0x3F800000, v10;
	vm1 =	vge.f32 v17, v11;
	v18 =	vld [tilespmem:s22+$0x20]  }
.Ltmp5:
0x368: {  	[tilespmem:s22+$0xFFFFFFC0] =	vst v16;
	v16 =	vsel vm1, $0x3F800000, v10;
	vm1 =	vge.f32 v12, v11;
	v12 =	vld [tilespmem:s22+$0x30];
	(pc) =	sbr.rel @p0 .LBB2_12-.Ltmp5, $4  }
0x369: {  	[tilespmem:s22+$0xFFFFFFD0] =	vst v16;
	v16 =	vsel vm1, $0x3F800000, v10;
	vm1 =	vge.f32 v13, v11;
	v13 =	vld [tilespmem:s22+$0x40]  }
0x36a: {  	[tilespmem:s22+$0xFFFFFFE0] =	vst v16;
	v16 =	vsel vm1, $0x3F800000, v10;
	vm1 =	vge.f32 v14, v11;
	v14 =	vld [tilespmem:s22+$0x50]  }
0x36b: {  	[tilespmem:s22+$0xFFFFFFF0] =	vst v16;
	v17 =	vsel vm1, $0x3F800000, v10;
	vm1 =	vge.f32 v15, v11;
	v15 =	vld [tilespmem:s22+$0x60]  }
0x36c: {  	s22 =	sadd.s32 $0x100, s22;
	v16 =	vld [tilespmem:s23+$0xFFFFFF80];
	[tilespmem:s23+$0x0] =	vst v17;
	v17 =	vsel vm1, $0x3F800000, v10;
	vm1 =	vge.f32 v18, v11  }
0x36d: {  	[tilespmem:s23+$0x10] =	vst v17;
	v17 =	vsel vm1, $0x3F800000, v10;
	vm1 =	vge.f32 v12, v11  }
0x36e: {  	[tilespmem:s23+$0x20] =	vst v17;
	v12 =	vsel vm1, $0x3F800000, v10;
	vm1 =	vge.f32 v13, v11  }
0x36f: {  	[tilespmem:s23+$0x30] =	vst v12;
	v12 =	vsel vm1, $0x3F800000, v10;
	vm1 =	vge.f32 v14, v11  }
0x370: {  	[tilespmem:s23+$0x40] =	vst v12;
	v12 =	vsel vm1, $0x3F800000, v10;
	vm1 =	vge.f32 v15, v11  }
0x371: {  	vm2 =	vge.f32 v16, v11;
	[tilespmem:s23+$0x50] =	vst v12;
	v11 =	vsel vm1, $0x3F800000, v10  }
0x372: {  	v12 =	vsel vm2, $0x3F800000, v10;
	[tilespmem:s23+$0x60] =	vst v11  }
0x373: {  	[tilespmem:s23+$0xFFFFFF80] =	vst v12  }
0x374: {  	[hbm4b:s8+s2] =	stream.linear.scatter [tilespmem:s12], [sflag:$0x5], $0x8000, $0x38;
	[tilespmem:$0x18000] =	vst v63  }
0x375: {  	_ =	swait.ge [sflag:s17], $0x8000  }
0x376: {  	[sflag:s17] =	ssyncset.done $0x0  }
0x377: {  	s22 =	simm.s32 $0x17070;
	[sflag:s17] =	ssyncadd.s32 $0xFFFF8000  }
0x378: {  	v11 =	vld [tilespmem:s22+$0xFFFF9000]  }
0x379: {  	v12 =	vld [tilespmem:s22+$0xFFFFA000]  }
0x37a: {  	v13 =	vld [tilespmem:s22+$0xFFFFB000]  }
0x37b: {  	v14 =	vld [tilespmem:s22+$0xFFFFC000]  }
0x37c: {  	v26 =	vld [tilespmem:s22+$0xFFFFD000]  }
0x37d: {  	v17 =	vld [tilespmem:s22+$0xFFFFE000]  }
0x37e: {  	v16 =	vld [tilespmem:s22+$0xFFFFF000]  }
0x37f: {  	v15 =	vld [tilespmem:s22+$0xFFFF8FF0]  }
0x380: {  	v27 =	vld [tilespmem:s22+$0xFFFF9FF0]  }
0x381: {  	v28 =	vld [tilespmem:s22+$0xFFFFAFF0]  }
0x382: {  	v29 =	vld [tilespmem:s22+$0xFFFFBFF0]  }
0x383: {  	v30 =	vld [tilespmem:s22+$0xFFFFCFF0]  }
0x384: {  	v18 =	vld [tilespmem:s22+$0xFFFFDFF0]  }
0x385: {  	v19 =	vld [tilespmem:s22+$0xFFFFEFF0]  }
0x386: {  	v31 =	vld [tilespmem:s22+$0xFFFF8FE0]  }
0x387: {  	v32 =	vld [tilespmem:s22+$0xFFFF9FE0]  }
0x388: {  	v33 =	vld [tilespmem:s22+$0xFFFFAFE0]  }
0x389: {  	v34 =	vld [tilespmem:s22+$0xFFFFBFE0]  }
0x38a: {  	v35 =	vld [tilespmem:s22+$0xFFFFCFE0]  }
0x38b: {  	v20 =	vld [tilespmem:s22+$0xFFFFDFE0]  }
0x38c: {  	v21 =	vld [tilespmem:s22+$0xFFFFEFE0]  }
0x38d: {  	v36 =	vld [tilespmem:s22+$0xFFFF8FD0]  }
0x38e: {  	v37 =	vld [tilespmem:s22+$0xFFFF9FD0]  }
0x38f: {  	v38 =	vld [tilespmem:s22+$0xFFFFAFD0]  }
0x390: {  	v39 =	vld [tilespmem:s22+$0xFFFFBFD0]  }
0x391: {  	v40 =	vld [tilespmem:s22+$0xFFFFCFD0]  }
0x392: {  	v22 =	vld [tilespmem:s22+$0xFFFFDFD0]  }
0x393: {  	v23 =	vld [tilespmem:s22+$0xFFFFEFD0]  }
0x394: {  	v41 =	vld [tilespmem:s22+$0xFFFF8FC0]  }
0x395: {  	v42 =	vld [tilespmem:s22+$0xFFFF9FC0]  }
0x396: {  	v43 =	vld [tilespmem:s22+$0xFFFFAFC0]  }
0x397: {  	v44 =	vld [tilespmem:s22+$0xFFFFBFC0]  }
0x398: {  	v45 =	vld [tilespmem:s22+$0xFFFFCFC0]  }
0x399: {  	v24 =	vld [tilespmem:s22+$0xFFFFDFC0]  }
0x39a: {  	v25 =	vld [tilespmem:s22+$0xFFFFEFC0]  }
0x39b: {  	v46 =	vld [tilespmem:s22+$0xFFFF8FB0]  }
0x39c: {  	v47 =	vld [tilespmem:s22+$0xFFFF9FB0]  }
0x39d: {  	v48 =	vld [tilespmem:s22+$0xFFFFAFB0]  }
0x39e: {  	v49 =	vld [tilespmem:s22+$0xFFFF8FA0]  }
0x39f: {  	v50 =	vld [tilespmem:s22+$0xFFFF8F90]  }
0x3a0: {  	v51 =	vld [tilespmem:s22+$0xFFFF9F90]  }
0x3a1: {  	v52 =	vld [tilespmem:s22+$0xFFFF9FA0]  }
0x3a2: {  	v53 =	vld [tilespmem:s22+$0xFFFFBFB0]  }
0x3a3: {  	v54 =	vld [tilespmem:s22+$0xFFFFCFB0]  }
0x3a4: {  	v55 =	vimm.f32 $-Inf;
	v56 =	vld [tilespmem:s22+$0xFFFFAFA0]  }
0x3a5: {  	v57 =	vld [tilespmem:s22+$0xFFFFBFA0];
	v50 =	vmax.f32 v55, v50  }
0x3a6: {  	v58 =	vld [tilespmem:s22+$0xFFFFAF90];
	v51 =	vmax.f32 v55, v51;
	v49 =	vmax.f32 v50, v49  }
0x3a7: {  	v63 =	vld [tilespmem:s22+$0xFFFFCF90];
	v61 =	vmax.f32 v51, v52;
	v46 =	vmax.f32 v49, v46  }
0x3a8: {  	v62 =	vld [tilespmem:s22+$0xFFFFBF90];
	v47 =	vmax.f32 v61, v47;
	v41 =	vmax.f32 v46, v41  }
0x3a9: {  	v50 =	vld [tilespmem:s22+$0xFFFFCFA0];
	v42 =	vmax.f32 v47, v42;
	v36 =	vmax.f32 v41, v36  }
0x3aa: {  	v59 =	vld [tilespmem:s22+$0xFFFFDF90];
	v37 =	vmax.f32 v42, v37;
	v31 =	vmax.f32 v36, v31  }
0x3ab: {  	v60 =	vld [tilespmem:s22+$0xFFFFEF90];
	v32 =	vmax.f32 v37, v32;
	v15 =	vmax.f32 v31, v15  }
0x3ac: {  	v52 =	vmax.f32 v55, v63;
	v63 =	vld [tilespmem:s22+$0xFFFFFFB0];
	v27 =	vmax.f32 v32, v27;
	v11 =	vmax.f32 v15, v11  }
0x3ad: {  	v61 =	vld [tilespmem:s22+$0xFFFFFF90];
	v12 =	vmax.f32 v27, v12;
	v15 =	vmax.f32 v55, v58;
	v27 =	vmax.f32 v55, v62  }
0x3ae: {  	v41 =	vld [tilespmem:s22+$0xFFFFDFB0];
	v32 =	vmax.f32 v52, v50;
	v15 =	vmax.f32 v15, v56;
	v27 =	vmax.f32 v27, v57  }
0x3af: {  	v31 =	vld [tilespmem:s22+$0xFFFFDFA0];
	v32 =	vmax.f32 v32, v54;
	v15 =	vmax.f32 v15, v48;
	v27 =	vmax.f32 v27, v53  }
0x3b0: {  	v58 =	vld [tilespmem:s22+$0xFFFFEFA0];
	v32 =	vmax.f32 v32, v45;
	v15 =	vmax.f32 v15, v43;
	v27 =	vmax.f32 v27, v44  }
0x3b1: {  	v62 =	vld [tilespmem:s22+$0xFFFFFFA0];
	v32 =	vmax.f32 v32, v40;
	v15 =	vmax.f32 v15, v38;
	v27 =	vmax.f32 v27, v39  }
0x3b2: {  	v37 =	vld [tilespmem:s22+$0xFFFFEFB0];
	v32 =	vmax.f32 v32, v35;
	v15 =	vmax.f32 v15, v33;
	v27 =	vmax.f32 v27, v34  }
0x3b3: {  	v36 =	vld [tilespmem:s22+$0xFFFFFFC0];
	v15 =	vmax.f32 v15, v28;
	v27 =	vmax.f32 v27, v29;
	v28 =	vmax.f32 v32, v30  }
0x3b4: {  	v32 =	vld [tilespmem:s22+$0xFFFFFFD0];
	v29 =	vmax.f32 v55, v61;
	v15 =	vmax.f32 v15, v13;
	v14 =	vmax.f32 v27, v14  }
0x3b5: {  	v13 =	vmax.f32 v28, v26;
	v26 =	vmax.f32 v55, v59;
	v28 =	vmax.f32 v55, v60;
	v27 =	vld [tilespmem:s22+$0xFFFFFFE0]  }
0x3b6: {  	v26 =	vmax.f32 v26, v31;
	v30 =	vmax.f32 v28, v58;
	v31 =	vmax.f32 v29, v62;
	v28 =	vld [tilespmem:s22+$0xFFFFFFF0]  }
0x3b7: {  	s21 =	simm.s32 $0x0;
	v26 =	vmax.f32 v26, v41;
	v29 =	vmax.f32 v30, v37;
	v31 =	vmax.f32 v31, v63;
	v30 =	vld [tilespmem:s22+$0x0];
	s22 =	simm.s32 $0x170F0  }
.LBB2_14:
0x3b8: {  	v35 =	vld [tilespmem:s22+$0xFFFF9000];
	v24 =	vmax.f32 v26, v24;
	v25 =	vmax.f32 v29, v25;
	v26 =	vmax.f32 v31, v36  }
0x3b9: {  	v36 =	vld [tilespmem:s22+$0xFFFFA000];
	v22 =	vmax.f32 v24, v22;
	v23 =	vmax.f32 v25, v23;
	v24 =	vmax.f32 v26, v32  }
0x3ba: {  	v26 =	vld [tilespmem:s22+$0xFFFFB000];
	v20 =	vmax.f32 v22, v20;
	v21 =	vmax.f32 v23, v21;
	v22 =	vmax.f32 v24, v27  }
0x3bb: {  	v27 =	vld [tilespmem:s22+$0xFFFFC000];
	v18 =	vmax.f32 v20, v18;
	v19 =	vmax.f32 v21, v19;
	v20 =	vmax.f32 v22, v28  }
0x3bc: {  	v31 =	vld [tilespmem:s22+$0xFFFFD000];
	v28 =	vmax.f32 v18, v17;
	v29 =	vmax.f32 v19, v16;
	v30 =	vmax.f32 v20, v30  }
0x3bd: {  	v17 =	vld [tilespmem:s22+$0xFFFFE000]  }
0x3be: {  	v16 =	vld [tilespmem:s22+$0xFFFFF000]  }
0x3bf: {  	v37 =	vld [tilespmem:s22+$0xFFFF8FF0]  }
0x3c0: {  	v38 =	vld [tilespmem:s22+$0xFFFF9FF0]  }
0x3c1: {  	v32 =	vld [tilespmem:s22+$0xFFFFAFF0]  }
0x3c2: {  	v33 =	vld [tilespmem:s22+$0xFFFFBFF0]  }
0x3c3: {  	v34 =	vld [tilespmem:s22+$0xFFFFCFF0]  }
0x3c4: {  	v18 =	vld [tilespmem:s22+$0xFFFFDFF0]  }
0x3c5: {  	v19 =	vld [tilespmem:s22+$0xFFFFEFF0]  }
0x3c6: {  	v39 =	vld [tilespmem:s22+$0xFFFF8FE0]  }
0x3c7: {  	v40 =	vld [tilespmem:s22+$0xFFFF9FE0]  }
0x3c8: {  	v41 =	vld [tilespmem:s22+$0xFFFFAFE0]  }
0x3c9: {  	v42 =	vld [tilespmem:s22+$0xFFFFBFE0]  }
0x3ca: {  	v43 =	vld [tilespmem:s22+$0xFFFFCFE0]  }
0x3cb: {  	v20 =	vld [tilespmem:s22+$0xFFFFDFE0]  }
0x3cc: {  	v21 =	vld [tilespmem:s22+$0xFFFFEFE0]  }
0x3cd: {  	v44 =	vld [tilespmem:s22+$0xFFFF8FD0]  }
0x3ce: {  	v45 =	vld [tilespmem:s22+$0xFFFF9FD0]  }
0x3cf: {  	v46 =	vld [tilespmem:s22+$0xFFFFAFD0]  }
0x3d0: {  	v47 =	vld [tilespmem:s22+$0xFFFFBFD0]  }
0x3d1: {  	v48 =	vld [tilespmem:s22+$0xFFFFCFD0]  }
0x3d2: {  	v22 =	vld [tilespmem:s22+$0xFFFFDFD0]  }
0x3d3: {  	v23 =	vld [tilespmem:s22+$0xFFFFEFD0]  }
0x3d4: {  	v49 =	vld [tilespmem:s22+$0xFFFF8FC0]  }
0x3d5: {  	v50 =	vld [tilespmem:s22+$0xFFFF9FC0]  }
0x3d6: {  	v51 =	vld [tilespmem:s22+$0xFFFFAFC0]  }
0x3d7: {  	v52 =	vld [tilespmem:s22+$0xFFFFBFC0]  }
0x3d8: {  	v53 =	vld [tilespmem:s22+$0xFFFFCFC0]  }
0x3d9: {  	v24 =	vld [tilespmem:s22+$0xFFFFDFC0]  }
0x3da: {  	v25 =	vld [tilespmem:s22+$0xFFFFEFC0]  }
0x3db: {  	v54 =	vld [tilespmem:s22+$0xFFFF8FB0]  }
0x3dc: {  	v55 =	vld [tilespmem:s22+$0xFFFF9FB0]  }
0x3dd: {  	v56 =	vld [tilespmem:s22+$0xFFFFAFB0]  }
0x3de: {  	v57 =	vld [tilespmem:s22+$0xFFFF8FA0]  }
0x3df: {  	v58 =	vld [tilespmem:s22+$0xFFFF8F90]  }
0x3e0: {  	v59 =	vld [tilespmem:s22+$0xFFFF9F90]  }
0x3e1: {  	v60 =	vld [tilespmem:s22+$0xFFFF9FA0]  }
0x3e2: {  	v61 =	vld [tilespmem:s22+$0xFFFFBFB0]  }
0x3e3: {  	v62 =	vld [tilespmem:s22+$0xFFFFCFB0]  }
0x3e4: {  	v63 =	vld [tilespmem:s22+$0xFFFFAFA0]  }
0x3e5: {  	v11 =	vmax.f32 v11, v58;
	v12 =	vmax.f32 v12, v59;
	v58 =	vld [tilespmem:s22+$0xFFFFBFA0]  }
0x3e6: {  	v11 =	vmax.f32 v11, v57;
	v59 =	vld [tilespmem:s22+$0xFFFFAF90];
	v12 =	vmax.f32 v12, v60  }
0x3e7: {  	v11 =	vmax.f32 v11, v54;
	v57 =	vld [tilespmem:s22+$0xFFFFBF90];
	v12 =	vmax.f32 v12, v55  }
0x3e8: {  	v11 =	vmax.f32 v11, v49;
	v54 =	vld [tilespmem:s22+$0xFFFFCF90];
	v12 =	vmax.f32 v12, v50  }
0x3e9: {  	v11 =	vmax.f32 v11, v44;
	v49 =	vld [tilespmem:s22+$0xFFFFCFA0];
	v12 =	vmax.f32 v12, v45  }
0x3ea: {  	v11 =	vmax.f32 v11, v39;
	v44 =	vld [tilespmem:s22+$0xFFFFDFB0];
	v12 =	vmax.f32 v12, v40  }
0x3eb: {  	v11 =	vmax.f32 v11, v37;
	v39 =	vld [tilespmem:s22+$0xFFFFEFB0];
	v12 =	vmax.f32 v12, v38  }
0x3ec: {  	v11 =	vmax.f32 v11, v35;
	v37 =	vld [tilespmem:s22+$0xFFFFDFA0];
	v12 =	vmax.f32 v12, v36  }
0x3ed: {  	v15 =	vmax.f32 v15, v59;
	v14 =	vmax.f32 v14, v57;
	v13 =	vmax.f32 v13, v54;
	v35 =	vld [tilespmem:s22+$0xFFFFEFA0]  }
0x3ee: {  	v15 =	vmax.f32 v15, v63;
	v14 =	vmax.f32 v14, v58;
	v38 =	vld [tilespmem:s22+$0xFFFFDF90];
	v13 =	vmax.f32 v13, v49  }
0x3ef: {  	v15 =	vmax.f32 v15, v56;
	v14 =	vmax.f32 v14, v61;
	v40 =	vld [tilespmem:s22+$0xFFFFEF90];
	v13 =	vmax.f32 v13, v62  }
0x3f0: {  	s21 =	sadd.s32 $0x8, s21;
	v15 =	vmax.f32 v15, v51;
	v14 =	vmax.f32 v14, v52;
	v45 =	vld [tilespmem:s22+$0xFFFFFF90];
	v13 =	vmax.f32 v13, v53  }
0x3f1: {  	p0 =	slt.u32 s21, $0xF8;
	v15 =	vmax.f32 v15, v46;
	v14 =	vmax.f32 v14, v47;
	v49 =	vld [tilespmem:s22+$0xFFFFFFA0];
	v13 =	vmax.f32 v13, v48  }
0x3f2: {  	v15 =	vmax.f32 v15, v41;
	v14 =	vmax.f32 v14, v42;
	v46 =	vld [tilespmem:s22+$0xFFFFFFB0];
	v13 =	vmax.f32 v13, v43  }
.Ltmp6:
0x3f3: {  	v15 =	vmax.f32 v15, v32;
	v14 =	vmax.f32 v14, v33;
	v36 =	vld [tilespmem:s22+$0xFFFFFFC0];
	v13 =	vmax.f32 v13, v34;
	(pc) =	sbr.rel @p0 .LBB2_14-.Ltmp6, $4  }
0x3f4: {  	v15 =	vmax.f32 v15, v26;
	v14 =	vmax.f32 v14, v27;
	v32 =	vld [tilespmem:s22+$0xFFFFFFD0];
	v13 =	vmax.f32 v13, v31  }
0x3f5: {  	v26 =	vmax.f32 v28, v38;
	v28 =	vmax.f32 v29, v40;
	v29 =	vmax.f32 v30, v45;
	v27 =	vld [tilespmem:s22+$0xFFFFFFE0]  }
0x3f6: {  	v26 =	vmax.f32 v26, v37;
	v30 =	vmax.f32 v28, v35;
	v31 =	vmax.f32 v29, v49;
	v28 =	vld [tilespmem:s22+$0xFFFFFFF0]  }
0x3f7: {  	v26 =	vmax.f32 v26, v44;
	v29 =	vmax.f32 v30, v39;
	v31 =	vmax.f32 v31, v46;
	v30 =	vld [tilespmem:s22+$0x0];
	s22 =	sadd.s32 $0x80, s22  }
0x3f8: {  	v24 =	vmax.f32 v26, v24  }
0x3f9: {  	v25 =	vmax.f32 v29, v25;
	v26 =	vmax.f32 v31, v36;
	v22 =	vmax.f32 v24, v22  }
0x3fa: {  	v23 =	vmax.f32 v25, v23;
	v24 =	vmax.f32 v26, v32;
	v25 =	vmax.f32 v11, v12  }
0x3fb: {  	v20 =	vmax.f32 v22, v20;
	v21 =	vmax.f32 v23, v21;
	v22 =	vmax.f32 v25, v15  }
0x3fc: {  	v23 =	vmax.f32 v24, v27;
	v18 =	vmax.f32 v20, v18;
	v20 =	vmax.f32 v22, v14  }
0x3fd: {  	v19 =	vmax.f32 v21, v19;
	v17 =	vmax.f32 v18, v17;
	v20 =	vmax.f32 v20, v13  }
0x3fe: {  	v21 =	vmax.f32 v23, v28;
	v18 =	vmax.f32 v19, v16;
	v19 =	vmax.f32 v20, v17  }
0x3ff: {  	v16 =	vmax.f32 v21, v30;
	v19 =	vmax.f32 v19, v18  }
0x400: {  	v19 =	vmax.f32 v19, v16  }
0x401: {  	(xrf0) =	vmax.scan.msk.f32 $0xffff, v19;
	_ =	sdelay $0x5  }
0x402: {  	v20, _, _ =	vpop (xrf0)  }
0x403: {  	v19 =	vbroadcast v20, $0xF;
	_ =	sdelay $0x1  }
0x404: {  	vm1 =	veq.f32 v12, v19  }
0x405: {  	v21 =	vnsel vm1, $0xFFFFFFFF, v1  }
0x406: {  	vm1 =	vgt.s32 v21, v0  }
0x407: {  	vm2 =	veq.f32 v11, v19;
	v22 =	vsel vm1, v21, v0;
	vm1 =	veq.f32 v15, v19  }
0x408: {  	v21 =	vsel vm2, v22, v21;
	v22 =	vnsel vm1, $0xFFFFFFFF, v2  }
0x409: {  	vm2 =	veq.f32 v14, v19;
	vm1 =	vgt.s32 v21, v22  }
0x40a: {  	v21 =	vsel vm1, v21, v22;
	v22 =	vnsel vm2, $0xFFFFFFFF, v3  }
0x40b: {  	vm2 =	veq.f32 v13, v19;
	vm1 =	vgt.s32 v21, v22  }
0x40c: {  	v21 =	vsel vm1, v21, v22;
	v22 =	vnsel vm2, $0xFFFFFFFF, v4  }
0x40d: {  	vm2 =	veq.f32 v17, v19;
	vm1 =	vgt.s32 v21, v22  }
0x40e: {  	v21 =	vsel vm1, v21, v22;
	v22 =	vnsel vm2, $0xFFFFFFFF, v5  }
0x40f: {  	vm2 =	veq.f32 v18, v19;
	vm1 =	vgt.s32 v21, v22  }
0x410: {  	v21 =	vsel vm1, v21, v22;
	v22 =	vnsel vm2, $0xFFFFFFFF, v6  }
0x411: {  	vm2 =	veq.f32 v16, v19;
	vm1 =	vgt.s32 v21, v22  }
0x412: {  	v21 =	vsel vm1, v21, v22;
	v22 =	vnsel vm2, $0xFFFFFFFF, v7  }
0x413: {  	vm1 =	vgt.s32 v21, v22  }
0x414: {  	v21 =	vsel vm1, v21, v22  }
0x415: {  	v21 =	vxor.u32 $0x80000000, v21  }
0x416: {  	(xrf0) =	vmax.scan.msk.u32 $0xffff, v21;
	_ =	sdelay $0x5  }
0x417: {  	(v2sf) =	vpush v20, $0xF;
	v20, _, _ =	vpop (xrf0)  }
0x418: {  	(v2sf) =	vpush v20, $0xF;
	_ =	sdelay $0xd  }
0x419: {  	s23 =	spop (v2sf)  }
0x41a: {  	s21 =	spop (v2sf)  }
0x41b: {  	s24 =	sshra.s32 s21, $0x4  }
0x41c: {  	s22 =	sshll.u32 s24, $0x8  }
0x41d: {  	v20 =	vmov s22  }
0x41e: {  	v20 =	vshll.u32 v20, $0x4  }
0x41f: {  	s25 =	sand.u32 $0xF, s21;
	v20 =	vor.u32 v8, v20  }
0x420: {  	v20 =	vor.u32 s25, v20  }
0x421: {  	v21 =	vor.u32 $0x300, v20  }
0x422: {  	v22 =	vor.u32 $0x200, v20  }
0x423: {  	vm7 =	vmmov vm0;
	vm3 =	vmmov vm0  }
0x424: {  	vm4 =	vmmov vm0;
	vm5 =	vmmov vm0;
	v23 =	vor.u32 $0x100, v20  }
0x425: {  	vm6 =	vmmov vm0;
	vm2 =	vmmov vm0;
	p0 =	seq.s32 s24, $0xF8000001;
	v24 =	vor.u32 $0x400, v20  }
0x426: {  	vm1 =	vmmov vm0;
	p1 =	seq.s32 s24, $0xF8000002;
	vm7 =	vmneg @p0 vm7;
	p0 =	seq.s32 s24, $0xF8000003;
	v27 =	vld.idx.msk [tilespmem:v21+s13+$0x0], $0xffff;
	v21 =	vor.u32 $0x500, v20  }
0x427: {  	vm1 =	vmneg @p1 vm1;
	p1 =	seq.s32 s24, $0xF8000004;
	vm2 =	vmneg @p0 vm2;
	p0 =	seq.s32 s24, $0xF8000005;
	v28 =	vld.idx.msk [tilespmem:v22+s13+$0x0], $0xffff;
	v22 =	vor.u32 $0x600, v20  }
0x428: {  	vm3 =	vmneg @p1 vm3;
	p1 =	seq.s32 s24, $0xF8000006;
	vm4 =	vmneg @p0 vm4;
	p0 =	seq.s32 s24, $0xF8000007;
	v25 =	vor.u32 $0x700, v20;
	v29 =	vld.idx.msk [tilespmem:v20+s13+$0x0], $0xffff  }
0x429: {  	vm5 =	vmneg @p1 vm5;
	vm6 =	vmneg @p0 vm6;
	v30 =	vld.idx.msk [tilespmem:v23+s13+$0x0], $0xffff;
	v23 =	vor.u32 $0x800, v20  }
0x42a: {  	v26 =	vor.u32 $0xA00, v20;
	v52 =	vor.u32 $0xF00, v20;
	v31 =	vld.idx.msk [tilespmem:v24+s13+$0x0], $0xffff;
	v24 =	vor.u32 $0x900, v20  }
0x42b: {  	v34 =	vor.u32 $0xB00, v20;
	v35 =	vor.u32 $0xD00, v20;
	v53 =	vor.u32 $0xE00, v20;
	v33 =	vld.idx.msk [tilespmem:v21+s13+$0x0], $0xffff  }
0x42c: {  	v38 =	vor.u32 $0xC00, v20;
	v37 =	vld.idx.msk [tilespmem:v22+s13+$0x0], $0xffff;
	vm8 =	vlt.f32 v28, v19;
	vm9 =	vlt.f32 v27, v19  }
0x42d: {  	v39 =	vld.idx.msk [tilespmem:v25+s13+$0x0], $0xffff;
	vm10 =	vlt.f32 v29, v19;
	v21 =	vnsel vm8, $0xFF800000, v28;
	v22 =	vnsel vm9, $0xFF800000, v27  }
0x42e: {  	v40 =	vld.idx.msk [tilespmem:v23+s13+$0x0], $0xffff;
	vm8 =	vlt.f32 v30, v19;
	v23 =	vmax.f32 v29, v21;
	v25 =	vmax.f32 v30, v22  }
0x42f: {  	v20 =	vld.idx.msk [tilespmem:v24+s13+$0x0], $0xffff;
	v23 =	vsel vm10, v23, v21;
	v24 =	vsel vm8, v25, v22;
	vm8 =	vlt.f32 v31, v19  }
0x430: {  	v21 =	vld.idx.msk [tilespmem:v26+s13+$0x0], $0xffff;
	v25 =	vmax.f32 v23, v31;
	vm9 =	vlt.f32 v33, v19;
	v26 =	vmax.f32 v24, v33  }
0x431: {  	v22 =	vld.idx.msk [tilespmem:v34+s13+$0x0], $0xffff;
	v25 =	vsel vm8, v25, v23;
	vm8 =	vlt.f32 v37, v19;
	v26 =	vsel vm9, v26, v24  }
0x432: {  	v23 =	vld.idx.msk [tilespmem:v38+s13+$0x0], $0xffff;
	v54 =	vmax.f32 v25, v37;
	vm9 =	vlt.f32 v39, v19;
	v55 =	vmax.f32 v26, v39  }
0x433: {  	v24 =	vld.idx.msk [tilespmem:v35+s13+$0x0], $0xffff;
	v34 =	vsel vm8, v54, v25;
	vm8 =	vlt.f32 v40, v19;
	v56 =	vsel vm9, v55, v26  }
0x434: {  	v25 =	vld.idx.msk [tilespmem:v53+s13+$0x0], $0xffff;
	v57 =	vmax.f32 v34, v40;
	vm9 =	vlt.f32 v20, v19;
	v38 =	vmax.f32 v56, v20  }
0x435: {  	v26 =	vld.idx.msk [tilespmem:v52+s13+$0x0], $0xffff;
	v58 =	vsel vm8, v57, v34;
	vm8 =	vlt.f32 v21, v19;
	v59 =	vsel vm9, v38, v56  }
0x436: {  	v60 =	vmax.f32 v58, v21;
	vm9 =	vlt.f32 v22, v19;
	v61 =	vmax.f32 v59, v22  }
0x437: {  	v32 =	vsel vm8, v60, v58;
	vm8 =	vlt.f32 v23, v19;
	v34 =	vsel vm9, v61, v59  }
0x438: {  	v35 =	vmax.f32 v32, v23;
	vm9 =	vlt.f32 v24, v19;
	v36 =	vmax.f32 v34, v24  }
0x439: {  	v32 =	vsel vm8, v35, v32;
	vm8 =	vlt.f32 v25, v19;
	v34 =	vsel vm9, v36, v34  }
0x43a: {  	v35 =	vmax.f32 v32, v25;
	vm9 =	vlt.f32 v26, v19;
	v36 =	vmax.f32 v34, v26  }
0x43b: {  	vm10 =	veq.f32 v30, v19;
	v30 =	vsel vm8, v35, v32;
	v62 =	vsel vm9, v36, v34  }
0x43c: {  	vm8 =	veq.f32 v29, v19;
	v29 =	vsel vm10, $0x1, v9;
	v30 =	vmax.f32 v30, v62  }
0x43d: {  	v63 =	vsel vm8, $0x1, v9;
	vm8 =	veq.f32 v28, v19;
	vm9 =	veq.f32 v27, v19;
	(xrf0) =	vmax.scan.msk.f32 $0xffff, v30  }
0x43e: {  	v27 =	vsel vm8, $0x1, v9;
	v28 =	vsel vm9, $0x1, v9;
	v29 =	vadd.s32 v63, v29  }
0x43f: {  	vm8 =	veq.f32 v31, v19;
	vm9 =	veq.f32 v33, v19;
	v27 =	vadd.s32 v27, v29  }
0x440: {  	v29 =	vsel vm8, $0x1, v9;
	v30 =	vsel vm9, $0x1, v9;
	v27 =	vadd.s32 v28, v27  }
0x441: {  	vm8 =	veq.f32 v37, v19;
	vm9 =	veq.f32 v39, v19;
	v28 =	vadd.s32 v29, v27  }
0x442: {  	s21 =	simm.f32 $-Inf;
	s22 =	simm.s32 $0x0;
	p0 =	por $0x1, $0x1;
	v31 =	vsel vm8, $0x1, v9;
	v27 =	vsel vm9, $0x1, v9;
	v28 =	vadd.s32 v30, v28  }
0x443: {  	p1 =	seq.s32 s24, $0xF8000000;
	s21 =	smov.u32 @p0 s23;
	s23 =	simm.s32 $0x8;
	v29 =	vmov s25;
	vm9 =	veq.f32 v40, v19;
	v28 =	vadd.s32 v31, v28;
	v30, _, _ =	vpop (xrf0)  }
.LBB2_16:
0x444: {  	vm10 =	vmmov vm0  }
0x445: {  	p0 =	sne.s32 s23, $0x1;
	vm8 =	veq.s32 v29, v0;
	v29 =	vbroadcast v30, $0xF;
	vm10 =	vmneg @p1 vm10  }
0x446: {  	v27 =	vadd.s32 v27, v28;
	vm7 =	vmand vm7, vm8;
	vm10 =	vmand vm10, vm8  }
0x447: {  	v28 =	vsel vm9, $0x1, v9;
	v12 =	vsel vm7, v29, v12;
	v11 =	vsel vm10, v29, v11  }
0x448: {  	vm9 =	veq.f32 v21, v19;
	vm7 =	veq.f32 v20, v19;
	v20 =	vadd.s32 v28, v27  }
0x449: {  	v27 =	vsel vm9, $0x1, v9;
	v21 =	vsel vm7, $0x1, v9;
	vm7 =	veq.f32 v22, v19  }
0x44a: {  	v22 =	vsel vm7, $0x1, v9;
	vm7 =	veq.f32 v23, v19;
	v20 =	vadd.s32 v21, v20  }
0x44b: {  	v21 =	vsel vm7, $0x1, v9;
	vm7 =	veq.f32 v24, v19;
	v20 =	vadd.s32 v27, v20  }
0x44c: {  	v23 =	vsel vm7, $0x1, v9;
	vm7 =	veq.f32 v25, v19;
	v20 =	vadd.s32 v22, v20  }
0x44d: {  	v22 =	vsel vm7, $0x1, v9;
	vm7 =	veq.f32 v26, v19;
	v19 =	vadd.s32 v21, v20  }
0x44e: {  	vm1 =	vmand vm1, vm8;
	v20 =	vsel vm7, $0x1, v9;
	v19 =	vadd.s32 v23, v19  }
0x44f: {  	vm2 =	vmand vm2, vm8;
	vm3 =	vmand vm3, vm8;
	v19 =	vadd.s32 v22, v19  }
0x450: {  	vm4 =	vmand vm4, vm8;
	vm5 =	vmand vm5, vm8;
	v19 =	vadd.s32 v20, v19  }
0x451: {  	v15 =	vsel vm1, v29, v15;
	vm1 =	vmand vm6, vm8;
	v20 =	vmax.f32 v11, v12;
	(xrf0) =	vadd.scan.msk.s32 $0xffff, v19  }
0x452: {  	v14 =	vsel vm2, v29, v14;
	v13 =	vsel vm3, v29, v13;
	v19 =	vmax.f32 v20, v15  }
0x453: {  	v17 =	vsel vm4, v29, v17;
	v18 =	vsel vm5, v29, v18;
	v19 =	vmax.f32 v19, v14  }
0x454: {  	v16 =	vsel vm1, v29, v16;
	v19 =	vmax.f32 v19, v13  }
0x455: {  	v19 =	vmax.f32 v19, v17  }
0x456: {  	v19 =	vmax.f32 v19, v18  }
0x457: {  	v19 =	vmax.f32 v19, v16;
	v20, _, _ =	vpop (xrf0)  }
0x458: {  	(xrf0) =	vmax.scan.msk.f32 $0xffff, v19;
	(v2sf) =	vpush v20, $0xF;
	_ =	sdelay $0x5  }
0x459: {  	v20, _, _ =	vpop (xrf0)  }
0x45a: {  	v19 =	vbroadcast v20, $0xF;
	(v2sf) =	vpush v20, $0xF;
	_ =	sdelay $0x1  }
0x45b: {  	vm1 =	veq.f32 v12, v19  }
0x45c: {  	v20 =	vnsel vm1, $0xFFFFFFFF, v1  }
0x45d: {  	vm1 =	vgt.s32 v20, v0  }
0x45e: {  	vm2 =	veq.f32 v11, v19;
	v21 =	vsel vm1, v20, v0;
	vm1 =	veq.f32 v15, v19  }
0x45f: {  	v20 =	vsel vm2, v21, v20;
	v21 =	vnsel vm1, $0xFFFFFFFF, v2  }
0x460: {  	vm2 =	veq.f32 v14, v19;
	vm1 =	vgt.s32 v20, v21  }
0x461: {  	v20 =	vsel vm1, v20, v21;
	v21 =	vnsel vm2, $0xFFFFFFFF, v3;
	s24 =	spop (v2sf)  }
0x462: {  	vm2 =	veq.f32 v13, v19;
	vm1 =	vgt.s32 v20, v21;
	s22 =	sadd.s32 s22, s24  }
0x463: {  	v20 =	vsel vm1, v20, v21;
	v21 =	vnsel vm2, $0xFFFFFFFF, v4  }
0x464: {  	vm2 =	veq.f32 v17, v19;
	vm1 =	vgt.s32 v20, v21  }
0x465: {  	v20 =	vsel vm1, v20, v21;
	v21 =	vnsel vm2, $0xFFFFFFFF, v5  }
0x466: {  	vm2 =	veq.f32 v18, v19;
	vm1 =	vgt.s32 v20, v21  }
0x467: {  	v20 =	vsel vm1, v20, v21;
	v21 =	vnsel vm2, $0xFFFFFFFF, v6  }
0x468: {  	p1 =	slt.s32 s22, $0xA;
	vm2 =	veq.f32 v16, v19;
	vm1 =	vgt.s32 v20, v21;
	s24 =	spop (v2sf)  }
0x469: {  	v20 =	vsel vm1, v20, v21;
	v21 =	vnsel vm2, $0xFFFFFFFF, v7;
	s21 =	smov.u32 @p1 s24  }
0x46a: {  	vm1 =	vgt.s32 v20, v21  }
0x46b: {  	v20 =	vsel vm1, v20, v21  }
0x46c: {  	v20 =	vxor.u32 $0x80000000, v20  }
0x46d: {  	(xrf0) =	vmax.scan.msk.u32 $0xffff, v20;
	_ =	sdelay $0x5  }
0x46e: {  	v20, _, _ =	vpop (xrf0)  }
0x46f: {  	(v2sf) =	vpush v20, $0xF;
	_ =	sdelay $0xe  }
0x470: {  	vm3 =	vmmov vm0;
	s25 =	spop (v2sf)  }
0x471: {  	vm4 =	vmmov vm0;
	vm5 =	vmmov vm0;
	vm6 =	vmmov vm0;
	s24 =	sshra.s32 s25, $0x4  }
0x472: {  	vm7 =	vmmov vm0;
	vm2 =	vmmov vm0;
	vm1 =	vmmov vm0;
	s26 =	sshll.u32 s24, $0x8;
	p1 =	seq.s32 s24, $0xF8000001;
	p2 =	seq.s32 s24, $0xF8000002  }
0x473: {  	v20 =	vmov s26;
	vm7 =	vmneg @p1 vm7;
	vm1 =	vmneg @p2 vm1;
	p1 =	seq.s32 s24, $0xF8000003;
	p2 =	seq.s32 s24, $0xF8000004  }
0x474: {  	v20 =	vshll.u32 v20, $0x4;
	vm2 =	vmneg @p1 vm2;
	vm3 =	vmneg @p2 vm3;
	p1 =	seq.s32 s24, $0xF8000005;
	p2 =	seq.s32 s24, $0xF8000006  }
0x475: {  	s25 =	sand.u32 $0xF, s25;
	v20 =	vor.u32 v8, v20;
	vm4 =	vmneg @p1 vm4;
	vm5 =	vmneg @p2 vm5;
	p1 =	seq.s32 s24, $0xF8000007  }
0x476: {  	v20 =	vor.u32 s25, v20;
	vm6 =	vmneg @p1 vm6  }
0x477: {  	v21 =	vor.u32 $0x300, v20  }
0x478: {  	v22 =	vor.u32 $0x200, v20;
	_ =	sdelay $0x1  }
0x479: {  	v23 =	vor.u32 $0x100, v20  }
0x47a: {  	v24 =	vor.u32 $0x400, v20  }
0x47b: {  	v27 =	vld.idx.msk [tilespmem:v21+s13+$0x0], $0xffff;
	v21 =	vor.u32 $0x500, v20  }
0x47c: {  	v28 =	vld.idx.msk [tilespmem:v22+s13+$0x0], $0xffff;
	v22 =	vor.u32 $0x600, v20  }
0x47d: {  	v25 =	vor.u32 $0x700, v20;
	v29 =	vld.idx.msk [tilespmem:v20+s13+$0x0], $0xffff  }
0x47e: {  	v30 =	vld.idx.msk [tilespmem:v23+s13+$0x0], $0xffff;
	v23 =	vor.u32 $0x800, v20  }
0x47f: {  	v31 =	vld.idx.msk [tilespmem:v24+s13+$0x0], $0xffff;
	v24 =	vor.u32 $0x900, v20  }
0x480: {  	v26 =	vor.u32 $0xF00, v20;
	v32 =	vld.idx.msk [tilespmem:v21+s13+$0x0], $0xffff;
	v21 =	vor.u32 $0xA00, v20  }
0x481: {  	v34 =	vor.u32 $0xD00, v20;
	v35 =	vor.u32 $0xE00, v20;
	v33 =	vld.idx.msk [tilespmem:v22+s13+$0x0], $0xffff;
	v22 =	vor.u32 $0xB00, v20  }
0x482: {  	vm9 =	vlt.f32 v27, v19;
	vm8 =	vlt.f32 v28, v19;
	v36 =	vld.idx.msk [tilespmem:v25+s13+$0x0], $0xffff;
	v25 =	vor.u32 $0xC00, v20  }
0x483: {  	v38 =	vnsel vm9, $0xFF800000, v27;
	vm10 =	vlt.f32 v29, v19;
	v37 =	vnsel vm8, $0xFF800000, v28;
	v39 =	vld.idx.msk [tilespmem:v23+s13+$0x0], $0xffff  }
0x484: {  	vm8 =	vlt.f32 v30, v19;
	v23 =	vmax.f32 v29, v37;
	v40 =	vmax.f32 v30, v38;
	v20 =	vld.idx.msk [tilespmem:v24+s13+$0x0], $0xffff  }
0x485: {  	v23 =	vsel vm10, v23, v37;
	v24 =	vsel vm8, v40, v38;
	vm8 =	vlt.f32 v31, v19;
	v21 =	vld.idx.msk [tilespmem:v21+s13+$0x0], $0xffff  }
0x486: {  	v37 =	vmax.f32 v23, v31;
	vm9 =	vlt.f32 v32, v19;
	v38 =	vmax.f32 v24, v32;
	v22 =	vld.idx.msk [tilespmem:v22+s13+$0x0], $0xffff  }
0x487: {  	v37 =	vsel vm8, v37, v23;
	v38 =	vsel vm9, v38, v24;
	vm8 =	vlt.f32 v33, v19;
	v23 =	vld.idx.msk [tilespmem:v25+s13+$0x0], $0xffff  }
0x488: {  	v25 =	vmax.f32 v37, v33;
	vm9 =	vlt.f32 v36, v19;
	v40 =	vmax.f32 v38, v36;
	v24 =	vld.idx.msk [tilespmem:v34+s13+$0x0], $0xffff  }
0x489: {  	v34 =	vsel vm8, v25, v37;
	v37 =	vsel vm9, v40, v38;
	vm8 =	vlt.f32 v39, v19;
	v25 =	vld.idx.msk [tilespmem:v35+s13+$0x0], $0xffff  }
0x48a: {  	v35 =	vmax.f32 v34, v39;
	vm9 =	vlt.f32 v20, v19;
	v38 =	vmax.f32 v37, v20;
	v26 =	vld.idx.msk [tilespmem:v26+s13+$0x0], $0xffff  }
0x48b: {  	v34 =	vsel vm8, v35, v34;
	v35 =	vsel vm9, v38, v37;
	vm8 =	vlt.f32 v21, v19  }
0x48c: {  	v37 =	vmax.f32 v34, v21;
	vm9 =	vlt.f32 v22, v19;
	v38 =	vmax.f32 v35, v22  }
0x48d: {  	v34 =	vsel vm8, v37, v34;
	v35 =	vsel vm9, v38, v35;
	vm8 =	vlt.f32 v23, v19  }
0x48e: {  	v37 =	vmax.f32 v34, v23;
	vm9 =	vlt.f32 v24, v19;
	v38 =	vmax.f32 v35, v24  }
0x48f: {  	v34 =	vsel vm8, v37, v34;
	v35 =	vsel vm9, v38, v35;
	vm8 =	vlt.f32 v25, v19  }
0x490: {  	v37 =	vmax.f32 v34, v25;
	vm9 =	vlt.f32 v26, v19;
	v38 =	vmax.f32 v35, v26  }
0x491: {  	vm10 =	veq.f32 v30, v19;
	v30 =	vsel vm8, v37, v34;
	v34 =	vsel vm9, v38, v35  }
0x492: {  	vm8 =	veq.f32 v29, v19;
	v29 =	vsel vm10, $0x1, v9;
	v30 =	vmax.f32 v30, v34  }
0x493: {  	vm9 =	veq.f32 v27, v19;
	v34 =	vsel vm8, $0x1, v9;
	vm8 =	veq.f32 v28, v19;
	(xrf0) =	vmax.scan.msk.f32 $0xffff, v30  }
0x494: {  	v28 =	vsel vm9, $0x1, v9;
	v27 =	vsel vm8, $0x1, v9;
	v29 =	vadd.s32 v34, v29  }
.Ltmp7:
0x495: {  	vm9 =	veq.f32 v32, v19;
	vm8 =	veq.f32 v31, v19;
	v27 =	vadd.s32 v27, v29;
	(pc) =	sbr.rel @p0 .LBB2_16-.Ltmp7, $4  }
0x496: {  	v29 =	vsel vm8, $0x1, v9;
	v30 =	vsel vm9, $0x1, v9;
	v27 =	vadd.s32 v28, v27  }
0x497: {  	vm8 =	veq.f32 v33, v19;
	vm9 =	veq.f32 v36, v19;
	v28 =	vadd.s32 v29, v27  }
0x498: {  	v31 =	vsel vm8, $0x1, v9;
	v27 =	vsel vm9, $0x1, v9;
	v28 =	vadd.s32 v30, v28  }
0x499: {  	s23 =	sadd.s32 $0xFFFFFFFF, s23;
	p1 =	seq.s32 s24, $0xF8000000;
	v29 =	vmov s25;
	vm9 =	veq.f32 v39, v19;
	v28 =	vadd.s32 v31, v28;
	v30, _, _ =	vpop (xrf0)  }
0x49a: {  	vm8 =	veq.s32 v29, v0;
	vm10 =	vmmov vm0  }
0x49b: {  	v42 =	vbroadcast v30, $0xF;
	v27 =	vadd.s32 v27, v28;
	v43 =	vsel vm9, $0x1, v9  }
0x49c: {  	vm14 =	veq.f32 v20, v19;
	vm15 =	veq.f32 v21, v19;
	vm11 =	veq.f32 v22, v19  }
0x49d: {  	vm12 =	veq.f32 v23, v19;
	vm13 =	veq.f32 v24, v19;
	vm10 =	vmneg @p1 vm10  }
0x49e: {  	vm7 =	vmand vm7, vm8;
	v20 =	vsel vm14, $0x1, v9;
	v21 =	vsel vm15, $0x1, v9  }
0x49f: {  	v44 =	vsel vm11, $0x1, v9;
	v45 =	vsel vm12, $0x1, v9;
	v46 =	vsel vm13, $0x1, v9  }
0x4a0: {  	vm14 =	veq.f32 v25, v19;
	vm15 =	veq.f32 v26, v19;
	vm1 =	vmand vm1, vm8  }
0x4a1: {  	vm2 =	vmand vm2, vm8;
	vm10 =	vmand vm10, vm8;
	v12 =	vsel vm7, v42, v12  }
0x4a2: {  	v47 =	vsel vm14, $0x1, v9;
	v19 =	vsel vm15, $0x1, v9;
	v15 =	vsel vm1, v42, v15  }
0x4a3: {  	vm1 =	vmand vm3, vm8;
	v30 =	vsel vm10, v42, v11;
	v11 =	vadd.s32 v43, v27  }
0x4a4: {  	v14 =	vsel vm2, v42, v14;
	vm2 =	vmand vm4, vm8;
	v11 =	vadd.s32 v20, v11  }
0x4a5: {  	v13 =	vsel vm1, v42, v13;
	v48 =	vmax.f32 v30, v12;
	v11 =	vadd.s32 v21, v11  }
0x4a6: {  	vm1 =	vmand vm5, vm8;
	v20 =	vmax.f32 v48, v15;
	v11 =	vadd.s32 v44, v11  }
0x4a7: {  	v17 =	vsel vm2, v42, v17;
	v20 =	vmax.f32 v20, v14;
	v11 =	vadd.s32 v45, v11  }
0x4a8: {  	vm2 =	vmand vm6, vm8;
	v20 =	vmax.f32 v20, v13;
	v11 =	vadd.s32 v46, v11  }
0x4a9: {  	v18 =	vsel vm1, v42, v18;
	v20 =	vmax.f32 v20, v17;
	v11 =	vadd.s32 v47, v11  }
0x4aa: {  	v16 =	vsel vm2, v42, v16;
	v11 =	vadd.s32 v19, v11;
	v19 =	vmax.f32 v20, v18  }
0x4ab: {  	(xrf0) =	vadd.scan.msk.s32 $0xffff, v11;
	v11 =	vmax.f32 v19, v16  }
0x4ac: {  	(xrf0) =	vmax.scan.msk.f32 $0xffff, v11;
	_ =	sdelay $0x4  }
0x4ad: {  	v19, _, _ =	vpop (xrf0)  }
0x4ae: {  	v49, _, _ =	vpop (xrf0)  }
0x4af: {  	v11 =	vbroadcast v49, $0xF;
	_ =	sdelay $0x1  }
0x4b0: {  	vm1 =	veq.f32 v12, v11  }
0x4b1: {  	v12 =	vnsel vm1, $0xFFFFFFFF, v1  }
0x4b2: {  	vm1 =	vgt.s32 v12, v0  }
0x4b3: {  	vm2 =	veq.f32 v30, v11;
	v50 =	vsel vm1, v12, v0;
	vm1 =	veq.f32 v15, v11  }
0x4b4: {  	v12 =	vsel vm2, v50, v12;
	v15 =	vnsel vm1, $0xFFFFFFFF, v2  }
0x4b5: {  	vm2 =	veq.f32 v14, v11;
	vm1 =	vgt.s32 v12, v15  }
0x4b6: {  	v14 =	vnsel vm2, $0xFFFFFFFF, v3;
	v12 =	vsel vm1, v12, v15  }
0x4b7: {  	vm2 =	veq.f32 v13, v11;
	vm1 =	vgt.s32 v12, v14  }
0x4b8: {  	v13 =	vnsel vm2, $0xFFFFFFFF, v4;
	v12 =	vsel vm1, v12, v14  }
0x4b9: {  	vm2 =	veq.f32 v17, v11;
	vm1 =	vgt.s32 v12, v13  }
0x4ba: {  	v12 =	vsel vm1, v12, v13;
	v13 =	vnsel vm2, $0xFFFFFFFF, v5  }
0x4bb: {  	vm2 =	veq.f32 v18, v11;
	vm1 =	vgt.s32 v12, v13  }
0x4bc: {  	v12 =	vsel vm1, v12, v13;
	v13 =	vnsel vm2, $0xFFFFFFFF, v6  }
0x4bd: {  	vm2 =	veq.f32 v16, v11;
	vm1 =	vgt.s32 v12, v13  }
0x4be: {  	v12 =	vsel vm1, v12, v13;
	v13 =	vnsel vm2, $0xFFFFFFFF, v7  }
0x4bf: {  	vm1 =	vgt.s32 v12, v13  }
0x4c0: {  	v12 =	vsel vm1, v12, v13  }
0x4c1: {  	v12 =	vxor.u32 $0x80000000, v12  }
0x4c2: {  	(xrf0) =	vmax.scan.msk.u32 $0xffff, v12;
	_ =	sdelay $0x4  }
0x4c3: {  	(v2sf) =	vpush v19, $0xF  }
0x4c4: {  	(v2sf) =	vpush v49, $0xF;
	v12, _, _ =	vpop (xrf0)  }
0x4c5: {  	(v2sf) =	vpush v12, $0xF;
	_ =	sdelay $0xc  }
0x4c6: {  	s25 =	spop (v2sf)  }
0x4c7: {  	s24 =	spop (v2sf)  }
0x4c8: {  	s23 =	spop (v2sf)  }
0x4c9: {  	s26 =	sshra.s32 s23, $0x4  }
0x4ca: {  	s26 =	sshll.u32 s26, $0x8  }
0x4cb: {  	v12 =	vmov s26  }
0x4cc: {  	v12 =	vshll.u32 v12, $0x4  }
0x4cd: {  	s23 =	sand.u32 $0xF, s23;
	v12 =	vor.u32 v8, v12  }
0x4ce: {  	v12 =	vor.u32 s23, v12  }
0x4cf: {  	v13 =	vor.u32 $0x200, v12  }
0x4d0: {  	v14 =	vor.u32 $0x300, v12  }
0x4d1: {  	v15 =	vor.u32 $0x100, v12;
	_ =	sdelay $0x2  }
0x4d2: {  	v16 =	vor.u32 $0x400, v12;
	v13 =	vld.idx.msk [tilespmem:v13+s13+$0x0], $0xffff  }
0x4d3: {  	v17 =	vor.u32 $0x500, v12;
	v14 =	vld.idx.msk [tilespmem:v14+s13+$0x0], $0xffff  }
0x4d4: {  	v18 =	vor.u32 $0x600, v12;
	v15 =	vld.idx.msk [tilespmem:v15+s13+$0x0], $0xffff  }
0x4d5: {  	v51 =	vor.u32 $0x700, v12;
	v19 =	vld.idx.msk [tilespmem:v12+s13+$0x0], $0xffff  }
0x4d6: {  	v52 =	vor.u32 $0x800, v12;
	v53 =	vor.u32 $0x900, v12  }
0x4d7: {  	v54 =	vor.u32 $0xA00, v12;
	v55 =	vor.u32 $0xF00, v12;
	v56 =	vor.u32 $0xB00, v12;
	v16 =	vld.idx.msk [tilespmem:v16+s13+$0x0], $0xffff  }
0x4d8: {  	v57 =	vor.u32 $0xD00, v12;
	v58 =	vor.u32 $0xE00, v12;
	v12 =	vor.u32 $0xC00, v12;
	v17 =	vld.idx.msk [tilespmem:v17+s13+$0x0], $0xffff  }
0x4d9: {  	v18 =	vld.idx.msk [tilespmem:v18+s13+$0x0], $0xffff;
	vm1 =	vlt.f32 v13, v11;
	vm2 =	vlt.f32 v14, v11;
	vm3 =	veq.f32 v15, v11  }
0x4da: {  	v20 =	vld.idx.msk [tilespmem:v51+s13+$0x0], $0xffff;
	v59 =	vnsel vm1, $0xFF800000, v13;
	vm1 =	vlt.f32 v19, v11;
	v60 =	vnsel vm2, $0xFF800000, v14  }
0x4db: {  	v21 =	vld.idx.msk [tilespmem:v52+s13+$0x0], $0xffff;
	vm2 =	vlt.f32 v15, v11;
	v61 =	vmax.f32 v19, v59;
	v31 =	vmax.f32 v15, v60  }
0x4dc: {  	v22 =	vld.idx.msk [tilespmem:v53+s13+$0x0], $0xffff;
	v28 =	vsel vm1, v61, v59;
	v29 =	vsel vm2, v31, v60;
	vm1 =	vlt.f32 v16, v11  }
0x4dd: {  	v23 =	vld.idx.msk [tilespmem:v54+s13+$0x0], $0xffff;
	vm2 =	vlt.f32 v17, v11;
	v30 =	vmax.f32 v28, v16;
	v31 =	vmax.f32 v29, v17  }
0x4de: {  	v25 =	vld.idx.msk [tilespmem:v56+s13+$0x0], $0xffff;
	v28 =	vsel vm1, v30, v28;
	v29 =	vsel vm2, v31, v29;
	vm1 =	vlt.f32 v18, v11  }
0x4df: {  	v12 =	vld.idx.msk [tilespmem:v12+s13+$0x0], $0xffff;
	vm2 =	vlt.f32 v20, v11;
	v30 =	vmax.f32 v28, v18;
	v31 =	vmax.f32 v29, v20  }
0x4e0: {  	v26 =	vld.idx.msk [tilespmem:v57+s13+$0x0], $0xffff;
	v28 =	vsel vm1, v30, v28;
	v29 =	vsel vm2, v31, v29;
	vm1 =	vlt.f32 v21, v11  }
0x4e1: {  	v27 =	vld.idx.msk [tilespmem:v58+s13+$0x0], $0xffff;
	vm2 =	vlt.f32 v22, v11;
	v30 =	vmax.f32 v28, v21;
	v31 =	vmax.f32 v29, v22  }
0x4e2: {  	v24 =	vld.idx.msk [tilespmem:v55+s13+$0x0], $0xffff;
	v28 =	vsel vm1, v30, v28;
	v29 =	vsel vm2, v31, v29;
	vm1 =	vlt.f32 v23, v11  }
0x4e3: {  	vm2 =	vlt.f32 v25, v11;
	v30 =	vmax.f32 v28, v23;
	v31 =	vmax.f32 v29, v25  }
0x4e4: {  	v28 =	vsel vm1, v30, v28;
	v29 =	vsel vm2, v31, v29;
	vm1 =	vlt.f32 v12, v11  }
0x4e5: {  	vm2 =	vlt.f32 v26, v11;
	v30 =	vmax.f32 v28, v12;
	v31 =	vmax.f32 v29, v26  }
0x4e6: {  	v28 =	vsel vm1, v30, v28;
	v29 =	vsel vm2, v31, v29;
	vm1 =	vlt.f32 v27, v11  }
0x4e7: {  	vm2 =	vlt.f32 v24, v11;
	v30 =	vmax.f32 v28, v27;
	v31 =	vmax.f32 v29, v24  }
0x4e8: {  	v15 =	vsel vm1, v30, v28;
	v62 =	vsel vm2, v31, v29;
	vm1 =	veq.f32 v19, v11  }
0x4e9: {  	v19 =	vsel vm3, $0x1, v9;
	v63 =	vsel vm1, $0x1, v9;
	vm1 =	veq.f32 v13, v11  }
0x4ea: {  	vm2 =	veq.f32 v14, v11;
	v13 =	vsel vm1, $0x1, v9;
	v14 =	vadd.s32 v63, v19  }
0x4eb: {  	v19 =	vsel vm2, $0x1, v9;
	vm1 =	veq.f32 v16, v11;
	v13 =	vadd.s32 v13, v14  }
0x4ec: {  	vm2 =	veq.f32 v17, v11;
	v14 =	vsel vm1, $0x1, v9;
	v13 =	vadd.s32 v19, v13  }
0x4ed: {  	v16 =	vsel vm2, $0x1, v9;
	vm1 =	veq.f32 v18, v11;
	v13 =	vadd.s32 v14, v13  }
0x4ee: {  	vm2 =	veq.f32 v20, v11;
	v14 =	vsel vm1, $0x1, v9;
	v13 =	vadd.s32 v16, v13  }
0x4ef: {  	vm1 =	veq.f32 v21, v11;
	v16 =	vsel vm2, $0x1, v9;
	v13 =	vadd.s32 v14, v13  }
0x4f0: {  	v14 =	vsel vm1, $0x1, v9;
	vm1 =	veq.f32 v22, v11;
	v13 =	vadd.s32 v16, v13  }
0x4f1: {  	vm2 =	veq.f32 v23, v11;
	v13 =	vadd.s32 v14, v13;
	v14 =	vsel vm1, $0x1, v9  }
0x4f2: {  	v16 =	vsel vm2, $0x1, v9;
	vm1 =	veq.f32 v25, v11;
	v13 =	vadd.s32 v14, v13  }
0x4f3: {  	v14 =	vsel vm1, $0x1, v9;
	vm1 =	veq.f32 v12, v11;
	v12 =	vadd.s32 v16, v13  }
0x4f4: {  	v13 =	vsel vm1, $0x1, v9;
	vm1 =	veq.f32 v26, v11;
	v12 =	vadd.s32 v14, v12  }
0x4f5: {  	v14 =	vsel vm1, $0x1, v9;
	vm1 =	veq.f32 v27, v11;
	v12 =	vadd.s32 v13, v12  }
0x4f6: {  	v13 =	vsel vm1, $0x1, v9;
	vm1 =	veq.f32 v24, v11;
	v11 =	vadd.s32 v14, v12  }
0x4f7: {  	v12 =	vmax.f32 v15, v62;
	v14 =	vsel vm1, $0x1, v9;
	v11 =	vadd.s32 v13, v11  }
0x4f8: {  	(xrf0) =	vmax.scan.msk.f32 $0xffff, v12;
	v11 =	vadd.s32 v14, v11  }
0x4f9: {  	(xrf0) =	vadd.scan.msk.s32 $0xffff, v11;
	_ =	sdelay $0x4  }
0x4fa: {  	v11, _, _ =	vpop (xrf0)  }
0x4fb: {  	s23 =	simm.s32 $0x10080;
	v11, _, _ =	vpop (xrf0)  }
0x4fc: {  	v12 =	vld [tilespmem:s23+$0x70];
	(v2sf) =	vpush v11, $0xF  }
0x4fd: {  	s22 =	sadd.s32 s22, s25;
	v13 =	vld [tilespmem:s23+$0xFFFFFF90]  }
0x4fe: {  	p0 =	slt.s32 s22, $0xA;
	v14 =	vld [tilespmem:s23+$0xFFFFFFA0]  }
0x4ff: {  	s21 =	smov.u32 @p0 s24;
	v15 =	vld [tilespmem:s23+$0xFFFFFFB0]  }
0x500: {  	v16 =	vld [tilespmem:s23+$0xFFFFFFC0];
	v11 =	vmov s21  }
0x501: {  	v17 =	vld [tilespmem:s23+$0xFFFFFFD0];
	vm1 =	vge.f32 v12, v11  }
0x502: {  	vm2 =	vge.f32 v13, v11;
	v12 =	vld [tilespmem:s23+$0xFFFFFFE0];
	v13 =	vsel vm1, $0x3F800000, v10  }
0x503: {  	v18 =	vsel vm2, $0x3F800000, v10;
	vm1 =	vge.f32 v14, v11;
	v14 =	vld [tilespmem:s23+$0xFFFFFFF0];
	[tilespmem:s23+$0x70] =	vst v13  }
0x504: {  	[tilespmem:s23+$0xFFFFFF90] =	vst v18;
	v13 =	vsel vm1, $0x3F800000, v10;
	vm1 =	vge.f32 v15, v11;
	v15 =	vld [tilespmem:s23+$0x0]  }
0x505: {  	[tilespmem:s23+$0xFFFFFFA0] =	vst v13;
	v13 =	vsel vm1, $0x3F800000, v10;
	vm1 =	vge.f32 v16, v11;
	v16 =	vld [tilespmem:s23+$0x10]  }
0x506: {  	v18 =	vld [tilespmem:s23+$0x20];
	[tilespmem:s23+$0xFFFFFFB0] =	vst v13;
	v13 =	vsel vm1, $0x3F800000, v10;
	vm1 =	vge.f32 v17, v11  }
0x507: {  	[tilespmem:s23+$0xFFFFFFC0] =	vst v13;
	v13 =	vsel vm1, $0x3F800000, v10;
	vm1 =	vge.f32 v12, v11;
	v12 =	vld [tilespmem:s23+$0x30]  }
0x508: {  	[tilespmem:s23+$0xFFFFFFD0] =	vst v13;
	v17 =	vsel vm1, $0x3F800000, v10;
	vm1 =	vge.f32 v14, v11;
	v13 =	vld [tilespmem:s23+$0x40]  }
0x509: {  	v14 =	vld [tilespmem:s23+$0x50];
	[tilespmem:s23+$0xFFFFFFE0] =	vst v17;
	v17 =	vsel vm1, $0x3F800000, v10;
	vm1 =	vge.f32 v15, v11  }
0x50a: {  	v15 =	vld [tilespmem:s23+$0x60];
	[tilespmem:s23+$0xFFFFFFF0] =	vst v17;
	v17 =	vsel vm1, $0x3F800000, v10;
	vm1 =	vge.f32 v16, v11  }
0x50b: {  	s22 =	simm.s32 $0x10180;
	s21 =	simm.s32 $0x0;
	v16 =	vld [tilespmem:s23+$0xFFFFFF80];
	[tilespmem:s23+$0x0] =	vst v17;
	v17 =	vsel vm1, $0x3F800000, v10;
	vm1 =	vge.f32 v18, v11;
	s31 =	spop (v2sf)  }
.LBB2_18:
0x50c: {  	v18 =	vld [tilespmem:s22+$0x70];
	s21 =	sadd.s32 $0x10, s21;
	[tilespmem:s23+$0x10] =	vst v17;
	v17 =	vsel vm1, $0x3F800000, v10;
	vm1 =	vge.f32 v12, v11  }
0x50d: {  	v12 =	vld [tilespmem:s22+$0xFFFFFF90];
	p0 =	slt.u32 s21, $0x7F0;
	[tilespmem:s23+$0x20] =	vst v17;
	v17 =	vsel vm1, $0x3F800000, v10;
	vm1 =	vge.f32 v13, v11  }
0x50e: {  	v13 =	vld [tilespmem:s22+$0xFFFFFFA0];
	[tilespmem:s23+$0x30] =	vst v17;
	v17 =	vsel vm1, $0x3F800000, v10;
	vm1 =	vge.f32 v14, v11  }
0x50f: {  	v14 =	vld [tilespmem:s22+$0xFFFFFFB0];
	[tilespmem:s23+$0x40] =	vst v17;
	v17 =	vsel vm1, $0x3F800000, v10;
	vm1 =	vge.f32 v15, v11  }
0x510: {  	v15 =	vld [tilespmem:s22+$0xFFFFFFC0];
	vm2 =	vge.f32 v16, v11;
	[tilespmem:s23+$0x50] =	vst v17;
	v16 =	vsel vm1, $0x3F800000, v10  }
0x511: {  	v17 =	vld [tilespmem:s22+$0xFFFFFFD0];
	vm1 =	vge.f32 v18, v11;
	v18 =	vsel vm2, $0x3F800000, v10;
	[tilespmem:s23+$0x60] =	vst v16  }
0x512: {  	vm2 =	vge.f32 v12, v11;
	v12 =	vld [tilespmem:s22+$0xFFFFFFE0];
	v16 =	vsel vm1, $0x3F800000, v10;
	[tilespmem:s23+$0xFFFFFF80] =	vst v18;
	s23 =	smov.u32 s22  }
0x513: {  	v18 =	vsel vm2, $0x3F800000, v10;
	vm1 =	vge.f32 v13, v11;
	v13 =	vld [tilespmem:s22+$0xFFFFFFF0];
	[tilespmem:s22+$0x70] =	vst v16  }
0x514: {  	[tilespmem:s22+$0xFFFFFF90] =	vst v18;
	v16 =	vsel vm1, $0x3F800000, v10;
	vm1 =	vge.f32 v14, v11;
	v14 =	vld [tilespmem:s22+$0x0]  }
0x515: {  	[tilespmem:s22+$0xFFFFFFA0] =	vst v16;
	v16 =	vsel vm1, $0x3F800000, v10;
	vm1 =	vge.f32 v15, v11;
	v15 =	vld [tilespmem:s22+$0x10]  }
0x516: {  	[tilespmem:s22+$0xFFFFFFB0] =	vst v16;
	v16 =	vsel vm1, $0x3F800000, v10;
	vm1 =	vge.f32 v17, v11;
	v18 =	vld [tilespmem:s22+$0x20]  }
.Ltmp8:
0x517: {  	[tilespmem:s22+$0xFFFFFFC0] =	vst v16;
	v16 =	vsel vm1, $0x3F800000, v10;
	vm1 =	vge.f32 v12, v11;
	v12 =	vld [tilespmem:s22+$0x30];
	(pc) =	sbr.rel @p0 .LBB2_18-.Ltmp8, $4  }
0x518: {  	[tilespmem:s22+$0xFFFFFFD0] =	vst v16;
	v16 =	vsel vm1, $0x3F800000, v10;
	vm1 =	vge.f32 v13, v11;
	v13 =	vld [tilespmem:s22+$0x40]  }
0x519: {  	[tilespmem:s22+$0xFFFFFFE0] =	vst v16;
	v16 =	vsel vm1, $0x3F800000, v10;
	vm1 =	vge.f32 v14, v11;
	v14 =	vld [tilespmem:s22+$0x50]  }
0x51a: {  	[tilespmem:s22+$0xFFFFFFF0] =	vst v16;
	v17 =	vsel vm1, $0x3F800000, v10;
	vm1 =	vge.f32 v15, v11;
	v15 =	vld [tilespmem:s22+$0x60]  }
0x51b: {  	s22 =	sadd.s32 $0x100, s22;
	v16 =	vld [tilespmem:s23+$0xFFFFFF80];
	[tilespmem:s23+$0x0] =	vst v17;
	v17 =	vsel vm1, $0x3F800000, v10;
	vm1 =	vge.f32 v18, v11  }
0x51c: {  	[tilespmem:s23+$0x10] =	vst v17;
	v17 =	vsel vm1, $0x3F800000, v10;
	vm1 =	vge.f32 v12, v11  }
0x51d: {  	[tilespmem:s23+$0x20] =	vst v17;
	v12 =	vsel vm1, $0x3F800000, v10;
	vm1 =	vge.f32 v13, v11  }
0x51e: {  	[tilespmem:s23+$0x30] =	vst v12;
	v12 =	vsel vm1, $0x3F800000, v10;
	vm1 =	vge.f32 v14, v11  }
0x51f: {  	[tilespmem:s23+$0x40] =	vst v12;
	v12 =	vsel vm1, $0x3F800000, v10;
	vm1 =	vge.f32 v15, v11  }
0x520: {  	vm2 =	vge.f32 v16, v11;
	[tilespmem:s23+$0x50] =	vst v12;
	v11 =	vsel vm1, $0x3F800000, v10  }
0x521: {  	v12 =	vsel vm2, $0x3F800000, v10;
	[tilespmem:s23+$0x60] =	vst v11  }
0x522: {  	[tilespmem:s23+$0xFFFFFF80] =	vst v12  }
0x523: {  	[hbm4b:s9+s2] =	stream.linear.scatter [tilespmem:s13], [sflag:$0x6], $0x8000, $0x38;
	[tilespmem:$0x18000] =	vst v63  }
0x524: {  	_ =	swait.ge [sflag:s14], $0x8000  }
0x525: {  	[sflag:s14] =	ssyncset.done $0x0  }
0x526: {  	s22 =	simm.s32 $0x7070;
	[sflag:s14] =	ssyncadd.s32 $0xFFFF8000  }
0x527: {  	v11 =	vld [tilespmem:s22+$0xFFFF9000]  }
0x528: {  	v12 =	vld [tilespmem:s22+$0xFFFFA000]  }
0x529: {  	v13 =	vld [tilespmem:s22+$0xFFFFB000]  }
0x52a: {  	v14 =	vld [tilespmem:s22+$0xFFFFC000]  }
0x52b: {  	v26 =	vld [tilespmem:s22+$0xFFFFD000]  }
0x52c: {  	v17 =	vld [tilespmem:s22+$0xFFFFE000]  }
0x52d: {  	v16 =	vld [tilespmem:s22+$0xFFFFF000]  }
0x52e: {  	v15 =	vld [tilespmem:s22+$0xFFFF8FF0]  }
0x52f: {  	v27 =	vld [tilespmem:s22+$0xFFFF9FF0]  }
0x530: {  	v28 =	vld [tilespmem:s22+$0xFFFFAFF0]  }
0x531: {  	v29 =	vld [tilespmem:s22+$0xFFFFBFF0]  }
0x532: {  	v30 =	vld [tilespmem:s22+$0xFFFFCFF0]  }
0x533: {  	v18 =	vld [tilespmem:s22+$0xFFFFDFF0]  }
0x534: {  	v19 =	vld [tilespmem:s22+$0xFFFFEFF0]  }
0x535: {  	v31 =	vld [tilespmem:s22+$0xFFFF8FE0]  }
0x536: {  	v32 =	vld [tilespmem:s22+$0xFFFF9FE0]  }
0x537: {  	v33 =	vld [tilespmem:s22+$0xFFFFAFE0]  }
0x538: {  	v34 =	vld [tilespmem:s22+$0xFFFFBFE0]  }
0x539: {  	v35 =	vld [tilespmem:s22+$0xFFFFCFE0]  }
0x53a: {  	v20 =	vld [tilespmem:s22+$0xFFFFDFE0]  }
0x53b: {  	v21 =	vld [tilespmem:s22+$0xFFFFEFE0]  }
0x53c: {  	v36 =	vld [tilespmem:s22+$0xFFFF8FD0]  }
0x53d: {  	v37 =	vld [tilespmem:s22+$0xFFFF9FD0]  }
0x53e: {  	v38 =	vld [tilespmem:s22+$0xFFFFAFD0]  }
0x53f: {  	v39 =	vld [tilespmem:s22+$0xFFFFBFD0]  }
0x540: {  	v40 =	vld [tilespmem:s22+$0xFFFFCFD0]  }
0x541: {  	v22 =	vld [tilespmem:s22+$0xFFFFDFD0]  }
0x542: {  	v23 =	vld [tilespmem:s22+$0xFFFFEFD0]  }
0x543: {  	v41 =	vld [tilespmem:s22+$0xFFFF8FC0]  }
0x544: {  	v42 =	vld [tilespmem:s22+$0xFFFF9FC0]  }
0x545: {  	v43 =	vld [tilespmem:s22+$0xFFFFAFC0]  }
0x546: {  	v44 =	vld [tilespmem:s22+$0xFFFFBFC0]  }
0x547: {  	v45 =	vld [tilespmem:s22+$0xFFFFCFC0]  }
0x548: {  	v24 =	vld [tilespmem:s22+$0xFFFFDFC0]  }
0x549: {  	v25 =	vld [tilespmem:s22+$0xFFFFEFC0]  }
0x54a: {  	v46 =	vld [tilespmem:s22+$0xFFFF8FB0]  }
0x54b: {  	v47 =	vld [tilespmem:s22+$0xFFFF9FB0]  }
0x54c: {  	v48 =	vld [tilespmem:s22+$0xFFFFAFB0]  }
0x54d: {  	v49 =	vld [tilespmem:s22+$0xFFFF8FA0]  }
0x54e: {  	v50 =	vld [tilespmem:s22+$0xFFFF8F90]  }
0x54f: {  	v51 =	vld [tilespmem:s22+$0xFFFF9F90]  }
0x550: {  	v52 =	vld [tilespmem:s22+$0xFFFF9FA0]  }
0x551: {  	v53 =	vld [tilespmem:s22+$0xFFFFBFB0]  }
0x552: {  	v54 =	vld [tilespmem:s22+$0xFFFFCFB0]  }
0x553: {  	v55 =	vimm.f32 $-Inf;
	v56 =	vld [tilespmem:s22+$0xFFFFAFA0]  }
0x554: {  	v57 =	vld [tilespmem:s22+$0xFFFFBFA0];
	v50 =	vmax.f32 v55, v50  }
0x555: {  	v58 =	vld [tilespmem:s22+$0xFFFFAF90];
	v51 =	vmax.f32 v55, v51;
	v49 =	vmax.f32 v50, v49  }
0x556: {  	v63 =	vld [tilespmem:s22+$0xFFFFCF90];
	v61 =	vmax.f32 v51, v52;
	v46 =	vmax.f32 v49, v46  }
0x557: {  	v62 =	vld [tilespmem:s22+$0xFFFFBF90];
	v47 =	vmax.f32 v61, v47;
	v41 =	vmax.f32 v46, v41  }
0x558: {  	v50 =	vld [tilespmem:s22+$0xFFFFCFA0];
	v42 =	vmax.f32 v47, v42;
	v36 =	vmax.f32 v41, v36  }
0x559: {  	v59 =	vld [tilespmem:s22+$0xFFFFDF90];
	v37 =	vmax.f32 v42, v37;
	v31 =	vmax.f32 v36, v31  }
0x55a: {  	v60 =	vld [tilespmem:s22+$0xFFFFEF90];
	v32 =	vmax.f32 v37, v32;
	v15 =	vmax.f32 v31, v15  }
0x55b: {  	v52 =	vmax.f32 v55, v63;
	v63 =	vld [tilespmem:s22+$0xFFFFFFB0];
	v27 =	vmax.f32 v32, v27;
	v11 =	vmax.f32 v15, v11  }
0x55c: {  	v61 =	vld [tilespmem:s22+$0xFFFFFF90];
	v12 =	vmax.f32 v27, v12;
	v15 =	vmax.f32 v55, v58;
	v27 =	vmax.f32 v55, v62  }
0x55d: {  	v41 =	vld [tilespmem:s22+$0xFFFFDFB0];
	v32 =	vmax.f32 v52, v50;
	v15 =	vmax.f32 v15, v56;
	v27 =	vmax.f32 v27, v57  }
0x55e: {  	v31 =	vld [tilespmem:s22+$0xFFFFDFA0];
	v32 =	vmax.f32 v32, v54;
	v15 =	vmax.f32 v15, v48;
	v27 =	vmax.f32 v27, v53  }
0x55f: {  	v58 =	vld [tilespmem:s22+$0xFFFFEFA0];
	v32 =	vmax.f32 v32, v45;
	v15 =	vmax.f32 v15, v43;
	v27 =	vmax.f32 v27, v44  }
0x560: {  	v62 =	vld [tilespmem:s22+$0xFFFFFFA0];
	v32 =	vmax.f32 v32, v40;
	v15 =	vmax.f32 v15, v38;
	v27 =	vmax.f32 v27, v39  }
0x561: {  	v37 =	vld [tilespmem:s22+$0xFFFFEFB0];
	v32 =	vmax.f32 v32, v35;
	v15 =	vmax.f32 v15, v33;
	v27 =	vmax.f32 v27, v34  }
0x562: {  	v36 =	vld [tilespmem:s22+$0xFFFFFFC0];
	v15 =	vmax.f32 v15, v28;
	v27 =	vmax.f32 v27, v29;
	v28 =	vmax.f32 v32, v30  }
0x563: {  	v32 =	vld [tilespmem:s22+$0xFFFFFFD0];
	v29 =	vmax.f32 v55, v61;
	v15 =	vmax.f32 v15, v13;
	v14 =	vmax.f32 v27, v14  }
0x564: {  	v13 =	vmax.f32 v28, v26;
	v26 =	vmax.f32 v55, v59;
	v28 =	vmax.f32 v55, v60;
	v27 =	vld [tilespmem:s22+$0xFFFFFFE0]  }
0x565: {  	v26 =	vmax.f32 v26, v31;
	v30 =	vmax.f32 v28, v58;
	v31 =	vmax.f32 v29, v62;
	v28 =	vld [tilespmem:s22+$0xFFFFFFF0]  }
0x566: {  	s21 =	simm.s32 $0x0;
	v26 =	vmax.f32 v26, v41;
	v29 =	vmax.f32 v30, v37;
	v31 =	vmax.f32 v31, v63;
	v30 =	vld [tilespmem:s22+$0x0];
	s22 =	simm.s32 $0x70F0  }
.LBB2_20:
0x567: {  	v35 =	vld [tilespmem:s22+$0xFFFF9000];
	v24 =	vmax.f32 v26, v24;
	v25 =	vmax.f32 v29, v25;
	v26 =	vmax.f32 v31, v36  }
0x568: {  	v36 =	vld [tilespmem:s22+$0xFFFFA000];
	v22 =	vmax.f32 v24, v22;
	v23 =	vmax.f32 v25, v23;
	v24 =	vmax.f32 v26, v32  }
0x569: {  	v26 =	vld [tilespmem:s22+$0xFFFFB000];
	v20 =	vmax.f32 v22, v20;
	v21 =	vmax.f32 v23, v21;
	v22 =	vmax.f32 v24, v27  }
0x56a: {  	v27 =	vld [tilespmem:s22+$0xFFFFC000];
	v18 =	vmax.f32 v20, v18;
	v19 =	vmax.f32 v21, v19;
	v20 =	vmax.f32 v22, v28  }
0x56b: {  	v31 =	vld [tilespmem:s22+$0xFFFFD000];
	v28 =	vmax.f32 v18, v17;
	v29 =	vmax.f32 v19, v16;
	v30 =	vmax.f32 v20, v30  }
0x56c: {  	v17 =	vld [tilespmem:s22+$0xFFFFE000]  }
0x56d: {  	v16 =	vld [tilespmem:s22+$0xFFFFF000]  }
0x56e: {  	v37 =	vld [tilespmem:s22+$0xFFFF8FF0]  }
0x56f: {  	v38 =	vld [tilespmem:s22+$0xFFFF9FF0]  }
0x570: {  	v32 =	vld [tilespmem:s22+$0xFFFFAFF0]  }
0x571: {  	v33 =	vld [tilespmem:s22+$0xFFFFBFF0]  }
0x572: {  	v34 =	vld [tilespmem:s22+$0xFFFFCFF0]  }
0x573: {  	v18 =	vld [tilespmem:s22+$0xFFFFDFF0]  }
0x574: {  	v19 =	vld [tilespmem:s22+$0xFFFFEFF0]  }
0x575: {  	v39 =	vld [tilespmem:s22+$0xFFFF8FE0]  }
0x576: {  	v40 =	vld [tilespmem:s22+$0xFFFF9FE0]  }
0x577: {  	v41 =	vld [tilespmem:s22+$0xFFFFAFE0]  }
0x578: {  	v42 =	vld [tilespmem:s22+$0xFFFFBFE0]  }
0x579: {  	v43 =	vld [tilespmem:s22+$0xFFFFCFE0]  }
0x57a: {  	v20 =	vld [tilespmem:s22+$0xFFFFDFE0]  }
0x57b: {  	v21 =	vld [tilespmem:s22+$0xFFFFEFE0]  }
0x57c: {  	v44 =	vld [tilespmem:s22+$0xFFFF8FD0]  }
0x57d: {  	v45 =	vld [tilespmem:s22+$0xFFFF9FD0]  }
0x57e: {  	v46 =	vld [tilespmem:s22+$0xFFFFAFD0]  }
0x57f: {  	v47 =	vld [tilespmem:s22+$0xFFFFBFD0]  }
0x580: {  	v48 =	vld [tilespmem:s22+$0xFFFFCFD0]  }
0x581: {  	v22 =	vld [tilespmem:s22+$0xFFFFDFD0]  }
0x582: {  	v23 =	vld [tilespmem:s22+$0xFFFFEFD0]  }
0x583: {  	v49 =	vld [tilespmem:s22+$0xFFFF8FC0]  }
0x584: {  	v50 =	vld [tilespmem:s22+$0xFFFF9FC0]  }
0x585: {  	v51 =	vld [tilespmem:s22+$0xFFFFAFC0]  }
0x586: {  	v52 =	vld [tilespmem:s22+$0xFFFFBFC0]  }
0x587: {  	v53 =	vld [tilespmem:s22+$0xFFFFCFC0]  }
0x588: {  	v24 =	vld [tilespmem:s22+$0xFFFFDFC0]  }
0x589: {  	v25 =	vld [tilespmem:s22+$0xFFFFEFC0]  }
0x58a: {  	v54 =	vld [tilespmem:s22+$0xFFFF8FB0]  }
0x58b: {  	v55 =	vld [tilespmem:s22+$0xFFFF9FB0]  }
0x58c: {  	v56 =	vld [tilespmem:s22+$0xFFFFAFB0]  }
0x58d: {  	v57 =	vld [tilespmem:s22+$0xFFFF8FA0]  }
0x58e: {  	v58 =	vld [tilespmem:s22+$0xFFFF8F90]  }
0x58f: {  	v59 =	vld [tilespmem:s22+$0xFFFF9F90]  }
0x590: {  	v60 =	vld [tilespmem:s22+$0xFFFF9FA0]  }
0x591: {  	v61 =	vld [tilespmem:s22+$0xFFFFBFB0]  }
0x592: {  	v62 =	vld [tilespmem:s22+$0xFFFFCFB0]  }
0x593: {  	v63 =	vld [tilespmem:s22+$0xFFFFAFA0]  }
0x594: {  	v11 =	vmax.f32 v11, v58;
	v12 =	vmax.f32 v12, v59;
	v58 =	vld [tilespmem:s22+$0xFFFFBFA0]  }
0x595: {  	v11 =	vmax.f32 v11, v57;
	v59 =	vld [tilespmem:s22+$0xFFFFAF90];
	v12 =	vmax.f32 v12, v60  }
0x596: {  	v11 =	vmax.f32 v11, v54;
	v57 =	vld [tilespmem:s22+$0xFFFFBF90];
	v12 =	vmax.f32 v12, v55  }
0x597: {  	v11 =	vmax.f32 v11, v49;
	v54 =	vld [tilespmem:s22+$0xFFFFCF90];
	v12 =	vmax.f32 v12, v50  }
0x598: {  	v11 =	vmax.f32 v11, v44;
	v49 =	vld [tilespmem:s22+$0xFFFFCFA0];
	v12 =	vmax.f32 v12, v45  }
0x599: {  	v11 =	vmax.f32 v11, v39;
	v44 =	vld [tilespmem:s22+$0xFFFFDFB0];
	v12 =	vmax.f32 v12, v40  }
0x59a: {  	v11 =	vmax.f32 v11, v37;
	v39 =	vld [tilespmem:s22+$0xFFFFEFB0];
	v12 =	vmax.f32 v12, v38  }
0x59b: {  	v11 =	vmax.f32 v11, v35;
	v37 =	vld [tilespmem:s22+$0xFFFFDFA0];
	v12 =	vmax.f32 v12, v36  }
0x59c: {  	v15 =	vmax.f32 v15, v59;
	v14 =	vmax.f32 v14, v57;
	v13 =	vmax.f32 v13, v54;
	v35 =	vld [tilespmem:s22+$0xFFFFEFA0]  }
0x59d: {  	v15 =	vmax.f32 v15, v63;
	v14 =	vmax.f32 v14, v58;
	v38 =	vld [tilespmem:s22+$0xFFFFDF90];
	v13 =	vmax.f32 v13, v49  }
0x59e: {  	v15 =	vmax.f32 v15, v56;
	v14 =	vmax.f32 v14, v61;
	v40 =	vld [tilespmem:s22+$0xFFFFEF90];
	v13 =	vmax.f32 v13, v62  }
0x59f: {  	s21 =	sadd.s32 $0x8, s21;
	v15 =	vmax.f32 v15, v51;
	v14 =	vmax.f32 v14, v52;
	v45 =	vld [tilespmem:s22+$0xFFFFFF90];
	v13 =	vmax.f32 v13, v53  }
0x5a0: {  	p0 =	slt.u32 s21, $0xF8;
	v15 =	vmax.f32 v15, v46;
	v14 =	vmax.f32 v14, v47;
	v49 =	vld [tilespmem:s22+$0xFFFFFFA0];
	v13 =	vmax.f32 v13, v48  }
0x5a1: {  	v15 =	vmax.f32 v15, v41;
	v14 =	vmax.f32 v14, v42;
	v46 =	vld [tilespmem:s22+$0xFFFFFFB0];
	v13 =	vmax.f32 v13, v43  }
.Ltmp9:
0x5a2: {  	v15 =	vmax.f32 v15, v32;
	v14 =	vmax.f32 v14, v33;
	v36 =	vld [tilespmem:s22+$0xFFFFFFC0];
	v13 =	vmax.f32 v13, v34;
	(pc) =	sbr.rel @p0 .LBB2_20-.Ltmp9, $4  }
0x5a3: {  	v15 =	vmax.f32 v15, v26;
	v14 =	vmax.f32 v14, v27;
	v32 =	vld [tilespmem:s22+$0xFFFFFFD0];
	v13 =	vmax.f32 v13, v31  }
0x5a4: {  	v26 =	vmax.f32 v28, v38;
	v28 =	vmax.f32 v29, v40;
	v29 =	vmax.f32 v30, v45;
	v27 =	vld [tilespmem:s22+$0xFFFFFFE0]  }
0x5a5: {  	v26 =	vmax.f32 v26, v37;
	v30 =	vmax.f32 v28, v35;
	v31 =	vmax.f32 v29, v49;
	v28 =	vld [tilespmem:s22+$0xFFFFFFF0]  }
0x5a6: {  	v26 =	vmax.f32 v26, v44;
	v29 =	vmax.f32 v30, v39;
	v31 =	vmax.f32 v31, v46;
	v30 =	vld [tilespmem:s22+$0x0];
	s22 =	sadd.s32 $0x80, s22  }
0x5a7: {  	v24 =	vmax.f32 v26, v24  }
0x5a8: {  	v25 =	vmax.f32 v29, v25;
	v26 =	vmax.f32 v31, v36;
	v22 =	vmax.f32 v24, v22  }
0x5a9: {  	v23 =	vmax.f32 v25, v23;
	v24 =	vmax.f32 v26, v32;
	v25 =	vmax.f32 v11, v12  }
0x5aa: {  	v20 =	vmax.f32 v22, v20;
	v21 =	vmax.f32 v23, v21;
	v22 =	vmax.f32 v25, v15  }
0x5ab: {  	v23 =	vmax.f32 v24, v27;
	v18 =	vmax.f32 v20, v18;
	v20 =	vmax.f32 v22, v14  }
0x5ac: {  	v19 =	vmax.f32 v21, v19;
	v17 =	vmax.f32 v18, v17;
	v20 =	vmax.f32 v20, v13  }
0x5ad: {  	v21 =	vmax.f32 v23, v28;
	v18 =	vmax.f32 v19, v16;
	v19 =	vmax.f32 v20, v17  }
0x5ae: {  	v16 =	vmax.f32 v21, v30;
	v19 =	vmax.f32 v19, v18  }
0x5af: {  	v19 =	vmax.f32 v19, v16  }
0x5b0: {  	(xrf0) =	vmax.scan.msk.f32 $0xffff, v19;
	_ =	sdelay $0x5  }
0x5b1: {  	v20, _, _ =	vpop (xrf0)  }
0x5b2: {  	v19 =	vbroadcast v20, $0xF;
	_ =	sdelay $0x1  }
0x5b3: {  	vm1 =	veq.f32 v12, v19  }
0x5b4: {  	v21 =	vnsel vm1, $0xFFFFFFFF, v1  }
0x5b5: {  	vm1 =	vgt.s32 v21, v0  }
0x5b6: {  	vm2 =	veq.f32 v11, v19;
	v22 =	vsel vm1, v21, v0;
	vm1 =	veq.f32 v15, v19  }
0x5b7: {  	v21 =	vsel vm2, v22, v21;
	v22 =	vnsel vm1, $0xFFFFFFFF, v2  }
0x5b8: {  	vm2 =	veq.f32 v14, v19;
	vm1 =	vgt.s32 v21, v22  }
0x5b9: {  	v21 =	vsel vm1, v21, v22;
	v22 =	vnsel vm2, $0xFFFFFFFF, v3  }
0x5ba: {  	vm2 =	veq.f32 v13, v19;
	vm1 =	vgt.s32 v21, v22  }
0x5bb: {  	v21 =	vsel vm1, v21, v22;
	v22 =	vnsel vm2, $0xFFFFFFFF, v4  }
0x5bc: {  	vm2 =	veq.f32 v17, v19;
	vm1 =	vgt.s32 v21, v22  }
0x5bd: {  	v21 =	vsel vm1, v21, v22;
	v22 =	vnsel vm2, $0xFFFFFFFF, v5  }
0x5be: {  	vm2 =	veq.f32 v18, v19;
	vm1 =	vgt.s32 v21, v22  }
0x5bf: {  	v21 =	vsel vm1, v21, v22;
	v22 =	vnsel vm2, $0xFFFFFFFF, v6  }
0x5c0: {  	vm2 =	veq.f32 v16, v19;
	vm1 =	vgt.s32 v21, v22  }
0x5c1: {  	v21 =	vsel vm1, v21, v22;
	v22 =	vnsel vm2, $0xFFFFFFFF, v7  }
0x5c2: {  	vm1 =	vgt.s32 v21, v22  }
0x5c3: {  	v21 =	vsel vm1, v21, v22  }
0x5c4: {  	v21 =	vxor.u32 $0x80000000, v21  }
0x5c5: {  	(xrf0) =	vmax.scan.msk.u32 $0xffff, v21;
	_ =	sdelay $0x5  }
0x5c6: {  	(v2sf) =	vpush v20, $0xF;
	v20, _, _ =	vpop (xrf0)  }
0x5c7: {  	(v2sf) =	vpush v20, $0xF;
	_ =	sdelay $0xd  }
0x5c8: {  	s23 =	spop (v2sf)  }
0x5c9: {  	s21 =	spop (v2sf)  }
0x5ca: {  	s24 =	sshra.s32 s21, $0x4  }
0x5cb: {  	s22 =	sshll.u32 s24, $0x8  }
0x5cc: {  	v20 =	vmov s22  }
0x5cd: {  	v20 =	vshll.u32 v20, $0x4  }
0x5ce: {  	s25 =	sand.u32 $0xF, s21;
	v20 =	vor.u32 v8, v20  }
0x5cf: {  	v20 =	vor.u32 s25, v20  }
0x5d0: {  	v21 =	vor.u32 $0x300, v20  }
0x5d1: {  	v22 =	vor.u32 $0x200, v20  }
0x5d2: {  	vm7 =	vmmov vm0;
	vm3 =	vmmov vm0  }
0x5d3: {  	vm4 =	vmmov vm0;
	vm5 =	vmmov vm0;
	v23 =	vor.u32 $0x100, v20  }
0x5d4: {  	vm6 =	vmmov vm0;
	vm2 =	vmmov vm0;
	p0 =	seq.s32 s24, $0xF8000001;
	v24 =	vor.u32 $0x400, v20  }
0x5d5: {  	vm1 =	vmmov vm0;
	p1 =	seq.s32 s24, $0xF8000002;
	vm7 =	vmneg @p0 vm7;
	p0 =	seq.s32 s24, $0xF8000003;
	v27 =	vld.idx.msk [tilespmem:v21+s2+$0x0], $0xffff;
	v21 =	vor.u32 $0x500, v20  }
0x5d6: {  	vm1 =	vmneg @p1 vm1;
	p1 =	seq.s32 s24, $0xF8000004;
	vm2 =	vmneg @p0 vm2;
	p0 =	seq.s32 s24, $0xF8000005;
	v28 =	vld.idx.msk [tilespmem:v22+s2+$0x0], $0xffff;
	v22 =	vor.u32 $0x600, v20  }
0x5d7: {  	vm3 =	vmneg @p1 vm3;
	p1 =	seq.s32 s24, $0xF8000006;
	vm4 =	vmneg @p0 vm4;
	p0 =	seq.s32 s24, $0xF8000007;
	v25 =	vor.u32 $0x700, v20;
	v29 =	vld.idx.msk [tilespmem:v20+s2+$0x0], $0xffff  }
0x5d8: {  	vm5 =	vmneg @p1 vm5;
	vm6 =	vmneg @p0 vm6;
	v30 =	vld.idx.msk [tilespmem:v23+s2+$0x0], $0xffff;
	v23 =	vor.u32 $0x800, v20  }
0x5d9: {  	v26 =	vor.u32 $0xA00, v20;
	v52 =	vor.u32 $0xF00, v20;
	v31 =	vld.idx.msk [tilespmem:v24+s2+$0x0], $0xffff;
	v24 =	vor.u32 $0x900, v20  }
0x5da: {  	v34 =	vor.u32 $0xB00, v20;
	v35 =	vor.u32 $0xD00, v20;
	v53 =	vor.u32 $0xE00, v20;
	v33 =	vld.idx.msk [tilespmem:v21+s2+$0x0], $0xffff  }
0x5db: {  	v38 =	vor.u32 $0xC00, v20;
	v37 =	vld.idx.msk [tilespmem:v22+s2+$0x0], $0xffff;
	vm8 =	vlt.f32 v28, v19;
	vm9 =	vlt.f32 v27, v19  }
0x5dc: {  	v39 =	vld.idx.msk [tilespmem:v25+s2+$0x0], $0xffff;
	vm10 =	vlt.f32 v29, v19;
	v21 =	vnsel vm8, $0xFF800000, v28;
	v22 =	vnsel vm9, $0xFF800000, v27  }
0x5dd: {  	v40 =	vld.idx.msk [tilespmem:v23+s2+$0x0], $0xffff;
	vm8 =	vlt.f32 v30, v19;
	v23 =	vmax.f32 v29, v21;
	v25 =	vmax.f32 v30, v22  }
0x5de: {  	v20 =	vld.idx.msk [tilespmem:v24+s2+$0x0], $0xffff;
	v23 =	vsel vm10, v23, v21;
	v24 =	vsel vm8, v25, v22;
	vm8 =	vlt.f32 v31, v19  }
0x5df: {  	v21 =	vld.idx.msk [tilespmem:v26+s2+$0x0], $0xffff;
	v25 =	vmax.f32 v23, v31;
	vm9 =	vlt.f32 v33, v19;
	v26 =	vmax.f32 v24, v33  }
0x5e0: {  	v22 =	vld.idx.msk [tilespmem:v34+s2+$0x0], $0xffff;
	v25 =	vsel vm8, v25, v23;
	vm8 =	vlt.f32 v37, v19;
	v26 =	vsel vm9, v26, v24  }
0x5e1: {  	v23 =	vld.idx.msk [tilespmem:v38+s2+$0x0], $0xffff;
	v54 =	vmax.f32 v25, v37;
	vm9 =	vlt.f32 v39, v19;
	v55 =	vmax.f32 v26, v39  }
0x5e2: {  	v24 =	vld.idx.msk [tilespmem:v35+s2+$0x0], $0xffff;
	v34 =	vsel vm8, v54, v25;
	vm8 =	vlt.f32 v40, v19;
	v56 =	vsel vm9, v55, v26  }
0x5e3: {  	v25 =	vld.idx.msk [tilespmem:v53+s2+$0x0], $0xffff;
	v57 =	vmax.f32 v34, v40;
	vm9 =	vlt.f32 v20, v19;
	v38 =	vmax.f32 v56, v20  }
0x5e4: {  	v26 =	vld.idx.msk [tilespmem:v52+s2+$0x0], $0xffff;
	v58 =	vsel vm8, v57, v34;
	vm8 =	vlt.f32 v21, v19;
	v59 =	vsel vm9, v38, v56  }
0x5e5: {  	v60 =	vmax.f32 v58, v21;
	vm9 =	vlt.f32 v22, v19;
	v61 =	vmax.f32 v59, v22  }
0x5e6: {  	v32 =	vsel vm8, v60, v58;
	vm8 =	vlt.f32 v23, v19;
	v34 =	vsel vm9, v61, v59  }
0x5e7: {  	v35 =	vmax.f32 v32, v23;
	vm9 =	vlt.f32 v24, v19;
	v36 =	vmax.f32 v34, v24  }
0x5e8: {  	v32 =	vsel vm8, v35, v32;
	vm8 =	vlt.f32 v25, v19;
	v34 =	vsel vm9, v36, v34  }
0x5e9: {  	v35 =	vmax.f32 v32, v25;
	vm9 =	vlt.f32 v26, v19;
	v36 =	vmax.f32 v34, v26  }
0x5ea: {  	vm10 =	veq.f32 v30, v19;
	v30 =	vsel vm8, v35, v32;
	v62 =	vsel vm9, v36, v34  }
0x5eb: {  	vm8 =	veq.f32 v29, v19;
	v29 =	vsel vm10, $0x1, v9;
	v30 =	vmax.f32 v30, v62  }
0x5ec: {  	v63 =	vsel vm8, $0x1, v9;
	vm8 =	veq.f32 v28, v19;
	vm9 =	veq.f32 v27, v19;
	(xrf0) =	vmax.scan.msk.f32 $0xffff, v30  }
0x5ed: {  	v27 =	vsel vm8, $0x1, v9;
	v28 =	vsel vm9, $0x1, v9;
	v29 =	vadd.s32 v63, v29  }
0x5ee: {  	vm8 =	veq.f32 v31, v19;
	vm9 =	veq.f32 v33, v19;
	v27 =	vadd.s32 v27, v29  }
0x5ef: {  	v29 =	vsel vm8, $0x1, v9;
	v30 =	vsel vm9, $0x1, v9;
	v27 =	vadd.s32 v28, v27  }
0x5f0: {  	vm8 =	veq.f32 v37, v19;
	vm9 =	veq.f32 v39, v19;
	v28 =	vadd.s32 v29, v27  }
0x5f1: {  	s21 =	simm.f32 $-Inf;
	s22 =	simm.s32 $0x0;
	p0 =	por $0x1, $0x1;
	v31 =	vsel vm8, $0x1, v9;
	v27 =	vsel vm9, $0x1, v9;
	v28 =	vadd.s32 v30, v28  }
0x5f2: {  	p1 =	seq.s32 s24, $0xF8000000;
	s21 =	smov.u32 @p0 s23;
	s23 =	simm.s32 $0x8;
	v29 =	vmov s25;
	vm9 =	veq.f32 v40, v19;
	v28 =	vadd.s32 v31, v28;
	v30, _, _ =	vpop (xrf0)  }
.LBB2_22:
0x5f3: {  	vm10 =	vmmov vm0  }
0x5f4: {  	p0 =	sne.s32 s23, $0x1;
	vm8 =	veq.s32 v29, v0;
	v29 =	vbroadcast v30, $0xF;
	vm10 =	vmneg @p1 vm10  }
0x5f5: {  	v27 =	vadd.s32 v27, v28;
	vm7 =	vmand vm7, vm8;
	vm10 =	vmand vm10, vm8  }
0x5f6: {  	v28 =	vsel vm9, $0x1, v9;
	v12 =	vsel vm7, v29, v12;
	v11 =	vsel vm10, v29, v11  }
0x5f7: {  	vm9 =	veq.f32 v21, v19;
	vm7 =	veq.f32 v20, v19;
	v20 =	vadd.s32 v28, v27  }
0x5f8: {  	v27 =	vsel vm9, $0x1, v9;
	v21 =	vsel vm7, $0x1, v9;
	vm7 =	veq.f32 v22, v19  }
0x5f9: {  	v22 =	vsel vm7, $0x1, v9;
	vm7 =	veq.f32 v23, v19;
	v20 =	vadd.s32 v21, v20  }
0x5fa: {  	v21 =	vsel vm7, $0x1, v9;
	vm7 =	veq.f32 v24, v19;
	v20 =	vadd.s32 v27, v20  }
0x5fb: {  	v23 =	vsel vm7, $0x1, v9;
	vm7 =	veq.f32 v25, v19;
	v20 =	vadd.s32 v22, v20  }
0x5fc: {  	v22 =	vsel vm7, $0x1, v9;
	vm7 =	veq.f32 v26, v19;
	v19 =	vadd.s32 v21, v20  }
0x5fd: {  	vm1 =	vmand vm1, vm8;
	v20 =	vsel vm7, $0x1, v9;
	v19 =	vadd.s32 v23, v19  }
0x5fe: {  	vm2 =	vmand vm2, vm8;
	vm3 =	vmand vm3, vm8;
	v19 =	vadd.s32 v22, v19  }
0x5ff: {  	vm4 =	vmand vm4, vm8;
	vm5 =	vmand vm5, vm8;
	v19 =	vadd.s32 v20, v19  }
0x600: {  	v15 =	vsel vm1, v29, v15;
	vm1 =	vmand vm6, vm8;
	v20 =	vmax.f32 v11, v12;
	(xrf0) =	vadd.scan.msk.s32 $0xffff, v19  }
0x601: {  	v14 =	vsel vm2, v29, v14;
	v13 =	vsel vm3, v29, v13;
	v19 =	vmax.f32 v20, v15  }
0x602: {  	v17 =	vsel vm4, v29, v17;
	v18 =	vsel vm5, v29, v18;
	v19 =	vmax.f32 v19, v14  }
0x603: {  	v16 =	vsel vm1, v29, v16;
	v19 =	vmax.f32 v19, v13  }
0x604: {  	v19 =	vmax.f32 v19, v17  }
0x605: {  	v19 =	vmax.f32 v19, v18  }
0x606: {  	v19 =	vmax.f32 v19, v16;
	v20, _, _ =	vpop (xrf0)  }
0x607: {  	(xrf0) =	vmax.scan.msk.f32 $0xffff, v19;
	(v2sf) =	vpush v20, $0xF;
	_ =	sdelay $0x5  }
0x608: {  	v20, _, _ =	vpop (xrf0)  }
0x609: {  	v19 =	vbroadcast v20, $0xF;
	(v2sf) =	vpush v20, $0xF;
	_ =	sdelay $0x1  }
0x60a: {  	vm1 =	veq.f32 v12, v19  }
0x60b: {  	v20 =	vnsel vm1, $0xFFFFFFFF, v1  }
0x60c: {  	vm1 =	vgt.s32 v20, v0  }
0x60d: {  	vm2 =	veq.f32 v11, v19;
	v21 =	vsel vm1, v20, v0;
	vm1 =	veq.f32 v15, v19  }
0x60e: {  	v20 =	vsel vm2, v21, v20;
	v21 =	vnsel vm1, $0xFFFFFFFF, v2  }
0x60f: {  	vm2 =	veq.f32 v14, v19;
	vm1 =	vgt.s32 v20, v21  }
0x610: {  	v20 =	vsel vm1, v20, v21;
	v21 =	vnsel vm2, $0xFFFFFFFF, v3;
	s24 =	spop (v2sf)  }
0x611: {  	vm2 =	veq.f32 v13, v19;
	vm1 =	vgt.s32 v20, v21;
	s22 =	sadd.s32 s22, s24  }
0x612: {  	v20 =	vsel vm1, v20, v21;
	v21 =	vnsel vm2, $0xFFFFFFFF, v4  }
0x613: {  	vm2 =	veq.f32 v17, v19;
	vm1 =	vgt.s32 v20, v21  }
0x614: {  	v20 =	vsel vm1, v20, v21;
	v21 =	vnsel vm2, $0xFFFFFFFF, v5  }
0x615: {  	vm2 =	veq.f32 v18, v19;
	vm1 =	vgt.s32 v20, v21  }
0x616: {  	v20 =	vsel vm1, v20, v21;
	v21 =	vnsel vm2, $0xFFFFFFFF, v6  }
0x617: {  	p1 =	slt.s32 s22, $0xA;
	vm2 =	veq.f32 v16, v19;
	vm1 =	vgt.s32 v20, v21;
	s24 =	spop (v2sf)  }
0x618: {  	v20 =	vsel vm1, v20, v21;
	v21 =	vnsel vm2, $0xFFFFFFFF, v7;
	s21 =	smov.u32 @p1 s24  }
0x619: {  	vm1 =	vgt.s32 v20, v21  }
0x61a: {  	v20 =	vsel vm1, v20, v21  }
0x61b: {  	v20 =	vxor.u32 $0x80000000, v20  }
0x61c: {  	(xrf0) =	vmax.scan.msk.u32 $0xffff, v20;
	_ =	sdelay $0x5  }
0x61d: {  	v20, _, _ =	vpop (xrf0)  }
0x61e: {  	(v2sf) =	vpush v20, $0xF;
	_ =	sdelay $0xe  }
0x61f: {  	vm3 =	vmmov vm0;
	s25 =	spop (v2sf)  }
0x620: {  	vm4 =	vmmov vm0;
	vm5 =	vmmov vm0;
	vm6 =	vmmov vm0;
	s24 =	sshra.s32 s25, $0x4  }
0x621: {  	vm7 =	vmmov vm0;
	vm2 =	vmmov vm0;
	vm1 =	vmmov vm0;
	s26 =	sshll.u32 s24, $0x8;
	p1 =	seq.s32 s24, $0xF8000001;
	p2 =	seq.s32 s24, $0xF8000002  }
0x622: {  	v20 =	vmov s26;
	vm7 =	vmneg @p1 vm7;
	vm1 =	vmneg @p2 vm1;
	p1 =	seq.s32 s24, $0xF8000003;
	p2 =	seq.s32 s24, $0xF8000004  }
0x623: {  	v20 =	vshll.u32 v20, $0x4;
	vm2 =	vmneg @p1 vm2;
	vm3 =	vmneg @p2 vm3;
	p1 =	seq.s32 s24, $0xF8000005;
	p2 =	seq.s32 s24, $0xF8000006  }
0x624: {  	s25 =	sand.u32 $0xF, s25;
	v20 =	vor.u32 v8, v20;
	vm4 =	vmneg @p1 vm4;
	vm5 =	vmneg @p2 vm5;
	p1 =	seq.s32 s24, $0xF8000007  }
0x625: {  	v20 =	vor.u32 s25, v20;
	vm6 =	vmneg @p1 vm6  }
0x626: {  	v21 =	vor.u32 $0x300, v20  }
0x627: {  	v22 =	vor.u32 $0x200, v20;
	_ =	sdelay $0x1  }
0x628: {  	v23 =	vor.u32 $0x100, v20  }
0x629: {  	v24 =	vor.u32 $0x400, v20  }
0x62a: {  	v27 =	vld.idx.msk [tilespmem:v21+s2+$0x0], $0xffff;
	v21 =	vor.u32 $0x500, v20  }
0x62b: {  	v28 =	vld.idx.msk [tilespmem:v22+s2+$0x0], $0xffff;
	v22 =	vor.u32 $0x600, v20  }
0x62c: {  	v25 =	vor.u32 $0x700, v20;
	v29 =	vld.idx.msk [tilespmem:v20+s2+$0x0], $0xffff  }
0x62d: {  	v30 =	vld.idx.msk [tilespmem:v23+s2+$0x0], $0xffff;
	v23 =	vor.u32 $0x800, v20  }
0x62e: {  	v31 =	vld.idx.msk [tilespmem:v24+s2+$0x0], $0xffff;
	v24 =	vor.u32 $0x900, v20  }
0x62f: {  	v26 =	vor.u32 $0xF00, v20;
	v32 =	vld.idx.msk [tilespmem:v21+s2+$0x0], $0xffff;
	v21 =	vor.u32 $0xA00, v20  }
0x630: {  	v34 =	vor.u32 $0xD00, v20;
	v35 =	vor.u32 $0xE00, v20;
	v33 =	vld.idx.msk [tilespmem:v22+s2+$0x0], $0xffff;
	v22 =	vor.u32 $0xB00, v20  }
0x631: {  	vm9 =	vlt.f32 v27, v19;
	vm8 =	vlt.f32 v28, v19;
	v36 =	vld.idx.msk [tilespmem:v25+s2+$0x0], $0xffff;
	v25 =	vor.u32 $0xC00, v20  }
0x632: {  	v38 =	vnsel vm9, $0xFF800000, v27;
	vm10 =	vlt.f32 v29, v19;
	v37 =	vnsel vm8, $0xFF800000, v28;
	v39 =	vld.idx.msk [tilespmem:v23+s2+$0x0], $0xffff  }
0x633: {  	vm8 =	vlt.f32 v30, v19;
	v23 =	vmax.f32 v29, v37;
	v40 =	vmax.f32 v30, v38;
	v20 =	vld.idx.msk [tilespmem:v24+s2+$0x0], $0xffff  }
0x634: {  	v23 =	vsel vm10, v23, v37;
	v24 =	vsel vm8, v40, v38;
	vm8 =	vlt.f32 v31, v19;
	v21 =	vld.idx.msk [tilespmem:v21+s2+$0x0], $0xffff  }
0x635: {  	v37 =	vmax.f32 v23, v31;
	vm9 =	vlt.f32 v32, v19;
	v38 =	vmax.f32 v24, v32;
	v22 =	vld.idx.msk [tilespmem:v22+s2+$0x0], $0xffff  }
0x636: {  	v37 =	vsel vm8, v37, v23;
	v38 =	vsel vm9, v38, v24;
	vm8 =	vlt.f32 v33, v19;
	v23 =	vld.idx.msk [tilespmem:v25+s2+$0x0], $0xffff  }
0x637: {  	v25 =	vmax.f32 v37, v33;
	vm9 =	vlt.f32 v36, v19;
	v40 =	vmax.f32 v38, v36;
	v24 =	vld.idx.msk [tilespmem:v34+s2+$0x0], $0xffff  }
0x638: {  	v34 =	vsel vm8, v25, v37;
	v37 =	vsel vm9, v40, v38;
	vm8 =	vlt.f32 v39, v19;
	v25 =	vld.idx.msk [tilespmem:v35+s2+$0x0], $0xffff  }
0x639: {  	v35 =	vmax.f32 v34, v39;
	vm9 =	vlt.f32 v20, v19;
	v38 =	vmax.f32 v37, v20;
	v26 =	vld.idx.msk [tilespmem:v26+s2+$0x0], $0xffff  }
0x63a: {  	v34 =	vsel vm8, v35, v34;
	v35 =	vsel vm9, v38, v37;
	vm8 =	vlt.f32 v21, v19  }
0x63b: {  	v37 =	vmax.f32 v34, v21;
	vm9 =	vlt.f32 v22, v19;
	v38 =	vmax.f32 v35, v22  }
0x63c: {  	v34 =	vsel vm8, v37, v34;
	v35 =	vsel vm9, v38, v35;
	vm8 =	vlt.f32 v23, v19  }
0x63d: {  	v37 =	vmax.f32 v34, v23;
	vm9 =	vlt.f32 v24, v19;
	v38 =	vmax.f32 v35, v24  }
0x63e: {  	v34 =	vsel vm8, v37, v34;
	v35 =	vsel vm9, v38, v35;
	vm8 =	vlt.f32 v25, v19  }
0x63f: {  	v37 =	vmax.f32 v34, v25;
	vm9 =	vlt.f32 v26, v19;
	v38 =	vmax.f32 v35, v26  }
0x640: {  	vm10 =	veq.f32 v30, v19;
	v30 =	vsel vm8, v37, v34;
	v34 =	vsel vm9, v38, v35  }
0x641: {  	vm8 =	veq.f32 v29, v19;
	v29 =	vsel vm10, $0x1, v9;
	v30 =	vmax.f32 v30, v34  }
0x642: {  	vm9 =	veq.f32 v27, v19;
	v34 =	vsel vm8, $0x1, v9;
	vm8 =	veq.f32 v28, v19;
	(xrf0) =	vmax.scan.msk.f32 $0xffff, v30  }
0x643: {  	v28 =	vsel vm9, $0x1, v9;
	v27 =	vsel vm8, $0x1, v9;
	v29 =	vadd.s32 v34, v29  }
.Ltmp10:
0x644: {  	vm9 =	veq.f32 v32, v19;
	vm8 =	veq.f32 v31, v19;
	v27 =	vadd.s32 v27, v29;
	(pc) =	sbr.rel @p0 .LBB2_22-.Ltmp10, $4  }
0x645: {  	v29 =	vsel vm8, $0x1, v9;
	v30 =	vsel vm9, $0x1, v9;
	v27 =	vadd.s32 v28, v27  }
0x646: {  	vm8 =	veq.f32 v33, v19;
	vm9 =	veq.f32 v36, v19;
	v28 =	vadd.s32 v29, v27  }
0x647: {  	v31 =	vsel vm8, $0x1, v9;
	v27 =	vsel vm9, $0x1, v9;
	v28 =	vadd.s32 v30, v28  }
0x648: {  	s23 =	sadd.s32 $0xFFFFFFFF, s23;
	p1 =	seq.s32 s24, $0xF8000000;
	v29 =	vmov s25;
	vm9 =	veq.f32 v39, v19;
	v28 =	vadd.s32 v31, v28;
	v30, _, _ =	vpop (xrf0)  }
0x649: {  	vm8 =	veq.s32 v29, v0;
	vm10 =	vmmov vm0  }
0x64a: {  	v42 =	vbroadcast v30, $0xF;
	v27 =	vadd.s32 v27, v28;
	v43 =	vsel vm9, $0x1, v9  }
0x64b: {  	vm14 =	veq.f32 v20, v19;
	vm15 =	veq.f32 v21, v19;
	vm11 =	veq.f32 v22, v19  }
0x64c: {  	vm12 =	veq.f32 v23, v19;
	vm13 =	veq.f32 v24, v19;
	vm10 =	vmneg @p1 vm10  }
0x64d: {  	vm7 =	vmand vm7, vm8;
	v20 =	vsel vm14, $0x1, v9;
	v21 =	vsel vm15, $0x1, v9  }
0x64e: {  	v44 =	vsel vm11, $0x1, v9;
	v45 =	vsel vm12, $0x1, v9;
	v46 =	vsel vm13, $0x1, v9  }
0x64f: {  	vm14 =	veq.f32 v25, v19;
	vm15 =	veq.f32 v26, v19;
	vm1 =	vmand vm1, vm8  }
0x650: {  	vm2 =	vmand vm2, vm8;
	vm10 =	vmand vm10, vm8;
	v12 =	vsel vm7, v42, v12  }
0x651: {  	v47 =	vsel vm14, $0x1, v9;
	v19 =	vsel vm15, $0x1, v9;
	v15 =	vsel vm1, v42, v15  }
0x652: {  	vm1 =	vmand vm3, vm8;
	v30 =	vsel vm10, v42, v11;
	v11 =	vadd.s32 v43, v27  }
0x653: {  	v14 =	vsel vm2, v42, v14;
	vm2 =	vmand vm4, vm8;
	v11 =	vadd.s32 v20, v11  }
0x654: {  	v13 =	vsel vm1, v42, v13;
	v48 =	vmax.f32 v30, v12;
	v11 =	vadd.s32 v21, v11  }
0x655: {  	vm1 =	vmand vm5, vm8;
	v20 =	vmax.f32 v48, v15;
	v11 =	vadd.s32 v44, v11  }
0x656: {  	v17 =	vsel vm2, v42, v17;
	v20 =	vmax.f32 v20, v14;
	v11 =	vadd.s32 v45, v11  }
0x657: {  	vm2 =	vmand vm6, vm8;
	v20 =	vmax.f32 v20, v13;
	v11 =	vadd.s32 v46, v11  }
0x658: {  	v18 =	vsel vm1, v42, v18;
	v20 =	vmax.f32 v20, v17;
	v11 =	vadd.s32 v47, v11  }
0x659: {  	v16 =	vsel vm2, v42, v16;
	v11 =	vadd.s32 v19, v11;
	v19 =	vmax.f32 v20, v18  }
0x65a: {  	(xrf0) =	vadd.scan.msk.s32 $0xffff, v11;
	v11 =	vmax.f32 v19, v16  }
0x65b: {  	(xrf0) =	vmax.scan.msk.f32 $0xffff, v11;
	_ =	sdelay $0x4  }
0x65c: {  	v19, _, _ =	vpop (xrf0)  }
0x65d: {  	v49, _, _ =	vpop (xrf0)  }
0x65e: {  	v11 =	vbroadcast v49, $0xF;
	_ =	sdelay $0x1  }
0x65f: {  	vm1 =	veq.f32 v12, v11  }
0x660: {  	v12 =	vnsel vm1, $0xFFFFFFFF, v1  }
0x661: {  	vm1 =	vgt.s32 v12, v0  }
0x662: {  	vm2 =	veq.f32 v30, v11;
	v50 =	vsel vm1, v12, v0;
	vm1 =	veq.f32 v15, v11  }
0x663: {  	v12 =	vsel vm2, v50, v12;
	v15 =	vnsel vm1, $0xFFFFFFFF, v2  }
0x664: {  	vm2 =	veq.f32 v14, v11;
	vm1 =	vgt.s32 v12, v15  }
0x665: {  	v14 =	vnsel vm2, $0xFFFFFFFF, v3;
	v12 =	vsel vm1, v12, v15  }
0x666: {  	vm2 =	veq.f32 v13, v11;
	vm1 =	vgt.s32 v12, v14  }
0x667: {  	v13 =	vnsel vm2, $0xFFFFFFFF, v4;
	v12 =	vsel vm1, v12, v14  }
0x668: {  	vm2 =	veq.f32 v17, v11;
	vm1 =	vgt.s32 v12, v13  }
0x669: {  	v12 =	vsel vm1, v12, v13;
	v13 =	vnsel vm2, $0xFFFFFFFF, v5  }
0x66a: {  	vm2 =	veq.f32 v18, v11;
	vm1 =	vgt.s32 v12, v13  }
0x66b: {  	v12 =	vsel vm1, v12, v13;
	v13 =	vnsel vm2, $0xFFFFFFFF, v6  }
0x66c: {  	vm2 =	veq.f32 v16, v11;
	vm1 =	vgt.s32 v12, v13  }
0x66d: {  	v12 =	vsel vm1, v12, v13;
	v13 =	vnsel vm2, $0xFFFFFFFF, v7  }
0x66e: {  	vm1 =	vgt.s32 v12, v13  }
0x66f: {  	v12 =	vsel vm1, v12, v13  }
0x670: {  	v12 =	vxor.u32 $0x80000000, v12  }
0x671: {  	(xrf0) =	vmax.scan.msk.u32 $0xffff, v12;
	_ =	sdelay $0x4  }
0x672: {  	(v2sf) =	vpush v19, $0xF  }
0x673: {  	(v2sf) =	vpush v49, $0xF;
	v12, _, _ =	vpop (xrf0)  }
0x674: {  	(v2sf) =	vpush v12, $0xF;
	_ =	sdelay $0xc  }
0x675: {  	s25 =	spop (v2sf)  }
0x676: {  	s24 =	spop (v2sf)  }
0x677: {  	s23 =	spop (v2sf)  }
0x678: {  	s26 =	sshra.s32 s23, $0x4  }
0x679: {  	s26 =	sshll.u32 s26, $0x8  }
0x67a: {  	v12 =	vmov s26  }
0x67b: {  	v12 =	vshll.u32 v12, $0x4  }
0x67c: {  	s23 =	sand.u32 $0xF, s23;
	v12 =	vor.u32 v8, v12  }
0x67d: {  	v12 =	vor.u32 s23, v12  }
0x67e: {  	v13 =	vor.u32 $0x200, v12  }
0x67f: {  	v14 =	vor.u32 $0x300, v12  }
0x680: {  	v15 =	vor.u32 $0x100, v12;
	_ =	sdelay $0x2  }
0x681: {  	v16 =	vor.u32 $0x400, v12;
	v13 =	vld.idx.msk [tilespmem:v13+s2+$0x0], $0xffff  }
0x682: {  	v17 =	vor.u32 $0x500, v12;
	v14 =	vld.idx.msk [tilespmem:v14+s2+$0x0], $0xffff  }
0x683: {  	v18 =	vor.u32 $0x600, v12;
	v15 =	vld.idx.msk [tilespmem:v15+s2+$0x0], $0xffff  }
0x684: {  	v51 =	vor.u32 $0x700, v12;
	v19 =	vld.idx.msk [tilespmem:v12+s2+$0x0], $0xffff  }
0x685: {  	v52 =	vor.u32 $0x800, v12;
	v53 =	vor.u32 $0x900, v12  }
0x686: {  	v54 =	vor.u32 $0xA00, v12;
	v55 =	vor.u32 $0xF00, v12;
	v56 =	vor.u32 $0xB00, v12;
	v16 =	vld.idx.msk [tilespmem:v16+s2+$0x0], $0xffff  }
0x687: {  	v57 =	vor.u32 $0xD00, v12;
	v58 =	vor.u32 $0xE00, v12;
	v12 =	vor.u32 $0xC00, v12;
	v17 =	vld.idx.msk [tilespmem:v17+s2+$0x0], $0xffff  }
0x688: {  	v18 =	vld.idx.msk [tilespmem:v18+s2+$0x0], $0xffff;
	vm1 =	vlt.f32 v13, v11;
	vm2 =	vlt.f32 v14, v11;
	vm3 =	veq.f32 v15, v11  }
0x689: {  	v20 =	vld.idx.msk [tilespmem:v51+s2+$0x0], $0xffff;
	v59 =	vnsel vm1, $0xFF800000, v13;
	vm1 =	vlt.f32 v19, v11;
	v60 =	vnsel vm2, $0xFF800000, v14  }
0x68a: {  	v21 =	vld.idx.msk [tilespmem:v52+s2+$0x0], $0xffff;
	vm2 =	vlt.f32 v15, v11;
	v61 =	vmax.f32 v19, v59;
	v31 =	vmax.f32 v15, v60  }
0x68b: {  	v22 =	vld.idx.msk [tilespmem:v53+s2+$0x0], $0xffff;
	v28 =	vsel vm1, v61, v59;
	v29 =	vsel vm2, v31, v60;
	vm1 =	vlt.f32 v16, v11  }
0x68c: {  	v23 =	vld.idx.msk [tilespmem:v54+s2+$0x0], $0xffff;
	vm2 =	vlt.f32 v17, v11;
	v30 =	vmax.f32 v28, v16;
	v31 =	vmax.f32 v29, v17  }
0x68d: {  	v25 =	vld.idx.msk [tilespmem:v56+s2+$0x0], $0xffff;
	v28 =	vsel vm1, v30, v28;
	v29 =	vsel vm2, v31, v29;
	vm1 =	vlt.f32 v18, v11  }
0x68e: {  	v12 =	vld.idx.msk [tilespmem:v12+s2+$0x0], $0xffff;
	vm2 =	vlt.f32 v20, v11;
	v30 =	vmax.f32 v28, v18;
	v31 =	vmax.f32 v29, v20  }
0x68f: {  	v26 =	vld.idx.msk [tilespmem:v57+s2+$0x0], $0xffff;
	v28 =	vsel vm1, v30, v28;
	v29 =	vsel vm2, v31, v29;
	vm1 =	vlt.f32 v21, v11  }
0x690: {  	v27 =	vld.idx.msk [tilespmem:v58+s2+$0x0], $0xffff;
	vm2 =	vlt.f32 v22, v11;
	v30 =	vmax.f32 v28, v21;
	v31 =	vmax.f32 v29, v22  }
0x691: {  	v24 =	vld.idx.msk [tilespmem:v55+s2+$0x0], $0xffff;
	v28 =	vsel vm1, v30, v28;
	v29 =	vsel vm2, v31, v29;
	vm1 =	vlt.f32 v23, v11  }
0x692: {  	vm2 =	vlt.f32 v25, v11;
	v30 =	vmax.f32 v28, v23;
	v31 =	vmax.f32 v29, v25  }
0x693: {  	v28 =	vsel vm1, v30, v28;
	v29 =	vsel vm2, v31, v29;
	vm1 =	vlt.f32 v12, v11  }
0x694: {  	vm2 =	vlt.f32 v26, v11;
	v30 =	vmax.f32 v28, v12;
	v31 =	vmax.f32 v29, v26  }
0x695: {  	v28 =	vsel vm1, v30, v28;
	v29 =	vsel vm2, v31, v29;
	vm1 =	vlt.f32 v27, v11  }
0x696: {  	vm2 =	vlt.f32 v24, v11;
	v30 =	vmax.f32 v28, v27;
	v31 =	vmax.f32 v29, v24  }
0x697: {  	v15 =	vsel vm1, v30, v28;
	v62 =	vsel vm2, v31, v29;
	vm1 =	veq.f32 v19, v11  }
0x698: {  	v19 =	vsel vm3, $0x1, v9;
	v63 =	vsel vm1, $0x1, v9;
	vm1 =	veq.f32 v13, v11  }
0x699: {  	vm2 =	veq.f32 v14, v11;
	v13 =	vsel vm1, $0x1, v9;
	v14 =	vadd.s32 v63, v19  }
0x69a: {  	v19 =	vsel vm2, $0x1, v9;
	vm1 =	veq.f32 v16, v11;
	v13 =	vadd.s32 v13, v14  }
0x69b: {  	vm2 =	veq.f32 v17, v11;
	v14 =	vsel vm1, $0x1, v9;
	v13 =	vadd.s32 v19, v13  }
0x69c: {  	v16 =	vsel vm2, $0x1, v9;
	vm1 =	veq.f32 v18, v11;
	v13 =	vadd.s32 v14, v13  }
0x69d: {  	vm2 =	veq.f32 v20, v11;
	v14 =	vsel vm1, $0x1, v9;
	v13 =	vadd.s32 v16, v13  }
0x69e: {  	vm1 =	veq.f32 v21, v11;
	v16 =	vsel vm2, $0x1, v9;
	v13 =	vadd.s32 v14, v13  }
0x69f: {  	v14 =	vsel vm1, $0x1, v9;
	vm1 =	veq.f32 v22, v11;
	v13 =	vadd.s32 v16, v13  }
0x6a0: {  	vm2 =	veq.f32 v23, v11;
	v13 =	vadd.s32 v14, v13;
	v14 =	vsel vm1, $0x1, v9  }
0x6a1: {  	v16 =	vsel vm2, $0x1, v9;
	vm1 =	veq.f32 v25, v11;
	v13 =	vadd.s32 v14, v13  }
0x6a2: {  	v14 =	vsel vm1, $0x1, v9;
	vm1 =	veq.f32 v12, v11;
	v12 =	vadd.s32 v16, v13  }
0x6a3: {  	v13 =	vsel vm1, $0x1, v9;
	vm1 =	veq.f32 v26, v11;
	v12 =	vadd.s32 v14, v12  }
0x6a4: {  	v14 =	vsel vm1, $0x1, v9;
	vm1 =	veq.f32 v27, v11;
	v12 =	vadd.s32 v13, v12  }
0x6a5: {  	v13 =	vsel vm1, $0x1, v9;
	vm1 =	veq.f32 v24, v11;
	v11 =	vadd.s32 v14, v12  }
0x6a6: {  	v12 =	vmax.f32 v15, v62;
	v14 =	vsel vm1, $0x1, v9;
	v11 =	vadd.s32 v13, v11  }
0x6a7: {  	(xrf0) =	vmax.scan.msk.f32 $0xffff, v12;
	v11 =	vadd.s32 v14, v11  }
0x6a8: {  	(xrf0) =	vadd.scan.msk.s32 $0xffff, v11;
	_ =	sdelay $0x4  }
0x6a9: {  	v11, _, _ =	vpop (xrf0)  }
0x6aa: {  	s23 =	simm.s32 $0x80;
	v11, _, _ =	vpop (xrf0)  }
0x6ab: {  	v12 =	vld [tilespmem:s23+$0x70];
	(v2sf) =	vpush v11, $0xF  }
0x6ac: {  	s22 =	sadd.s32 s22, s25;
	v13 =	vld [tilespmem:s23+$0xFFFFFF90]  }
0x6ad: {  	p0 =	slt.s32 s22, $0xA;
	v14 =	vld [tilespmem:s23+$0xFFFFFFA0]  }
0x6ae: {  	s21 =	smov.u32 @p0 s24;
	v15 =	vld [tilespmem:s23+$0xFFFFFFB0]  }
0x6af: {  	v16 =	vld [tilespmem:s23+$0xFFFFFFC0];
	v11 =	vmov s21  }
0x6b0: {  	v17 =	vld [tilespmem:s23+$0xFFFFFFD0];
	vm1 =	vge.f32 v12, v11  }
0x6b1: {  	vm2 =	vge.f32 v13, v11;
	v12 =	vld [tilespmem:s23+$0xFFFFFFE0];
	v13 =	vsel vm1, $0x3F800000, v10  }
0x6b2: {  	v18 =	vsel vm2, $0x3F800000, v10;
	vm1 =	vge.f32 v14, v11;
	v14 =	vld [tilespmem:s23+$0xFFFFFFF0];
	[tilespmem:s23+$0x70] =	vst v13  }
0x6b3: {  	[tilespmem:s23+$0xFFFFFF90] =	vst v18;
	v13 =	vsel vm1, $0x3F800000, v10;
	vm1 =	vge.f32 v15, v11;
	v15 =	vld [tilespmem:s23+$0x0]  }
0x6b4: {  	[tilespmem:s23+$0xFFFFFFA0] =	vst v13;
	v13 =	vsel vm1, $0x3F800000, v10;
	vm1 =	vge.f32 v16, v11;
	v16 =	vld [tilespmem:s23+$0x10]  }
0x6b5: {  	v18 =	vld [tilespmem:s23+$0x20];
	[tilespmem:s23+$0xFFFFFFB0] =	vst v13;
	v13 =	vsel vm1, $0x3F800000, v10;
	vm1 =	vge.f32 v17, v11  }
0x6b6: {  	[tilespmem:s23+$0xFFFFFFC0] =	vst v13;
	v13 =	vsel vm1, $0x3F800000, v10;
	vm1 =	vge.f32 v12, v11;
	v12 =	vld [tilespmem:s23+$0x30]  }
0x6b7: {  	[tilespmem:s23+$0xFFFFFFD0] =	vst v13;
	v17 =	vsel vm1, $0x3F800000, v10;
	vm1 =	vge.f32 v14, v11;
	v13 =	vld [tilespmem:s23+$0x40]  }
0x6b8: {  	v14 =	vld [tilespmem:s23+$0x50];
	[tilespmem:s23+$0xFFFFFFE0] =	vst v17;
	v17 =	vsel vm1, $0x3F800000, v10;
	vm1 =	vge.f32 v15, v11  }
0x6b9: {  	v15 =	vld [tilespmem:s23+$0x60];
	[tilespmem:s23+$0xFFFFFFF0] =	vst v17;
	v17 =	vsel vm1, $0x3F800000, v10;
	vm1 =	vge.f32 v16, v11  }
0x6ba: {  	s22 =	simm.s32 $0x180;
	s21 =	simm.s32 $0x0;
	v16 =	vld [tilespmem:s23+$0xFFFFFF80];
	[tilespmem:s23+$0x0] =	vst v17;
	v17 =	vsel vm1, $0x3F800000, v10;
	vm1 =	vge.f32 v18, v11;
	s31 =	spop (v2sf)  }
.LBB2_24:
0x6bb: {  	v18 =	vld [tilespmem:s22+$0x70];
	s21 =	sadd.s32 $0x10, s21;
	[tilespmem:s23+$0x10] =	vst v17;
	v17 =	vsel vm1, $0x3F800000, v10;
	vm1 =	vge.f32 v12, v11  }
0x6bc: {  	v12 =	vld [tilespmem:s22+$0xFFFFFF90];
	p0 =	slt.u32 s21, $0x7F0;
	[tilespmem:s23+$0x20] =	vst v17;
	v17 =	vsel vm1, $0x3F800000, v10;
	vm1 =	vge.f32 v13, v11  }
0x6bd: {  	v13 =	vld [tilespmem:s22+$0xFFFFFFA0];
	[tilespmem:s23+$0x30] =	vst v17;
	v17 =	vsel vm1, $0x3F800000, v10;
	vm1 =	vge.f32 v14, v11  }
0x6be: {  	v14 =	vld [tilespmem:s22+$0xFFFFFFB0];
	[tilespmem:s23+$0x40] =	vst v17;
	v17 =	vsel vm1, $0x3F800000, v10;
	vm1 =	vge.f32 v15, v11  }
0x6bf: {  	v15 =	vld [tilespmem:s22+$0xFFFFFFC0];
	vm2 =	vge.f32 v16, v11;
	[tilespmem:s23+$0x50] =	vst v17;
	v16 =	vsel vm1, $0x3F800000, v10  }
0x6c0: {  	v17 =	vld [tilespmem:s22+$0xFFFFFFD0];
	vm1 =	vge.f32 v18, v11;
	v18 =	vsel vm2, $0x3F800000, v10;
	[tilespmem:s23+$0x60] =	vst v16  }
0x6c1: {  	vm2 =	vge.f32 v12, v11;
	v12 =	vld [tilespmem:s22+$0xFFFFFFE0];
	v16 =	vsel vm1, $0x3F800000, v10;
	[tilespmem:s23+$0xFFFFFF80] =	vst v18;
	s23 =	smov.u32 s22  }
0x6c2: {  	v18 =	vsel vm2, $0x3F800000, v10;
	vm1 =	vge.f32 v13, v11;
	v13 =	vld [tilespmem:s22+$0xFFFFFFF0];
	[tilespmem:s22+$0x70] =	vst v16  }
0x6c3: {  	[tilespmem:s22+$0xFFFFFF90] =	vst v18;
	v16 =	vsel vm1, $0x3F800000, v10;
	vm1 =	vge.f32 v14, v11;
	v14 =	vld [tilespmem:s22+$0x0]  }
0x6c4: {  	[tilespmem:s22+$0xFFFFFFA0] =	vst v16;
	v16 =	vsel vm1, $0x3F800000, v10;
	vm1 =	vge.f32 v15, v11;
	v15 =	vld [tilespmem:s22+$0x10]  }
0x6c5: {  	[tilespmem:s22+$0xFFFFFFB0] =	vst v16;
	v16 =	vsel vm1, $0x3F800000, v10;
	vm1 =	vge.f32 v17, v11;
	v18 =	vld [tilespmem:s22+$0x20]  }
.Ltmp11:
0x6c6: {  	[tilespmem:s22+$0xFFFFFFC0] =	vst v16;
	v16 =	vsel vm1, $0x3F800000, v10;
	vm1 =	vge.f32 v12, v11;
	v12 =	vld [tilespmem:s22+$0x30];
	(pc) =	sbr.rel @p0 .LBB2_24-.Ltmp11, $4  }
0x6c7: {  	[tilespmem:s22+$0xFFFFFFD0] =	vst v16;
	v16 =	vsel vm1, $0x3F800000, v10;
	vm1 =	vge.f32 v13, v11;
	v13 =	vld [tilespmem:s22+$0x40]  }
0x6c8: {  	[tilespmem:s22+$0xFFFFFFE0] =	vst v16;
	v16 =	vsel vm1, $0x3F800000, v10;
	vm1 =	vge.f32 v14, v11;
	v14 =	vld [tilespmem:s22+$0x50]  }
0x6c9: {  	[tilespmem:s22+$0xFFFFFFF0] =	vst v16;
	v17 =	vsel vm1, $0x3F800000, v10;
	vm1 =	vge.f32 v15, v11;
	v15 =	vld [tilespmem:s22+$0x60]  }
0x6ca: {  	s22 =	sadd.s32 $0x100, s22;
	v16 =	vld [tilespmem:s23+$0xFFFFFF80];
	[tilespmem:s23+$0x0] =	vst v17;
	v17 =	vsel vm1, $0x3F800000, v10;
	vm1 =	vge.f32 v18, v11  }
0x6cb: {  	[tilespmem:s23+$0x10] =	vst v17;
	v60 =	vsel vm1, $0x3F800000, v10;
	vm1 =	vge.f32 v12, v11  }
0x6cc: {  	[tilespmem:s23+$0x20] =	vst v60;
	v12 =	vsel vm1, $0x3F800000, v10;
	vm1 =	vge.f32 v13, v11  }
0x6cd: {  	[tilespmem:s23+$0x30] =	vst v12;
	v61 =	vsel vm1, $0x3F800000, v10;
	vm1 =	vge.f32 v14, v11  }
0x6ce: {  	[tilespmem:s23+$0x40] =	vst v61;
	v62 =	vsel vm1, $0x3F800000, v10;
	vm1 =	vge.f32 v15, v11  }
0x6cf: {  	vm2 =	vge.f32 v16, v11;
	[tilespmem:s23+$0x50] =	vst v62;
	v11 =	vsel vm1, $0x3F800000, v10  }
0x6d0: {  	v63 =	vsel vm2, $0x3F800000, v10;
	[tilespmem:s23+$0x60] =	vst v11  }
0x6d1: {  	[tilespmem:s23+$0xFFFFFF80] =	vst v63  }
0x6d2: {  	[hbm4b:s10+s2] =	stream.linear.scatter [tilespmem:s2], [sflag:$0x4], $0x8000, $0x38;
	[tilespmem:$0x18000] =	vst v63  }
0x6d3: {  	_ =	swait.ge [sflag:s18], $0x8000  }
0x6d4: {  	[sflag:s18] =	ssyncset.done $0x0  }
0x6d5: {  	s20 =	sadd.s32 $0x1, s20;
	[sflag:s18] =	ssyncadd.s32 $0xFFFF8000  }
0x6d6: {  	p0 =	sne.s32 s20, s11;
	_ =	swait.ge [sflag:s19], $0x8000  }
.Ltmp12:
0x6d7: {  	[sflag:s19] =	ssyncset.done $0x0;
	(pc) =	sbr.rel @p0 .LBB2_1-.Ltmp12, $4  }
0x6d8: {  	[sflag:s19] =	ssyncadd.s32 $0xFFFF8000  }
0x6d9: {  	_ =	swait.ge [sflag:s15], $0x8000  }
0x6da: {  	[sflag:s15] =	ssyncset.done $0x0  }
0x6db: {  	[sflag:s15] =	ssyncadd.s32 $0xFFFF8000  }
0x6dc: {  	_ =	sfence.sel $0x180000  }
0x6dd: {  	[bflag:$0x0] =	sbarrier.arrive $0xFFFF  }
0x6de: {  	p0 =	sne.s32 s1, $0x0;
	_ =	strace $0x90000047  }
0x6df: {  	s0 =	sadd.s32 @!p0 $0x100000, s0;
	[bflag:$0x2] =	sbarrier.arrive $0xFFFF  }
0x6e0: {  	[sflag:s0] =	ssyncadd.tile.s32 @!p0 $0x1;
	_ =	shalt  }
.Lfunc_end2:
_tile_overlayer_lowered:
.L_overlay_start_2:
0x6e1: {  	(tag) =	ssettag $0x2  }
0x6e2: {  	s0 =	rddreg [dreg:$0x0];
	s2 =	stileid.u32  }
0x6e3: {  	s1 =	rddreg [dreg:$0x1];
	p0 =	sne.s32 s2, $0x0  }
0x6e4: {  	s3 =	rddreg [dreg:$0x2];
	[bflag:$0x3] =	sbarrier.arrive $0xFFFF;
	s2 =	simm.s32 @!p0 $0x1C07  }
0x6e5: {  	[timem:s3], [sflag:s2] =	dma.local @!p0 [hbm:s0], s1  }
0x6e6: {  	s0 =	simm.s32 @!p0 $0x7  }
0x6e7: {  	_ =	swait.ge @!p0 [sflag:s0], s1  }
0x6e8: {  	s1 =	ssub.s32 @!p0 $0x0, s1;
	[sflag:s0] =	ssyncset.done @!p0 $0x0  }
0x6e9: {  	[sflag:s0] =	ssyncadd.s32 @!p0 s1  }
0x6ea: {  	[bflag:$0x3] =	sbarrier.arrive $0xFFFF  }
0x6eb: {  	_ =	shalt  }

</sc_bundles>
